<compile_context>
chip_gen: v7x
topology: tpu7x:2x2x1
jax: 0.10.2.dev20260603
libtpu: 0.0.44.dev20260713+nightly
codegen_flags: <defaults>
</compile_context>

<pallas_src>
import functools
import numpy as np
import jax
from jax import lax
import jax.numpy as jnp
from jax.experimental import pallas as pl
from jax.experimental.pallas import tpu as pltpu
from jax.experimental.pallas import tpu_sc as plsc

_SLOW_FRAMES = 8
_PH = 64
_K = 7
_LEAD = 3


def _slow_indices(t):
    return tuple(int(v) for v in np.linspace(0, t - 1, _SLOW_FRAMES).astype(np.int32))


def kernel(frames):
    b, t, c, h, w = frames.shape
    n_slow = _SLOW_FRAMES
    assert _slow_indices(t) == tuple((j * (t - 1)) // (n_slow - 1) for j in range(n_slow))
    mesh = plsc.VectorSubcoreMesh(core_axis_name="c", subcore_axis_name="s")
    n_workers = 32
    chunks = b * n_slow
    per_w = chunks // n_workers
    pp_h = h // _PH
    ppc = c * pp_h
    n_pieces = per_w * ppc

    @functools.partial(
        pl.kernel,
        mesh=mesh,
        out_type=jax.ShapeDtypeStruct((b, n_slow, c, h, w), frames.dtype),
        scratch_types=(
            [pltpu.VMEM((_PH, w), frames.dtype)] * _K
            + [pltpu.SemaphoreType.DMA] * (2 * _K)
        ),
    )
    def sc_gather(frames_hbm, slow_hbm, *scratch):
        bufs = scratch[:_K]
        in_sems = scratch[_K : 2 * _K]
        out_sems = scratch[2 * _K : 3 * _K]
        cid = lax.axis_index("c")
        sid = lax.axis_index("s")
        wid = sid * 2 + cid

        def coords(p):
            r = wid * per_w + p // ppc
            q = p % ppc
            ci, hp = q // pp_h, q % pp_h
            bi = r // n_slow
            j = r % n_slow
            ti = (j * (t - 1)) // (n_slow - 1)
            return bi, j, ti, ci, hp * _PH

        ins, outs = {}, {}
        for step in range(n_pieces + _LEAD):
            if step < n_pieces:
                k = step % _K
                bi, j, ti, ci, row0 = coords(step)
                if step >= _K:
                    outs[step - _K].wait()
                cp = pltpu.make_async_copy(
                    frames_hbm.at[bi, ti, ci, pl.ds(row0, _PH)], bufs[k], in_sems[k]
                )
                cp.start()
                ins[step] = cp
            r = step - _LEAD
            if r >= 0:
                k = r % _K
                bi, j, ti, ci, row0 = coords(r)
                ins[r].wait()
                cp = pltpu.make_async_copy(
                    bufs[k], slow_hbm.at[bi, j, ci, pl.ds(row0, _PH)], out_sems[k]
                )
                cp.start()
                outs[r] = cp
        for r in range(max(0, n_pieces - _K), n_pieces):
            outs[r].wait()

    slow = sc_gather(frames)
    return (slow, frames)

# --- scband reference (transcript-rebuilt; emitter-appended) ---
"""Pipeline reference for scband-pack-pathway-13142599926069 (READ-ONLY COPY).

The authoritative reference and input builder live on the scoring server;
editing this copy changes nothing except your own understanding.
"""

import jax, jax.numpy as jnp
import numpy as np

SLOW_FRAMES = 8


def setup_inputs(seed: int = 0) -> dict:
    key = jax.random.key(seed)
    frames = jax.random.normal(key, (8, 32, 3, 256, 256), dtype=jnp.float32)
    return {"frames": frames}


def reference(frames):
    # Faithful translation of _PackPathway.forward:
    #   fast_pathway = frames
    #   slow_pathway = torch.index_select(frames, 1, linspace(0, T-1, slow_frames).long())
    t = frames.shape[1]
    # torch's .long() truncates, as does numpy's astype(int)
    idx = jnp.asarray(np.linspace(0, t - 1, SLOW_FRAMES).astype(np.int32))
    slow_pathway = jnp.take(frames, idx, axis=1)
    fast_pathway = frames
    return (slow_pathway, fast_pathway)

if __name__ == "__main__":
    import jax
    _d = setup_inputs()
    print(jax.jit(kernel)(*tuple(_d.values())))

</pallas_src>

<mosaic_0001>
#map = affine_map<(d0, d1) -> (0, 0, 0, 0, 0)>
module attributes {stable_mosaic.version = 14 : i64} {
  func.func @sc_gather(%arg0: i32, %arg1: i32, %arg2: memref<8x32x3x256x256xf32, #tpu.memory_space<hbm>>, %arg3: memref<8x8x3x256x256xf32, #tpu.memory_space<hbm>>, %arg4: memref<64x256xf32, #tpu.memory_space<vmem>>, %arg5: memref<64x256xf32, #tpu.memory_space<vmem>>, %arg6: memref<64x256xf32, #tpu.memory_space<vmem>>, %arg7: memref<64x256xf32, #tpu.memory_space<vmem>>, %arg8: memref<64x256xf32, #tpu.memory_space<vmem>>, %arg9: memref<64x256xf32, #tpu.memory_space<vmem>>, %arg10: memref<64x256xf32, #tpu.memory_space<vmem>>, %arg11: memref<!tpu.dma_semaphore, #tpu.memory_space<semaphore_mem>>, %arg12: memref<!tpu.dma_semaphore, #tpu.memory_space<semaphore_mem>>, %arg13: memref<!tpu.dma_semaphore, #tpu.memory_space<semaphore_mem>>, %arg14: memref<!tpu.dma_semaphore, #tpu.memory_space<semaphore_mem>>, %arg15: memref<!tpu.dma_semaphore, #tpu.memory_space<semaphore_mem>>, %arg16: memref<!tpu.dma_semaphore, #tpu.memory_space<semaphore_mem>>, %arg17: memref<!tpu.dma_semaphore, #tpu.memory_space<semaphore_mem>>, %arg18: memref<!tpu.dma_semaphore, #tpu.memory_space<semaphore_mem>>, %arg19: memref<!tpu.dma_semaphore, #tpu.memory_space<semaphore_mem>>, %arg20: memref<!tpu.dma_semaphore, #tpu.memory_space<semaphore_mem>>, %arg21: memref<!tpu.dma_semaphore, #tpu.memory_space<semaphore_mem>>, %arg22: memref<!tpu.dma_semaphore, #tpu.memory_space<semaphore_mem>>, %arg23: memref<!tpu.dma_semaphore, #tpu.memory_space<semaphore_mem>>, %arg24: memref<!tpu.dma_semaphore, #tpu.memory_space<semaphore_mem>>) attributes {dimension_semantics = [#tpu.dimension_semantics<core_parallel>, #tpu.dimension_semantics<subcore_parallel>], iteration_bounds = array<i64: 2, 16>, scalar_prefetch = 0 : i64, scratch_operands = 21 : i64, tpu.core_type = #tpu.core_type<sc_vector_subcore>, window_params = [{transform_indices = #map}, {transform_indices = #map}]} {
    %mul3A = arith.constant 2 : i32
    %mul3A_0 = arith.muli %arg1, %mul3A : i32
    %add3A = arith.addi %mul3A_0, %arg0 : i32
    %mul3A_1 = arith.constant 2 : i32
    %mul3A_2 = arith.muli %add3A, %mul3A_1 : i32
    %add3A_3 = arith.constant 0 : i32
    %add3A_4 = arith.addi %mul3A_2, %add3A_3 : i32
    %jit3A = arith.constant 8 : i32
    %div3A = arith.divsi %add3A_4, %jit3A : i32
    %sign3A = arith.constant 0 : i32
    %sign3A_5 = arith.cmpi sgt, %add3A_4, %sign3A : i32
    %sign3A_6 = arith.extui %sign3A_5 : i1 to i32
    %sign3A_7 = arith.constant 0 : i32
    %sign3A_8 = arith.cmpi slt, %add3A_4, %sign3A_7 : i32
    %sign3A_9 = arith.extui %sign3A_8 : i1 to i32
    %sign3A_10 = arith.subi %sign3A_6, %sign3A_9 : i32
    %sign3A_11 = arith.constant 0 : i32
    %sign3A_12 = arith.cmpi sgt, %jit3A, %sign3A_11 : i32
    %sign3A_13 = arith.extui %sign3A_12 : i1 to i32
    %sign3A_14 = arith.constant 0 : i32
    %sign3A_15 = arith.cmpi slt, %jit3A, %sign3A_14 : i32
    %sign3A_16 = arith.extui %sign3A_15 : i1 to i32
    %sign3A_17 = arith.subi %sign3A_13, %sign3A_16 : i32
    %ne3A = arith.cmpi ne, %sign3A_10, %sign3A_17 : i32
    %rem3A = arith.remsi %add3A_4, %jit3A : i32
    %ne3A_18 = arith.constant 0 : i32
    %ne3A_19 = arith.cmpi ne, %rem3A, %ne3A_18 : i32
    %and3A = arith.andi %ne3A, %ne3A_19 : i1
    %sub3A = arith.constant 1 : i32
    %sub3A_20 = arith.subi %div3A, %sub3A : i32
    %select_n3A = arith.select %and3A, %sub3A_20, %div3A : i32
    %jit3A_21 = arith.constant 8 : i32
    %eq3A = arith.constant 0 : i32
    %eq3A_22 = arith.cmpi eq, %jit3A_21, %eq3A : i32
    %jit3A_23 = arith.constant 1 : i32
    %select_n3A_24 = arith.select %eq3A_22, %jit3A_23, %jit3A_21 : i32
    %rem3A_25 = arith.remsi %add3A_4, %select_n3A_24 : i32
    %ne3A_26 = arith.constant 0 : i32
    %ne3A_27 = arith.cmpi ne, %rem3A_25, %ne3A_26 : i32
    %lt3A = arith.constant 0 : i32
    %lt3A_28 = arith.cmpi slt, %rem3A_25, %lt3A : i32
    %lt3A_29 = arith.constant 0 : i32
    %lt3A_30 = arith.cmpi slt, %select_n3A_24, %lt3A_29 : i32
    %ne3A_31 = arith.xori %lt3A_28, %lt3A_30 : i1
    %and3A_32 = arith.andi %ne3A_31, %ne3A_27 : i1
    %add3A_33 = arith.addi %rem3A_25, %select_n3A_24 : i32
    %select_n3A_34 = arith.select %and3A_32, %add3A_33, %rem3A_25 : i32
    %mul3A_35 = arith.constant 31 : i32
    %mul3A_36 = arith.muli %select_n3A_34, %mul3A_35 : i32
    %jit3A_37 = arith.constant 7 : i32
    %div3A_38 = arith.divsi %mul3A_36, %jit3A_37 : i32
    %sign3A_39 = arith.constant 0 : i32
    %sign3A_40 = arith.cmpi sgt, %mul3A_36, %sign3A_39 : i32
    %sign3A_41 = arith.extui %sign3A_40 : i1 to i32
    %sign3A_42 = arith.constant 0 : i32
    %sign3A_43 = arith.cmpi slt, %mul3A_36, %sign3A_42 : i32
    %sign3A_44 = arith.extui %sign3A_43 : i1 to i32
    %sign3A_45 = arith.subi %sign3A_41, %sign3A_44 : i32
    %sign3A_46 = arith.constant 0 : i32
    %sign3A_47 = arith.cmpi sgt, %jit3A_37, %sign3A_46 : i32
    %sign3A_48 = arith.extui %sign3A_47 : i1 to i32
    %sign3A_49 = arith.constant 0 : i32
    %sign3A_50 = arith.cmpi slt, %jit3A_37, %sign3A_49 : i32
    %sign3A_51 = arith.extui %sign3A_50 : i1 to i32
    %sign3A_52 = arith.subi %sign3A_48, %sign3A_51 : i32
    %ne3A_53 = arith.cmpi ne, %sign3A_45, %sign3A_52 : i32
    %rem3A_54 = arith.remsi %mul3A_36, %jit3A_37 : i32
    %ne3A_55 = arith.constant 0 : i32
    %ne3A_56 = arith.cmpi ne, %rem3A_54, %ne3A_55 : i32
    %and3A_57 = arith.andi %ne3A_53, %ne3A_56 : i1
    %sub3A_58 = arith.constant 1 : i32
    %sub3A_59 = arith.subi %div3A_38, %sub3A_58 : i32
    %select_n3A_60 = arith.select %and3A_57, %sub3A_59, %div3A_38 : i32
    %dma_start3A = arith.constant 0 : i32
    %dma_start3A_61 = arith.constant 0 : i32
    %dma_start3A_62 = arith.constant 0 : i32
    %dma_start3A_63 = tpu.memref_slice %arg2[%select_n3A, %select_n3A_60, %dma_start3A, %dma_start3A_61, %dma_start3A_62] : memref<8x32x3x256x256xf32, #tpu.memory_space<hbm>> -> memref<1x1x1x64x256xf32, #tpu.memory_space<hbm>>
    %dma_start3A_64 = tpu.memref_squeeze %dma_start3A_63 : memref<1x1x1x64x256xf32, #tpu.memory_space<hbm>> -> memref<64x256xf32, #tpu.memory_space<hbm>>
    %dma_start3A_65 = arith.constant 0 : i32
    %dma_start3A_66 = arith.constant 0 : i32
    %dma_start3A_67 = tpu.memref_slice %arg2[%select_n3A, %select_n3A_60, %dma_start3A, %dma_start3A_65, %dma_start3A_66] : memref<8x32x3x256x256xf32, #tpu.memory_space<hbm>> -> memref<1x1x1x64x256xf32, #tpu.memory_space<hbm>>
    %dma_start3A_68 = tpu.memref_squeeze %dma_start3A_67 : memref<1x1x1x64x256xf32, #tpu.memory_space<hbm>> -> memref<64x256xf32, #tpu.memory_space<hbm>>
    tpu.enqueue_dma source(%dma_start3A_68 : memref<64x256xf32, #tpu.memory_space<hbm>>) target(%arg4 : memref<64x256xf32, #tpu.memory_space<vmem>>) target_semaphore(%arg11 : memref<!tpu.dma_semaphore, #tpu.memory_space<semaphore_mem>>)
    %mul3A_69 = arith.constant 2 : i32
    %mul3A_70 = arith.muli %add3A, %mul3A_69 : i32
    %add3A_71 = arith.constant 0 : i32
    %add3A_72 = arith.addi %mul3A_70, %add3A_71 : i32
    %jit3A_73 = arith.constant 8 : i32
    %div3A_74 = arith.divsi %add3A_72, %jit3A_73 : i32
    %sign3A_75 = arith.constant 0 : i32
    %sign3A_76 = arith.cmpi sgt, %add3A_72, %sign3A_75 : i32
    %sign3A_77 = arith.extui %sign3A_76 : i1 to i32
    %sign3A_78 = arith.constant 0 : i32
    %sign3A_79 = arith.cmpi slt, %add3A_72, %sign3A_78 : i32
    %sign3A_80 = arith.extui %sign3A_79 : i1 to i32
    %sign3A_81 = arith.subi %sign3A_77, %sign3A_80 : i32
    %sign3A_82 = arith.constant 0 : i32
    %sign3A_83 = arith.cmpi sgt, %jit3A_73, %sign3A_82 : i32
    %sign3A_84 = arith.extui %sign3A_83 : i1 to i32
    %sign3A_85 = arith.constant 0 : i32
    %sign3A_86 = arith.cmpi slt, %jit3A_73, %sign3A_85 : i32
    %sign3A_87 = arith.extui %sign3A_86 : i1 to i32
    %sign3A_88 = arith.subi %sign3A_84, %sign3A_87 : i32
    %ne3A_89 = arith.cmpi ne, %sign3A_81, %sign3A_88 : i32
    %rem3A_90 = arith.remsi %add3A_72, %jit3A_73 : i32
    %ne3A_91 = arith.constant 0 : i32
    %ne3A_92 = arith.cmpi ne, %rem3A_90, %ne3A_91 : i32
    %and3A_93 = arith.andi %ne3A_89, %ne3A_92 : i1
    %sub3A_94 = arith.constant 1 : i32
    %sub3A_95 = arith.subi %div3A_74, %sub3A_94 : i32
    %select_n3A_96 = arith.select %and3A_93, %sub3A_95, %div3A_74 : i32
    %jit3A_97 = arith.constant 8 : i32
    %eq3A_98 = arith.constant 0 : i32
    %eq3A_99 = arith.cmpi eq, %jit3A_97, %eq3A_98 : i32
    %jit3A_100 = arith.constant 1 : i32
    %select_n3A_101 = arith.select %eq3A_99, %jit3A_100, %jit3A_97 : i32
    %rem3A_102 = arith.remsi %add3A_72, %select_n3A_101 : i32
    %ne3A_103 = arith.constant 0 : i32
    %ne3A_104 = arith.cmpi ne, %rem3A_102, %ne3A_103 : i32
    %lt3A_105 = arith.constant 0 : i32
    %lt3A_106 = arith.cmpi slt, %rem3A_102, %lt3A_105 : i32
    %lt3A_107 = arith.constant 0 : i32
    %lt3A_108 = arith.cmpi slt, %select_n3A_101, %lt3A_107 : i32
    %ne3A_109 = arith.xori %lt3A_106, %lt3A_108 : i1
    %and3A_110 = arith.andi %ne3A_109, %ne3A_104 : i1
    %add3A_111 = arith.addi %rem3A_102, %select_n3A_101 : i32
    %select_n3A_112 = arith.select %and3A_110, %add3A_111, %rem3A_102 : i32
    %mul3A_113 = arith.constant 31 : i32
    %mul3A_114 = arith.muli %select_n3A_112, %mul3A_113 : i32
    %jit3A_115 = arith.constant 7 : i32
    %div3A_116 = arith.divsi %mul3A_114, %jit3A_115 : i32
    %sign3A_117 = arith.constant 0 : i32
    %sign3A_118 = arith.cmpi sgt, %mul3A_114, %sign3A_117 : i32
    %sign3A_119 = arith.extui %sign3A_118 : i1 to i32
    %sign3A_120 = arith.constant 0 : i32
    %sign3A_121 = arith.cmpi slt, %mul3A_114, %sign3A_120 : i32
    %sign3A_122 = arith.extui %sign3A_121 : i1 to i32
    %sign3A_123 = arith.subi %sign3A_119, %sign3A_122 : i32
    %sign3A_124 = arith.constant 0 : i32
    %sign3A_125 = arith.cmpi sgt, %jit3A_115, %sign3A_124 : i32
    %sign3A_126 = arith.extui %sign3A_125 : i1 to i32
    %sign3A_127 = arith.constant 0 : i32
    %sign3A_128 = arith.cmpi slt, %jit3A_115, %sign3A_127 : i32
    %sign3A_129 = arith.extui %sign3A_128 : i1 to i32
    %sign3A_130 = arith.subi %sign3A_126, %sign3A_129 : i32
    %ne3A_131 = arith.cmpi ne, %sign3A_123, %sign3A_130 : i32
    %rem3A_132 = arith.remsi %mul3A_114, %jit3A_115 : i32
    %ne3A_133 = arith.constant 0 : i32
    %ne3A_134 = arith.cmpi ne, %rem3A_132, %ne3A_133 : i32
    %and3A_135 = arith.andi %ne3A_131, %ne3A_134 : i1
    %sub3A_136 = arith.constant 1 : i32
    %sub3A_137 = arith.subi %div3A_116, %sub3A_136 : i32
    %select_n3A_138 = arith.select %and3A_135, %sub3A_137, %div3A_116 : i32
    %dma_start3A_139 = arith.constant 0 : i32
    %dma_start3A_140 = arith.constant 64 : i32
    %dma_start3A_141 = arith.constant 0 : i32
    %dma_start3A_142 = tpu.memref_slice %arg2[%select_n3A_96, %select_n3A_138, %dma_start3A_139, %dma_start3A_140, %dma_start3A_141] : memref<8x32x3x256x256xf32, #tpu.memory_space<hbm>> -> memref<1x1x1x64x256xf32, #tpu.memory_space<hbm>>
    %dma_start3A_143 = tpu.memref_squeeze %dma_start3A_142 : memref<1x1x1x64x256xf32, #tpu.memory_space<hbm>> -> memref<64x256xf32, #tpu.memory_space<hbm>>
    %dma_start3A_144 = arith.constant 64 : i32
    %dma_start3A_145 = arith.constant 0 : i32
    %dma_start3A_146 = tpu.memref_slice %arg2[%select_n3A_96, %select_n3A_138, %dma_start3A_139, %dma_start3A_144, %dma_start3A_145] : memref<8x32x3x256x256xf32, #tpu.memory_space<hbm>> -> memref<1x1x1x64x256xf32, #tpu.memory_space<hbm>>
    %dma_start3A_147 = tpu.memref_squeeze %dma_start3A_146 : memref<1x1x1x64x256xf32, #tpu.memory_space<hbm>> -> memref<64x256xf32, #tpu.memory_space<hbm>>
    tpu.enqueue_dma source(%dma_start3A_147 : memref<64x256xf32, #tpu.memory_space<hbm>>) target(%arg5 : memref<64x256xf32, #tpu.memory_space<vmem>>) target_semaphore(%arg12 : memref<!tpu.dma_semaphore, #tpu.memory_space<semaphore_mem>>)
    %mul3A_148 = arith.constant 2 : i32
    %mul3A_149 = arith.muli %add3A, %mul3A_148 : i32
    %add3A_150 = arith.constant 0 : i32
    %add3A_151 = arith.addi %mul3A_149, %add3A_150 : i32
    %jit3A_152 = arith.constant 8 : i32
    %div3A_153 = arith.divsi %add3A_151, %jit3A_152 : i32
    %sign3A_154 = arith.constant 0 : i32
    %sign3A_155 = arith.cmpi sgt, %add3A_151, %sign3A_154 : i32
    %sign3A_156 = arith.extui %sign3A_155 : i1 to i32
    %sign3A_157 = arith.constant 0 : i32
    %sign3A_158 = arith.cmpi slt, %add3A_151, %sign3A_157 : i32
    %sign3A_159 = arith.extui %sign3A_158 : i1 to i32
    %sign3A_160 = arith.subi %sign3A_156, %sign3A_159 : i32
    %sign3A_161 = arith.constant 0 : i32
    %sign3A_162 = arith.cmpi sgt, %jit3A_152, %sign3A_161 : i32
    %sign3A_163 = arith.extui %sign3A_162 : i1 to i32
    %sign3A_164 = arith.constant 0 : i32
    %sign3A_165 = arith.cmpi slt, %jit3A_152, %sign3A_164 : i32
    %sign3A_166 = arith.extui %sign3A_165 : i1 to i32
    %sign3A_167 = arith.subi %sign3A_163, %sign3A_166 : i32
    %ne3A_168 = arith.cmpi ne, %sign3A_160, %sign3A_167 : i32
    %rem3A_169 = arith.remsi %add3A_151, %jit3A_152 : i32
    %ne3A_170 = arith.constant 0 : i32
    %ne3A_171 = arith.cmpi ne, %rem3A_169, %ne3A_170 : i32
    %and3A_172 = arith.andi %ne3A_168, %ne3A_171 : i1
    %sub3A_173 = arith.constant 1 : i32
    %sub3A_174 = arith.subi %div3A_153, %sub3A_173 : i32
    %select_n3A_175 = arith.select %and3A_172, %sub3A_174, %div3A_153 : i32
    %jit3A_176 = arith.constant 8 : i32
    %eq3A_177 = arith.constant 0 : i32
    %eq3A_178 = arith.cmpi eq, %jit3A_176, %eq3A_177 : i32
    %jit3A_179 = arith.constant 1 : i32
    %select_n3A_180 = arith.select %eq3A_178, %jit3A_179, %jit3A_176 : i32
    %rem3A_181 = arith.remsi %add3A_151, %select_n3A_180 : i32
    %ne3A_182 = arith.constant 0 : i32
    %ne3A_183 = arith.cmpi ne, %rem3A_181, %ne3A_182 : i32
    %lt3A_184 = arith.constant 0 : i32
    %lt3A_185 = arith.cmpi slt, %rem3A_181, %lt3A_184 : i32
    %lt3A_186 = arith.constant 0 : i32
    %lt3A_187 = arith.cmpi slt, %select_n3A_180, %lt3A_186 : i32
    %ne3A_188 = arith.xori %lt3A_185, %lt3A_187 : i1
    %and3A_189 = arith.andi %ne3A_188, %ne3A_183 : i1
    %add3A_190 = arith.addi %rem3A_181, %select_n3A_180 : i32
    %select_n3A_191 = arith.select %and3A_189, %add3A_190, %rem3A_181 : i32
    %mul3A_192 = arith.constant 31 : i32
    %mul3A_193 = arith.muli %select_n3A_191, %mul3A_192 : i32
    %jit3A_194 = arith.constant 7 : i32
    %div3A_195 = arith.divsi %mul3A_193, %jit3A_194 : i32
    %sign3A_196 = arith.constant 0 : i32
    %sign3A_197 = arith.cmpi sgt, %mul3A_193, %sign3A_196 : i32
    %sign3A_198 = arith.extui %sign3A_197 : i1 to i32
    %sign3A_199 = arith.constant 0 : i32
    %sign3A_200 = arith.cmpi slt, %mul3A_193, %sign3A_199 : i32
    %sign3A_201 = arith.extui %sign3A_200 : i1 to i32
    %sign3A_202 = arith.subi %sign3A_198, %sign3A_201 : i32
    %sign3A_203 = arith.constant 0 : i32
    %sign3A_204 = arith.cmpi sgt, %jit3A_194, %sign3A_203 : i32
    %sign3A_205 = arith.extui %sign3A_204 : i1 to i32
    %sign3A_206 = arith.constant 0 : i32
    %sign3A_207 = arith.cmpi slt, %jit3A_194, %sign3A_206 : i32
    %sign3A_208 = arith.extui %sign3A_207 : i1 to i32
    %sign3A_209 = arith.subi %sign3A_205, %sign3A_208 : i32
    %ne3A_210 = arith.cmpi ne, %sign3A_202, %sign3A_209 : i32
    %rem3A_211 = arith.remsi %mul3A_193, %jit3A_194 : i32
    %ne3A_212 = arith.constant 0 : i32
    %ne3A_213 = arith.cmpi ne, %rem3A_211, %ne3A_212 : i32
    %and3A_214 = arith.andi %ne3A_210, %ne3A_213 : i1
    %sub3A_215 = arith.constant 1 : i32
    %sub3A_216 = arith.subi %div3A_195, %sub3A_215 : i32
    %select_n3A_217 = arith.select %and3A_214, %sub3A_216, %div3A_195 : i32
    %dma_start3A_218 = arith.constant 0 : i32
    %dma_start3A_219 = arith.constant 128 : i32
    %dma_start3A_220 = arith.constant 0 : i32
    %dma_start3A_221 = tpu.memref_slice %arg2[%select_n3A_175, %select_n3A_217, %dma_start3A_218, %dma_start3A_219, %dma_start3A_220] : memref<8x32x3x256x256xf32, #tpu.memory_space<hbm>> -> memref<1x1x1x64x256xf32, #tpu.memory_space<hbm>>
    %dma_start3A_222 = tpu.memref_squeeze %dma_start3A_221 : memref<1x1x1x64x256xf32, #tpu.memory_space<hbm>> -> memref<64x256xf32, #tpu.memory_space<hbm>>
    %dma_start3A_223 = arith.constant 128 : i32
    %dma_start3A_224 = arith.constant 0 : i32
    %dma_start3A_225 = tpu.memref_slice %arg2[%select_n3A_175, %select_n3A_217, %dma_start3A_218, %dma_start3A_223, %dma_start3A_224] : memref<8x32x3x256x256xf32, #tpu.memory_space<hbm>> -> memref<1x1x1x64x256xf32, #tpu.memory_space<hbm>>
    %dma_start3A_226 = tpu.memref_squeeze %dma_start3A_225 : memref<1x1x1x64x256xf32, #tpu.memory_space<hbm>> -> memref<64x256xf32, #tpu.memory_space<hbm>>
    tpu.enqueue_dma source(%dma_start3A_226 : memref<64x256xf32, #tpu.memory_space<hbm>>) target(%arg6 : memref<64x256xf32, #tpu.memory_space<vmem>>) target_semaphore(%arg13 : memref<!tpu.dma_semaphore, #tpu.memory_space<semaphore_mem>>)
    %mul3A_227 = arith.constant 2 : i32
    %mul3A_228 = arith.muli %add3A, %mul3A_227 : i32
    %add3A_229 = arith.constant 0 : i32
    %add3A_230 = arith.addi %mul3A_228, %add3A_229 : i32
    %jit3A_231 = arith.constant 8 : i32
    %div3A_232 = arith.divsi %add3A_230, %jit3A_231 : i32
    %sign3A_233 = arith.constant 0 : i32
    %sign3A_234 = arith.cmpi sgt, %add3A_230, %sign3A_233 : i32
    %sign3A_235 = arith.extui %sign3A_234 : i1 to i32
    %sign3A_236 = arith.constant 0 : i32
    %sign3A_237 = arith.cmpi slt, %add3A_230, %sign3A_236 : i32
    %sign3A_238 = arith.extui %sign3A_237 : i1 to i32
    %sign3A_239 = arith.subi %sign3A_235, %sign3A_238 : i32
    %sign3A_240 = arith.constant 0 : i32
    %sign3A_241 = arith.cmpi sgt, %jit3A_231, %sign3A_240 : i32
    %sign3A_242 = arith.extui %sign3A_241 : i1 to i32
    %sign3A_243 = arith.constant 0 : i32
    %sign3A_244 = arith.cmpi slt, %jit3A_231, %sign3A_243 : i32
    %sign3A_245 = arith.extui %sign3A_244 : i1 to i32
    %sign3A_246 = arith.subi %sign3A_242, %sign3A_245 : i32
    %ne3A_247 = arith.cmpi ne, %sign3A_239, %sign3A_246 : i32
    %rem3A_248 = arith.remsi %add3A_230, %jit3A_231 : i32
    %ne3A_249 = arith.constant 0 : i32
    %ne3A_250 = arith.cmpi ne, %rem3A_248, %ne3A_249 : i32
    %and3A_251 = arith.andi %ne3A_247, %ne3A_250 : i1
    %sub3A_252 = arith.constant 1 : i32
    %sub3A_253 = arith.subi %div3A_232, %sub3A_252 : i32
    %select_n3A_254 = arith.select %and3A_251, %sub3A_253, %div3A_232 : i32
    %jit3A_255 = arith.constant 8 : i32
    %eq3A_256 = arith.constant 0 : i32
    %eq3A_257 = arith.cmpi eq, %jit3A_255, %eq3A_256 : i32
    %jit3A_258 = arith.constant 1 : i32
    %select_n3A_259 = arith.select %eq3A_257, %jit3A_258, %jit3A_255 : i32
    %rem3A_260 = arith.remsi %add3A_230, %select_n3A_259 : i32
    %ne3A_261 = arith.constant 0 : i32
    %ne3A_262 = arith.cmpi ne, %rem3A_260, %ne3A_261 : i32
    %lt3A_263 = arith.constant 0 : i32
    %lt3A_264 = arith.cmpi slt, %rem3A_260, %lt3A_263 : i32
    %lt3A_265 = arith.constant 0 : i32
    %lt3A_266 = arith.cmpi slt, %select_n3A_259, %lt3A_265 : i32
    %ne3A_267 = arith.xori %lt3A_264, %lt3A_266 : i1
    %and3A_268 = arith.andi %ne3A_267, %ne3A_262 : i1
    %add3A_269 = arith.addi %rem3A_260, %select_n3A_259 : i32
    %select_n3A_270 = arith.select %and3A_268, %add3A_269, %rem3A_260 : i32
    %mul3A_271 = arith.constant 31 : i32
    %mul3A_272 = arith.muli %select_n3A_270, %mul3A_271 : i32
    %jit3A_273 = arith.constant 7 : i32
    %div3A_274 = arith.divsi %mul3A_272, %jit3A_273 : i32
    %sign3A_275 = arith.constant 0 : i32
    %sign3A_276 = arith.cmpi sgt, %mul3A_272, %sign3A_275 : i32
    %sign3A_277 = arith.extui %sign3A_276 : i1 to i32
    %sign3A_278 = arith.constant 0 : i32
    %sign3A_279 = arith.cmpi slt, %mul3A_272, %sign3A_278 : i32
    %sign3A_280 = arith.extui %sign3A_279 : i1 to i32
    %sign3A_281 = arith.subi %sign3A_277, %sign3A_280 : i32
    %sign3A_282 = arith.constant 0 : i32
    %sign3A_283 = arith.cmpi sgt, %jit3A_273, %sign3A_282 : i32
    %sign3A_284 = arith.extui %sign3A_283 : i1 to i32
    %sign3A_285 = arith.constant 0 : i32
    %sign3A_286 = arith.cmpi slt, %jit3A_273, %sign3A_285 : i32
    %sign3A_287 = arith.extui %sign3A_286 : i1 to i32
    %sign3A_288 = arith.subi %sign3A_284, %sign3A_287 : i32
    %ne3A_289 = arith.cmpi ne, %sign3A_281, %sign3A_288 : i32
    %rem3A_290 = arith.remsi %mul3A_272, %jit3A_273 : i32
    %ne3A_291 = arith.constant 0 : i32
    %ne3A_292 = arith.cmpi ne, %rem3A_290, %ne3A_291 : i32
    %and3A_293 = arith.andi %ne3A_289, %ne3A_292 : i1
    %sub3A_294 = arith.constant 1 : i32
    %sub3A_295 = arith.subi %div3A_274, %sub3A_294 : i32
    %select_n3A_296 = arith.select %and3A_293, %sub3A_295, %div3A_274 : i32
    %dma_start3A_297 = arith.constant 0 : i32
    %dma_start3A_298 = arith.constant 192 : i32
    %dma_start3A_299 = arith.constant 0 : i32
    %dma_start3A_300 = tpu.memref_slice %arg2[%select_n3A_254, %select_n3A_296, %dma_start3A_297, %dma_start3A_298, %dma_start3A_299] : memref<8x32x3x256x256xf32, #tpu.memory_space<hbm>> -> memref<1x1x1x64x256xf32, #tpu.memory_space<hbm>>
    %dma_start3A_301 = tpu.memref_squeeze %dma_start3A_300 : memref<1x1x1x64x256xf32, #tpu.memory_space<hbm>> -> memref<64x256xf32, #tpu.memory_space<hbm>>
    %dma_start3A_302 = arith.constant 192 : i32
    %dma_start3A_303 = arith.constant 0 : i32
    %dma_start3A_304 = tpu.memref_slice %arg2[%select_n3A_254, %select_n3A_296, %dma_start3A_297, %dma_start3A_302, %dma_start3A_303] : memref<8x32x3x256x256xf32, #tpu.memory_space<hbm>> -> memref<1x1x1x64x256xf32, #tpu.memory_space<hbm>>
    %dma_start3A_305 = tpu.memref_squeeze %dma_start3A_304 : memref<1x1x1x64x256xf32, #tpu.memory_space<hbm>> -> memref<64x256xf32, #tpu.memory_space<hbm>>
    tpu.enqueue_dma source(%dma_start3A_305 : memref<64x256xf32, #tpu.memory_space<hbm>>) target(%arg7 : memref<64x256xf32, #tpu.memory_space<vmem>>) target_semaphore(%arg14 : memref<!tpu.dma_semaphore, #tpu.memory_space<semaphore_mem>>)
    %mul3A_306 = arith.constant 2 : i32
    %mul3A_307 = arith.muli %add3A, %mul3A_306 : i32
    %add3A_308 = arith.constant 0 : i32
    %add3A_309 = arith.addi %mul3A_307, %add3A_308 : i32
    %jit3A_310 = arith.constant 8 : i32
    %div3A_311 = arith.divsi %add3A_309, %jit3A_310 : i32
    %sign3A_312 = arith.constant 0 : i32
    %sign3A_313 = arith.cmpi sgt, %add3A_309, %sign3A_312 : i32
    %sign3A_314 = arith.extui %sign3A_313 : i1 to i32
    %sign3A_315 = arith.constant 0 : i32
    %sign3A_316 = arith.cmpi slt, %add3A_309, %sign3A_315 : i32
    %sign3A_317 = arith.extui %sign3A_316 : i1 to i32
    %sign3A_318 = arith.subi %sign3A_314, %sign3A_317 : i32
    %sign3A_319 = arith.constant 0 : i32
    %sign3A_320 = arith.cmpi sgt, %jit3A_310, %sign3A_319 : i32
    %sign3A_321 = arith.extui %sign3A_320 : i1 to i32
    %sign3A_322 = arith.constant 0 : i32
    %sign3A_323 = arith.cmpi slt, %jit3A_310, %sign3A_322 : i32
    %sign3A_324 = arith.extui %sign3A_323 : i1 to i32
    %sign3A_325 = arith.subi %sign3A_321, %sign3A_324 : i32
    %ne3A_326 = arith.cmpi ne, %sign3A_318, %sign3A_325 : i32
    %rem3A_327 = arith.remsi %add3A_309, %jit3A_310 : i32
    %ne3A_328 = arith.constant 0 : i32
    %ne3A_329 = arith.cmpi ne, %rem3A_327, %ne3A_328 : i32
    %and3A_330 = arith.andi %ne3A_326, %ne3A_329 : i1
    %sub3A_331 = arith.constant 1 : i32
    %sub3A_332 = arith.subi %div3A_311, %sub3A_331 : i32
    %select_n3A_333 = arith.select %and3A_330, %sub3A_332, %div3A_311 : i32
    %jit3A_334 = arith.constant 8 : i32
    %eq3A_335 = arith.constant 0 : i32
    %eq3A_336 = arith.cmpi eq, %jit3A_334, %eq3A_335 : i32
    %jit3A_337 = arith.constant 1 : i32
    %select_n3A_338 = arith.select %eq3A_336, %jit3A_337, %jit3A_334 : i32
    %rem3A_339 = arith.remsi %add3A_309, %select_n3A_338 : i32
    %ne3A_340 = arith.constant 0 : i32
    %ne3A_341 = arith.cmpi ne, %rem3A_339, %ne3A_340 : i32
    %lt3A_342 = arith.constant 0 : i32
    %lt3A_343 = arith.cmpi slt, %rem3A_339, %lt3A_342 : i32
    %lt3A_344 = arith.constant 0 : i32
    %lt3A_345 = arith.cmpi slt, %select_n3A_338, %lt3A_344 : i32
    %ne3A_346 = arith.xori %lt3A_343, %lt3A_345 : i1
    %and3A_347 = arith.andi %ne3A_346, %ne3A_341 : i1
    %add3A_348 = arith.addi %rem3A_339, %select_n3A_338 : i32
    %select_n3A_349 = arith.select %and3A_347, %add3A_348, %rem3A_339 : i32
    %mul3A_350 = arith.constant 31 : i32
    %mul3A_351 = arith.muli %select_n3A_349, %mul3A_350 : i32
    %jit3A_352 = arith.constant 7 : i32
    %div3A_353 = arith.divsi %mul3A_351, %jit3A_352 : i32
    %sign3A_354 = arith.constant 0 : i32
    %sign3A_355 = arith.cmpi sgt, %mul3A_351, %sign3A_354 : i32
    %sign3A_356 = arith.extui %sign3A_355 : i1 to i32
    %sign3A_357 = arith.constant 0 : i32
    %sign3A_358 = arith.cmpi slt, %mul3A_351, %sign3A_357 : i32
    %sign3A_359 = arith.extui %sign3A_358 : i1 to i32
    %sign3A_360 = arith.subi %sign3A_356, %sign3A_359 : i32
    %sign3A_361 = arith.constant 0 : i32
    %sign3A_362 = arith.cmpi sgt, %jit3A_352, %sign3A_361 : i32
    %sign3A_363 = arith.extui %sign3A_362 : i1 to i32
    %sign3A_364 = arith.constant 0 : i32
    %sign3A_365 = arith.cmpi slt, %jit3A_352, %sign3A_364 : i32
    %sign3A_366 = arith.extui %sign3A_365 : i1 to i32
    %sign3A_367 = arith.subi %sign3A_363, %sign3A_366 : i32
    %ne3A_368 = arith.cmpi ne, %sign3A_360, %sign3A_367 : i32
    %rem3A_369 = arith.remsi %mul3A_351, %jit3A_352 : i32
    %ne3A_370 = arith.constant 0 : i32
    %ne3A_371 = arith.cmpi ne, %rem3A_369, %ne3A_370 : i32
    %and3A_372 = arith.andi %ne3A_368, %ne3A_371 : i1
    %sub3A_373 = arith.constant 1 : i32
    %sub3A_374 = arith.subi %div3A_353, %sub3A_373 : i32
    %select_n3A_375 = arith.select %and3A_372, %sub3A_374, %div3A_353 : i32
    %dma_wait3A = arith.constant 0 : i32
    %dma_wait3A_376 = arith.constant 0 : i32
    %dma_wait3A_377 = arith.constant 0 : i32
    %dma_wait3A_378 = tpu.memref_slice %arg2[%select_n3A, %select_n3A_60, %dma_wait3A, %dma_wait3A_376, %dma_wait3A_377] : memref<8x32x3x256x256xf32, #tpu.memory_space<hbm>> -> memref<1x1x1x64x256xf32, #tpu.memory_space<hbm>>
    %dma_wait3A_379 = tpu.memref_squeeze %dma_wait3A_378 : memref<1x1x1x64x256xf32, #tpu.memory_space<hbm>> -> memref<64x256xf32, #tpu.memory_space<hbm>>
    %dma_wait3A_380 = arith.constant 0 : i32
    %dma_wait3A_381 = arith.constant 0 : i32
    %dma_wait3A_382 = tpu.memref_slice %arg2[%select_n3A, %select_n3A_60, %dma_wait3A, %dma_wait3A_380, %dma_wait3A_381] : memref<8x32x3x256x256xf32, #tpu.memory_space<hbm>> -> memref<1x1x1x64x256xf32, #tpu.memory_space<hbm>>
    %dma_wait3A_383 = tpu.memref_squeeze %dma_wait3A_382 : memref<1x1x1x64x256xf32, #tpu.memory_space<hbm>> -> memref<64x256xf32, #tpu.memory_space<hbm>>
    tpu.wait_dma2 semaphore(%arg11 : memref<!tpu.dma_semaphore, #tpu.memory_space<semaphore_mem>>) src(%dma_wait3A_383 : memref<64x256xf32, #tpu.memory_space<hbm>>) dst(%arg4 : memref<64x256xf32, #tpu.memory_space<vmem>>)
    %dma_start3A_384 = arith.constant 0 : i32
    %dma_start3A_385 = arith.constant 0 : i32
    %dma_start3A_386 = arith.constant 0 : i32
    %dma_start3A_387 = tpu.memref_slice %arg3[%select_n3A_333, %select_n3A_349, %dma_start3A_384, %dma_start3A_385, %dma_start3A_386] : memref<8x8x3x256x256xf32, #tpu.memory_space<hbm>> -> memref<1x1x1x64x256xf32, #tpu.memory_space<hbm>>
    %dma_start3A_388 = tpu.memref_squeeze %dma_start3A_387 : memref<1x1x1x64x256xf32, #tpu.memory_space<hbm>> -> memref<64x256xf32, #tpu.memory_space<hbm>>
    %dma_start3A_389 = arith.constant 0 : i32
    %dma_start3A_390 = arith.constant 0 : i32
    %dma_start3A_391 = tpu.memref_slice %arg3[%select_n3A_333, %select_n3A_349, %dma_start3A_384, %dma_start3A_389, %dma_start3A_390] : memref<8x8x3x256x256xf32, #tpu.memory_space<hbm>> -> memref<1x1x1x64x256xf32, #tpu.memory_space<hbm>>
    %dma_start3A_392 = tpu.memref_squeeze %dma_start3A_391 : memref<1x1x1x64x256xf32, #tpu.memory_space<hbm>> -> memref<64x256xf32, #tpu.memory_space<hbm>>
    tpu.enqueue_dma source(%arg4 : memref<64x256xf32, #tpu.memory_space<vmem>>) target(%dma_start3A_392 : memref<64x256xf32, #tpu.memory_space<hbm>>) target_semaphore(%arg18 : memref<!tpu.dma_semaphore, #tpu.memory_space<semaphore_mem>>)
    %mul3A_393 = arith.constant 2 : i32
    %mul3A_394 = arith.muli %add3A, %mul3A_393 : i32
    %add3A_395 = arith.constant 0 : i32
    %add3A_396 = arith.addi %mul3A_394, %add3A_395 : i32
    %jit3A_397 = arith.constant 8 : i32
    %div3A_398 = arith.divsi %add3A_396, %jit3A_397 : i32
    %sign3A_399 = arith.constant 0 : i32
    %sign3A_400 = arith.cmpi sgt, %add3A_396, %sign3A_399 : i32
    %sign3A_401 = arith.extui %sign3A_400 : i1 to i32
    %sign3A_402 = arith.constant 0 : i32
    %sign3A_403 = arith.cmpi slt, %add3A_396, %sign3A_402 : i32
    %sign3A_404 = arith.extui %sign3A_403 : i1 to i32
    %sign3A_405 = arith.subi %sign3A_401, %sign3A_404 : i32
    %sign3A_406 = arith.constant 0 : i32
    %sign3A_407 = arith.cmpi sgt, %jit3A_397, %sign3A_406 : i32
    %sign3A_408 = arith.extui %sign3A_407 : i1 to i32
    %sign3A_409 = arith.constant 0 : i32
    %sign3A_410 = arith.cmpi slt, %jit3A_397, %sign3A_409 : i32
    %sign3A_411 = arith.extui %sign3A_410 : i1 to i32
    %sign3A_412 = arith.subi %sign3A_408, %sign3A_411 : i32
    %ne3A_413 = arith.cmpi ne, %sign3A_405, %sign3A_412 : i32
    %rem3A_414 = arith.remsi %add3A_396, %jit3A_397 : i32
    %ne3A_415 = arith.constant 0 : i32
    %ne3A_416 = arith.cmpi ne, %rem3A_414, %ne3A_415 : i32
    %and3A_417 = arith.andi %ne3A_413, %ne3A_416 : i1
    %sub3A_418 = arith.constant 1 : i32
    %sub3A_419 = arith.subi %div3A_398, %sub3A_418 : i32
    %select_n3A_420 = arith.select %and3A_417, %sub3A_419, %div3A_398 : i32
    %jit3A_421 = arith.constant 8 : i32
    %eq3A_422 = arith.constant 0 : i32
    %eq3A_423 = arith.cmpi eq, %jit3A_421, %eq3A_422 : i32
    %jit3A_424 = arith.constant 1 : i32
    %select_n3A_425 = arith.select %eq3A_423, %jit3A_424, %jit3A_421 : i32
    %rem3A_426 = arith.remsi %add3A_396, %select_n3A_425 : i32
    %ne3A_427 = arith.constant 0 : i32
    %ne3A_428 = arith.cmpi ne, %rem3A_426, %ne3A_427 : i32
    %lt3A_429 = arith.constant 0 : i32
    %lt3A_430 = arith.cmpi slt, %rem3A_426, %lt3A_429 : i32
    %lt3A_431 = arith.constant 0 : i32
    %lt3A_432 = arith.cmpi slt, %select_n3A_425, %lt3A_431 : i32
    %ne3A_433 = arith.xori %lt3A_430, %lt3A_432 : i1
    %and3A_434 = arith.andi %ne3A_433, %ne3A_428 : i1
    %add3A_435 = arith.addi %rem3A_426, %select_n3A_425 : i32
    %select_n3A_436 = arith.select %and3A_434, %add3A_435, %rem3A_426 : i32
    %mul3A_437 = arith.constant 31 : i32
    %mul3A_438 = arith.muli %select_n3A_436, %mul3A_437 : i32
    %jit3A_439 = arith.constant 7 : i32
    %div3A_440 = arith.divsi %mul3A_438, %jit3A_439 : i32
    %sign3A_441 = arith.constant 0 : i32
    %sign3A_442 = arith.cmpi sgt, %mul3A_438, %sign3A_441 : i32
    %sign3A_443 = arith.extui %sign3A_442 : i1 to i32
    %sign3A_444 = arith.constant 0 : i32
    %sign3A_445 = arith.cmpi slt, %mul3A_438, %sign3A_444 : i32
    %sign3A_446 = arith.extui %sign3A_445 : i1 to i32
    %sign3A_447 = arith.subi %sign3A_443, %sign3A_446 : i32
    %sign3A_448 = arith.constant 0 : i32
    %sign3A_449 = arith.cmpi sgt, %jit3A_439, %sign3A_448 : i32
    %sign3A_450 = arith.extui %sign3A_449 : i1 to i32
    %sign3A_451 = arith.constant 0 : i32
    %sign3A_452 = arith.cmpi slt, %jit3A_439, %sign3A_451 : i32
    %sign3A_453 = arith.extui %sign3A_452 : i1 to i32
    %sign3A_454 = arith.subi %sign3A_450, %sign3A_453 : i32
    %ne3A_455 = arith.cmpi ne, %sign3A_447, %sign3A_454 : i32
    %rem3A_456 = arith.remsi %mul3A_438, %jit3A_439 : i32
    %ne3A_457 = arith.constant 0 : i32
    %ne3A_458 = arith.cmpi ne, %rem3A_456, %ne3A_457 : i32
    %and3A_459 = arith.andi %ne3A_455, %ne3A_458 : i1
    %sub3A_460 = arith.constant 1 : i32
    %sub3A_461 = arith.subi %div3A_440, %sub3A_460 : i32
    %select_n3A_462 = arith.select %and3A_459, %sub3A_461, %div3A_440 : i32
    %dma_start3A_463 = arith.constant 1 : i32
    %dma_start3A_464 = arith.constant 0 : i32
    %dma_start3A_465 = arith.constant 0 : i32
    %dma_start3A_466 = tpu.memref_slice %arg2[%select_n3A_420, %select_n3A_462, %dma_start3A_463, %dma_start3A_464, %dma_start3A_465] : memref<8x32x3x256x256xf32, #tpu.memory_space<hbm>> -> memref<1x1x1x64x256xf32, #tpu.memory_space<hbm>>
    %dma_start3A_467 = tpu.memref_squeeze %dma_start3A_466 : memref<1x1x1x64x256xf32, #tpu.memory_space<hbm>> -> memref<64x256xf32, #tpu.memory_space<hbm>>
    %dma_start3A_468 = arith.constant 0 : i32
    %dma_start3A_469 = arith.constant 0 : i32
    %dma_start3A_470 = tpu.memref_slice %arg2[%select_n3A_420, %select_n3A_462, %dma_start3A_463, %dma_start3A_468, %dma_start3A_469] : memref<8x32x3x256x256xf32, #tpu.memory_space<hbm>> -> memref<1x1x1x64x256xf32, #tpu.memory_space<hbm>>
    %dma_start3A_471 = tpu.memref_squeeze %dma_start3A_470 : memref<1x1x1x64x256xf32, #tpu.memory_space<hbm>> -> memref<64x256xf32, #tpu.memory_space<hbm>>
    tpu.enqueue_dma source(%dma_start3A_471 : memref<64x256xf32, #tpu.memory_space<hbm>>) target(%arg8 : memref<64x256xf32, #tpu.memory_space<vmem>>) target_semaphore(%arg15 : memref<!tpu.dma_semaphore, #tpu.memory_space<semaphore_mem>>)
    %mul3A_472 = arith.constant 2 : i32
    %mul3A_473 = arith.muli %add3A, %mul3A_472 : i32
    %add3A_474 = arith.constant 0 : i32
    %add3A_475 = arith.addi %mul3A_473, %add3A_474 : i32
    %jit3A_476 = arith.constant 8 : i32
    %div3A_477 = arith.divsi %add3A_475, %jit3A_476 : i32
    %sign3A_478 = arith.constant 0 : i32
    %sign3A_479 = arith.cmpi sgt, %add3A_475, %sign3A_478 : i32
    %sign3A_480 = arith.extui %sign3A_479 : i1 to i32
    %sign3A_481 = arith.constant 0 : i32
    %sign3A_482 = arith.cmpi slt, %add3A_475, %sign3A_481 : i32
    %sign3A_483 = arith.extui %sign3A_482 : i1 to i32
    %sign3A_484 = arith.subi %sign3A_480, %sign3A_483 : i32
    %sign3A_485 = arith.constant 0 : i32
    %sign3A_486 = arith.cmpi sgt, %jit3A_476, %sign3A_485 : i32
    %sign3A_487 = arith.extui %sign3A_486 : i1 to i32
    %sign3A_488 = arith.constant 0 : i32
    %sign3A_489 = arith.cmpi slt, %jit3A_476, %sign3A_488 : i32
    %sign3A_490 = arith.extui %sign3A_489 : i1 to i32
    %sign3A_491 = arith.subi %sign3A_487, %sign3A_490 : i32
    %ne3A_492 = arith.cmpi ne, %sign3A_484, %sign3A_491 : i32
    %rem3A_493 = arith.remsi %add3A_475, %jit3A_476 : i32
    %ne3A_494 = arith.constant 0 : i32
    %ne3A_495 = arith.cmpi ne, %rem3A_493, %ne3A_494 : i32
    %and3A_496 = arith.andi %ne3A_492, %ne3A_495 : i1
    %sub3A_497 = arith.constant 1 : i32
    %sub3A_498 = arith.subi %div3A_477, %sub3A_497 : i32
    %select_n3A_499 = arith.select %and3A_496, %sub3A_498, %div3A_477 : i32
    %jit3A_500 = arith.constant 8 : i32
    %eq3A_501 = arith.constant 0 : i32
    %eq3A_502 = arith.cmpi eq, %jit3A_500, %eq3A_501 : i32
    %jit3A_503 = arith.constant 1 : i32
    %select_n3A_504 = arith.select %eq3A_502, %jit3A_503, %jit3A_500 : i32
    %rem3A_505 = arith.remsi %add3A_475, %select_n3A_504 : i32
    %ne3A_506 = arith.constant 0 : i32
    %ne3A_507 = arith.cmpi ne, %rem3A_505, %ne3A_506 : i32
    %lt3A_508 = arith.constant 0 : i32
    %lt3A_509 = arith.cmpi slt, %rem3A_505, %lt3A_508 : i32
    %lt3A_510 = arith.constant 0 : i32
    %lt3A_511 = arith.cmpi slt, %select_n3A_504, %lt3A_510 : i32
    %ne3A_512 = arith.xori %lt3A_509, %lt3A_511 : i1
    %and3A_513 = arith.andi %ne3A_512, %ne3A_507 : i1
    %add3A_514 = arith.addi %rem3A_505, %select_n3A_504 : i32
    %select_n3A_515 = arith.select %and3A_513, %add3A_514, %rem3A_505 : i32
    %mul3A_516 = arith.constant 31 : i32
    %mul3A_517 = arith.muli %select_n3A_515, %mul3A_516 : i32
    %jit3A_518 = arith.constant 7 : i32
    %div3A_519 = arith.divsi %mul3A_517, %jit3A_518 : i32
    %sign3A_520 = arith.constant 0 : i32
    %sign3A_521 = arith.cmpi sgt, %mul3A_517, %sign3A_520 : i32
    %sign3A_522 = arith.extui %sign3A_521 : i1 to i32
    %sign3A_523 = arith.constant 0 : i32
    %sign3A_524 = arith.cmpi slt, %mul3A_517, %sign3A_523 : i32
    %sign3A_525 = arith.extui %sign3A_524 : i1 to i32
    %sign3A_526 = arith.subi %sign3A_522, %sign3A_525 : i32
    %sign3A_527 = arith.constant 0 : i32
    %sign3A_528 = arith.cmpi sgt, %jit3A_518, %sign3A_527 : i32
    %sign3A_529 = arith.extui %sign3A_528 : i1 to i32
    %sign3A_530 = arith.constant 0 : i32
    %sign3A_531 = arith.cmpi slt, %jit3A_518, %sign3A_530 : i32
    %sign3A_532 = arith.extui %sign3A_531 : i1 to i32
    %sign3A_533 = arith.subi %sign3A_529, %sign3A_532 : i32
    %ne3A_534 = arith.cmpi ne, %sign3A_526, %sign3A_533 : i32
    %rem3A_535 = arith.remsi %mul3A_517, %jit3A_518 : i32
    %ne3A_536 = arith.constant 0 : i32
    %ne3A_537 = arith.cmpi ne, %rem3A_535, %ne3A_536 : i32
    %and3A_538 = arith.andi %ne3A_534, %ne3A_537 : i1
    %sub3A_539 = arith.constant 1 : i32
    %sub3A_540 = arith.subi %div3A_519, %sub3A_539 : i32
    %select_n3A_541 = arith.select %and3A_538, %sub3A_540, %div3A_519 : i32
    %dma_wait3A_542 = arith.constant 0 : i32
    %dma_wait3A_543 = arith.constant 64 : i32
    %dma_wait3A_544 = arith.constant 0 : i32
    %dma_wait3A_545 = tpu.memref_slice %arg2[%select_n3A_96, %select_n3A_138, %dma_wait3A_542, %dma_wait3A_543, %dma_wait3A_544] : memref<8x32x3x256x256xf32, #tpu.memory_space<hbm>> -> memref<1x1x1x64x256xf32, #tpu.memory_space<hbm>>
    %dma_wait3A_546 = tpu.memref_squeeze %dma_wait3A_545 : memref<1x1x1x64x256xf32, #tpu.memory_space<hbm>> -> memref<64x256xf32, #tpu.memory_space<hbm>>
    %dma_wait3A_547 = arith.constant 64 : i32
    %dma_wait3A_548 = arith.constant 0 : i32
    %dma_wait3A_549 = tpu.memref_slice %arg2[%select_n3A_96, %select_n3A_138, %dma_wait3A_542, %dma_wait3A_547, %dma_wait3A_548] : memref<8x32x3x256x256xf32, #tpu.memory_space<hbm>> -> memref<1x1x1x64x256xf32, #tpu.memory_space<hbm>>
    %dma_wait3A_550 = tpu.memref_squeeze %dma_wait3A_549 : memref<1x1x1x64x256xf32, #tpu.memory_space<hbm>> -> memref<64x256xf32, #tpu.memory_space<hbm>>
    tpu.wait_dma2 semaphore(%arg12 : memref<!tpu.dma_semaphore, #tpu.memory_space<semaphore_mem>>) src(%dma_wait3A_550 : memref<64x256xf32, #tpu.memory_space<hbm>>) dst(%arg5 : memref<64x256xf32, #tpu.memory_space<vmem>>)
    %dma_start3A_551 = arith.constant 0 : i32
    %dma_start3A_552 = arith.constant 64 : i32
    %dma_start3A_553 = arith.constant 0 : i32
    %dma_start3A_554 = tpu.memref_slice %arg3[%select_n3A_499, %select_n3A_515, %dma_start3A_551, %dma_start3A_552, %dma_start3A_553] : memref<8x8x3x256x256xf32, #tpu.memory_space<hbm>> -> memref<1x1x1x64x256xf32, #tpu.memory_space<hbm>>
    %dma_start3A_555 = tpu.memref_squeeze %dma_start3A_554 : memref<1x1x1x64x256xf32, #tpu.memory_space<hbm>> -> memref<64x256xf32, #tpu.memory_space<hbm>>
    %dma_start3A_556 = arith.constant 64 : i32
    %dma_start3A_557 = arith.constant 0 : i32
    %dma_start3A_558 = tpu.memref_slice %arg3[%select_n3A_499, %select_n3A_515, %dma_start3A_551, %dma_start3A_556, %dma_start3A_557] : memref<8x8x3x256x256xf32, #tpu.memory_space<hbm>> -> memref<1x1x1x64x256xf32, #tpu.memory_space<hbm>>
    %dma_start3A_559 = tpu.memref_squeeze %dma_start3A_558 : memref<1x1x1x64x256xf32, #tpu.memory_space<hbm>> -> memref<64x256xf32, #tpu.memory_space<hbm>>
    tpu.enqueue_dma source(%arg5 : memref<64x256xf32, #tpu.memory_space<vmem>>) target(%dma_start3A_559 : memref<64x256xf32, #tpu.memory_space<hbm>>) target_semaphore(%arg19 : memref<!tpu.dma_semaphore, #tpu.memory_space<semaphore_mem>>)
    %mul3A_560 = arith.constant 2 : i32
    %mul3A_561 = arith.muli %add3A, %mul3A_560 : i32
    %add3A_562 = arith.constant 0 : i32
    %add3A_563 = arith.addi %mul3A_561, %add3A_562 : i32
    %jit3A_564 = arith.constant 8 : i32
    %div3A_565 = arith.divsi %add3A_563, %jit3A_564 : i32
    %sign3A_566 = arith.constant 0 : i32
    %sign3A_567 = arith.cmpi sgt, %add3A_563, %sign3A_566 : i32
    %sign3A_568 = arith.extui %sign3A_567 : i1 to i32
    %sign3A_569 = arith.constant 0 : i32
    %sign3A_570 = arith.cmpi slt, %add3A_563, %sign3A_569 : i32
    %sign3A_571 = arith.extui %sign3A_570 : i1 to i32
    %sign3A_572 = arith.subi %sign3A_568, %sign3A_571 : i32
    %sign3A_573 = arith.constant 0 : i32
    %sign3A_574 = arith.cmpi sgt, %jit3A_564, %sign3A_573 : i32
    %sign3A_575 = arith.extui %sign3A_574 : i1 to i32
    %sign3A_576 = arith.constant 0 : i32
    %sign3A_577 = arith.cmpi slt, %jit3A_564, %sign3A_576 : i32
    %sign3A_578 = arith.extui %sign3A_577 : i1 to i32
    %sign3A_579 = arith.subi %sign3A_575, %sign3A_578 : i32
    %ne3A_580 = arith.cmpi ne, %sign3A_572, %sign3A_579 : i32
    %rem3A_581 = arith.remsi %add3A_563, %jit3A_564 : i32
    %ne3A_582 = arith.constant 0 : i32
    %ne3A_583 = arith.cmpi ne, %rem3A_581, %ne3A_582 : i32
    %and3A_584 = arith.andi %ne3A_580, %ne3A_583 : i1
    %sub3A_585 = arith.constant 1 : i32
    %sub3A_586 = arith.subi %div3A_565, %sub3A_585 : i32
    %select_n3A_587 = arith.select %and3A_584, %sub3A_586, %div3A_565 : i32
    %jit3A_588 = arith.constant 8 : i32
    %eq3A_589 = arith.constant 0 : i32
    %eq3A_590 = arith.cmpi eq, %jit3A_588, %eq3A_589 : i32
    %jit3A_591 = arith.constant 1 : i32
    %select_n3A_592 = arith.select %eq3A_590, %jit3A_591, %jit3A_588 : i32
    %rem3A_593 = arith.remsi %add3A_563, %select_n3A_592 : i32
    %ne3A_594 = arith.constant 0 : i32
    %ne3A_595 = arith.cmpi ne, %rem3A_593, %ne3A_594 : i32
    %lt3A_596 = arith.constant 0 : i32
    %lt3A_597 = arith.cmpi slt, %rem3A_593, %lt3A_596 : i32
    %lt3A_598 = arith.constant 0 : i32
    %lt3A_599 = arith.cmpi slt, %select_n3A_592, %lt3A_598 : i32
    %ne3A_600 = arith.xori %lt3A_597, %lt3A_599 : i1
    %and3A_601 = arith.andi %ne3A_600, %ne3A_595 : i1
    %add3A_602 = arith.addi %rem3A_593, %select_n3A_592 : i32
    %select_n3A_603 = arith.select %and3A_601, %add3A_602, %rem3A_593 : i32
    %mul3A_604 = arith.constant 31 : i32
    %mul3A_605 = arith.muli %select_n3A_603, %mul3A_604 : i32
    %jit3A_606 = arith.constant 7 : i32
    %div3A_607 = arith.divsi %mul3A_605, %jit3A_606 : i32
    %sign3A_608 = arith.constant 0 : i32
    %sign3A_609 = arith.cmpi sgt, %mul3A_605, %sign3A_608 : i32
    %sign3A_610 = arith.extui %sign3A_609 : i1 to i32
    %sign3A_611 = arith.constant 0 : i32
    %sign3A_612 = arith.cmpi slt, %mul3A_605, %sign3A_611 : i32
    %sign3A_613 = arith.extui %sign3A_612 : i1 to i32
    %sign3A_614 = arith.subi %sign3A_610, %sign3A_613 : i32
    %sign3A_615 = arith.constant 0 : i32
    %sign3A_616 = arith.cmpi sgt, %jit3A_606, %sign3A_615 : i32
    %sign3A_617 = arith.extui %sign3A_616 : i1 to i32
    %sign3A_618 = arith.constant 0 : i32
    %sign3A_619 = arith.cmpi slt, %jit3A_606, %sign3A_618 : i32
    %sign3A_620 = arith.extui %sign3A_619 : i1 to i32
    %sign3A_621 = arith.subi %sign3A_617, %sign3A_620 : i32
    %ne3A_622 = arith.cmpi ne, %sign3A_614, %sign3A_621 : i32
    %rem3A_623 = arith.remsi %mul3A_605, %jit3A_606 : i32
    %ne3A_624 = arith.constant 0 : i32
    %ne3A_625 = arith.cmpi ne, %rem3A_623, %ne3A_624 : i32
    %and3A_626 = arith.andi %ne3A_622, %ne3A_625 : i1
    %sub3A_627 = arith.constant 1 : i32
    %sub3A_628 = arith.subi %div3A_607, %sub3A_627 : i32
    %select_n3A_629 = arith.select %and3A_626, %sub3A_628, %div3A_607 : i32
    %dma_start3A_630 = arith.constant 1 : i32
    %dma_start3A_631 = arith.constant 64 : i32
    %dma_start3A_632 = arith.constant 0 : i32
    %dma_start3A_633 = tpu.memref_slice %arg2[%select_n3A_587, %select_n3A_629, %dma_start3A_630, %dma_start3A_631, %dma_start3A_632] : memref<8x32x3x256x256xf32, #tpu.memory_space<hbm>> -> memref<1x1x1x64x256xf32, #tpu.memory_space<hbm>>
    %dma_start3A_634 = tpu.memref_squeeze %dma_start3A_633 : memref<1x1x1x64x256xf32, #tpu.memory_space<hbm>> -> memref<64x256xf32, #tpu.memory_space<hbm>>
    %dma_start3A_635 = arith.constant 64 : i32
    %dma_start3A_636 = arith.constant 0 : i32
    %dma_start3A_637 = tpu.memref_slice %arg2[%select_n3A_587, %select_n3A_629, %dma_start3A_630, %dma_start3A_635, %dma_start3A_636] : memref<8x32x3x256x256xf32, #tpu.memory_space<hbm>> -> memref<1x1x1x64x256xf32, #tpu.memory_space<hbm>>
    %dma_start3A_638 = tpu.memref_squeeze %dma_start3A_637 : memref<1x1x1x64x256xf32, #tpu.memory_space<hbm>> -> memref<64x256xf32, #tpu.memory_space<hbm>>
    tpu.enqueue_dma source(%dma_start3A_638 : memref<64x256xf32, #tpu.memory_space<hbm>>) target(%arg9 : memref<64x256xf32, #tpu.memory_space<vmem>>) target_semaphore(%arg16 : memref<!tpu.dma_semaphore, #tpu.memory_space<semaphore_mem>>)
    %mul3A_639 = arith.constant 2 : i32
    %mul3A_640 = arith.muli %add3A, %mul3A_639 : i32
    %add3A_641 = arith.constant 0 : i32
    %add3A_642 = arith.addi %mul3A_640, %add3A_641 : i32
    %jit3A_643 = arith.constant 8 : i32
    %div3A_644 = arith.divsi %add3A_642, %jit3A_643 : i32
    %sign3A_645 = arith.constant 0 : i32
    %sign3A_646 = arith.cmpi sgt, %add3A_642, %sign3A_645 : i32
    %sign3A_647 = arith.extui %sign3A_646 : i1 to i32
    %sign3A_648 = arith.constant 0 : i32
    %sign3A_649 = arith.cmpi slt, %add3A_642, %sign3A_648 : i32
    %sign3A_650 = arith.extui %sign3A_649 : i1 to i32
    %sign3A_651 = arith.subi %sign3A_647, %sign3A_650 : i32
    %sign3A_652 = arith.constant 0 : i32
    %sign3A_653 = arith.cmpi sgt, %jit3A_643, %sign3A_652 : i32
    %sign3A_654 = arith.extui %sign3A_653 : i1 to i32
    %sign3A_655 = arith.constant 0 : i32
    %sign3A_656 = arith.cmpi slt, %jit3A_643, %sign3A_655 : i32
    %sign3A_657 = arith.extui %sign3A_656 : i1 to i32
    %sign3A_658 = arith.subi %sign3A_654, %sign3A_657 : i32
    %ne3A_659 = arith.cmpi ne, %sign3A_651, %sign3A_658 : i32
    %rem3A_660 = arith.remsi %add3A_642, %jit3A_643 : i32
    %ne3A_661 = arith.constant 0 : i32
    %ne3A_662 = arith.cmpi ne, %rem3A_660, %ne3A_661 : i32
    %and3A_663 = arith.andi %ne3A_659, %ne3A_662 : i1
    %sub3A_664 = arith.constant 1 : i32
    %sub3A_665 = arith.subi %div3A_644, %sub3A_664 : i32
    %select_n3A_666 = arith.select %and3A_663, %sub3A_665, %div3A_644 : i32
    %jit3A_667 = arith.constant 8 : i32
    %eq3A_668 = arith.constant 0 : i32
    %eq3A_669 = arith.cmpi eq, %jit3A_667, %eq3A_668 : i32
    %jit3A_670 = arith.constant 1 : i32
    %select_n3A_671 = arith.select %eq3A_669, %jit3A_670, %jit3A_667 : i32
    %rem3A_672 = arith.remsi %add3A_642, %select_n3A_671 : i32
    %ne3A_673 = arith.constant 0 : i32
    %ne3A_674 = arith.cmpi ne, %rem3A_672, %ne3A_673 : i32
    %lt3A_675 = arith.constant 0 : i32
    %lt3A_676 = arith.cmpi slt, %rem3A_672, %lt3A_675 : i32
    %lt3A_677 = arith.constant 0 : i32
    %lt3A_678 = arith.cmpi slt, %select_n3A_671, %lt3A_677 : i32
    %ne3A_679 = arith.xori %lt3A_676, %lt3A_678 : i1
    %and3A_680 = arith.andi %ne3A_679, %ne3A_674 : i1
    %add3A_681 = arith.addi %rem3A_672, %select_n3A_671 : i32
    %select_n3A_682 = arith.select %and3A_680, %add3A_681, %rem3A_672 : i32
    %mul3A_683 = arith.constant 31 : i32
    %mul3A_684 = arith.muli %select_n3A_682, %mul3A_683 : i32
    %jit3A_685 = arith.constant 7 : i32
    %div3A_686 = arith.divsi %mul3A_684, %jit3A_685 : i32
    %sign3A_687 = arith.constant 0 : i32
    %sign3A_688 = arith.cmpi sgt, %mul3A_684, %sign3A_687 : i32
    %sign3A_689 = arith.extui %sign3A_688 : i1 to i32
    %sign3A_690 = arith.constant 0 : i32
    %sign3A_691 = arith.cmpi slt, %mul3A_684, %sign3A_690 : i32
    %sign3A_692 = arith.extui %sign3A_691 : i1 to i32
    %sign3A_693 = arith.subi %sign3A_689, %sign3A_692 : i32
    %sign3A_694 = arith.constant 0 : i32
    %sign3A_695 = arith.cmpi sgt, %jit3A_685, %sign3A_694 : i32
    %sign3A_696 = arith.extui %sign3A_695 : i1 to i32
    %sign3A_697 = arith.constant 0 : i32
    %sign3A_698 = arith.cmpi slt, %jit3A_685, %sign3A_697 : i32
    %sign3A_699 = arith.extui %sign3A_698 : i1 to i32
    %sign3A_700 = arith.subi %sign3A_696, %sign3A_699 : i32
    %ne3A_701 = arith.cmpi ne, %sign3A_693, %sign3A_700 : i32
    %rem3A_702 = arith.remsi %mul3A_684, %jit3A_685 : i32
    %ne3A_703 = arith.constant 0 : i32
    %ne3A_704 = arith.cmpi ne, %rem3A_702, %ne3A_703 : i32
    %and3A_705 = arith.andi %ne3A_701, %ne3A_704 : i1
    %sub3A_706 = arith.constant 1 : i32
    %sub3A_707 = arith.subi %div3A_686, %sub3A_706 : i32
    %select_n3A_708 = arith.select %and3A_705, %sub3A_707, %div3A_686 : i32
    %dma_wait3A_709 = arith.constant 0 : i32
    %dma_wait3A_710 = arith.constant 128 : i32
    %dma_wait3A_711 = arith.constant 0 : i32
    %dma_wait3A_712 = tpu.memref_slice %arg2[%select_n3A_175, %select_n3A_217, %dma_wait3A_709, %dma_wait3A_710, %dma_wait3A_711] : memref<8x32x3x256x256xf32, #tpu.memory_space<hbm>> -> memref<1x1x1x64x256xf32, #tpu.memory_space<hbm>>
    %dma_wait3A_713 = tpu.memref_squeeze %dma_wait3A_712 : memref<1x1x1x64x256xf32, #tpu.memory_space<hbm>> -> memref<64x256xf32, #tpu.memory_space<hbm>>
    %dma_wait3A_714 = arith.constant 128 : i32
    %dma_wait3A_715 = arith.constant 0 : i32
    %dma_wait3A_716 = tpu.memref_slice %arg2[%select_n3A_175, %select_n3A_217, %dma_wait3A_709, %dma_wait3A_714, %dma_wait3A_715] : memref<8x32x3x256x256xf32, #tpu.memory_space<hbm>> -> memref<1x1x1x64x256xf32, #tpu.memory_space<hbm>>
    %dma_wait3A_717 = tpu.memref_squeeze %dma_wait3A_716 : memref<1x1x1x64x256xf32, #tpu.memory_space<hbm>> -> memref<64x256xf32, #tpu.memory_space<hbm>>
    tpu.wait_dma2 semaphore(%arg13 : memref<!tpu.dma_semaphore, #tpu.memory_space<semaphore_mem>>) src(%dma_wait3A_717 : memref<64x256xf32, #tpu.memory_space<hbm>>) dst(%arg6 : memref<64x256xf32, #tpu.memory_space<vmem>>)
    %dma_start3A_718 = arith.constant 0 : i32
    %dma_start3A_719 = arith.constant 128 : i32
    %dma_start3A_720 = arith.constant 0 : i32
    %dma_start3A_721 = tpu.memref_slice %arg3[%select_n3A_666, %select_n3A_682, %dma_start3A_718, %dma_start3A_719, %dma_start3A_720] : memref<8x8x3x256x256xf32, #tpu.memory_space<hbm>> -> memref<1x1x1x64x256xf32, #tpu.memory_space<hbm>>
    %dma_start3A_722 = tpu.memref_squeeze %dma_start3A_721 : memref<1x1x1x64x256xf32, #tpu.memory_space<hbm>> -> memref<64x256xf32, #tpu.memory_space<hbm>>
    %dma_start3A_723 = arith.constant 128 : i32
    %dma_start3A_724 = arith.constant 0 : i32
    %dma_start3A_725 = tpu.memref_slice %arg3[%select_n3A_666, %select_n3A_682, %dma_start3A_718, %dma_start3A_723, %dma_start3A_724] : memref<8x8x3x256x256xf32, #tpu.memory_space<hbm>> -> memref<1x1x1x64x256xf32, #tpu.memory_space<hbm>>
    %dma_start3A_726 = tpu.memref_squeeze %dma_start3A_725 : memref<1x1x1x64x256xf32, #tpu.memory_space<hbm>> -> memref<64x256xf32, #tpu.memory_space<hbm>>
    tpu.enqueue_dma source(%arg6 : memref<64x256xf32, #tpu.memory_space<vmem>>) target(%dma_start3A_726 : memref<64x256xf32, #tpu.memory_space<hbm>>) target_semaphore(%arg20 : memref<!tpu.dma_semaphore, #tpu.memory_space<semaphore_mem>>)
    %mul3A_727 = arith.constant 2 : i32
    %mul3A_728 = arith.muli %add3A, %mul3A_727 : i32
    %add3A_729 = arith.constant 0 : i32
    %add3A_730 = arith.addi %mul3A_728, %add3A_729 : i32
    %jit3A_731 = arith.constant 8 : i32
    %div3A_732 = arith.divsi %add3A_730, %jit3A_731 : i32
    %sign3A_733 = arith.constant 0 : i32
    %sign3A_734 = arith.cmpi sgt, %add3A_730, %sign3A_733 : i32
    %sign3A_735 = arith.extui %sign3A_734 : i1 to i32
    %sign3A_736 = arith.constant 0 : i32
    %sign3A_737 = arith.cmpi slt, %add3A_730, %sign3A_736 : i32
    %sign3A_738 = arith.extui %sign3A_737 : i1 to i32
    %sign3A_739 = arith.subi %sign3A_735, %sign3A_738 : i32
    %sign3A_740 = arith.constant 0 : i32
    %sign3A_741 = arith.cmpi sgt, %jit3A_731, %sign3A_740 : i32
    %sign3A_742 = arith.extui %sign3A_741 : i1 to i32
    %sign3A_743 = arith.constant 0 : i32
    %sign3A_744 = arith.cmpi slt, %jit3A_731, %sign3A_743 : i32
    %sign3A_745 = arith.extui %sign3A_744 : i1 to i32
    %sign3A_746 = arith.subi %sign3A_742, %sign3A_745 : i32
    %ne3A_747 = arith.cmpi ne, %sign3A_739, %sign3A_746 : i32
    %rem3A_748 = arith.remsi %add3A_730, %jit3A_731 : i32
    %ne3A_749 = arith.constant 0 : i32
    %ne3A_750 = arith.cmpi ne, %rem3A_748, %ne3A_749 : i32
    %and3A_751 = arith.andi %ne3A_747, %ne3A_750 : i1
    %sub3A_752 = arith.constant 1 : i32
    %sub3A_753 = arith.subi %div3A_732, %sub3A_752 : i32
    %select_n3A_754 = arith.select %and3A_751, %sub3A_753, %div3A_732 : i32
    %jit3A_755 = arith.constant 8 : i32
    %eq3A_756 = arith.constant 0 : i32
    %eq3A_757 = arith.cmpi eq, %jit3A_755, %eq3A_756 : i32
    %jit3A_758 = arith.constant 1 : i32
    %select_n3A_759 = arith.select %eq3A_757, %jit3A_758, %jit3A_755 : i32
    %rem3A_760 = arith.remsi %add3A_730, %select_n3A_759 : i32
    %ne3A_761 = arith.constant 0 : i32
    %ne3A_762 = arith.cmpi ne, %rem3A_760, %ne3A_761 : i32
    %lt3A_763 = arith.constant 0 : i32
    %lt3A_764 = arith.cmpi slt, %rem3A_760, %lt3A_763 : i32
    %lt3A_765 = arith.constant 0 : i32
    %lt3A_766 = arith.cmpi slt, %select_n3A_759, %lt3A_765 : i32
    %ne3A_767 = arith.xori %lt3A_764, %lt3A_766 : i1
    %and3A_768 = arith.andi %ne3A_767, %ne3A_762 : i1
    %add3A_769 = arith.addi %rem3A_760, %select_n3A_759 : i32
    %select_n3A_770 = arith.select %and3A_768, %add3A_769, %rem3A_760 : i32
    %mul3A_771 = arith.constant 31 : i32
    %mul3A_772 = arith.muli %select_n3A_770, %mul3A_771 : i32
    %jit3A_773 = arith.constant 7 : i32
    %div3A_774 = arith.divsi %mul3A_772, %jit3A_773 : i32
    %sign3A_775 = arith.constant 0 : i32
    %sign3A_776 = arith.cmpi sgt, %mul3A_772, %sign3A_775 : i32
    %sign3A_777 = arith.extui %sign3A_776 : i1 to i32
    %sign3A_778 = arith.constant 0 : i32
    %sign3A_779 = arith.cmpi slt, %mul3A_772, %sign3A_778 : i32
    %sign3A_780 = arith.extui %sign3A_779 : i1 to i32
    %sign3A_781 = arith.subi %sign3A_777, %sign3A_780 : i32
    %sign3A_782 = arith.constant 0 : i32
    %sign3A_783 = arith.cmpi sgt, %jit3A_773, %sign3A_782 : i32
    %sign3A_784 = arith.extui %sign3A_783 : i1 to i32
    %sign3A_785 = arith.constant 0 : i32
    %sign3A_786 = arith.cmpi slt, %jit3A_773, %sign3A_785 : i32
    %sign3A_787 = arith.extui %sign3A_786 : i1 to i32
    %sign3A_788 = arith.subi %sign3A_784, %sign3A_787 : i32
    %ne3A_789 = arith.cmpi ne, %sign3A_781, %sign3A_788 : i32
    %rem3A_790 = arith.remsi %mul3A_772, %jit3A_773 : i32
    %ne3A_791 = arith.constant 0 : i32
    %ne3A_792 = arith.cmpi ne, %rem3A_790, %ne3A_791 : i32
    %and3A_793 = arith.andi %ne3A_789, %ne3A_792 : i1
    %sub3A_794 = arith.constant 1 : i32
    %sub3A_795 = arith.subi %div3A_774, %sub3A_794 : i32
    %select_n3A_796 = arith.select %and3A_793, %sub3A_795, %div3A_774 : i32
    %dma_start3A_797 = arith.constant 1 : i32
    %dma_start3A_798 = arith.constant 128 : i32
    %dma_start3A_799 = arith.constant 0 : i32
    %dma_start3A_800 = tpu.memref_slice %arg2[%select_n3A_754, %select_n3A_796, %dma_start3A_797, %dma_start3A_798, %dma_start3A_799] : memref<8x32x3x256x256xf32, #tpu.memory_space<hbm>> -> memref<1x1x1x64x256xf32, #tpu.memory_space<hbm>>
    %dma_start3A_801 = tpu.memref_squeeze %dma_start3A_800 : memref<1x1x1x64x256xf32, #tpu.memory_space<hbm>> -> memref<64x256xf32, #tpu.memory_space<hbm>>
    %dma_start3A_802 = arith.constant 128 : i32
    %dma_start3A_803 = arith.constant 0 : i32
    %dma_start3A_804 = tpu.memref_slice %arg2[%select_n3A_754, %select_n3A_796, %dma_start3A_797, %dma_start3A_802, %dma_start3A_803] : memref<8x32x3x256x256xf32, #tpu.memory_space<hbm>> -> memref<1x1x1x64x256xf32, #tpu.memory_space<hbm>>
    %dma_start3A_805 = tpu.memref_squeeze %dma_start3A_804 : memref<1x1x1x64x256xf32, #tpu.memory_space<hbm>> -> memref<64x256xf32, #tpu.memory_space<hbm>>
    tpu.enqueue_dma source(%dma_start3A_805 : memref<64x256xf32, #tpu.memory_space<hbm>>) target(%arg10 : memref<64x256xf32, #tpu.memory_space<vmem>>) target_semaphore(%arg17 : memref<!tpu.dma_semaphore, #tpu.memory_space<semaphore_mem>>)
    %mul3A_806 = arith.constant 2 : i32
    %mul3A_807 = arith.muli %add3A, %mul3A_806 : i32
    %add3A_808 = arith.constant 0 : i32
    %add3A_809 = arith.addi %mul3A_807, %add3A_808 : i32
    %jit3A_810 = arith.constant 8 : i32
    %div3A_811 = arith.divsi %add3A_809, %jit3A_810 : i32
    %sign3A_812 = arith.constant 0 : i32
    %sign3A_813 = arith.cmpi sgt, %add3A_809, %sign3A_812 : i32
    %sign3A_814 = arith.extui %sign3A_813 : i1 to i32
    %sign3A_815 = arith.constant 0 : i32
    %sign3A_816 = arith.cmpi slt, %add3A_809, %sign3A_815 : i32
    %sign3A_817 = arith.extui %sign3A_816 : i1 to i32
    %sign3A_818 = arith.subi %sign3A_814, %sign3A_817 : i32
    %sign3A_819 = arith.constant 0 : i32
    %sign3A_820 = arith.cmpi sgt, %jit3A_810, %sign3A_819 : i32
    %sign3A_821 = arith.extui %sign3A_820 : i1 to i32
    %sign3A_822 = arith.constant 0 : i32
    %sign3A_823 = arith.cmpi slt, %jit3A_810, %sign3A_822 : i32
    %sign3A_824 = arith.extui %sign3A_823 : i1 to i32
    %sign3A_825 = arith.subi %sign3A_821, %sign3A_824 : i32
    %ne3A_826 = arith.cmpi ne, %sign3A_818, %sign3A_825 : i32
    %rem3A_827 = arith.remsi %add3A_809, %jit3A_810 : i32
    %ne3A_828 = arith.constant 0 : i32
    %ne3A_829 = arith.cmpi ne, %rem3A_827, %ne3A_828 : i32
    %and3A_830 = arith.andi %ne3A_826, %ne3A_829 : i1
    %sub3A_831 = arith.constant 1 : i32
    %sub3A_832 = arith.subi %div3A_811, %sub3A_831 : i32
    %select_n3A_833 = arith.select %and3A_830, %sub3A_832, %div3A_811 : i32
    %jit3A_834 = arith.constant 8 : i32
    %eq3A_835 = arith.constant 0 : i32
    %eq3A_836 = arith.cmpi eq, %jit3A_834, %eq3A_835 : i32
    %jit3A_837 = arith.constant 1 : i32
    %select_n3A_838 = arith.select %eq3A_836, %jit3A_837, %jit3A_834 : i32
    %rem3A_839 = arith.remsi %add3A_809, %select_n3A_838 : i32
    %ne3A_840 = arith.constant 0 : i32
    %ne3A_841 = arith.cmpi ne, %rem3A_839, %ne3A_840 : i32
    %lt3A_842 = arith.constant 0 : i32
    %lt3A_843 = arith.cmpi slt, %rem3A_839, %lt3A_842 : i32
    %lt3A_844 = arith.constant 0 : i32
    %lt3A_845 = arith.cmpi slt, %select_n3A_838, %lt3A_844 : i32
    %ne3A_846 = arith.xori %lt3A_843, %lt3A_845 : i1
    %and3A_847 = arith.andi %ne3A_846, %ne3A_841 : i1
    %add3A_848 = arith.addi %rem3A_839, %select_n3A_838 : i32
    %select_n3A_849 = arith.select %and3A_847, %add3A_848, %rem3A_839 : i32
    %mul3A_850 = arith.constant 31 : i32
    %mul3A_851 = arith.muli %select_n3A_849, %mul3A_850 : i32
    %jit3A_852 = arith.constant 7 : i32
    %div3A_853 = arith.divsi %mul3A_851, %jit3A_852 : i32
    %sign3A_854 = arith.constant 0 : i32
    %sign3A_855 = arith.cmpi sgt, %mul3A_851, %sign3A_854 : i32
    %sign3A_856 = arith.extui %sign3A_855 : i1 to i32
    %sign3A_857 = arith.constant 0 : i32
    %sign3A_858 = arith.cmpi slt, %mul3A_851, %sign3A_857 : i32
    %sign3A_859 = arith.extui %sign3A_858 : i1 to i32
    %sign3A_860 = arith.subi %sign3A_856, %sign3A_859 : i32
    %sign3A_861 = arith.constant 0 : i32
    %sign3A_862 = arith.cmpi sgt, %jit3A_852, %sign3A_861 : i32
    %sign3A_863 = arith.extui %sign3A_862 : i1 to i32
    %sign3A_864 = arith.constant 0 : i32
    %sign3A_865 = arith.cmpi slt, %jit3A_852, %sign3A_864 : i32
    %sign3A_866 = arith.extui %sign3A_865 : i1 to i32
    %sign3A_867 = arith.subi %sign3A_863, %sign3A_866 : i32
    %ne3A_868 = arith.cmpi ne, %sign3A_860, %sign3A_867 : i32
    %rem3A_869 = arith.remsi %mul3A_851, %jit3A_852 : i32
    %ne3A_870 = arith.constant 0 : i32
    %ne3A_871 = arith.cmpi ne, %rem3A_869, %ne3A_870 : i32
    %and3A_872 = arith.andi %ne3A_868, %ne3A_871 : i1
    %sub3A_873 = arith.constant 1 : i32
    %sub3A_874 = arith.subi %div3A_853, %sub3A_873 : i32
    %select_n3A_875 = arith.select %and3A_872, %sub3A_874, %div3A_853 : i32
    %dma_wait3A_876 = arith.constant 0 : i32
    %dma_wait3A_877 = arith.constant 192 : i32
    %dma_wait3A_878 = arith.constant 0 : i32
    %dma_wait3A_879 = tpu.memref_slice %arg2[%select_n3A_254, %select_n3A_296, %dma_wait3A_876, %dma_wait3A_877, %dma_wait3A_878] : memref<8x32x3x256x256xf32, #tpu.memory_space<hbm>> -> memref<1x1x1x64x256xf32, #tpu.memory_space<hbm>>
    %dma_wait3A_880 = tpu.memref_squeeze %dma_wait3A_879 : memref<1x1x1x64x256xf32, #tpu.memory_space<hbm>> -> memref<64x256xf32, #tpu.memory_space<hbm>>
    %dma_wait3A_881 = arith.constant 192 : i32
    %dma_wait3A_882 = arith.constant 0 : i32
    %dma_wait3A_883 = tpu.memref_slice %arg2[%select_n3A_254, %select_n3A_296, %dma_wait3A_876, %dma_wait3A_881, %dma_wait3A_882] : memref<8x32x3x256x256xf32, #tpu.memory_space<hbm>> -> memref<1x1x1x64x256xf32, #tpu.memory_space<hbm>>
    %dma_wait3A_884 = tpu.memref_squeeze %dma_wait3A_883 : memref<1x1x1x64x256xf32, #tpu.memory_space<hbm>> -> memref<64x256xf32, #tpu.memory_space<hbm>>
    tpu.wait_dma2 semaphore(%arg14 : memref<!tpu.dma_semaphore, #tpu.memory_space<semaphore_mem>>) src(%dma_wait3A_884 : memref<64x256xf32, #tpu.memory_space<hbm>>) dst(%arg7 : memref<64x256xf32, #tpu.memory_space<vmem>>)
    %dma_start3A_885 = arith.constant 0 : i32
    %dma_start3A_886 = arith.constant 192 : i32
    %dma_start3A_887 = arith.constant 0 : i32
    %dma_start3A_888 = tpu.memref_slice %arg3[%select_n3A_833, %select_n3A_849, %dma_start3A_885, %dma_start3A_886, %dma_start3A_887] : memref<8x8x3x256x256xf32, #tpu.memory_space<hbm>> -> memref<1x1x1x64x256xf32, #tpu.memory_space<hbm>>
    %dma_start3A_889 = tpu.memref_squeeze %dma_start3A_888 : memref<1x1x1x64x256xf32, #tpu.memory_space<hbm>> -> memref<64x256xf32, #tpu.memory_space<hbm>>
    %dma_start3A_890 = arith.constant 192 : i32
    %dma_start3A_891 = arith.constant 0 : i32
    %dma_start3A_892 = tpu.memref_slice %arg3[%select_n3A_833, %select_n3A_849, %dma_start3A_885, %dma_start3A_890, %dma_start3A_891] : memref<8x8x3x256x256xf32, #tpu.memory_space<hbm>> -> memref<1x1x1x64x256xf32, #tpu.memory_space<hbm>>
    %dma_start3A_893 = tpu.memref_squeeze %dma_start3A_892 : memref<1x1x1x64x256xf32, #tpu.memory_space<hbm>> -> memref<64x256xf32, #tpu.memory_space<hbm>>
    tpu.enqueue_dma source(%arg7 : memref<64x256xf32, #tpu.memory_space<vmem>>) target(%dma_start3A_893 : memref<64x256xf32, #tpu.memory_space<hbm>>) target_semaphore(%arg21 : memref<!tpu.dma_semaphore, #tpu.memory_space<semaphore_mem>>)
    %mul3A_894 = arith.constant 2 : i32
    %mul3A_895 = arith.muli %add3A, %mul3A_894 : i32
    %add3A_896 = arith.constant 0 : i32
    %add3A_897 = arith.addi %mul3A_895, %add3A_896 : i32
    %jit3A_898 = arith.constant 8 : i32
    %div3A_899 = arith.divsi %add3A_897, %jit3A_898 : i32
    %sign3A_900 = arith.constant 0 : i32
    %sign3A_901 = arith.cmpi sgt, %add3A_897, %sign3A_900 : i32
    %sign3A_902 = arith.extui %sign3A_901 : i1 to i32
    %sign3A_903 = arith.constant 0 : i32
    %sign3A_904 = arith.cmpi slt, %add3A_897, %sign3A_903 : i32
    %sign3A_905 = arith.extui %sign3A_904 : i1 to i32
    %sign3A_906 = arith.subi %sign3A_902, %sign3A_905 : i32
    %sign3A_907 = arith.constant 0 : i32
    %sign3A_908 = arith.cmpi sgt, %jit3A_898, %sign3A_907 : i32
    %sign3A_909 = arith.extui %sign3A_908 : i1 to i32
    %sign3A_910 = arith.constant 0 : i32
    %sign3A_911 = arith.cmpi slt, %jit3A_898, %sign3A_910 : i32
    %sign3A_912 = arith.extui %sign3A_911 : i1 to i32
    %sign3A_913 = arith.subi %sign3A_909, %sign3A_912 : i32
    %ne3A_914 = arith.cmpi ne, %sign3A_906, %sign3A_913 : i32
    %rem3A_915 = arith.remsi %add3A_897, %jit3A_898 : i32
    %ne3A_916 = arith.constant 0 : i32
    %ne3A_917 = arith.cmpi ne, %rem3A_915, %ne3A_916 : i32
    %and3A_918 = arith.andi %ne3A_914, %ne3A_917 : i1
    %sub3A_919 = arith.constant 1 : i32
    %sub3A_920 = arith.subi %div3A_899, %sub3A_919 : i32
    %select_n3A_921 = arith.select %and3A_918, %sub3A_920, %div3A_899 : i32
    %jit3A_922 = arith.constant 8 : i32
    %eq3A_923 = arith.constant 0 : i32
    %eq3A_924 = arith.cmpi eq, %jit3A_922, %eq3A_923 : i32
    %jit3A_925 = arith.constant 1 : i32
    %select_n3A_926 = arith.select %eq3A_924, %jit3A_925, %jit3A_922 : i32
    %rem3A_927 = arith.remsi %add3A_897, %select_n3A_926 : i32
    %ne3A_928 = arith.constant 0 : i32
    %ne3A_929 = arith.cmpi ne, %rem3A_927, %ne3A_928 : i32
    %lt3A_930 = arith.constant 0 : i32
    %lt3A_931 = arith.cmpi slt, %rem3A_927, %lt3A_930 : i32
    %lt3A_932 = arith.constant 0 : i32
    %lt3A_933 = arith.cmpi slt, %select_n3A_926, %lt3A_932 : i32
    %ne3A_934 = arith.xori %lt3A_931, %lt3A_933 : i1
    %and3A_935 = arith.andi %ne3A_934, %ne3A_929 : i1
    %add3A_936 = arith.addi %rem3A_927, %select_n3A_926 : i32
    %select_n3A_937 = arith.select %and3A_935, %add3A_936, %rem3A_927 : i32
    %mul3A_938 = arith.constant 31 : i32
    %mul3A_939 = arith.muli %select_n3A_937, %mul3A_938 : i32
    %jit3A_940 = arith.constant 7 : i32
    %div3A_941 = arith.divsi %mul3A_939, %jit3A_940 : i32
    %sign3A_942 = arith.constant 0 : i32
    %sign3A_943 = arith.cmpi sgt, %mul3A_939, %sign3A_942 : i32
    %sign3A_944 = arith.extui %sign3A_943 : i1 to i32
    %sign3A_945 = arith.constant 0 : i32
    %sign3A_946 = arith.cmpi slt, %mul3A_939, %sign3A_945 : i32
    %sign3A_947 = arith.extui %sign3A_946 : i1 to i32
    %sign3A_948 = arith.subi %sign3A_944, %sign3A_947 : i32
    %sign3A_949 = arith.constant 0 : i32
    %sign3A_950 = arith.cmpi sgt, %jit3A_940, %sign3A_949 : i32
    %sign3A_951 = arith.extui %sign3A_950 : i1 to i32
    %sign3A_952 = arith.constant 0 : i32
    %sign3A_953 = arith.cmpi slt, %jit3A_940, %sign3A_952 : i32
    %sign3A_954 = arith.extui %sign3A_953 : i1 to i32
    %sign3A_955 = arith.subi %sign3A_951, %sign3A_954 : i32
    %ne3A_956 = arith.cmpi ne, %sign3A_948, %sign3A_955 : i32
    %rem3A_957 = arith.remsi %mul3A_939, %jit3A_940 : i32
    %ne3A_958 = arith.constant 0 : i32
    %ne3A_959 = arith.cmpi ne, %rem3A_957, %ne3A_958 : i32
    %and3A_960 = arith.andi %ne3A_956, %ne3A_959 : i1
    %sub3A_961 = arith.constant 1 : i32
    %sub3A_962 = arith.subi %div3A_941, %sub3A_961 : i32
    %select_n3A_963 = arith.select %and3A_960, %sub3A_962, %div3A_941 : i32
    %dma_wait3A_964 = arith.constant 0 : i32
    %dma_wait3A_965 = arith.constant 0 : i32
    %dma_wait3A_966 = arith.constant 0 : i32
    %dma_wait3A_967 = tpu.memref_slice %arg3[%select_n3A_333, %select_n3A_349, %dma_wait3A_964, %dma_wait3A_965, %dma_wait3A_966] : memref<8x8x3x256x256xf32, #tpu.memory_space<hbm>> -> memref<1x1x1x64x256xf32, #tpu.memory_space<hbm>>
    %dma_wait3A_968 = tpu.memref_squeeze %dma_wait3A_967 : memref<1x1x1x64x256xf32, #tpu.memory_space<hbm>> -> memref<64x256xf32, #tpu.memory_space<hbm>>
    %dma_wait3A_969 = arith.constant 0 : i32
    %dma_wait3A_970 = arith.constant 0 : i32
    %dma_wait3A_971 = tpu.memref_slice %arg3[%select_n3A_333, %select_n3A_349, %dma_wait3A_964, %dma_wait3A_969, %dma_wait3A_970] : memref<8x8x3x256x256xf32, #tpu.memory_space<hbm>> -> memref<1x1x1x64x256xf32, #tpu.memory_space<hbm>>
    %dma_wait3A_972 = tpu.memref_squeeze %dma_wait3A_971 : memref<1x1x1x64x256xf32, #tpu.memory_space<hbm>> -> memref<64x256xf32, #tpu.memory_space<hbm>>
    tpu.wait_dma2 semaphore(%arg18 : memref<!tpu.dma_semaphore, #tpu.memory_space<semaphore_mem>>) src(%arg4 : memref<64x256xf32, #tpu.memory_space<vmem>>) dst(%dma_wait3A_972 : memref<64x256xf32, #tpu.memory_space<hbm>>)
    %dma_start3A_973 = arith.constant 1 : i32
    %dma_start3A_974 = arith.constant 192 : i32
    %dma_start3A_975 = arith.constant 0 : i32
    %dma_start3A_976 = tpu.memref_slice %arg2[%select_n3A_921, %select_n3A_963, %dma_start3A_973, %dma_start3A_974, %dma_start3A_975] : memref<8x32x3x256x256xf32, #tpu.memory_space<hbm>> -> memref<1x1x1x64x256xf32, #tpu.memory_space<hbm>>
    %dma_start3A_977 = tpu.memref_squeeze %dma_start3A_976 : memref<1x1x1x64x256xf32, #tpu.memory_space<hbm>> -> memref<64x256xf32, #tpu.memory_space<hbm>>
    %dma_start3A_978 = arith.constant 192 : i32
    %dma_start3A_979 = arith.constant 0 : i32
    %dma_start3A_980 = tpu.memref_slice %arg2[%select_n3A_921, %select_n3A_963, %dma_start3A_973, %dma_start3A_978, %dma_start3A_979] : memref<8x32x3x256x256xf32, #tpu.memory_space<hbm>> -> memref<1x1x1x64x256xf32, #tpu.memory_space<hbm>>
    %dma_start3A_981 = tpu.memref_squeeze %dma_start3A_980 : memref<1x1x1x64x256xf32, #tpu.memory_space<hbm>> -> memref<64x256xf32, #tpu.memory_space<hbm>>
    tpu.enqueue_dma source(%dma_start3A_981 : memref<64x256xf32, #tpu.memory_space<hbm>>) target(%arg4 : memref<64x256xf32, #tpu.memory_space<vmem>>) target_semaphore(%arg11 : memref<!tpu.dma_semaphore, #tpu.memory_space<semaphore_mem>>)
    %mul3A_982 = arith.constant 2 : i32
    %mul3A_983 = arith.muli %add3A, %mul3A_982 : i32
    %add3A_984 = arith.constant 0 : i32
    %add3A_985 = arith.addi %mul3A_983, %add3A_984 : i32
    %jit3A_986 = arith.constant 8 : i32
    %div3A_987 = arith.divsi %add3A_985, %jit3A_986 : i32
    %sign3A_988 = arith.constant 0 : i32
    %sign3A_989 = arith.cmpi sgt, %add3A_985, %sign3A_988 : i32
    %sign3A_990 = arith.extui %sign3A_989 : i1 to i32
    %sign3A_991 = arith.constant 0 : i32
    %sign3A_992 = arith.cmpi slt, %add3A_985, %sign3A_991 : i32
    %sign3A_993 = arith.extui %sign3A_992 : i1 to i32
    %sign3A_994 = arith.subi %sign3A_990, %sign3A_993 : i32
    %sign3A_995 = arith.constant 0 : i32
    %sign3A_996 = arith.cmpi sgt, %jit3A_986, %sign3A_995 : i32
    %sign3A_997 = arith.extui %sign3A_996 : i1 to i32
    %sign3A_998 = arith.constant 0 : i32
    %sign3A_999 = arith.cmpi slt, %jit3A_986, %sign3A_998 : i32
    %sign3A_1000 = arith.extui %sign3A_999 : i1 to i32
    %sign3A_1001 = arith.subi %sign3A_997, %sign3A_1000 : i32
    %ne3A_1002 = arith.cmpi ne, %sign3A_994, %sign3A_1001 : i32
    %rem3A_1003 = arith.remsi %add3A_985, %jit3A_986 : i32
    %ne3A_1004 = arith.constant 0 : i32
    %ne3A_1005 = arith.cmpi ne, %rem3A_1003, %ne3A_1004 : i32
    %and3A_1006 = arith.andi %ne3A_1002, %ne3A_1005 : i1
    %sub3A_1007 = arith.constant 1 : i32
    %sub3A_1008 = arith.subi %div3A_987, %sub3A_1007 : i32
    %select_n3A_1009 = arith.select %and3A_1006, %sub3A_1008, %div3A_987 : i32
    %jit3A_1010 = arith.constant 8 : i32
    %eq3A_1011 = arith.constant 0 : i32
    %eq3A_1012 = arith.cmpi eq, %jit3A_1010, %eq3A_1011 : i32
    %jit3A_1013 = arith.constant 1 : i32
    %select_n3A_1014 = arith.select %eq3A_1012, %jit3A_1013, %jit3A_1010 : i32
    %rem3A_1015 = arith.remsi %add3A_985, %select_n3A_1014 : i32
    %ne3A_1016 = arith.constant 0 : i32
    %ne3A_1017 = arith.cmpi ne, %rem3A_1015, %ne3A_1016 : i32
    %lt3A_1018 = arith.constant 0 : i32
    %lt3A_1019 = arith.cmpi slt, %rem3A_1015, %lt3A_1018 : i32
    %lt3A_1020 = arith.constant 0 : i32
    %lt3A_1021 = arith.cmpi slt, %select_n3A_1014, %lt3A_1020 : i32
    %ne3A_1022 = arith.xori %lt3A_1019, %lt3A_1021 : i1
    %and3A_1023 = arith.andi %ne3A_1022, %ne3A_1017 : i1
    %add3A_1024 = arith.addi %rem3A_1015, %select_n3A_1014 : i32
    %select_n3A_1025 = arith.select %and3A_1023, %add3A_1024, %rem3A_1015 : i32
    %mul3A_1026 = arith.constant 31 : i32
    %mul3A_1027 = arith.muli %select_n3A_1025, %mul3A_1026 : i32
    %jit3A_1028 = arith.constant 7 : i32
    %div3A_1029 = arith.divsi %mul3A_1027, %jit3A_1028 : i32
    %sign3A_1030 = arith.constant 0 : i32
    %sign3A_1031 = arith.cmpi sgt, %mul3A_1027, %sign3A_1030 : i32
    %sign3A_1032 = arith.extui %sign3A_1031 : i1 to i32
    %sign3A_1033 = arith.constant 0 : i32
    %sign3A_1034 = arith.cmpi slt, %mul3A_1027, %sign3A_1033 : i32
    %sign3A_1035 = arith.extui %sign3A_1034 : i1 to i32
    %sign3A_1036 = arith.subi %sign3A_1032, %sign3A_1035 : i32
    %sign3A_1037 = arith.constant 0 : i32
    %sign3A_1038 = arith.cmpi sgt, %jit3A_1028, %sign3A_1037 : i32
    %sign3A_1039 = arith.extui %sign3A_1038 : i1 to i32
    %sign3A_1040 = arith.constant 0 : i32
    %sign3A_1041 = arith.cmpi slt, %jit3A_1028, %sign3A_1040 : i32
    %sign3A_1042 = arith.extui %sign3A_1041 : i1 to i32
    %sign3A_1043 = arith.subi %sign3A_1039, %sign3A_1042 : i32
    %ne3A_1044 = arith.cmpi ne, %sign3A_1036, %sign3A_1043 : i32
    %rem3A_1045 = arith.remsi %mul3A_1027, %jit3A_1028 : i32
    %ne3A_1046 = arith.constant 0 : i32
    %ne3A_1047 = arith.cmpi ne, %rem3A_1045, %ne3A_1046 : i32
    %and3A_1048 = arith.andi %ne3A_1044, %ne3A_1047 : i1
    %sub3A_1049 = arith.constant 1 : i32
    %sub3A_1050 = arith.subi %div3A_1029, %sub3A_1049 : i32
    %select_n3A_1051 = arith.select %and3A_1048, %sub3A_1050, %div3A_1029 : i32
    %dma_wait3A_1052 = arith.constant 1 : i32
    %dma_wait3A_1053 = arith.constant 0 : i32
    %dma_wait3A_1054 = arith.constant 0 : i32
    %dma_wait3A_1055 = tpu.memref_slice %arg2[%select_n3A_420, %select_n3A_462, %dma_wait3A_1052, %dma_wait3A_1053, %dma_wait3A_1054] : memref<8x32x3x256x256xf32, #tpu.memory_space<hbm>> -> memref<1x1x1x64x256xf32, #tpu.memory_space<hbm>>
    %dma_wait3A_1056 = tpu.memref_squeeze %dma_wait3A_1055 : memref<1x1x1x64x256xf32, #tpu.memory_space<hbm>> -> memref<64x256xf32, #tpu.memory_space<hbm>>
    %dma_wait3A_1057 = arith.constant 0 : i32
    %dma_wait3A_1058 = arith.constant 0 : i32
    %dma_wait3A_1059 = tpu.memref_slice %arg2[%select_n3A_420, %select_n3A_462, %dma_wait3A_1052, %dma_wait3A_1057, %dma_wait3A_1058] : memref<8x32x3x256x256xf32, #tpu.memory_space<hbm>> -> memref<1x1x1x64x256xf32, #tpu.memory_space<hbm>>
    %dma_wait3A_1060 = tpu.memref_squeeze %dma_wait3A_1059 : memref<1x1x1x64x256xf32, #tpu.memory_space<hbm>> -> memref<64x256xf32, #tpu.memory_space<hbm>>
    tpu.wait_dma2 semaphore(%arg15 : memref<!tpu.dma_semaphore, #tpu.memory_space<semaphore_mem>>) src(%dma_wait3A_1060 : memref<64x256xf32, #tpu.memory_space<hbm>>) dst(%arg8 : memref<64x256xf32, #tpu.memory_space<vmem>>)
    %dma_start3A_1061 = arith.constant 1 : i32
    %dma_start3A_1062 = arith.constant 0 : i32
    %dma_start3A_1063 = arith.constant 0 : i32
    %dma_start3A_1064 = tpu.memref_slice %arg3[%select_n3A_1009, %select_n3A_1025, %dma_start3A_1061, %dma_start3A_1062, %dma_start3A_1063] : memref<8x8x3x256x256xf32, #tpu.memory_space<hbm>> -> memref<1x1x1x64x256xf32, #tpu.memory_space<hbm>>
    %dma_start3A_1065 = tpu.memref_squeeze %dma_start3A_1064 : memref<1x1x1x64x256xf32, #tpu.memory_space<hbm>> -> memref<64x256xf32, #tpu.memory_space<hbm>>
    %dma_start3A_1066 = arith.constant 0 : i32
    %dma_start3A_1067 = arith.constant 0 : i32
    %dma_start3A_1068 = tpu.memref_slice %arg3[%select_n3A_1009, %select_n3A_1025, %dma_start3A_1061, %dma_start3A_1066, %dma_start3A_1067] : memref<8x8x3x256x256xf32, #tpu.memory_space<hbm>> -> memref<1x1x1x64x256xf32, #tpu.memory_space<hbm>>
    %dma_start3A_1069 = tpu.memref_squeeze %dma_start3A_1068 : memref<1x1x1x64x256xf32, #tpu.memory_space<hbm>> -> memref<64x256xf32, #tpu.memory_space<hbm>>
    tpu.enqueue_dma source(%arg8 : memref<64x256xf32, #tpu.memory_space<vmem>>) target(%dma_start3A_1069 : memref<64x256xf32, #tpu.memory_space<hbm>>) target_semaphore(%arg22 : memref<!tpu.dma_semaphore, #tpu.memory_space<semaphore_mem>>)
    %mul3A_1070 = arith.constant 2 : i32
    %mul3A_1071 = arith.muli %add3A, %mul3A_1070 : i32
    %add3A_1072 = arith.constant 0 : i32
    %add3A_1073 = arith.addi %mul3A_1071, %add3A_1072 : i32
    %jit3A_1074 = arith.constant 8 : i32
    %div3A_1075 = arith.divsi %add3A_1073, %jit3A_1074 : i32
    %sign3A_1076 = arith.constant 0 : i32
    %sign3A_1077 = arith.cmpi sgt, %add3A_1073, %sign3A_1076 : i32
    %sign3A_1078 = arith.extui %sign3A_1077 : i1 to i32
    %sign3A_1079 = arith.constant 0 : i32
    %sign3A_1080 = arith.cmpi slt, %add3A_1073, %sign3A_1079 : i32
    %sign3A_1081 = arith.extui %sign3A_1080 : i1 to i32
    %sign3A_1082 = arith.subi %sign3A_1078, %sign3A_1081 : i32
    %sign3A_1083 = arith.constant 0 : i32
    %sign3A_1084 = arith.cmpi sgt, %jit3A_1074, %sign3A_1083 : i32
    %sign3A_1085 = arith.extui %sign3A_1084 : i1 to i32
    %sign3A_1086 = arith.constant 0 : i32
    %sign3A_1087 = arith.cmpi slt, %jit3A_1074, %sign3A_1086 : i32
    %sign3A_1088 = arith.extui %sign3A_1087 : i1 to i32
    %sign3A_1089 = arith.subi %sign3A_1085, %sign3A_1088 : i32
    %ne3A_1090 = arith.cmpi ne, %sign3A_1082, %sign3A_1089 : i32
    %rem3A_1091 = arith.remsi %add3A_1073, %jit3A_1074 : i32
    %ne3A_1092 = arith.constant 0 : i32
    %ne3A_1093 = arith.cmpi ne, %rem3A_1091, %ne3A_1092 : i32
    %and3A_1094 = arith.andi %ne3A_1090, %ne3A_1093 : i1
    %sub3A_1095 = arith.constant 1 : i32
    %sub3A_1096 = arith.subi %div3A_1075, %sub3A_1095 : i32
    %select_n3A_1097 = arith.select %and3A_1094, %sub3A_1096, %div3A_1075 : i32
    %jit3A_1098 = arith.constant 8 : i32
    %eq3A_1099 = arith.constant 0 : i32
    %eq3A_1100 = arith.cmpi eq, %jit3A_1098, %eq3A_1099 : i32
    %jit3A_1101 = arith.constant 1 : i32
    %select_n3A_1102 = arith.select %eq3A_1100, %jit3A_1101, %jit3A_1098 : i32
    %rem3A_1103 = arith.remsi %add3A_1073, %select_n3A_1102 : i32
    %ne3A_1104 = arith.constant 0 : i32
    %ne3A_1105 = arith.cmpi ne, %rem3A_1103, %ne3A_1104 : i32
    %lt3A_1106 = arith.constant 0 : i32
    %lt3A_1107 = arith.cmpi slt, %rem3A_1103, %lt3A_1106 : i32
    %lt3A_1108 = arith.constant 0 : i32
    %lt3A_1109 = arith.cmpi slt, %select_n3A_1102, %lt3A_1108 : i32
    %ne3A_1110 = arith.xori %lt3A_1107, %lt3A_1109 : i1
    %and3A_1111 = arith.andi %ne3A_1110, %ne3A_1105 : i1
    %add3A_1112 = arith.addi %rem3A_1103, %select_n3A_1102 : i32
    %select_n3A_1113 = arith.select %and3A_1111, %add3A_1112, %rem3A_1103 : i32
    %mul3A_1114 = arith.constant 31 : i32
    %mul3A_1115 = arith.muli %select_n3A_1113, %mul3A_1114 : i32
    %jit3A_1116 = arith.constant 7 : i32
    %div3A_1117 = arith.divsi %mul3A_1115, %jit3A_1116 : i32
    %sign3A_1118 = arith.constant 0 : i32
    %sign3A_1119 = arith.cmpi sgt, %mul3A_1115, %sign3A_1118 : i32
    %sign3A_1120 = arith.extui %sign3A_1119 : i1 to i32
    %sign3A_1121 = arith.constant 0 : i32
    %sign3A_1122 = arith.cmpi slt, %mul3A_1115, %sign3A_1121 : i32
    %sign3A_1123 = arith.extui %sign3A_1122 : i1 to i32
    %sign3A_1124 = arith.subi %sign3A_1120, %sign3A_1123 : i32
    %sign3A_1125 = arith.constant 0 : i32
    %sign3A_1126 = arith.cmpi sgt, %jit3A_1116, %sign3A_1125 : i32
    %sign3A_1127 = arith.extui %sign3A_1126 : i1 to i32
    %sign3A_1128 = arith.constant 0 : i32
    %sign3A_1129 = arith.cmpi slt, %jit3A_1116, %sign3A_1128 : i32
    %sign3A_1130 = arith.extui %sign3A_1129 : i1 to i32
    %sign3A_1131 = arith.subi %sign3A_1127, %sign3A_1130 : i32
    %ne3A_1132 = arith.cmpi ne, %sign3A_1124, %sign3A_1131 : i32
    %rem3A_1133 = arith.remsi %mul3A_1115, %jit3A_1116 : i32
    %ne3A_1134 = arith.constant 0 : i32
    %ne3A_1135 = arith.cmpi ne, %rem3A_1133, %ne3A_1134 : i32
    %and3A_1136 = arith.andi %ne3A_1132, %ne3A_1135 : i1
    %sub3A_1137 = arith.constant 1 : i32
    %sub3A_1138 = arith.subi %div3A_1117, %sub3A_1137 : i32
    %select_n3A_1139 = arith.select %and3A_1136, %sub3A_1138, %div3A_1117 : i32
    %dma_wait3A_1140 = arith.constant 0 : i32
    %dma_wait3A_1141 = arith.constant 64 : i32
    %dma_wait3A_1142 = arith.constant 0 : i32
    %dma_wait3A_1143 = tpu.memref_slice %arg3[%select_n3A_499, %select_n3A_515, %dma_wait3A_1140, %dma_wait3A_1141, %dma_wait3A_1142] : memref<8x8x3x256x256xf32, #tpu.memory_space<hbm>> -> memref<1x1x1x64x256xf32, #tpu.memory_space<hbm>>
    %dma_wait3A_1144 = tpu.memref_squeeze %dma_wait3A_1143 : memref<1x1x1x64x256xf32, #tpu.memory_space<hbm>> -> memref<64x256xf32, #tpu.memory_space<hbm>>
    %dma_wait3A_1145 = arith.constant 64 : i32
    %dma_wait3A_1146 = arith.constant 0 : i32
    %dma_wait3A_1147 = tpu.memref_slice %arg3[%select_n3A_499, %select_n3A_515, %dma_wait3A_1140, %dma_wait3A_1145, %dma_wait3A_1146] : memref<8x8x3x256x256xf32, #tpu.memory_space<hbm>> -> memref<1x1x1x64x256xf32, #tpu.memory_space<hbm>>
    %dma_wait3A_1148 = tpu.memref_squeeze %dma_wait3A_1147 : memref<1x1x1x64x256xf32, #tpu.memory_space<hbm>> -> memref<64x256xf32, #tpu.memory_space<hbm>>
    tpu.wait_dma2 semaphore(%arg19 : memref<!tpu.dma_semaphore, #tpu.memory_space<semaphore_mem>>) src(%arg5 : memref<64x256xf32, #tpu.memory_space<vmem>>) dst(%dma_wait3A_1148 : memref<64x256xf32, #tpu.memory_space<hbm>>)
    %dma_start3A_1149 = arith.constant 2 : i32
    %dma_start3A_1150 = arith.constant 0 : i32
    %dma_start3A_1151 = arith.constant 0 : i32
    %dma_start3A_1152 = tpu.memref_slice %arg2[%select_n3A_1097, %select_n3A_1139, %dma_start3A_1149, %dma_start3A_1150, %dma_start3A_1151] : memref<8x32x3x256x256xf32, #tpu.memory_space<hbm>> -> memref<1x1x1x64x256xf32, #tpu.memory_space<hbm>>
    %dma_start3A_1153 = tpu.memref_squeeze %dma_start3A_1152 : memref<1x1x1x64x256xf32, #tpu.memory_space<hbm>> -> memref<64x256xf32, #tpu.memory_space<hbm>>
    %dma_start3A_1154 = arith.constant 0 : i32
    %dma_start3A_1155 = arith.constant 0 : i32
    %dma_start3A_1156 = tpu.memref_slice %arg2[%select_n3A_1097, %select_n3A_1139, %dma_start3A_1149, %dma_start3A_1154, %dma_start3A_1155] : memref<8x32x3x256x256xf32, #tpu.memory_space<hbm>> -> memref<1x1x1x64x256xf32, #tpu.memory_space<hbm>>
    %dma_start3A_1157 = tpu.memref_squeeze %dma_start3A_1156 : memref<1x1x1x64x256xf32, #tpu.memory_space<hbm>> -> memref<64x256xf32, #tpu.memory_space<hbm>>
    tpu.enqueue_dma source(%dma_start3A_1157 : memref<64x256xf32, #tpu.memory_space<hbm>>) target(%arg5 : memref<64x256xf32, #tpu.memory_space<vmem>>) target_semaphore(%arg12 : memref<!tpu.dma_semaphore, #tpu.memory_space<semaphore_mem>>)
    %mul3A_1158 = arith.constant 2 : i32
    %mul3A_1159 = arith.muli %add3A, %mul3A_1158 : i32
    %add3A_1160 = arith.constant 0 : i32
    %add3A_1161 = arith.addi %mul3A_1159, %add3A_1160 : i32
    %jit3A_1162 = arith.constant 8 : i32
    %div3A_1163 = arith.divsi %add3A_1161, %jit3A_1162 : i32
    %sign3A_1164 = arith.constant 0 : i32
    %sign3A_1165 = arith.cmpi sgt, %add3A_1161, %sign3A_1164 : i32
    %sign3A_1166 = arith.extui %sign3A_1165 : i1 to i32
    %sign3A_1167 = arith.constant 0 : i32
    %sign3A_1168 = arith.cmpi slt, %add3A_1161, %sign3A_1167 : i32
    %sign3A_1169 = arith.extui %sign3A_1168 : i1 to i32
    %sign3A_1170 = arith.subi %sign3A_1166, %sign3A_1169 : i32
    %sign3A_1171 = arith.constant 0 : i32
    %sign3A_1172 = arith.cmpi sgt, %jit3A_1162, %sign3A_1171 : i32
    %sign3A_1173 = arith.extui %sign3A_1172 : i1 to i32
    %sign3A_1174 = arith.constant 0 : i32
    %sign3A_1175 = arith.cmpi slt, %jit3A_1162, %sign3A_1174 : i32
    %sign3A_1176 = arith.extui %sign3A_1175 : i1 to i32
    %sign3A_1177 = arith.subi %sign3A_1173, %sign3A_1176 : i32
    %ne3A_1178 = arith.cmpi ne, %sign3A_1170, %sign3A_1177 : i32
    %rem3A_1179 = arith.remsi %add3A_1161, %jit3A_1162 : i32
    %ne3A_1180 = arith.constant 0 : i32
    %ne3A_1181 = arith.cmpi ne, %rem3A_1179, %ne3A_1180 : i32
    %and3A_1182 = arith.andi %ne3A_1178, %ne3A_1181 : i1
    %sub3A_1183 = arith.constant 1 : i32
    %sub3A_1184 = arith.subi %div3A_1163, %sub3A_1183 : i32
    %select_n3A_1185 = arith.select %and3A_1182, %sub3A_1184, %div3A_1163 : i32
    %jit3A_1186 = arith.constant 8 : i32
    %eq3A_1187 = arith.constant 0 : i32
    %eq3A_1188 = arith.cmpi eq, %jit3A_1186, %eq3A_1187 : i32
    %jit3A_1189 = arith.constant 1 : i32
    %select_n3A_1190 = arith.select %eq3A_1188, %jit3A_1189, %jit3A_1186 : i32
    %rem3A_1191 = arith.remsi %add3A_1161, %select_n3A_1190 : i32
    %ne3A_1192 = arith.constant 0 : i32
    %ne3A_1193 = arith.cmpi ne, %rem3A_1191, %ne3A_1192 : i32
    %lt3A_1194 = arith.constant 0 : i32
    %lt3A_1195 = arith.cmpi slt, %rem3A_1191, %lt3A_1194 : i32
    %lt3A_1196 = arith.constant 0 : i32
    %lt3A_1197 = arith.cmpi slt, %select_n3A_1190, %lt3A_1196 : i32
    %ne3A_1198 = arith.xori %lt3A_1195, %lt3A_1197 : i1
    %and3A_1199 = arith.andi %ne3A_1198, %ne3A_1193 : i1
    %add3A_1200 = arith.addi %rem3A_1191, %select_n3A_1190 : i32
    %select_n3A_1201 = arith.select %and3A_1199, %add3A_1200, %rem3A_1191 : i32
    %mul3A_1202 = arith.constant 31 : i32
    %mul3A_1203 = arith.muli %select_n3A_1201, %mul3A_1202 : i32
    %jit3A_1204 = arith.constant 7 : i32
    %div3A_1205 = arith.divsi %mul3A_1203, %jit3A_1204 : i32
    %sign3A_1206 = arith.constant 0 : i32
    %sign3A_1207 = arith.cmpi sgt, %mul3A_1203, %sign3A_1206 : i32
    %sign3A_1208 = arith.extui %sign3A_1207 : i1 to i32
    %sign3A_1209 = arith.constant 0 : i32
    %sign3A_1210 = arith.cmpi slt, %mul3A_1203, %sign3A_1209 : i32
    %sign3A_1211 = arith.extui %sign3A_1210 : i1 to i32
    %sign3A_1212 = arith.subi %sign3A_1208, %sign3A_1211 : i32
    %sign3A_1213 = arith.constant 0 : i32
    %sign3A_1214 = arith.cmpi sgt, %jit3A_1204, %sign3A_1213 : i32
    %sign3A_1215 = arith.extui %sign3A_1214 : i1 to i32
    %sign3A_1216 = arith.constant 0 : i32
    %sign3A_1217 = arith.cmpi slt, %jit3A_1204, %sign3A_1216 : i32
    %sign3A_1218 = arith.extui %sign3A_1217 : i1 to i32
    %sign3A_1219 = arith.subi %sign3A_1215, %sign3A_1218 : i32
    %ne3A_1220 = arith.cmpi ne, %sign3A_1212, %sign3A_1219 : i32
    %rem3A_1221 = arith.remsi %mul3A_1203, %jit3A_1204 : i32
    %ne3A_1222 = arith.constant 0 : i32
    %ne3A_1223 = arith.cmpi ne, %rem3A_1221, %ne3A_1222 : i32
    %and3A_1224 = arith.andi %ne3A_1220, %ne3A_1223 : i1
    %sub3A_1225 = arith.constant 1 : i32
    %sub3A_1226 = arith.subi %div3A_1205, %sub3A_1225 : i32
    %select_n3A_1227 = arith.select %and3A_1224, %sub3A_1226, %div3A_1205 : i32
    %dma_wait3A_1228 = arith.constant 1 : i32
    %dma_wait3A_1229 = arith.constant 64 : i32
    %dma_wait3A_1230 = arith.constant 0 : i32
    %dma_wait3A_1231 = tpu.memref_slice %arg2[%select_n3A_587, %select_n3A_629, %dma_wait3A_1228, %dma_wait3A_1229, %dma_wait3A_1230] : memref<8x32x3x256x256xf32, #tpu.memory_space<hbm>> -> memref<1x1x1x64x256xf32, #tpu.memory_space<hbm>>
    %dma_wait3A_1232 = tpu.memref_squeeze %dma_wait3A_1231 : memref<1x1x1x64x256xf32, #tpu.memory_space<hbm>> -> memref<64x256xf32, #tpu.memory_space<hbm>>
    %dma_wait3A_1233 = arith.constant 64 : i32
    %dma_wait3A_1234 = arith.constant 0 : i32
    %dma_wait3A_1235 = tpu.memref_slice %arg2[%select_n3A_587, %select_n3A_629, %dma_wait3A_1228, %dma_wait3A_1233, %dma_wait3A_1234] : memref<8x32x3x256x256xf32, #tpu.memory_space<hbm>> -> memref<1x1x1x64x256xf32, #tpu.memory_space<hbm>>
    %dma_wait3A_1236 = tpu.memref_squeeze %dma_wait3A_1235 : memref<1x1x1x64x256xf32, #tpu.memory_space<hbm>> -> memref<64x256xf32, #tpu.memory_space<hbm>>
    tpu.wait_dma2 semaphore(%arg16 : memref<!tpu.dma_semaphore, #tpu.memory_space<semaphore_mem>>) src(%dma_wait3A_1236 : memref<64x256xf32, #tpu.memory_space<hbm>>) dst(%arg9 : memref<64x256xf32, #tpu.memory_space<vmem>>)
    %dma_start3A_1237 = arith.constant 1 : i32
    %dma_start3A_1238 = arith.constant 64 : i32
    %dma_start3A_1239 = arith.constant 0 : i32
    %dma_start3A_1240 = tpu.memref_slice %arg3[%select_n3A_1185, %select_n3A_1201, %dma_start3A_1237, %dma_start3A_1238, %dma_start3A_1239] : memref<8x8x3x256x256xf32, #tpu.memory_space<hbm>> -> memref<1x1x1x64x256xf32, #tpu.memory_space<hbm>>
    %dma_start3A_1241 = tpu.memref_squeeze %dma_start3A_1240 : memref<1x1x1x64x256xf32, #tpu.memory_space<hbm>> -> memref<64x256xf32, #tpu.memory_space<hbm>>
    %dma_start3A_1242 = arith.constant 64 : i32
    %dma_start3A_1243 = arith.constant 0 : i32
    %dma_start3A_1244 = tpu.memref_slice %arg3[%select_n3A_1185, %select_n3A_1201, %dma_start3A_1237, %dma_start3A_1242, %dma_start3A_1243] : memref<8x8x3x256x256xf32, #tpu.memory_space<hbm>> -> memref<1x1x1x64x256xf32, #tpu.memory_space<hbm>>
    %dma_start3A_1245 = tpu.memref_squeeze %dma_start3A_1244 : memref<1x1x1x64x256xf32, #tpu.memory_space<hbm>> -> memref<64x256xf32, #tpu.memory_space<hbm>>
    tpu.enqueue_dma source(%arg9 : memref<64x256xf32, #tpu.memory_space<vmem>>) target(%dma_start3A_1245 : memref<64x256xf32, #tpu.memory_space<hbm>>) target_semaphore(%arg23 : memref<!tpu.dma_semaphore, #tpu.memory_space<semaphore_mem>>)
    %mul3A_1246 = arith.constant 2 : i32
    %mul3A_1247 = arith.muli %add3A, %mul3A_1246 : i32
    %add3A_1248 = arith.constant 0 : i32
    %add3A_1249 = arith.addi %mul3A_1247, %add3A_1248 : i32
    %jit3A_1250 = arith.constant 8 : i32
    %div3A_1251 = arith.divsi %add3A_1249, %jit3A_1250 : i32
    %sign3A_1252 = arith.constant 0 : i32
    %sign3A_1253 = arith.cmpi sgt, %add3A_1249, %sign3A_1252 : i32
    %sign3A_1254 = arith.extui %sign3A_1253 : i1 to i32
    %sign3A_1255 = arith.constant 0 : i32
    %sign3A_1256 = arith.cmpi slt, %add3A_1249, %sign3A_1255 : i32
    %sign3A_1257 = arith.extui %sign3A_1256 : i1 to i32
    %sign3A_1258 = arith.subi %sign3A_1254, %sign3A_1257 : i32
    %sign3A_1259 = arith.constant 0 : i32
    %sign3A_1260 = arith.cmpi sgt, %jit3A_1250, %sign3A_1259 : i32
    %sign3A_1261 = arith.extui %sign3A_1260 : i1 to i32
    %sign3A_1262 = arith.constant 0 : i32
    %sign3A_1263 = arith.cmpi slt, %jit3A_1250, %sign3A_1262 : i32
    %sign3A_1264 = arith.extui %sign3A_1263 : i1 to i32
    %sign3A_1265 = arith.subi %sign3A_1261, %sign3A_1264 : i32
    %ne3A_1266 = arith.cmpi ne, %sign3A_1258, %sign3A_1265 : i32
    %rem3A_1267 = arith.remsi %add3A_1249, %jit3A_1250 : i32
    %ne3A_1268 = arith.constant 0 : i32
    %ne3A_1269 = arith.cmpi ne, %rem3A_1267, %ne3A_1268 : i32
    %and3A_1270 = arith.andi %ne3A_1266, %ne3A_1269 : i1
    %sub3A_1271 = arith.constant 1 : i32
    %sub3A_1272 = arith.subi %div3A_1251, %sub3A_1271 : i32
    %select_n3A_1273 = arith.select %and3A_1270, %sub3A_1272, %div3A_1251 : i32
    %jit3A_1274 = arith.constant 8 : i32
    %eq3A_1275 = arith.constant 0 : i32
    %eq3A_1276 = arith.cmpi eq, %jit3A_1274, %eq3A_1275 : i32
    %jit3A_1277 = arith.constant 1 : i32
    %select_n3A_1278 = arith.select %eq3A_1276, %jit3A_1277, %jit3A_1274 : i32
    %rem3A_1279 = arith.remsi %add3A_1249, %select_n3A_1278 : i32
    %ne3A_1280 = arith.constant 0 : i32
    %ne3A_1281 = arith.cmpi ne, %rem3A_1279, %ne3A_1280 : i32
    %lt3A_1282 = arith.constant 0 : i32
    %lt3A_1283 = arith.cmpi slt, %rem3A_1279, %lt3A_1282 : i32
    %lt3A_1284 = arith.constant 0 : i32
    %lt3A_1285 = arith.cmpi slt, %select_n3A_1278, %lt3A_1284 : i32
    %ne3A_1286 = arith.xori %lt3A_1283, %lt3A_1285 : i1
    %and3A_1287 = arith.andi %ne3A_1286, %ne3A_1281 : i1
    %add3A_1288 = arith.addi %rem3A_1279, %select_n3A_1278 : i32
    %select_n3A_1289 = arith.select %and3A_1287, %add3A_1288, %rem3A_1279 : i32
    %mul3A_1290 = arith.constant 31 : i32
    %mul3A_1291 = arith.muli %select_n3A_1289, %mul3A_1290 : i32
    %jit3A_1292 = arith.constant 7 : i32
    %div3A_1293 = arith.divsi %mul3A_1291, %jit3A_1292 : i32
    %sign3A_1294 = arith.constant 0 : i32
    %sign3A_1295 = arith.cmpi sgt, %mul3A_1291, %sign3A_1294 : i32
    %sign3A_1296 = arith.extui %sign3A_1295 : i1 to i32
    %sign3A_1297 = arith.constant 0 : i32
    %sign3A_1298 = arith.cmpi slt, %mul3A_1291, %sign3A_1297 : i32
    %sign3A_1299 = arith.extui %sign3A_1298 : i1 to i32
    %sign3A_1300 = arith.subi %sign3A_1296, %sign3A_1299 : i32
    %sign3A_1301 = arith.constant 0 : i32
    %sign3A_1302 = arith.cmpi sgt, %jit3A_1292, %sign3A_1301 : i32
    %sign3A_1303 = arith.extui %sign3A_1302 : i1 to i32
    %sign3A_1304 = arith.constant 0 : i32
    %sign3A_1305 = arith.cmpi slt, %jit3A_1292, %sign3A_1304 : i32
    %sign3A_1306 = arith.extui %sign3A_1305 : i1 to i32
    %sign3A_1307 = arith.subi %sign3A_1303, %sign3A_1306 : i32
    %ne3A_1308 = arith.cmpi ne, %sign3A_1300, %sign3A_1307 : i32
    %rem3A_1309 = arith.remsi %mul3A_1291, %jit3A_1292 : i32
    %ne3A_1310 = arith.constant 0 : i32
    %ne3A_1311 = arith.cmpi ne, %rem3A_1309, %ne3A_1310 : i32
    %and3A_1312 = arith.andi %ne3A_1308, %ne3A_1311 : i1
    %sub3A_1313 = arith.constant 1 : i32
    %sub3A_1314 = arith.subi %div3A_1293, %sub3A_1313 : i32
    %select_n3A_1315 = arith.select %and3A_1312, %sub3A_1314, %div3A_1293 : i32
    %dma_wait3A_1316 = arith.constant 0 : i32
    %dma_wait3A_1317 = arith.constant 128 : i32
    %dma_wait3A_1318 = arith.constant 0 : i32
    %dma_wait3A_1319 = tpu.memref_slice %arg3[%select_n3A_666, %select_n3A_682, %dma_wait3A_1316, %dma_wait3A_1317, %dma_wait3A_1318] : memref<8x8x3x256x256xf32, #tpu.memory_space<hbm>> -> memref<1x1x1x64x256xf32, #tpu.memory_space<hbm>>
    %dma_wait3A_1320 = tpu.memref_squeeze %dma_wait3A_1319 : memref<1x1x1x64x256xf32, #tpu.memory_space<hbm>> -> memref<64x256xf32, #tpu.memory_space<hbm>>
    %dma_wait3A_1321 = arith.constant 128 : i32
    %dma_wait3A_1322 = arith.constant 0 : i32
    %dma_wait3A_1323 = tpu.memref_slice %arg3[%select_n3A_666, %select_n3A_682, %dma_wait3A_1316, %dma_wait3A_1321, %dma_wait3A_1322] : memref<8x8x3x256x256xf32, #tpu.memory_space<hbm>> -> memref<1x1x1x64x256xf32, #tpu.memory_space<hbm>>
    %dma_wait3A_1324 = tpu.memref_squeeze %dma_wait3A_1323 : memref<1x1x1x64x256xf32, #tpu.memory_space<hbm>> -> memref<64x256xf32, #tpu.memory_space<hbm>>
    tpu.wait_dma2 semaphore(%arg20 : memref<!tpu.dma_semaphore, #tpu.memory_space<semaphore_mem>>) src(%arg6 : memref<64x256xf32, #tpu.memory_space<vmem>>) dst(%dma_wait3A_1324 : memref<64x256xf32, #tpu.memory_space<hbm>>)
    %dma_start3A_1325 = arith.constant 2 : i32
    %dma_start3A_1326 = arith.constant 64 : i32
    %dma_start3A_1327 = arith.constant 0 : i32
    %dma_start3A_1328 = tpu.memref_slice %arg2[%select_n3A_1273, %select_n3A_1315, %dma_start3A_1325, %dma_start3A_1326, %dma_start3A_1327] : memref<8x32x3x256x256xf32, #tpu.memory_space<hbm>> -> memref<1x1x1x64x256xf32, #tpu.memory_space<hbm>>
    %dma_start3A_1329 = tpu.memref_squeeze %dma_start3A_1328 : memref<1x1x1x64x256xf32, #tpu.memory_space<hbm>> -> memref<64x256xf32, #tpu.memory_space<hbm>>
    %dma_start3A_1330 = arith.constant 64 : i32
    %dma_start3A_1331 = arith.constant 0 : i32
    %dma_start3A_1332 = tpu.memref_slice %arg2[%select_n3A_1273, %select_n3A_1315, %dma_start3A_1325, %dma_start3A_1330, %dma_start3A_1331] : memref<8x32x3x256x256xf32, #tpu.memory_space<hbm>> -> memref<1x1x1x64x256xf32, #tpu.memory_space<hbm>>
    %dma_start3A_1333 = tpu.memref_squeeze %dma_start3A_1332 : memref<1x1x1x64x256xf32, #tpu.memory_space<hbm>> -> memref<64x256xf32, #tpu.memory_space<hbm>>
    tpu.enqueue_dma source(%dma_start3A_1333 : memref<64x256xf32, #tpu.memory_space<hbm>>) target(%arg6 : memref<64x256xf32, #tpu.memory_space<vmem>>) target_semaphore(%arg13 : memref<!tpu.dma_semaphore, #tpu.memory_space<semaphore_mem>>)
    %mul3A_1334 = arith.constant 2 : i32
    %mul3A_1335 = arith.muli %add3A, %mul3A_1334 : i32
    %add3A_1336 = arith.constant 0 : i32
    %add3A_1337 = arith.addi %mul3A_1335, %add3A_1336 : i32
    %jit3A_1338 = arith.constant 8 : i32
    %div3A_1339 = arith.divsi %add3A_1337, %jit3A_1338 : i32
    %sign3A_1340 = arith.constant 0 : i32
    %sign3A_1341 = arith.cmpi sgt, %add3A_1337, %sign3A_1340 : i32
    %sign3A_1342 = arith.extui %sign3A_1341 : i1 to i32
    %sign3A_1343 = arith.constant 0 : i32
    %sign3A_1344 = arith.cmpi slt, %add3A_1337, %sign3A_1343 : i32
    %sign3A_1345 = arith.extui %sign3A_1344 : i1 to i32
    %sign3A_1346 = arith.subi %sign3A_1342, %sign3A_1345 : i32
    %sign3A_1347 = arith.constant 0 : i32
    %sign3A_1348 = arith.cmpi sgt, %jit3A_1338, %sign3A_1347 : i32
    %sign3A_1349 = arith.extui %sign3A_1348 : i1 to i32
    %sign3A_1350 = arith.constant 0 : i32
    %sign3A_1351 = arith.cmpi slt, %jit3A_1338, %sign3A_1350 : i32
    %sign3A_1352 = arith.extui %sign3A_1351 : i1 to i32
    %sign3A_1353 = arith.subi %sign3A_1349, %sign3A_1352 : i32
    %ne3A_1354 = arith.cmpi ne, %sign3A_1346, %sign3A_1353 : i32
    %rem3A_1355 = arith.remsi %add3A_1337, %jit3A_1338 : i32
    %ne3A_1356 = arith.constant 0 : i32
    %ne3A_1357 = arith.cmpi ne, %rem3A_1355, %ne3A_1356 : i32
    %and3A_1358 = arith.andi %ne3A_1354, %ne3A_1357 : i1
    %sub3A_1359 = arith.constant 1 : i32
    %sub3A_1360 = arith.subi %div3A_1339, %sub3A_1359 : i32
    %select_n3A_1361 = arith.select %and3A_1358, %sub3A_1360, %div3A_1339 : i32
    %jit3A_1362 = arith.constant 8 : i32
    %eq3A_1363 = arith.constant 0 : i32
    %eq3A_1364 = arith.cmpi eq, %jit3A_1362, %eq3A_1363 : i32
    %jit3A_1365 = arith.constant 1 : i32
    %select_n3A_1366 = arith.select %eq3A_1364, %jit3A_1365, %jit3A_1362 : i32
    %rem3A_1367 = arith.remsi %add3A_1337, %select_n3A_1366 : i32
    %ne3A_1368 = arith.constant 0 : i32
    %ne3A_1369 = arith.cmpi ne, %rem3A_1367, %ne3A_1368 : i32
    %lt3A_1370 = arith.constant 0 : i32
    %lt3A_1371 = arith.cmpi slt, %rem3A_1367, %lt3A_1370 : i32
    %lt3A_1372 = arith.constant 0 : i32
    %lt3A_1373 = arith.cmpi slt, %select_n3A_1366, %lt3A_1372 : i32
    %ne3A_1374 = arith.xori %lt3A_1371, %lt3A_1373 : i1
    %and3A_1375 = arith.andi %ne3A_1374, %ne3A_1369 : i1
    %add3A_1376 = arith.addi %rem3A_1367, %select_n3A_1366 : i32
    %select_n3A_1377 = arith.select %and3A_1375, %add3A_1376, %rem3A_1367 : i32
    %mul3A_1378 = arith.constant 31 : i32
    %mul3A_1379 = arith.muli %select_n3A_1377, %mul3A_1378 : i32
    %jit3A_1380 = arith.constant 7 : i32
    %div3A_1381 = arith.divsi %mul3A_1379, %jit3A_1380 : i32
    %sign3A_1382 = arith.constant 0 : i32
    %sign3A_1383 = arith.cmpi sgt, %mul3A_1379, %sign3A_1382 : i32
    %sign3A_1384 = arith.extui %sign3A_1383 : i1 to i32
    %sign3A_1385 = arith.constant 0 : i32
    %sign3A_1386 = arith.cmpi slt, %mul3A_1379, %sign3A_1385 : i32
    %sign3A_1387 = arith.extui %sign3A_1386 : i1 to i32
    %sign3A_1388 = arith.subi %sign3A_1384, %sign3A_1387 : i32
    %sign3A_1389 = arith.constant 0 : i32
    %sign3A_1390 = arith.cmpi sgt, %jit3A_1380, %sign3A_1389 : i32
    %sign3A_1391 = arith.extui %sign3A_1390 : i1 to i32
    %sign3A_1392 = arith.constant 0 : i32
    %sign3A_1393 = arith.cmpi slt, %jit3A_1380, %sign3A_1392 : i32
    %sign3A_1394 = arith.extui %sign3A_1393 : i1 to i32
    %sign3A_1395 = arith.subi %sign3A_1391, %sign3A_1394 : i32
    %ne3A_1396 = arith.cmpi ne, %sign3A_1388, %sign3A_1395 : i32
    %rem3A_1397 = arith.remsi %mul3A_1379, %jit3A_1380 : i32
    %ne3A_1398 = arith.constant 0 : i32
    %ne3A_1399 = arith.cmpi ne, %rem3A_1397, %ne3A_1398 : i32
    %and3A_1400 = arith.andi %ne3A_1396, %ne3A_1399 : i1
    %sub3A_1401 = arith.constant 1 : i32
    %sub3A_1402 = arith.subi %div3A_1381, %sub3A_1401 : i32
    %select_n3A_1403 = arith.select %and3A_1400, %sub3A_1402, %div3A_1381 : i32
    %dma_wait3A_1404 = arith.constant 1 : i32
    %dma_wait3A_1405 = arith.constant 128 : i32
    %dma_wait3A_1406 = arith.constant 0 : i32
    %dma_wait3A_1407 = tpu.memref_slice %arg2[%select_n3A_754, %select_n3A_796, %dma_wait3A_1404, %dma_wait3A_1405, %dma_wait3A_1406] : memref<8x32x3x256x256xf32, #tpu.memory_space<hbm>> -> memref<1x1x1x64x256xf32, #tpu.memory_space<hbm>>
    %dma_wait3A_1408 = tpu.memref_squeeze %dma_wait3A_1407 : memref<1x1x1x64x256xf32, #tpu.memory_space<hbm>> -> memref<64x256xf32, #tpu.memory_space<hbm>>
    %dma_wait3A_1409 = arith.constant 128 : i32
    %dma_wait3A_1410 = arith.constant 0 : i32
    %dma_wait3A_1411 = tpu.memref_slice %arg2[%select_n3A_754, %select_n3A_796, %dma_wait3A_1404, %dma_wait3A_1409, %dma_wait3A_1410] : memref<8x32x3x256x256xf32, #tpu.memory_space<hbm>> -> memref<1x1x1x64x256xf32, #tpu.memory_space<hbm>>
    %dma_wait3A_1412 = tpu.memref_squeeze %dma_wait3A_1411 : memref<1x1x1x64x256xf32, #tpu.memory_space<hbm>> -> memref<64x256xf32, #tpu.memory_space<hbm>>
    tpu.wait_dma2 semaphore(%arg17 : memref<!tpu.dma_semaphore, #tpu.memory_space<semaphore_mem>>) src(%dma_wait3A_1412 : memref<64x256xf32, #tpu.memory_space<hbm>>) dst(%arg10 : memref<64x256xf32, #tpu.memory_space<vmem>>)
    %dma_start3A_1413 = arith.constant 1 : i32
    %dma_start3A_1414 = arith.constant 128 : i32
    %dma_start3A_1415 = arith.constant 0 : i32
    %dma_start3A_1416 = tpu.memref_slice %arg3[%select_n3A_1361, %select_n3A_1377, %dma_start3A_1413, %dma_start3A_1414, %dma_start3A_1415] : memref<8x8x3x256x256xf32, #tpu.memory_space<hbm>> -> memref<1x1x1x64x256xf32, #tpu.memory_space<hbm>>
    %dma_start3A_1417 = tpu.memref_squeeze %dma_start3A_1416 : memref<1x1x1x64x256xf32, #tpu.memory_space<hbm>> -> memref<64x256xf32, #tpu.memory_space<hbm>>
    %dma_start3A_1418 = arith.constant 128 : i32
    %dma_start3A_1419 = arith.constant 0 : i32
    %dma_start3A_1420 = tpu.memref_slice %arg3[%select_n3A_1361, %select_n3A_1377, %dma_start3A_1413, %dma_start3A_1418, %dma_start3A_1419] : memref<8x8x3x256x256xf32, #tpu.memory_space<hbm>> -> memref<1x1x1x64x256xf32, #tpu.memory_space<hbm>>
    %dma_start3A_1421 = tpu.memref_squeeze %dma_start3A_1420 : memref<1x1x1x64x256xf32, #tpu.memory_space<hbm>> -> memref<64x256xf32, #tpu.memory_space<hbm>>
    tpu.enqueue_dma source(%arg10 : memref<64x256xf32, #tpu.memory_space<vmem>>) target(%dma_start3A_1421 : memref<64x256xf32, #tpu.memory_space<hbm>>) target_semaphore(%arg24 : memref<!tpu.dma_semaphore, #tpu.memory_space<semaphore_mem>>)
    %mul3A_1422 = arith.constant 2 : i32
    %mul3A_1423 = arith.muli %add3A, %mul3A_1422 : i32
    %add3A_1424 = arith.constant 0 : i32
    %add3A_1425 = arith.addi %mul3A_1423, %add3A_1424 : i32
    %jit3A_1426 = arith.constant 8 : i32
    %div3A_1427 = arith.divsi %add3A_1425, %jit3A_1426 : i32
    %sign3A_1428 = arith.constant 0 : i32
    %sign3A_1429 = arith.cmpi sgt, %add3A_1425, %sign3A_1428 : i32
    %sign3A_1430 = arith.extui %sign3A_1429 : i1 to i32
    %sign3A_1431 = arith.constant 0 : i32
    %sign3A_1432 = arith.cmpi slt, %add3A_1425, %sign3A_1431 : i32
    %sign3A_1433 = arith.extui %sign3A_1432 : i1 to i32
    %sign3A_1434 = arith.subi %sign3A_1430, %sign3A_1433 : i32
    %sign3A_1435 = arith.constant 0 : i32
    %sign3A_1436 = arith.cmpi sgt, %jit3A_1426, %sign3A_1435 : i32
    %sign3A_1437 = arith.extui %sign3A_1436 : i1 to i32
    %sign3A_1438 = arith.constant 0 : i32
    %sign3A_1439 = arith.cmpi slt, %jit3A_1426, %sign3A_1438 : i32
    %sign3A_1440 = arith.extui %sign3A_1439 : i1 to i32
    %sign3A_1441 = arith.subi %sign3A_1437, %sign3A_1440 : i32
    %ne3A_1442 = arith.cmpi ne, %sign3A_1434, %sign3A_1441 : i32
    %rem3A_1443 = arith.remsi %add3A_1425, %jit3A_1426 : i32
    %ne3A_1444 = arith.constant 0 : i32
    %ne3A_1445 = arith.cmpi ne, %rem3A_1443, %ne3A_1444 : i32
    %and3A_1446 = arith.andi %ne3A_1442, %ne3A_1445 : i1
    %sub3A_1447 = arith.constant 1 : i32
    %sub3A_1448 = arith.subi %div3A_1427, %sub3A_1447 : i32
    %select_n3A_1449 = arith.select %and3A_1446, %sub3A_1448, %div3A_1427 : i32
    %jit3A_1450 = arith.constant 8 : i32
    %eq3A_1451 = arith.constant 0 : i32
    %eq3A_1452 = arith.cmpi eq, %jit3A_1450, %eq3A_1451 : i32
    %jit3A_1453 = arith.constant 1 : i32
    %select_n3A_1454 = arith.select %eq3A_1452, %jit3A_1453, %jit3A_1450 : i32
    %rem3A_1455 = arith.remsi %add3A_1425, %select_n3A_1454 : i32
    %ne3A_1456 = arith.constant 0 : i32
    %ne3A_1457 = arith.cmpi ne, %rem3A_1455, %ne3A_1456 : i32
    %lt3A_1458 = arith.constant 0 : i32
    %lt3A_1459 = arith.cmpi slt, %rem3A_1455, %lt3A_1458 : i32
    %lt3A_1460 = arith.constant 0 : i32
    %lt3A_1461 = arith.cmpi slt, %select_n3A_1454, %lt3A_1460 : i32
    %ne3A_1462 = arith.xori %lt3A_1459, %lt3A_1461 : i1
    %and3A_1463 = arith.andi %ne3A_1462, %ne3A_1457 : i1
    %add3A_1464 = arith.addi %rem3A_1455, %select_n3A_1454 : i32
    %select_n3A_1465 = arith.select %and3A_1463, %add3A_1464, %rem3A_1455 : i32
    %mul3A_1466 = arith.constant 31 : i32
    %mul3A_1467 = arith.muli %select_n3A_1465, %mul3A_1466 : i32
    %jit3A_1468 = arith.constant 7 : i32
    %div3A_1469 = arith.divsi %mul3A_1467, %jit3A_1468 : i32
    %sign3A_1470 = arith.constant 0 : i32
    %sign3A_1471 = arith.cmpi sgt, %mul3A_1467, %sign3A_1470 : i32
    %sign3A_1472 = arith.extui %sign3A_1471 : i1 to i32
    %sign3A_1473 = arith.constant 0 : i32
    %sign3A_1474 = arith.cmpi slt, %mul3A_1467, %sign3A_1473 : i32
    %sign3A_1475 = arith.extui %sign3A_1474 : i1 to i32
    %sign3A_1476 = arith.subi %sign3A_1472, %sign3A_1475 : i32
    %sign3A_1477 = arith.constant 0 : i32
    %sign3A_1478 = arith.cmpi sgt, %jit3A_1468, %sign3A_1477 : i32
    %sign3A_1479 = arith.extui %sign3A_1478 : i1 to i32
    %sign3A_1480 = arith.constant 0 : i32
    %sign3A_1481 = arith.cmpi slt, %jit3A_1468, %sign3A_1480 : i32
    %sign3A_1482 = arith.extui %sign3A_1481 : i1 to i32
    %sign3A_1483 = arith.subi %sign3A_1479, %sign3A_1482 : i32
    %ne3A_1484 = arith.cmpi ne, %sign3A_1476, %sign3A_1483 : i32
    %rem3A_1485 = arith.remsi %mul3A_1467, %jit3A_1468 : i32
    %ne3A_1486 = arith.constant 0 : i32
    %ne3A_1487 = arith.cmpi ne, %rem3A_1485, %ne3A_1486 : i32
    %and3A_1488 = arith.andi %ne3A_1484, %ne3A_1487 : i1
    %sub3A_1489 = arith.constant 1 : i32
    %sub3A_1490 = arith.subi %div3A_1469, %sub3A_1489 : i32
    %select_n3A_1491 = arith.select %and3A_1488, %sub3A_1490, %div3A_1469 : i32
    %dma_wait3A_1492 = arith.constant 0 : i32
    %dma_wait3A_1493 = arith.constant 192 : i32
    %dma_wait3A_1494 = arith.constant 0 : i32
    %dma_wait3A_1495 = tpu.memref_slice %arg3[%select_n3A_833, %select_n3A_849, %dma_wait3A_1492, %dma_wait3A_1493, %dma_wait3A_1494] : memref<8x8x3x256x256xf32, #tpu.memory_space<hbm>> -> memref<1x1x1x64x256xf32, #tpu.memory_space<hbm>>
    %dma_wait3A_1496 = tpu.memref_squeeze %dma_wait3A_1495 : memref<1x1x1x64x256xf32, #tpu.memory_space<hbm>> -> memref<64x256xf32, #tpu.memory_space<hbm>>
    %dma_wait3A_1497 = arith.constant 192 : i32
    %dma_wait3A_1498 = arith.constant 0 : i32
    %dma_wait3A_1499 = tpu.memref_slice %arg3[%select_n3A_833, %select_n3A_849, %dma_wait3A_1492, %dma_wait3A_1497, %dma_wait3A_1498] : memref<8x8x3x256x256xf32, #tpu.memory_space<hbm>> -> memref<1x1x1x64x256xf32, #tpu.memory_space<hbm>>
    %dma_wait3A_1500 = tpu.memref_squeeze %dma_wait3A_1499 : memref<1x1x1x64x256xf32, #tpu.memory_space<hbm>> -> memref<64x256xf32, #tpu.memory_space<hbm>>
    tpu.wait_dma2 semaphore(%arg21 : memref<!tpu.dma_semaphore, #tpu.memory_space<semaphore_mem>>) src(%arg7 : memref<64x256xf32, #tpu.memory_space<vmem>>) dst(%dma_wait3A_1500 : memref<64x256xf32, #tpu.memory_space<hbm>>)
    %dma_start3A_1501 = arith.constant 2 : i32
    %dma_start3A_1502 = arith.constant 128 : i32
    %dma_start3A_1503 = arith.constant 0 : i32
    %dma_start3A_1504 = tpu.memref_slice %arg2[%select_n3A_1449, %select_n3A_1491, %dma_start3A_1501, %dma_start3A_1502, %dma_start3A_1503] : memref<8x32x3x256x256xf32, #tpu.memory_space<hbm>> -> memref<1x1x1x64x256xf32, #tpu.memory_space<hbm>>
    %dma_start3A_1505 = tpu.memref_squeeze %dma_start3A_1504 : memref<1x1x1x64x256xf32, #tpu.memory_space<hbm>> -> memref<64x256xf32, #tpu.memory_space<hbm>>
    %dma_start3A_1506 = arith.constant 128 : i32
    %dma_start3A_1507 = arith.constant 0 : i32
    %dma_start3A_1508 = tpu.memref_slice %arg2[%select_n3A_1449, %select_n3A_1491, %dma_start3A_1501, %dma_start3A_1506, %dma_start3A_1507] : memref<8x32x3x256x256xf32, #tpu.memory_space<hbm>> -> memref<1x1x1x64x256xf32, #tpu.memory_space<hbm>>
    %dma_start3A_1509 = tpu.memref_squeeze %dma_start3A_1508 : memref<1x1x1x64x256xf32, #tpu.memory_space<hbm>> -> memref<64x256xf32, #tpu.memory_space<hbm>>
    tpu.enqueue_dma source(%dma_start3A_1509 : memref<64x256xf32, #tpu.memory_space<hbm>>) target(%arg7 : memref<64x256xf32, #tpu.memory_space<vmem>>) target_semaphore(%arg14 : memref<!tpu.dma_semaphore, #tpu.memory_space<semaphore_mem>>)
    %mul3A_1510 = arith.constant 2 : i32
    %mul3A_1511 = arith.muli %add3A, %mul3A_1510 : i32
    %add3A_1512 = arith.constant 0 : i32
    %add3A_1513 = arith.addi %mul3A_1511, %add3A_1512 : i32
    %jit3A_1514 = arith.constant 8 : i32
    %div3A_1515 = arith.divsi %add3A_1513, %jit3A_1514 : i32
    %sign3A_1516 = arith.constant 0 : i32
    %sign3A_1517 = arith.cmpi sgt, %add3A_1513, %sign3A_1516 : i32
    %sign3A_1518 = arith.extui %sign3A_1517 : i1 to i32
    %sign3A_1519 = arith.constant 0 : i32
    %sign3A_1520 = arith.cmpi slt, %add3A_1513, %sign3A_1519 : i32
    %sign3A_1521 = arith.extui %sign3A_1520 : i1 to i32
    %sign3A_1522 = arith.subi %sign3A_1518, %sign3A_1521 : i32
    %sign3A_1523 = arith.constant 0 : i32
    %sign3A_1524 = arith.cmpi sgt, %jit3A_1514, %sign3A_1523 : i32
    %sign3A_1525 = arith.extui %sign3A_1524 : i1 to i32
    %sign3A_1526 = arith.constant 0 : i32
    %sign3A_1527 = arith.cmpi slt, %jit3A_1514, %sign3A_1526 : i32
    %sign3A_1528 = arith.extui %sign3A_1527 : i1 to i32
    %sign3A_1529 = arith.subi %sign3A_1525, %sign3A_1528 : i32
    %ne3A_1530 = arith.cmpi ne, %sign3A_1522, %sign3A_1529 : i32
    %rem3A_1531 = arith.remsi %add3A_1513, %jit3A_1514 : i32
    %ne3A_1532 = arith.constant 0 : i32
    %ne3A_1533 = arith.cmpi ne, %rem3A_1531, %ne3A_1532 : i32
    %and3A_1534 = arith.andi %ne3A_1530, %ne3A_1533 : i1
    %sub3A_1535 = arith.constant 1 : i32
    %sub3A_1536 = arith.subi %div3A_1515, %sub3A_1535 : i32
    %select_n3A_1537 = arith.select %and3A_1534, %sub3A_1536, %div3A_1515 : i32
    %jit3A_1538 = arith.constant 8 : i32
    %eq3A_1539 = arith.constant 0 : i32
    %eq3A_1540 = arith.cmpi eq, %jit3A_1538, %eq3A_1539 : i32
    %jit3A_1541 = arith.constant 1 : i32
    %select_n3A_1542 = arith.select %eq3A_1540, %jit3A_1541, %jit3A_1538 : i32
    %rem3A_1543 = arith.remsi %add3A_1513, %select_n3A_1542 : i32
    %ne3A_1544 = arith.constant 0 : i32
    %ne3A_1545 = arith.cmpi ne, %rem3A_1543, %ne3A_1544 : i32
    %lt3A_1546 = arith.constant 0 : i32
    %lt3A_1547 = arith.cmpi slt, %rem3A_1543, %lt3A_1546 : i32
    %lt3A_1548 = arith.constant 0 : i32
    %lt3A_1549 = arith.cmpi slt, %select_n3A_1542, %lt3A_1548 : i32
    %ne3A_1550 = arith.xori %lt3A_1547, %lt3A_1549 : i1
    %and3A_1551 = arith.andi %ne3A_1550, %ne3A_1545 : i1
    %add3A_1552 = arith.addi %rem3A_1543, %select_n3A_1542 : i32
    %select_n3A_1553 = arith.select %and3A_1551, %add3A_1552, %rem3A_1543 : i32
    %mul3A_1554 = arith.constant 31 : i32
    %mul3A_1555 = arith.muli %select_n3A_1553, %mul3A_1554 : i32
    %jit3A_1556 = arith.constant 7 : i32
    %div3A_1557 = arith.divsi %mul3A_1555, %jit3A_1556 : i32
    %sign3A_1558 = arith.constant 0 : i32
    %sign3A_1559 = arith.cmpi sgt, %mul3A_1555, %sign3A_1558 : i32
    %sign3A_1560 = arith.extui %sign3A_1559 : i1 to i32
    %sign3A_1561 = arith.constant 0 : i32
    %sign3A_1562 = arith.cmpi slt, %mul3A_1555, %sign3A_1561 : i32
    %sign3A_1563 = arith.extui %sign3A_1562 : i1 to i32
    %sign3A_1564 = arith.subi %sign3A_1560, %sign3A_1563 : i32
    %sign3A_1565 = arith.constant 0 : i32
    %sign3A_1566 = arith.cmpi sgt, %jit3A_1556, %sign3A_1565 : i32
    %sign3A_1567 = arith.extui %sign3A_1566 : i1 to i32
    %sign3A_1568 = arith.constant 0 : i32
    %sign3A_1569 = arith.cmpi slt, %jit3A_1556, %sign3A_1568 : i32
    %sign3A_1570 = arith.extui %sign3A_1569 : i1 to i32
    %sign3A_1571 = arith.subi %sign3A_1567, %sign3A_1570 : i32
    %ne3A_1572 = arith.cmpi ne, %sign3A_1564, %sign3A_1571 : i32
    %rem3A_1573 = arith.remsi %mul3A_1555, %jit3A_1556 : i32
    %ne3A_1574 = arith.constant 0 : i32
    %ne3A_1575 = arith.cmpi ne, %rem3A_1573, %ne3A_1574 : i32
    %and3A_1576 = arith.andi %ne3A_1572, %ne3A_1575 : i1
    %sub3A_1577 = arith.constant 1 : i32
    %sub3A_1578 = arith.subi %div3A_1557, %sub3A_1577 : i32
    %select_n3A_1579 = arith.select %and3A_1576, %sub3A_1578, %div3A_1557 : i32
    %dma_wait3A_1580 = arith.constant 1 : i32
    %dma_wait3A_1581 = arith.constant 192 : i32
    %dma_wait3A_1582 = arith.constant 0 : i32
    %dma_wait3A_1583 = tpu.memref_slice %arg2[%select_n3A_921, %select_n3A_963, %dma_wait3A_1580, %dma_wait3A_1581, %dma_wait3A_1582] : memref<8x32x3x256x256xf32, #tpu.memory_space<hbm>> -> memref<1x1x1x64x256xf32, #tpu.memory_space<hbm>>
    %dma_wait3A_1584 = tpu.memref_squeeze %dma_wait3A_1583 : memref<1x1x1x64x256xf32, #tpu.memory_space<hbm>> -> memref<64x256xf32, #tpu.memory_space<hbm>>
    %dma_wait3A_1585 = arith.constant 192 : i32
    %dma_wait3A_1586 = arith.constant 0 : i32
    %dma_wait3A_1587 = tpu.memref_slice %arg2[%select_n3A_921, %select_n3A_963, %dma_wait3A_1580, %dma_wait3A_1585, %dma_wait3A_1586] : memref<8x32x3x256x256xf32, #tpu.memory_space<hbm>> -> memref<1x1x1x64x256xf32, #tpu.memory_space<hbm>>
    %dma_wait3A_1588 = tpu.memref_squeeze %dma_wait3A_1587 : memref<1x1x1x64x256xf32, #tpu.memory_space<hbm>> -> memref<64x256xf32, #tpu.memory_space<hbm>>
    tpu.wait_dma2 semaphore(%arg11 : memref<!tpu.dma_semaphore, #tpu.memory_space<semaphore_mem>>) src(%dma_wait3A_1588 : memref<64x256xf32, #tpu.memory_space<hbm>>) dst(%arg4 : memref<64x256xf32, #tpu.memory_space<vmem>>)
    %dma_start3A_1589 = arith.constant 1 : i32
    %dma_start3A_1590 = arith.constant 192 : i32
    %dma_start3A_1591 = arith.constant 0 : i32
    %dma_start3A_1592 = tpu.memref_slice %arg3[%select_n3A_1537, %select_n3A_1553, %dma_start3A_1589, %dma_start3A_1590, %dma_start3A_1591] : memref<8x8x3x256x256xf32, #tpu.memory_space<hbm>> -> memref<1x1x1x64x256xf32, #tpu.memory_space<hbm>>
    %dma_start3A_1593 = tpu.memref_squeeze %dma_start3A_1592 : memref<1x1x1x64x256xf32, #tpu.memory_space<hbm>> -> memref<64x256xf32, #tpu.memory_space<hbm>>
    %dma_start3A_1594 = arith.constant 192 : i32
    %dma_start3A_1595 = arith.constant 0 : i32
    %dma_start3A_1596 = tpu.memref_slice %arg3[%select_n3A_1537, %select_n3A_1553, %dma_start3A_1589, %dma_start3A_1594, %dma_start3A_1595] : memref<8x8x3x256x256xf32, #tpu.memory_space<hbm>> -> memref<1x1x1x64x256xf32, #tpu.memory_space<hbm>>
    %dma_start3A_1597 = tpu.memref_squeeze %dma_start3A_1596 : memref<1x1x1x64x256xf32, #tpu.memory_space<hbm>> -> memref<64x256xf32, #tpu.memory_space<hbm>>
    tpu.enqueue_dma source(%arg4 : memref<64x256xf32, #tpu.memory_space<vmem>>) target(%dma_start3A_1597 : memref<64x256xf32, #tpu.memory_space<hbm>>) target_semaphore(%arg18 : memref<!tpu.dma_semaphore, #tpu.memory_space<semaphore_mem>>)
    %mul3A_1598 = arith.constant 2 : i32
    %mul3A_1599 = arith.muli %add3A, %mul3A_1598 : i32
    %add3A_1600 = arith.constant 0 : i32
    %add3A_1601 = arith.addi %mul3A_1599, %add3A_1600 : i32
    %jit3A_1602 = arith.constant 8 : i32
    %div3A_1603 = arith.divsi %add3A_1601, %jit3A_1602 : i32
    %sign3A_1604 = arith.constant 0 : i32
    %sign3A_1605 = arith.cmpi sgt, %add3A_1601, %sign3A_1604 : i32
    %sign3A_1606 = arith.extui %sign3A_1605 : i1 to i32
    %sign3A_1607 = arith.constant 0 : i32
    %sign3A_1608 = arith.cmpi slt, %add3A_1601, %sign3A_1607 : i32
    %sign3A_1609 = arith.extui %sign3A_1608 : i1 to i32
    %sign3A_1610 = arith.subi %sign3A_1606, %sign3A_1609 : i32
    %sign3A_1611 = arith.constant 0 : i32
    %sign3A_1612 = arith.cmpi sgt, %jit3A_1602, %sign3A_1611 : i32
    %sign3A_1613 = arith.extui %sign3A_1612 : i1 to i32
    %sign3A_1614 = arith.constant 0 : i32
    %sign3A_1615 = arith.cmpi slt, %jit3A_1602, %sign3A_1614 : i32
    %sign3A_1616 = arith.extui %sign3A_1615 : i1 to i32
    %sign3A_1617 = arith.subi %sign3A_1613, %sign3A_1616 : i32
    %ne3A_1618 = arith.cmpi ne, %sign3A_1610, %sign3A_1617 : i32
    %rem3A_1619 = arith.remsi %add3A_1601, %jit3A_1602 : i32
    %ne3A_1620 = arith.constant 0 : i32
    %ne3A_1621 = arith.cmpi ne, %rem3A_1619, %ne3A_1620 : i32
    %and3A_1622 = arith.andi %ne3A_1618, %ne3A_1621 : i1
    %sub3A_1623 = arith.constant 1 : i32
    %sub3A_1624 = arith.subi %div3A_1603, %sub3A_1623 : i32
    %select_n3A_1625 = arith.select %and3A_1622, %sub3A_1624, %div3A_1603 : i32
    %jit3A_1626 = arith.constant 8 : i32
    %eq3A_1627 = arith.constant 0 : i32
    %eq3A_1628 = arith.cmpi eq, %jit3A_1626, %eq3A_1627 : i32
    %jit3A_1629 = arith.constant 1 : i32
    %select_n3A_1630 = arith.select %eq3A_1628, %jit3A_1629, %jit3A_1626 : i32
    %rem3A_1631 = arith.remsi %add3A_1601, %select_n3A_1630 : i32
    %ne3A_1632 = arith.constant 0 : i32
    %ne3A_1633 = arith.cmpi ne, %rem3A_1631, %ne3A_1632 : i32
    %lt3A_1634 = arith.constant 0 : i32
    %lt3A_1635 = arith.cmpi slt, %rem3A_1631, %lt3A_1634 : i32
    %lt3A_1636 = arith.constant 0 : i32
    %lt3A_1637 = arith.cmpi slt, %select_n3A_1630, %lt3A_1636 : i32
    %ne3A_1638 = arith.xori %lt3A_1635, %lt3A_1637 : i1
    %and3A_1639 = arith.andi %ne3A_1638, %ne3A_1633 : i1
    %add3A_1640 = arith.addi %rem3A_1631, %select_n3A_1630 : i32
    %select_n3A_1641 = arith.select %and3A_1639, %add3A_1640, %rem3A_1631 : i32
    %mul3A_1642 = arith.constant 31 : i32
    %mul3A_1643 = arith.muli %select_n3A_1641, %mul3A_1642 : i32
    %jit3A_1644 = arith.constant 7 : i32
    %div3A_1645 = arith.divsi %mul3A_1643, %jit3A_1644 : i32
    %sign3A_1646 = arith.constant 0 : i32
    %sign3A_1647 = arith.cmpi sgt, %mul3A_1643, %sign3A_1646 : i32
    %sign3A_1648 = arith.extui %sign3A_1647 : i1 to i32
    %sign3A_1649 = arith.constant 0 : i32
    %sign3A_1650 = arith.cmpi slt, %mul3A_1643, %sign3A_1649 : i32
    %sign3A_1651 = arith.extui %sign3A_1650 : i1 to i32
    %sign3A_1652 = arith.subi %sign3A_1648, %sign3A_1651 : i32
    %sign3A_1653 = arith.constant 0 : i32
    %sign3A_1654 = arith.cmpi sgt, %jit3A_1644, %sign3A_1653 : i32
    %sign3A_1655 = arith.extui %sign3A_1654 : i1 to i32
    %sign3A_1656 = arith.constant 0 : i32
    %sign3A_1657 = arith.cmpi slt, %jit3A_1644, %sign3A_1656 : i32
    %sign3A_1658 = arith.extui %sign3A_1657 : i1 to i32
    %sign3A_1659 = arith.subi %sign3A_1655, %sign3A_1658 : i32
    %ne3A_1660 = arith.cmpi ne, %sign3A_1652, %sign3A_1659 : i32
    %rem3A_1661 = arith.remsi %mul3A_1643, %jit3A_1644 : i32
    %ne3A_1662 = arith.constant 0 : i32
    %ne3A_1663 = arith.cmpi ne, %rem3A_1661, %ne3A_1662 : i32
    %and3A_1664 = arith.andi %ne3A_1660, %ne3A_1663 : i1
    %sub3A_1665 = arith.constant 1 : i32
    %sub3A_1666 = arith.subi %div3A_1645, %sub3A_1665 : i32
    %select_n3A_1667 = arith.select %and3A_1664, %sub3A_1666, %div3A_1645 : i32
    %dma_wait3A_1668 = arith.constant 1 : i32
    %dma_wait3A_1669 = arith.constant 0 : i32
    %dma_wait3A_1670 = arith.constant 0 : i32
    %dma_wait3A_1671 = tpu.memref_slice %arg3[%select_n3A_1009, %select_n3A_1025, %dma_wait3A_1668, %dma_wait3A_1669, %dma_wait3A_1670] : memref<8x8x3x256x256xf32, #tpu.memory_space<hbm>> -> memref<1x1x1x64x256xf32, #tpu.memory_space<hbm>>
    %dma_wait3A_1672 = tpu.memref_squeeze %dma_wait3A_1671 : memref<1x1x1x64x256xf32, #tpu.memory_space<hbm>> -> memref<64x256xf32, #tpu.memory_space<hbm>>
    %dma_wait3A_1673 = arith.constant 0 : i32
    %dma_wait3A_1674 = arith.constant 0 : i32
    %dma_wait3A_1675 = tpu.memref_slice %arg3[%select_n3A_1009, %select_n3A_1025, %dma_wait3A_1668, %dma_wait3A_1673, %dma_wait3A_1674] : memref<8x8x3x256x256xf32, #tpu.memory_space<hbm>> -> memref<1x1x1x64x256xf32, #tpu.memory_space<hbm>>
    %dma_wait3A_1676 = tpu.memref_squeeze %dma_wait3A_1675 : memref<1x1x1x64x256xf32, #tpu.memory_space<hbm>> -> memref<64x256xf32, #tpu.memory_space<hbm>>
    tpu.wait_dma2 semaphore(%arg22 : memref<!tpu.dma_semaphore, #tpu.memory_space<semaphore_mem>>) src(%arg8 : memref<64x256xf32, #tpu.memory_space<vmem>>) dst(%dma_wait3A_1676 : memref<64x256xf32, #tpu.memory_space<hbm>>)
    %dma_start3A_1677 = arith.constant 2 : i32
    %dma_start3A_1678 = arith.constant 192 : i32
    %dma_start3A_1679 = arith.constant 0 : i32
    %dma_start3A_1680 = tpu.memref_slice %arg2[%select_n3A_1625, %select_n3A_1667, %dma_start3A_1677, %dma_start3A_1678, %dma_start3A_1679] : memref<8x32x3x256x256xf32, #tpu.memory_space<hbm>> -> memref<1x1x1x64x256xf32, #tpu.memory_space<hbm>>
    %dma_start3A_1681 = tpu.memref_squeeze %dma_start3A_1680 : memref<1x1x1x64x256xf32, #tpu.memory_space<hbm>> -> memref<64x256xf32, #tpu.memory_space<hbm>>
    %dma_start3A_1682 = arith.constant 192 : i32
    %dma_start3A_1683 = arith.constant 0 : i32
    %dma_start3A_1684 = tpu.memref_slice %arg2[%select_n3A_1625, %select_n3A_1667, %dma_start3A_1677, %dma_start3A_1682, %dma_start3A_1683] : memref<8x32x3x256x256xf32, #tpu.memory_space<hbm>> -> memref<1x1x1x64x256xf32, #tpu.memory_space<hbm>>
    %dma_start3A_1685 = tpu.memref_squeeze %dma_start3A_1684 : memref<1x1x1x64x256xf32, #tpu.memory_space<hbm>> -> memref<64x256xf32, #tpu.memory_space<hbm>>
    tpu.enqueue_dma source(%dma_start3A_1685 : memref<64x256xf32, #tpu.memory_space<hbm>>) target(%arg8 : memref<64x256xf32, #tpu.memory_space<vmem>>) target_semaphore(%arg15 : memref<!tpu.dma_semaphore, #tpu.memory_space<semaphore_mem>>)
    %mul3A_1686 = arith.constant 2 : i32
    %mul3A_1687 = arith.muli %add3A, %mul3A_1686 : i32
    %add3A_1688 = arith.constant 0 : i32
    %add3A_1689 = arith.addi %mul3A_1687, %add3A_1688 : i32
    %jit3A_1690 = arith.constant 8 : i32
    %div3A_1691 = arith.divsi %add3A_1689, %jit3A_1690 : i32
    %sign3A_1692 = arith.constant 0 : i32
    %sign3A_1693 = arith.cmpi sgt, %add3A_1689, %sign3A_1692 : i32
    %sign3A_1694 = arith.extui %sign3A_1693 : i1 to i32
    %sign3A_1695 = arith.constant 0 : i32
    %sign3A_1696 = arith.cmpi slt, %add3A_1689, %sign3A_1695 : i32
    %sign3A_1697 = arith.extui %sign3A_1696 : i1 to i32
    %sign3A_1698 = arith.subi %sign3A_1694, %sign3A_1697 : i32
    %sign3A_1699 = arith.constant 0 : i32
    %sign3A_1700 = arith.cmpi sgt, %jit3A_1690, %sign3A_1699 : i32
    %sign3A_1701 = arith.extui %sign3A_1700 : i1 to i32
    %sign3A_1702 = arith.constant 0 : i32
    %sign3A_1703 = arith.cmpi slt, %jit3A_1690, %sign3A_1702 : i32
    %sign3A_1704 = arith.extui %sign3A_1703 : i1 to i32
    %sign3A_1705 = arith.subi %sign3A_1701, %sign3A_1704 : i32
    %ne3A_1706 = arith.cmpi ne, %sign3A_1698, %sign3A_1705 : i32
    %rem3A_1707 = arith.remsi %add3A_1689, %jit3A_1690 : i32
    %ne3A_1708 = arith.constant 0 : i32
    %ne3A_1709 = arith.cmpi ne, %rem3A_1707, %ne3A_1708 : i32
    %and3A_1710 = arith.andi %ne3A_1706, %ne3A_1709 : i1
    %sub3A_1711 = arith.constant 1 : i32
    %sub3A_1712 = arith.subi %div3A_1691, %sub3A_1711 : i32
    %select_n3A_1713 = arith.select %and3A_1710, %sub3A_1712, %div3A_1691 : i32
    %jit3A_1714 = arith.constant 8 : i32
    %eq3A_1715 = arith.constant 0 : i32
    %eq3A_1716 = arith.cmpi eq, %jit3A_1714, %eq3A_1715 : i32
    %jit3A_1717 = arith.constant 1 : i32
    %select_n3A_1718 = arith.select %eq3A_1716, %jit3A_1717, %jit3A_1714 : i32
    %rem3A_1719 = arith.remsi %add3A_1689, %select_n3A_1718 : i32
    %ne3A_1720 = arith.constant 0 : i32
    %ne3A_1721 = arith.cmpi ne, %rem3A_1719, %ne3A_1720 : i32
    %lt3A_1722 = arith.constant 0 : i32
    %lt3A_1723 = arith.cmpi slt, %rem3A_1719, %lt3A_1722 : i32
    %lt3A_1724 = arith.constant 0 : i32
    %lt3A_1725 = arith.cmpi slt, %select_n3A_1718, %lt3A_1724 : i32
    %ne3A_1726 = arith.xori %lt3A_1723, %lt3A_1725 : i1
    %and3A_1727 = arith.andi %ne3A_1726, %ne3A_1721 : i1
    %add3A_1728 = arith.addi %rem3A_1719, %select_n3A_1718 : i32
    %select_n3A_1729 = arith.select %and3A_1727, %add3A_1728, %rem3A_1719 : i32
    %mul3A_1730 = arith.constant 31 : i32
    %mul3A_1731 = arith.muli %select_n3A_1729, %mul3A_1730 : i32
    %jit3A_1732 = arith.constant 7 : i32
    %div3A_1733 = arith.divsi %mul3A_1731, %jit3A_1732 : i32
    %sign3A_1734 = arith.constant 0 : i32
    %sign3A_1735 = arith.cmpi sgt, %mul3A_1731, %sign3A_1734 : i32
    %sign3A_1736 = arith.extui %sign3A_1735 : i1 to i32
    %sign3A_1737 = arith.constant 0 : i32
    %sign3A_1738 = arith.cmpi slt, %mul3A_1731, %sign3A_1737 : i32
    %sign3A_1739 = arith.extui %sign3A_1738 : i1 to i32
    %sign3A_1740 = arith.subi %sign3A_1736, %sign3A_1739 : i32
    %sign3A_1741 = arith.constant 0 : i32
    %sign3A_1742 = arith.cmpi sgt, %jit3A_1732, %sign3A_1741 : i32
    %sign3A_1743 = arith.extui %sign3A_1742 : i1 to i32
    %sign3A_1744 = arith.constant 0 : i32
    %sign3A_1745 = arith.cmpi slt, %jit3A_1732, %sign3A_1744 : i32
    %sign3A_1746 = arith.extui %sign3A_1745 : i1 to i32
    %sign3A_1747 = arith.subi %sign3A_1743, %sign3A_1746 : i32
    %ne3A_1748 = arith.cmpi ne, %sign3A_1740, %sign3A_1747 : i32
    %rem3A_1749 = arith.remsi %mul3A_1731, %jit3A_1732 : i32
    %ne3A_1750 = arith.constant 0 : i32
    %ne3A_1751 = arith.cmpi ne, %rem3A_1749, %ne3A_1750 : i32
    %and3A_1752 = arith.andi %ne3A_1748, %ne3A_1751 : i1
    %sub3A_1753 = arith.constant 1 : i32
    %sub3A_1754 = arith.subi %div3A_1733, %sub3A_1753 : i32
    %select_n3A_1755 = arith.select %and3A_1752, %sub3A_1754, %div3A_1733 : i32
    %dma_wait3A_1756 = arith.constant 2 : i32
    %dma_wait3A_1757 = arith.constant 0 : i32
    %dma_wait3A_1758 = arith.constant 0 : i32
    %dma_wait3A_1759 = tpu.memref_slice %arg2[%select_n3A_1097, %select_n3A_1139, %dma_wait3A_1756, %dma_wait3A_1757, %dma_wait3A_1758] : memref<8x32x3x256x256xf32, #tpu.memory_space<hbm>> -> memref<1x1x1x64x256xf32, #tpu.memory_space<hbm>>
    %dma_wait3A_1760 = tpu.memref_squeeze %dma_wait3A_1759 : memref<1x1x1x64x256xf32, #tpu.memory_space<hbm>> -> memref<64x256xf32, #tpu.memory_space<hbm>>
    %dma_wait3A_1761 = arith.constant 0 : i32
    %dma_wait3A_1762 = arith.constant 0 : i32
    %dma_wait3A_1763 = tpu.memref_slice %arg2[%select_n3A_1097, %select_n3A_1139, %dma_wait3A_1756, %dma_wait3A_1761, %dma_wait3A_1762] : memref<8x32x3x256x256xf32, #tpu.memory_space<hbm>> -> memref<1x1x1x64x256xf32, #tpu.memory_space<hbm>>
    %dma_wait3A_1764 = tpu.memref_squeeze %dma_wait3A_1763 : memref<1x1x1x64x256xf32, #tpu.memory_space<hbm>> -> memref<64x256xf32, #tpu.memory_space<hbm>>
    tpu.wait_dma2 semaphore(%arg12 : memref<!tpu.dma_semaphore, #tpu.memory_space<semaphore_mem>>) src(%dma_wait3A_1764 : memref<64x256xf32, #tpu.memory_space<hbm>>) dst(%arg5 : memref<64x256xf32, #tpu.memory_space<vmem>>)
    %dma_start3A_1765 = arith.constant 2 : i32
    %dma_start3A_1766 = arith.constant 0 : i32
    %dma_start3A_1767 = arith.constant 0 : i32
    %dma_start3A_1768 = tpu.memref_slice %arg3[%select_n3A_1713, %select_n3A_1729, %dma_start3A_1765, %dma_start3A_1766, %dma_start3A_1767] : memref<8x8x3x256x256xf32, #tpu.memory_space<hbm>> -> memref<1x1x1x64x256xf32, #tpu.memory_space<hbm>>
    %dma_start3A_1769 = tpu.memref_squeeze %dma_start3A_1768 : memref<1x1x1x64x256xf32, #tpu.memory_space<hbm>> -> memref<64x256xf32, #tpu.memory_space<hbm>>
    %dma_start3A_1770 = arith.constant 0 : i32
    %dma_start3A_1771 = arith.constant 0 : i32
    %dma_start3A_1772 = tpu.memref_slice %arg3[%select_n3A_1713, %select_n3A_1729, %dma_start3A_1765, %dma_start3A_1770, %dma_start3A_1771] : memref<8x8x3x256x256xf32, #tpu.memory_space<hbm>> -> memref<1x1x1x64x256xf32, #tpu.memory_space<hbm>>
    %dma_start3A_1773 = tpu.memref_squeeze %dma_start3A_1772 : memref<1x1x1x64x256xf32, #tpu.memory_space<hbm>> -> memref<64x256xf32, #tpu.memory_space<hbm>>
    tpu.enqueue_dma source(%arg5 : memref<64x256xf32, #tpu.memory_space<vmem>>) target(%dma_start3A_1773 : memref<64x256xf32, #tpu.memory_space<hbm>>) target_semaphore(%arg19 : memref<!tpu.dma_semaphore, #tpu.memory_space<semaphore_mem>>)
    %mul3A_1774 = arith.constant 2 : i32
    %mul3A_1775 = arith.muli %add3A, %mul3A_1774 : i32
    %add3A_1776 = arith.constant 1 : i32
    %add3A_1777 = arith.addi %mul3A_1775, %add3A_1776 : i32
    %jit3A_1778 = arith.constant 8 : i32
    %div3A_1779 = arith.divsi %add3A_1777, %jit3A_1778 : i32
    %sign3A_1780 = arith.constant 0 : i32
    %sign3A_1781 = arith.cmpi sgt, %add3A_1777, %sign3A_1780 : i32
    %sign3A_1782 = arith.extui %sign3A_1781 : i1 to i32
    %sign3A_1783 = arith.constant 0 : i32
    %sign3A_1784 = arith.cmpi slt, %add3A_1777, %sign3A_1783 : i32
    %sign3A_1785 = arith.extui %sign3A_1784 : i1 to i32
    %sign3A_1786 = arith.subi %sign3A_1782, %sign3A_1785 : i32
    %sign3A_1787 = arith.constant 0 : i32
    %sign3A_1788 = arith.cmpi sgt, %jit3A_1778, %sign3A_1787 : i32
    %sign3A_1789 = arith.extui %sign3A_1788 : i1 to i32
    %sign3A_1790 = arith.constant 0 : i32
    %sign3A_1791 = arith.cmpi slt, %jit3A_1778, %sign3A_1790 : i32
    %sign3A_1792 = arith.extui %sign3A_1791 : i1 to i32
    %sign3A_1793 = arith.subi %sign3A_1789, %sign3A_1792 : i32
    %ne3A_1794 = arith.cmpi ne, %sign3A_1786, %sign3A_1793 : i32
    %rem3A_1795 = arith.remsi %add3A_1777, %jit3A_1778 : i32
    %ne3A_1796 = arith.constant 0 : i32
    %ne3A_1797 = arith.cmpi ne, %rem3A_1795, %ne3A_1796 : i32
    %and3A_1798 = arith.andi %ne3A_1794, %ne3A_1797 : i1
    %sub3A_1799 = arith.constant 1 : i32
    %sub3A_1800 = arith.subi %div3A_1779, %sub3A_1799 : i32
    %select_n3A_1801 = arith.select %and3A_1798, %sub3A_1800, %div3A_1779 : i32
    %jit3A_1802 = arith.constant 8 : i32
    %eq3A_1803 = arith.constant 0 : i32
    %eq3A_1804 = arith.cmpi eq, %jit3A_1802, %eq3A_1803 : i32
    %jit3A_1805 = arith.constant 1 : i32
    %select_n3A_1806 = arith.select %eq3A_1804, %jit3A_1805, %jit3A_1802 : i32
    %rem3A_1807 = arith.remsi %add3A_1777, %select_n3A_1806 : i32
    %ne3A_1808 = arith.constant 0 : i32
    %ne3A_1809 = arith.cmpi ne, %rem3A_1807, %ne3A_1808 : i32
    %lt3A_1810 = arith.constant 0 : i32
    %lt3A_1811 = arith.cmpi slt, %rem3A_1807, %lt3A_1810 : i32
    %lt3A_1812 = arith.constant 0 : i32
    %lt3A_1813 = arith.cmpi slt, %select_n3A_1806, %lt3A_1812 : i32
    %ne3A_1814 = arith.xori %lt3A_1811, %lt3A_1813 : i1
    %and3A_1815 = arith.andi %ne3A_1814, %ne3A_1809 : i1
    %add3A_1816 = arith.addi %rem3A_1807, %select_n3A_1806 : i32
    %select_n3A_1817 = arith.select %and3A_1815, %add3A_1816, %rem3A_1807 : i32
    %mul3A_1818 = arith.constant 31 : i32
    %mul3A_1819 = arith.muli %select_n3A_1817, %mul3A_1818 : i32
    %jit3A_1820 = arith.constant 7 : i32
    %div3A_1821 = arith.divsi %mul3A_1819, %jit3A_1820 : i32
    %sign3A_1822 = arith.constant 0 : i32
    %sign3A_1823 = arith.cmpi sgt, %mul3A_1819, %sign3A_1822 : i32
    %sign3A_1824 = arith.extui %sign3A_1823 : i1 to i32
    %sign3A_1825 = arith.constant 0 : i32
    %sign3A_1826 = arith.cmpi slt, %mul3A_1819, %sign3A_1825 : i32
    %sign3A_1827 = arith.extui %sign3A_1826 : i1 to i32
    %sign3A_1828 = arith.subi %sign3A_1824, %sign3A_1827 : i32
    %sign3A_1829 = arith.constant 0 : i32
    %sign3A_1830 = arith.cmpi sgt, %jit3A_1820, %sign3A_1829 : i32
    %sign3A_1831 = arith.extui %sign3A_1830 : i1 to i32
    %sign3A_1832 = arith.constant 0 : i32
    %sign3A_1833 = arith.cmpi slt, %jit3A_1820, %sign3A_1832 : i32
    %sign3A_1834 = arith.extui %sign3A_1833 : i1 to i32
    %sign3A_1835 = arith.subi %sign3A_1831, %sign3A_1834 : i32
    %ne3A_1836 = arith.cmpi ne, %sign3A_1828, %sign3A_1835 : i32
    %rem3A_1837 = arith.remsi %mul3A_1819, %jit3A_1820 : i32
    %ne3A_1838 = arith.constant 0 : i32
    %ne3A_1839 = arith.cmpi ne, %rem3A_1837, %ne3A_1838 : i32
    %and3A_1840 = arith.andi %ne3A_1836, %ne3A_1839 : i1
    %sub3A_1841 = arith.constant 1 : i32
    %sub3A_1842 = arith.subi %div3A_1821, %sub3A_1841 : i32
    %select_n3A_1843 = arith.select %and3A_1840, %sub3A_1842, %div3A_1821 : i32
    %dma_wait3A_1844 = arith.constant 1 : i32
    %dma_wait3A_1845 = arith.constant 64 : i32
    %dma_wait3A_1846 = arith.constant 0 : i32
    %dma_wait3A_1847 = tpu.memref_slice %arg3[%select_n3A_1185, %select_n3A_1201, %dma_wait3A_1844, %dma_wait3A_1845, %dma_wait3A_1846] : memref<8x8x3x256x256xf32, #tpu.memory_space<hbm>> -> memref<1x1x1x64x256xf32, #tpu.memory_space<hbm>>
    %dma_wait3A_1848 = tpu.memref_squeeze %dma_wait3A_1847 : memref<1x1x1x64x256xf32, #tpu.memory_space<hbm>> -> memref<64x256xf32, #tpu.memory_space<hbm>>
    %dma_wait3A_1849 = arith.constant 64 : i32
    %dma_wait3A_1850 = arith.constant 0 : i32
    %dma_wait3A_1851 = tpu.memref_slice %arg3[%select_n3A_1185, %select_n3A_1201, %dma_wait3A_1844, %dma_wait3A_1849, %dma_wait3A_1850] : memref<8x8x3x256x256xf32, #tpu.memory_space<hbm>> -> memref<1x1x1x64x256xf32, #tpu.memory_space<hbm>>
    %dma_wait3A_1852 = tpu.memref_squeeze %dma_wait3A_1851 : memref<1x1x1x64x256xf32, #tpu.memory_space<hbm>> -> memref<64x256xf32, #tpu.memory_space<hbm>>
    tpu.wait_dma2 semaphore(%arg23 : memref<!tpu.dma_semaphore, #tpu.memory_space<semaphore_mem>>) src(%arg9 : memref<64x256xf32, #tpu.memory_space<vmem>>) dst(%dma_wait3A_1852 : memref<64x256xf32, #tpu.memory_space<hbm>>)
    %dma_start3A_1853 = arith.constant 0 : i32
    %dma_start3A_1854 = arith.constant 0 : i32
    %dma_start3A_1855 = arith.constant 0 : i32
    %dma_start3A_1856 = tpu.memref_slice %arg2[%select_n3A_1801, %select_n3A_1843, %dma_start3A_1853, %dma_start3A_1854, %dma_start3A_1855] : memref<8x32x3x256x256xf32, #tpu.memory_space<hbm>> -> memref<1x1x1x64x256xf32, #tpu.memory_space<hbm>>
    %dma_start3A_1857 = tpu.memref_squeeze %dma_start3A_1856 : memref<1x1x1x64x256xf32, #tpu.memory_space<hbm>> -> memref<64x256xf32, #tpu.memory_space<hbm>>
    %dma_start3A_1858 = arith.constant 0 : i32
    %dma_start3A_1859 = arith.constant 0 : i32
    %dma_start3A_1860 = tpu.memref_slice %arg2[%select_n3A_1801, %select_n3A_1843, %dma_start3A_1853, %dma_start3A_1858, %dma_start3A_1859] : memref<8x32x3x256x256xf32, #tpu.memory_space<hbm>> -> memref<1x1x1x64x256xf32, #tpu.memory_space<hbm>>
    %dma_start3A_1861 = tpu.memref_squeeze %dma_start3A_1860 : memref<1x1x1x64x256xf32, #tpu.memory_space<hbm>> -> memref<64x256xf32, #tpu.memory_space<hbm>>
    tpu.enqueue_dma source(%dma_start3A_1861 : memref<64x256xf32, #tpu.memory_space<hbm>>) target(%arg9 : memref<64x256xf32, #tpu.memory_space<vmem>>) target_semaphore(%arg16 : memref<!tpu.dma_semaphore, #tpu.memory_space<semaphore_mem>>)
    %mul3A_1862 = arith.constant 2 : i32
    %mul3A_1863 = arith.muli %add3A, %mul3A_1862 : i32
    %add3A_1864 = arith.constant 0 : i32
    %add3A_1865 = arith.addi %mul3A_1863, %add3A_1864 : i32
    %jit3A_1866 = arith.constant 8 : i32
    %div3A_1867 = arith.divsi %add3A_1865, %jit3A_1866 : i32
    %sign3A_1868 = arith.constant 0 : i32
    %sign3A_1869 = arith.cmpi sgt, %add3A_1865, %sign3A_1868 : i32
    %sign3A_1870 = arith.extui %sign3A_1869 : i1 to i32
    %sign3A_1871 = arith.constant 0 : i32
    %sign3A_1872 = arith.cmpi slt, %add3A_1865, %sign3A_1871 : i32
    %sign3A_1873 = arith.extui %sign3A_1872 : i1 to i32
    %sign3A_1874 = arith.subi %sign3A_1870, %sign3A_1873 : i32
    %sign3A_1875 = arith.constant 0 : i32
    %sign3A_1876 = arith.cmpi sgt, %jit3A_1866, %sign3A_1875 : i32
    %sign3A_1877 = arith.extui %sign3A_1876 : i1 to i32
    %sign3A_1878 = arith.constant 0 : i32
    %sign3A_1879 = arith.cmpi slt, %jit3A_1866, %sign3A_1878 : i32
    %sign3A_1880 = arith.extui %sign3A_1879 : i1 to i32
    %sign3A_1881 = arith.subi %sign3A_1877, %sign3A_1880 : i32
    %ne3A_1882 = arith.cmpi ne, %sign3A_1874, %sign3A_1881 : i32
    %rem3A_1883 = arith.remsi %add3A_1865, %jit3A_1866 : i32
    %ne3A_1884 = arith.constant 0 : i32
    %ne3A_1885 = arith.cmpi ne, %rem3A_1883, %ne3A_1884 : i32
    %and3A_1886 = arith.andi %ne3A_1882, %ne3A_1885 : i1
    %sub3A_1887 = arith.constant 1 : i32
    %sub3A_1888 = arith.subi %div3A_1867, %sub3A_1887 : i32
    %select_n3A_1889 = arith.select %and3A_1886, %sub3A_1888, %div3A_1867 : i32
    %jit3A_1890 = arith.constant 8 : i32
    %eq3A_1891 = arith.constant 0 : i32
    %eq3A_1892 = arith.cmpi eq, %jit3A_1890, %eq3A_1891 : i32
    %jit3A_1893 = arith.constant 1 : i32
    %select_n3A_1894 = arith.select %eq3A_1892, %jit3A_1893, %jit3A_1890 : i32
    %rem3A_1895 = arith.remsi %add3A_1865, %select_n3A_1894 : i32
    %ne3A_1896 = arith.constant 0 : i32
    %ne3A_1897 = arith.cmpi ne, %rem3A_1895, %ne3A_1896 : i32
    %lt3A_1898 = arith.constant 0 : i32
    %lt3A_1899 = arith.cmpi slt, %rem3A_1895, %lt3A_1898 : i32
    %lt3A_1900 = arith.constant 0 : i32
    %lt3A_1901 = arith.cmpi slt, %select_n3A_1894, %lt3A_1900 : i32
    %ne3A_1902 = arith.xori %lt3A_1899, %lt3A_1901 : i1
    %and3A_1903 = arith.andi %ne3A_1902, %ne3A_1897 : i1
    %add3A_1904 = arith.addi %rem3A_1895, %select_n3A_1894 : i32
    %select_n3A_1905 = arith.select %and3A_1903, %add3A_1904, %rem3A_1895 : i32
    %mul3A_1906 = arith.constant 31 : i32
    %mul3A_1907 = arith.muli %select_n3A_1905, %mul3A_1906 : i32
    %jit3A_1908 = arith.constant 7 : i32
    %div3A_1909 = arith.divsi %mul3A_1907, %jit3A_1908 : i32
    %sign3A_1910 = arith.constant 0 : i32
    %sign3A_1911 = arith.cmpi sgt, %mul3A_1907, %sign3A_1910 : i32
    %sign3A_1912 = arith.extui %sign3A_1911 : i1 to i32
    %sign3A_1913 = arith.constant 0 : i32
    %sign3A_1914 = arith.cmpi slt, %mul3A_1907, %sign3A_1913 : i32
    %sign3A_1915 = arith.extui %sign3A_1914 : i1 to i32
    %sign3A_1916 = arith.subi %sign3A_1912, %sign3A_1915 : i32
    %sign3A_1917 = arith.constant 0 : i32
    %sign3A_1918 = arith.cmpi sgt, %jit3A_1908, %sign3A_1917 : i32
    %sign3A_1919 = arith.extui %sign3A_1918 : i1 to i32
    %sign3A_1920 = arith.constant 0 : i32
    %sign3A_1921 = arith.cmpi slt, %jit3A_1908, %sign3A_1920 : i32
    %sign3A_1922 = arith.extui %sign3A_1921 : i1 to i32
    %sign3A_1923 = arith.subi %sign3A_1919, %sign3A_1922 : i32
    %ne3A_1924 = arith.cmpi ne, %sign3A_1916, %sign3A_1923 : i32
    %rem3A_1925 = arith.remsi %mul3A_1907, %jit3A_1908 : i32
    %ne3A_1926 = arith.constant 0 : i32
    %ne3A_1927 = arith.cmpi ne, %rem3A_1925, %ne3A_1926 : i32
    %and3A_1928 = arith.andi %ne3A_1924, %ne3A_1927 : i1
    %sub3A_1929 = arith.constant 1 : i32
    %sub3A_1930 = arith.subi %div3A_1909, %sub3A_1929 : i32
    %select_n3A_1931 = arith.select %and3A_1928, %sub3A_1930, %div3A_1909 : i32
    %dma_wait3A_1932 = arith.constant 2 : i32
    %dma_wait3A_1933 = arith.constant 64 : i32
    %dma_wait3A_1934 = arith.constant 0 : i32
    %dma_wait3A_1935 = tpu.memref_slice %arg2[%select_n3A_1273, %select_n3A_1315, %dma_wait3A_1932, %dma_wait3A_1933, %dma_wait3A_1934] : memref<8x32x3x256x256xf32, #tpu.memory_space<hbm>> -> memref<1x1x1x64x256xf32, #tpu.memory_space<hbm>>
    %dma_wait3A_1936 = tpu.memref_squeeze %dma_wait3A_1935 : memref<1x1x1x64x256xf32, #tpu.memory_space<hbm>> -> memref<64x256xf32, #tpu.memory_space<hbm>>
    %dma_wait3A_1937 = arith.constant 64 : i32
    %dma_wait3A_1938 = arith.constant 0 : i32
    %dma_wait3A_1939 = tpu.memref_slice %arg2[%select_n3A_1273, %select_n3A_1315, %dma_wait3A_1932, %dma_wait3A_1937, %dma_wait3A_1938] : memref<8x32x3x256x256xf32, #tpu.memory_space<hbm>> -> memref<1x1x1x64x256xf32, #tpu.memory_space<hbm>>
    %dma_wait3A_1940 = tpu.memref_squeeze %dma_wait3A_1939 : memref<1x1x1x64x256xf32, #tpu.memory_space<hbm>> -> memref<64x256xf32, #tpu.memory_space<hbm>>
    tpu.wait_dma2 semaphore(%arg13 : memref<!tpu.dma_semaphore, #tpu.memory_space<semaphore_mem>>) src(%dma_wait3A_1940 : memref<64x256xf32, #tpu.memory_space<hbm>>) dst(%arg6 : memref<64x256xf32, #tpu.memory_space<vmem>>)
    %dma_start3A_1941 = arith.constant 2 : i32
    %dma_start3A_1942 = arith.constant 64 : i32
    %dma_start3A_1943 = arith.constant 0 : i32
    %dma_start3A_1944 = tpu.memref_slice %arg3[%select_n3A_1889, %select_n3A_1905, %dma_start3A_1941, %dma_start3A_1942, %dma_start3A_1943] : memref<8x8x3x256x256xf32, #tpu.memory_space<hbm>> -> memref<1x1x1x64x256xf32, #tpu.memory_space<hbm>>
    %dma_start3A_1945 = tpu.memref_squeeze %dma_start3A_1944 : memref<1x1x1x64x256xf32, #tpu.memory_space<hbm>> -> memref<64x256xf32, #tpu.memory_space<hbm>>
    %dma_start3A_1946 = arith.constant 64 : i32
    %dma_start3A_1947 = arith.constant 0 : i32
    %dma_start3A_1948 = tpu.memref_slice %arg3[%select_n3A_1889, %select_n3A_1905, %dma_start3A_1941, %dma_start3A_1946, %dma_start3A_1947] : memref<8x8x3x256x256xf32, #tpu.memory_space<hbm>> -> memref<1x1x1x64x256xf32, #tpu.memory_space<hbm>>
    %dma_start3A_1949 = tpu.memref_squeeze %dma_start3A_1948 : memref<1x1x1x64x256xf32, #tpu.memory_space<hbm>> -> memref<64x256xf32, #tpu.memory_space<hbm>>
    tpu.enqueue_dma source(%arg6 : memref<64x256xf32, #tpu.memory_space<vmem>>) target(%dma_start3A_1949 : memref<64x256xf32, #tpu.memory_space<hbm>>) target_semaphore(%arg20 : memref<!tpu.dma_semaphore, #tpu.memory_space<semaphore_mem>>)
    %mul3A_1950 = arith.constant 2 : i32
    %mul3A_1951 = arith.muli %add3A, %mul3A_1950 : i32
    %add3A_1952 = arith.constant 1 : i32
    %add3A_1953 = arith.addi %mul3A_1951, %add3A_1952 : i32
    %jit3A_1954 = arith.constant 8 : i32
    %div3A_1955 = arith.divsi %add3A_1953, %jit3A_1954 : i32
    %sign3A_1956 = arith.constant 0 : i32
    %sign3A_1957 = arith.cmpi sgt, %add3A_1953, %sign3A_1956 : i32
    %sign3A_1958 = arith.extui %sign3A_1957 : i1 to i32
    %sign3A_1959 = arith.constant 0 : i32
    %sign3A_1960 = arith.cmpi slt, %add3A_1953, %sign3A_1959 : i32
    %sign3A_1961 = arith.extui %sign3A_1960 : i1 to i32
    %sign3A_1962 = arith.subi %sign3A_1958, %sign3A_1961 : i32
    %sign3A_1963 = arith.constant 0 : i32
    %sign3A_1964 = arith.cmpi sgt, %jit3A_1954, %sign3A_1963 : i32
    %sign3A_1965 = arith.extui %sign3A_1964 : i1 to i32
    %sign3A_1966 = arith.constant 0 : i32
    %sign3A_1967 = arith.cmpi slt, %jit3A_1954, %sign3A_1966 : i32
    %sign3A_1968 = arith.extui %sign3A_1967 : i1 to i32
    %sign3A_1969 = arith.subi %sign3A_1965, %sign3A_1968 : i32
    %ne3A_1970 = arith.cmpi ne, %sign3A_1962, %sign3A_1969 : i32
    %rem3A_1971 = arith.remsi %add3A_1953, %jit3A_1954 : i32
    %ne3A_1972 = arith.constant 0 : i32
    %ne3A_1973 = arith.cmpi ne, %rem3A_1971, %ne3A_1972 : i32
    %and3A_1974 = arith.andi %ne3A_1970, %ne3A_1973 : i1
    %sub3A_1975 = arith.constant 1 : i32
    %sub3A_1976 = arith.subi %div3A_1955, %sub3A_1975 : i32
    %select_n3A_1977 = arith.select %and3A_1974, %sub3A_1976, %div3A_1955 : i32
    %jit3A_1978 = arith.constant 8 : i32
    %eq3A_1979 = arith.constant 0 : i32
    %eq3A_1980 = arith.cmpi eq, %jit3A_1978, %eq3A_1979 : i32
    %jit3A_1981 = arith.constant 1 : i32
    %select_n3A_1982 = arith.select %eq3A_1980, %jit3A_1981, %jit3A_1978 : i32
    %rem3A_1983 = arith.remsi %add3A_1953, %select_n3A_1982 : i32
    %ne3A_1984 = arith.constant 0 : i32
    %ne3A_1985 = arith.cmpi ne, %rem3A_1983, %ne3A_1984 : i32
    %lt3A_1986 = arith.constant 0 : i32
    %lt3A_1987 = arith.cmpi slt, %rem3A_1983, %lt3A_1986 : i32
    %lt3A_1988 = arith.constant 0 : i32
    %lt3A_1989 = arith.cmpi slt, %select_n3A_1982, %lt3A_1988 : i32
    %ne3A_1990 = arith.xori %lt3A_1987, %lt3A_1989 : i1
    %and3A_1991 = arith.andi %ne3A_1990, %ne3A_1985 : i1
    %add3A_1992 = arith.addi %rem3A_1983, %select_n3A_1982 : i32
    %select_n3A_1993 = arith.select %and3A_1991, %add3A_1992, %rem3A_1983 : i32
    %mul3A_1994 = arith.constant 31 : i32
    %mul3A_1995 = arith.muli %select_n3A_1993, %mul3A_1994 : i32
    %jit3A_1996 = arith.constant 7 : i32
    %div3A_1997 = arith.divsi %mul3A_1995, %jit3A_1996 : i32
    %sign3A_1998 = arith.constant 0 : i32
    %sign3A_1999 = arith.cmpi sgt, %mul3A_1995, %sign3A_1998 : i32
    %sign3A_2000 = arith.extui %sign3A_1999 : i1 to i32
    %sign3A_2001 = arith.constant 0 : i32
    %sign3A_2002 = arith.cmpi slt, %mul3A_1995, %sign3A_2001 : i32
    %sign3A_2003 = arith.extui %sign3A_2002 : i1 to i32
    %sign3A_2004 = arith.subi %sign3A_2000, %sign3A_2003 : i32
    %sign3A_2005 = arith.constant 0 : i32
    %sign3A_2006 = arith.cmpi sgt, %jit3A_1996, %sign3A_2005 : i32
    %sign3A_2007 = arith.extui %sign3A_2006 : i1 to i32
    %sign3A_2008 = arith.constant 0 : i32
    %sign3A_2009 = arith.cmpi slt, %jit3A_1996, %sign3A_2008 : i32
    %sign3A_2010 = arith.extui %sign3A_2009 : i1 to i32
    %sign3A_2011 = arith.subi %sign3A_2007, %sign3A_2010 : i32
    %ne3A_2012 = arith.cmpi ne, %sign3A_2004, %sign3A_2011 : i32
    %rem3A_2013 = arith.remsi %mul3A_1995, %jit3A_1996 : i32
    %ne3A_2014 = arith.constant 0 : i32
    %ne3A_2015 = arith.cmpi ne, %rem3A_2013, %ne3A_2014 : i32
    %and3A_2016 = arith.andi %ne3A_2012, %ne3A_2015 : i1
    %sub3A_2017 = arith.constant 1 : i32
    %sub3A_2018 = arith.subi %div3A_1997, %sub3A_2017 : i32
    %select_n3A_2019 = arith.select %and3A_2016, %sub3A_2018, %div3A_1997 : i32
    %dma_wait3A_2020 = arith.constant 1 : i32
    %dma_wait3A_2021 = arith.constant 128 : i32
    %dma_wait3A_2022 = arith.constant 0 : i32
    %dma_wait3A_2023 = tpu.memref_slice %arg3[%select_n3A_1361, %select_n3A_1377, %dma_wait3A_2020, %dma_wait3A_2021, %dma_wait3A_2022] : memref<8x8x3x256x256xf32, #tpu.memory_space<hbm>> -> memref<1x1x1x64x256xf32, #tpu.memory_space<hbm>>
    %dma_wait3A_2024 = tpu.memref_squeeze %dma_wait3A_2023 : memref<1x1x1x64x256xf32, #tpu.memory_space<hbm>> -> memref<64x256xf32, #tpu.memory_space<hbm>>
    %dma_wait3A_2025 = arith.constant 128 : i32
    %dma_wait3A_2026 = arith.constant 0 : i32
    %dma_wait3A_2027 = tpu.memref_slice %arg3[%select_n3A_1361, %select_n3A_1377, %dma_wait3A_2020, %dma_wait3A_2025, %dma_wait3A_2026] : memref<8x8x3x256x256xf32, #tpu.memory_space<hbm>> -> memref<1x1x1x64x256xf32, #tpu.memory_space<hbm>>
    %dma_wait3A_2028 = tpu.memref_squeeze %dma_wait3A_2027 : memref<1x1x1x64x256xf32, #tpu.memory_space<hbm>> -> memref<64x256xf32, #tpu.memory_space<hbm>>
    tpu.wait_dma2 semaphore(%arg24 : memref<!tpu.dma_semaphore, #tpu.memory_space<semaphore_mem>>) src(%arg10 : memref<64x256xf32, #tpu.memory_space<vmem>>) dst(%dma_wait3A_2028 : memref<64x256xf32, #tpu.memory_space<hbm>>)
    %dma_start3A_2029 = arith.constant 0 : i32
    %dma_start3A_2030 = arith.constant 64 : i32
    %dma_start3A_2031 = arith.constant 0 : i32
    %dma_start3A_2032 = tpu.memref_slice %arg2[%select_n3A_1977, %select_n3A_2019, %dma_start3A_2029, %dma_start3A_2030, %dma_start3A_2031] : memref<8x32x3x256x256xf32, #tpu.memory_space<hbm>> -> memref<1x1x1x64x256xf32, #tpu.memory_space<hbm>>
    %dma_start3A_2033 = tpu.memref_squeeze %dma_start3A_2032 : memref<1x1x1x64x256xf32, #tpu.memory_space<hbm>> -> memref<64x256xf32, #tpu.memory_space<hbm>>
    %dma_start3A_2034 = arith.constant 64 : i32
    %dma_start3A_2035 = arith.constant 0 : i32
    %dma_start3A_2036 = tpu.memref_slice %arg2[%select_n3A_1977, %select_n3A_2019, %dma_start3A_2029, %dma_start3A_2034, %dma_start3A_2035] : memref<8x32x3x256x256xf32, #tpu.memory_space<hbm>> -> memref<1x1x1x64x256xf32, #tpu.memory_space<hbm>>
    %dma_start3A_2037 = tpu.memref_squeeze %dma_start3A_2036 : memref<1x1x1x64x256xf32, #tpu.memory_space<hbm>> -> memref<64x256xf32, #tpu.memory_space<hbm>>
    tpu.enqueue_dma source(%dma_start3A_2037 : memref<64x256xf32, #tpu.memory_space<hbm>>) target(%arg10 : memref<64x256xf32, #tpu.memory_space<vmem>>) target_semaphore(%arg17 : memref<!tpu.dma_semaphore, #tpu.memory_space<semaphore_mem>>)
    %mul3A_2038 = arith.constant 2 : i32
    %mul3A_2039 = arith.muli %add3A, %mul3A_2038 : i32
    %add3A_2040 = arith.constant 0 : i32
    %add3A_2041 = arith.addi %mul3A_2039, %add3A_2040 : i32
    %jit3A_2042 = arith.constant 8 : i32
    %div3A_2043 = arith.divsi %add3A_2041, %jit3A_2042 : i32
    %sign3A_2044 = arith.constant 0 : i32
    %sign3A_2045 = arith.cmpi sgt, %add3A_2041, %sign3A_2044 : i32
    %sign3A_2046 = arith.extui %sign3A_2045 : i1 to i32
    %sign3A_2047 = arith.constant 0 : i32
    %sign3A_2048 = arith.cmpi slt, %add3A_2041, %sign3A_2047 : i32
    %sign3A_2049 = arith.extui %sign3A_2048 : i1 to i32
    %sign3A_2050 = arith.subi %sign3A_2046, %sign3A_2049 : i32
    %sign3A_2051 = arith.constant 0 : i32
    %sign3A_2052 = arith.cmpi sgt, %jit3A_2042, %sign3A_2051 : i32
    %sign3A_2053 = arith.extui %sign3A_2052 : i1 to i32
    %sign3A_2054 = arith.constant 0 : i32
    %sign3A_2055 = arith.cmpi slt, %jit3A_2042, %sign3A_2054 : i32
    %sign3A_2056 = arith.extui %sign3A_2055 : i1 to i32
    %sign3A_2057 = arith.subi %sign3A_2053, %sign3A_2056 : i32
    %ne3A_2058 = arith.cmpi ne, %sign3A_2050, %sign3A_2057 : i32
    %rem3A_2059 = arith.remsi %add3A_2041, %jit3A_2042 : i32
    %ne3A_2060 = arith.constant 0 : i32
    %ne3A_2061 = arith.cmpi ne, %rem3A_2059, %ne3A_2060 : i32
    %and3A_2062 = arith.andi %ne3A_2058, %ne3A_2061 : i1
    %sub3A_2063 = arith.constant 1 : i32
    %sub3A_2064 = arith.subi %div3A_2043, %sub3A_2063 : i32
    %select_n3A_2065 = arith.select %and3A_2062, %sub3A_2064, %div3A_2043 : i32
    %jit3A_2066 = arith.constant 8 : i32
    %eq3A_2067 = arith.constant 0 : i32
    %eq3A_2068 = arith.cmpi eq, %jit3A_2066, %eq3A_2067 : i32
    %jit3A_2069 = arith.constant 1 : i32
    %select_n3A_2070 = arith.select %eq3A_2068, %jit3A_2069, %jit3A_2066 : i32
    %rem3A_2071 = arith.remsi %add3A_2041, %select_n3A_2070 : i32
    %ne3A_2072 = arith.constant 0 : i32
    %ne3A_2073 = arith.cmpi ne, %rem3A_2071, %ne3A_2072 : i32
    %lt3A_2074 = arith.constant 0 : i32
    %lt3A_2075 = arith.cmpi slt, %rem3A_2071, %lt3A_2074 : i32
    %lt3A_2076 = arith.constant 0 : i32
    %lt3A_2077 = arith.cmpi slt, %select_n3A_2070, %lt3A_2076 : i32
    %ne3A_2078 = arith.xori %lt3A_2075, %lt3A_2077 : i1
    %and3A_2079 = arith.andi %ne3A_2078, %ne3A_2073 : i1
    %add3A_2080 = arith.addi %rem3A_2071, %select_n3A_2070 : i32
    %select_n3A_2081 = arith.select %and3A_2079, %add3A_2080, %rem3A_2071 : i32
    %mul3A_2082 = arith.constant 31 : i32
    %mul3A_2083 = arith.muli %select_n3A_2081, %mul3A_2082 : i32
    %jit3A_2084 = arith.constant 7 : i32
    %div3A_2085 = arith.divsi %mul3A_2083, %jit3A_2084 : i32
    %sign3A_2086 = arith.constant 0 : i32
    %sign3A_2087 = arith.cmpi sgt, %mul3A_2083, %sign3A_2086 : i32
    %sign3A_2088 = arith.extui %sign3A_2087 : i1 to i32
    %sign3A_2089 = arith.constant 0 : i32
    %sign3A_2090 = arith.cmpi slt, %mul3A_2083, %sign3A_2089 : i32
    %sign3A_2091 = arith.extui %sign3A_2090 : i1 to i32
    %sign3A_2092 = arith.subi %sign3A_2088, %sign3A_2091 : i32
    %sign3A_2093 = arith.constant 0 : i32
    %sign3A_2094 = arith.cmpi sgt, %jit3A_2084, %sign3A_2093 : i32
    %sign3A_2095 = arith.extui %sign3A_2094 : i1 to i32
    %sign3A_2096 = arith.constant 0 : i32
    %sign3A_2097 = arith.cmpi slt, %jit3A_2084, %sign3A_2096 : i32
    %sign3A_2098 = arith.extui %sign3A_2097 : i1 to i32
    %sign3A_2099 = arith.subi %sign3A_2095, %sign3A_2098 : i32
    %ne3A_2100 = arith.cmpi ne, %sign3A_2092, %sign3A_2099 : i32
    %rem3A_2101 = arith.remsi %mul3A_2083, %jit3A_2084 : i32
    %ne3A_2102 = arith.constant 0 : i32
    %ne3A_2103 = arith.cmpi ne, %rem3A_2101, %ne3A_2102 : i32
    %and3A_2104 = arith.andi %ne3A_2100, %ne3A_2103 : i1
    %sub3A_2105 = arith.constant 1 : i32
    %sub3A_2106 = arith.subi %div3A_2085, %sub3A_2105 : i32
    %select_n3A_2107 = arith.select %and3A_2104, %sub3A_2106, %div3A_2085 : i32
    %dma_wait3A_2108 = arith.constant 2 : i32
    %dma_wait3A_2109 = arith.constant 128 : i32
    %dma_wait3A_2110 = arith.constant 0 : i32
    %dma_wait3A_2111 = tpu.memref_slice %arg2[%select_n3A_1449, %select_n3A_1491, %dma_wait3A_2108, %dma_wait3A_2109, %dma_wait3A_2110] : memref<8x32x3x256x256xf32, #tpu.memory_space<hbm>> -> memref<1x1x1x64x256xf32, #tpu.memory_space<hbm>>
    %dma_wait3A_2112 = tpu.memref_squeeze %dma_wait3A_2111 : memref<1x1x1x64x256xf32, #tpu.memory_space<hbm>> -> memref<64x256xf32, #tpu.memory_space<hbm>>
    %dma_wait3A_2113 = arith.constant 128 : i32
    %dma_wait3A_2114 = arith.constant 0 : i32
    %dma_wait3A_2115 = tpu.memref_slice %arg2[%select_n3A_1449, %select_n3A_1491, %dma_wait3A_2108, %dma_wait3A_2113, %dma_wait3A_2114] : memref<8x32x3x256x256xf32, #tpu.memory_space<hbm>> -> memref<1x1x1x64x256xf32, #tpu.memory_space<hbm>>
    %dma_wait3A_2116 = tpu.memref_squeeze %dma_wait3A_2115 : memref<1x1x1x64x256xf32, #tpu.memory_space<hbm>> -> memref<64x256xf32, #tpu.memory_space<hbm>>
    tpu.wait_dma2 semaphore(%arg14 : memref<!tpu.dma_semaphore, #tpu.memory_space<semaphore_mem>>) src(%dma_wait3A_2116 : memref<64x256xf32, #tpu.memory_space<hbm>>) dst(%arg7 : memref<64x256xf32, #tpu.memory_space<vmem>>)
    %dma_start3A_2117 = arith.constant 2 : i32
    %dma_start3A_2118 = arith.constant 128 : i32
    %dma_start3A_2119 = arith.constant 0 : i32
    %dma_start3A_2120 = tpu.memref_slice %arg3[%select_n3A_2065, %select_n3A_2081, %dma_start3A_2117, %dma_start3A_2118, %dma_start3A_2119] : memref<8x8x3x256x256xf32, #tpu.memory_space<hbm>> -> memref<1x1x1x64x256xf32, #tpu.memory_space<hbm>>
    %dma_start3A_2121 = tpu.memref_squeeze %dma_start3A_2120 : memref<1x1x1x64x256xf32, #tpu.memory_space<hbm>> -> memref<64x256xf32, #tpu.memory_space<hbm>>
    %dma_start3A_2122 = arith.constant 128 : i32
    %dma_start3A_2123 = arith.constant 0 : i32
    %dma_start3A_2124 = tpu.memref_slice %arg3[%select_n3A_2065, %select_n3A_2081, %dma_start3A_2117, %dma_start3A_2122, %dma_start3A_2123] : memref<8x8x3x256x256xf32, #tpu.memory_space<hbm>> -> memref<1x1x1x64x256xf32, #tpu.memory_space<hbm>>
    %dma_start3A_2125 = tpu.memref_squeeze %dma_start3A_2124 : memref<1x1x1x64x256xf32, #tpu.memory_space<hbm>> -> memref<64x256xf32, #tpu.memory_space<hbm>>
    tpu.enqueue_dma source(%arg7 : memref<64x256xf32, #tpu.memory_space<vmem>>) target(%dma_start3A_2125 : memref<64x256xf32, #tpu.memory_space<hbm>>) target_semaphore(%arg21 : memref<!tpu.dma_semaphore, #tpu.memory_space<semaphore_mem>>)
    %mul3A_2126 = arith.constant 2 : i32
    %mul3A_2127 = arith.muli %add3A, %mul3A_2126 : i32
    %add3A_2128 = arith.constant 1 : i32
    %add3A_2129 = arith.addi %mul3A_2127, %add3A_2128 : i32
    %jit3A_2130 = arith.constant 8 : i32
    %div3A_2131 = arith.divsi %add3A_2129, %jit3A_2130 : i32
    %sign3A_2132 = arith.constant 0 : i32
    %sign3A_2133 = arith.cmpi sgt, %add3A_2129, %sign3A_2132 : i32
    %sign3A_2134 = arith.extui %sign3A_2133 : i1 to i32
    %sign3A_2135 = arith.constant 0 : i32
    %sign3A_2136 = arith.cmpi slt, %add3A_2129, %sign3A_2135 : i32
    %sign3A_2137 = arith.extui %sign3A_2136 : i1 to i32
    %sign3A_2138 = arith.subi %sign3A_2134, %sign3A_2137 : i32
    %sign3A_2139 = arith.constant 0 : i32
    %sign3A_2140 = arith.cmpi sgt, %jit3A_2130, %sign3A_2139 : i32
    %sign3A_2141 = arith.extui %sign3A_2140 : i1 to i32
    %sign3A_2142 = arith.constant 0 : i32
    %sign3A_2143 = arith.cmpi slt, %jit3A_2130, %sign3A_2142 : i32
    %sign3A_2144 = arith.extui %sign3A_2143 : i1 to i32
    %sign3A_2145 = arith.subi %sign3A_2141, %sign3A_2144 : i32
    %ne3A_2146 = arith.cmpi ne, %sign3A_2138, %sign3A_2145 : i32
    %rem3A_2147 = arith.remsi %add3A_2129, %jit3A_2130 : i32
    %ne3A_2148 = arith.constant 0 : i32
    %ne3A_2149 = arith.cmpi ne, %rem3A_2147, %ne3A_2148 : i32
    %and3A_2150 = arith.andi %ne3A_2146, %ne3A_2149 : i1
    %sub3A_2151 = arith.constant 1 : i32
    %sub3A_2152 = arith.subi %div3A_2131, %sub3A_2151 : i32
    %select_n3A_2153 = arith.select %and3A_2150, %sub3A_2152, %div3A_2131 : i32
    %jit3A_2154 = arith.constant 8 : i32
    %eq3A_2155 = arith.constant 0 : i32
    %eq3A_2156 = arith.cmpi eq, %jit3A_2154, %eq3A_2155 : i32
    %jit3A_2157 = arith.constant 1 : i32
    %select_n3A_2158 = arith.select %eq3A_2156, %jit3A_2157, %jit3A_2154 : i32
    %rem3A_2159 = arith.remsi %add3A_2129, %select_n3A_2158 : i32
    %ne3A_2160 = arith.constant 0 : i32
    %ne3A_2161 = arith.cmpi ne, %rem3A_2159, %ne3A_2160 : i32
    %lt3A_2162 = arith.constant 0 : i32
    %lt3A_2163 = arith.cmpi slt, %rem3A_2159, %lt3A_2162 : i32
    %lt3A_2164 = arith.constant 0 : i32
    %lt3A_2165 = arith.cmpi slt, %select_n3A_2158, %lt3A_2164 : i32
    %ne3A_2166 = arith.xori %lt3A_2163, %lt3A_2165 : i1
    %and3A_2167 = arith.andi %ne3A_2166, %ne3A_2161 : i1
    %add3A_2168 = arith.addi %rem3A_2159, %select_n3A_2158 : i32
    %select_n3A_2169 = arith.select %and3A_2167, %add3A_2168, %rem3A_2159 : i32
    %mul3A_2170 = arith.constant 31 : i32
    %mul3A_2171 = arith.muli %select_n3A_2169, %mul3A_2170 : i32
    %jit3A_2172 = arith.constant 7 : i32
    %div3A_2173 = arith.divsi %mul3A_2171, %jit3A_2172 : i32
    %sign3A_2174 = arith.constant 0 : i32
    %sign3A_2175 = arith.cmpi sgt, %mul3A_2171, %sign3A_2174 : i32
    %sign3A_2176 = arith.extui %sign3A_2175 : i1 to i32
    %sign3A_2177 = arith.constant 0 : i32
    %sign3A_2178 = arith.cmpi slt, %mul3A_2171, %sign3A_2177 : i32
    %sign3A_2179 = arith.extui %sign3A_2178 : i1 to i32
    %sign3A_2180 = arith.subi %sign3A_2176, %sign3A_2179 : i32
    %sign3A_2181 = arith.constant 0 : i32
    %sign3A_2182 = arith.cmpi sgt, %jit3A_2172, %sign3A_2181 : i32
    %sign3A_2183 = arith.extui %sign3A_2182 : i1 to i32
    %sign3A_2184 = arith.constant 0 : i32
    %sign3A_2185 = arith.cmpi slt, %jit3A_2172, %sign3A_2184 : i32
    %sign3A_2186 = arith.extui %sign3A_2185 : i1 to i32
    %sign3A_2187 = arith.subi %sign3A_2183, %sign3A_2186 : i32
    %ne3A_2188 = arith.cmpi ne, %sign3A_2180, %sign3A_2187 : i32
    %rem3A_2189 = arith.remsi %mul3A_2171, %jit3A_2172 : i32
    %ne3A_2190 = arith.constant 0 : i32
    %ne3A_2191 = arith.cmpi ne, %rem3A_2189, %ne3A_2190 : i32
    %and3A_2192 = arith.andi %ne3A_2188, %ne3A_2191 : i1
    %sub3A_2193 = arith.constant 1 : i32
    %sub3A_2194 = arith.subi %div3A_2173, %sub3A_2193 : i32
    %select_n3A_2195 = arith.select %and3A_2192, %sub3A_2194, %div3A_2173 : i32
    %dma_wait3A_2196 = arith.constant 1 : i32
    %dma_wait3A_2197 = arith.constant 192 : i32
    %dma_wait3A_2198 = arith.constant 0 : i32
    %dma_wait3A_2199 = tpu.memref_slice %arg3[%select_n3A_1537, %select_n3A_1553, %dma_wait3A_2196, %dma_wait3A_2197, %dma_wait3A_2198] : memref<8x8x3x256x256xf32, #tpu.memory_space<hbm>> -> memref<1x1x1x64x256xf32, #tpu.memory_space<hbm>>
    %dma_wait3A_2200 = tpu.memref_squeeze %dma_wait3A_2199 : memref<1x1x1x64x256xf32, #tpu.memory_space<hbm>> -> memref<64x256xf32, #tpu.memory_space<hbm>>
    %dma_wait3A_2201 = arith.constant 192 : i32
    %dma_wait3A_2202 = arith.constant 0 : i32
    %dma_wait3A_2203 = tpu.memref_slice %arg3[%select_n3A_1537, %select_n3A_1553, %dma_wait3A_2196, %dma_wait3A_2201, %dma_wait3A_2202] : memref<8x8x3x256x256xf32, #tpu.memory_space<hbm>> -> memref<1x1x1x64x256xf32, #tpu.memory_space<hbm>>
    %dma_wait3A_2204 = tpu.memref_squeeze %dma_wait3A_2203 : memref<1x1x1x64x256xf32, #tpu.memory_space<hbm>> -> memref<64x256xf32, #tpu.memory_space<hbm>>
    tpu.wait_dma2 semaphore(%arg18 : memref<!tpu.dma_semaphore, #tpu.memory_space<semaphore_mem>>) src(%arg4 : memref<64x256xf32, #tpu.memory_space<vmem>>) dst(%dma_wait3A_2204 : memref<64x256xf32, #tpu.memory_space<hbm>>)
    %dma_start3A_2205 = arith.constant 0 : i32
    %dma_start3A_2206 = arith.constant 128 : i32
    %dma_start3A_2207 = arith.constant 0 : i32
    %dma_start3A_2208 = tpu.memref_slice %arg2[%select_n3A_2153, %select_n3A_2195, %dma_start3A_2205, %dma_start3A_2206, %dma_start3A_2207] : memref<8x32x3x256x256xf32, #tpu.memory_space<hbm>> -> memref<1x1x1x64x256xf32, #tpu.memory_space<hbm>>
    %dma_start3A_2209 = tpu.memref_squeeze %dma_start3A_2208 : memref<1x1x1x64x256xf32, #tpu.memory_space<hbm>> -> memref<64x256xf32, #tpu.memory_space<hbm>>
    %dma_start3A_2210 = arith.constant 128 : i32
    %dma_start3A_2211 = arith.constant 0 : i32
    %dma_start3A_2212 = tpu.memref_slice %arg2[%select_n3A_2153, %select_n3A_2195, %dma_start3A_2205, %dma_start3A_2210, %dma_start3A_2211] : memref<8x32x3x256x256xf32, #tpu.memory_space<hbm>> -> memref<1x1x1x64x256xf32, #tpu.memory_space<hbm>>
    %dma_start3A_2213 = tpu.memref_squeeze %dma_start3A_2212 : memref<1x1x1x64x256xf32, #tpu.memory_space<hbm>> -> memref<64x256xf32, #tpu.memory_space<hbm>>
    tpu.enqueue_dma source(%dma_start3A_2213 : memref<64x256xf32, #tpu.memory_space<hbm>>) target(%arg4 : memref<64x256xf32, #tpu.memory_space<vmem>>) target_semaphore(%arg11 : memref<!tpu.dma_semaphore, #tpu.memory_space<semaphore_mem>>)
    %mul3A_2214 = arith.constant 2 : i32
    %mul3A_2215 = arith.muli %add3A, %mul3A_2214 : i32
    %add3A_2216 = arith.constant 0 : i32
    %add3A_2217 = arith.addi %mul3A_2215, %add3A_2216 : i32
    %jit3A_2218 = arith.constant 8 : i32
    %div3A_2219 = arith.divsi %add3A_2217, %jit3A_2218 : i32
    %sign3A_2220 = arith.constant 0 : i32
    %sign3A_2221 = arith.cmpi sgt, %add3A_2217, %sign3A_2220 : i32
    %sign3A_2222 = arith.extui %sign3A_2221 : i1 to i32
    %sign3A_2223 = arith.constant 0 : i32
    %sign3A_2224 = arith.cmpi slt, %add3A_2217, %sign3A_2223 : i32
    %sign3A_2225 = arith.extui %sign3A_2224 : i1 to i32
    %sign3A_2226 = arith.subi %sign3A_2222, %sign3A_2225 : i32
    %sign3A_2227 = arith.constant 0 : i32
    %sign3A_2228 = arith.cmpi sgt, %jit3A_2218, %sign3A_2227 : i32
    %sign3A_2229 = arith.extui %sign3A_2228 : i1 to i32
    %sign3A_2230 = arith.constant 0 : i32
    %sign3A_2231 = arith.cmpi slt, %jit3A_2218, %sign3A_2230 : i32
    %sign3A_2232 = arith.extui %sign3A_2231 : i1 to i32
    %sign3A_2233 = arith.subi %sign3A_2229, %sign3A_2232 : i32
    %ne3A_2234 = arith.cmpi ne, %sign3A_2226, %sign3A_2233 : i32
    %rem3A_2235 = arith.remsi %add3A_2217, %jit3A_2218 : i32
    %ne3A_2236 = arith.constant 0 : i32
    %ne3A_2237 = arith.cmpi ne, %rem3A_2235, %ne3A_2236 : i32
    %and3A_2238 = arith.andi %ne3A_2234, %ne3A_2237 : i1
    %sub3A_2239 = arith.constant 1 : i32
    %sub3A_2240 = arith.subi %div3A_2219, %sub3A_2239 : i32
    %select_n3A_2241 = arith.select %and3A_2238, %sub3A_2240, %div3A_2219 : i32
    %jit3A_2242 = arith.constant 8 : i32
    %eq3A_2243 = arith.constant 0 : i32
    %eq3A_2244 = arith.cmpi eq, %jit3A_2242, %eq3A_2243 : i32
    %jit3A_2245 = arith.constant 1 : i32
    %select_n3A_2246 = arith.select %eq3A_2244, %jit3A_2245, %jit3A_2242 : i32
    %rem3A_2247 = arith.remsi %add3A_2217, %select_n3A_2246 : i32
    %ne3A_2248 = arith.constant 0 : i32
    %ne3A_2249 = arith.cmpi ne, %rem3A_2247, %ne3A_2248 : i32
    %lt3A_2250 = arith.constant 0 : i32
    %lt3A_2251 = arith.cmpi slt, %rem3A_2247, %lt3A_2250 : i32
    %lt3A_2252 = arith.constant 0 : i32
    %lt3A_2253 = arith.cmpi slt, %select_n3A_2246, %lt3A_2252 : i32
    %ne3A_2254 = arith.xori %lt3A_2251, %lt3A_2253 : i1
    %and3A_2255 = arith.andi %ne3A_2254, %ne3A_2249 : i1
    %add3A_2256 = arith.addi %rem3A_2247, %select_n3A_2246 : i32
    %select_n3A_2257 = arith.select %and3A_2255, %add3A_2256, %rem3A_2247 : i32
    %mul3A_2258 = arith.constant 31 : i32
    %mul3A_2259 = arith.muli %select_n3A_2257, %mul3A_2258 : i32
    %jit3A_2260 = arith.constant 7 : i32
    %div3A_2261 = arith.divsi %mul3A_2259, %jit3A_2260 : i32
    %sign3A_2262 = arith.constant 0 : i32
    %sign3A_2263 = arith.cmpi sgt, %mul3A_2259, %sign3A_2262 : i32
    %sign3A_2264 = arith.extui %sign3A_2263 : i1 to i32
    %sign3A_2265 = arith.constant 0 : i32
    %sign3A_2266 = arith.cmpi slt, %mul3A_2259, %sign3A_2265 : i32
    %sign3A_2267 = arith.extui %sign3A_2266 : i1 to i32
    %sign3A_2268 = arith.subi %sign3A_2264, %sign3A_2267 : i32
    %sign3A_2269 = arith.constant 0 : i32
    %sign3A_2270 = arith.cmpi sgt, %jit3A_2260, %sign3A_2269 : i32
    %sign3A_2271 = arith.extui %sign3A_2270 : i1 to i32
    %sign3A_2272 = arith.constant 0 : i32
    %sign3A_2273 = arith.cmpi slt, %jit3A_2260, %sign3A_2272 : i32
    %sign3A_2274 = arith.extui %sign3A_2273 : i1 to i32
    %sign3A_2275 = arith.subi %sign3A_2271, %sign3A_2274 : i32
    %ne3A_2276 = arith.cmpi ne, %sign3A_2268, %sign3A_2275 : i32
    %rem3A_2277 = arith.remsi %mul3A_2259, %jit3A_2260 : i32
    %ne3A_2278 = arith.constant 0 : i32
    %ne3A_2279 = arith.cmpi ne, %rem3A_2277, %ne3A_2278 : i32
    %and3A_2280 = arith.andi %ne3A_2276, %ne3A_2279 : i1
    %sub3A_2281 = arith.constant 1 : i32
    %sub3A_2282 = arith.subi %div3A_2261, %sub3A_2281 : i32
    %select_n3A_2283 = arith.select %and3A_2280, %sub3A_2282, %div3A_2261 : i32
    %dma_wait3A_2284 = arith.constant 2 : i32
    %dma_wait3A_2285 = arith.constant 192 : i32
    %dma_wait3A_2286 = arith.constant 0 : i32
    %dma_wait3A_2287 = tpu.memref_slice %arg2[%select_n3A_1625, %select_n3A_1667, %dma_wait3A_2284, %dma_wait3A_2285, %dma_wait3A_2286] : memref<8x32x3x256x256xf32, #tpu.memory_space<hbm>> -> memref<1x1x1x64x256xf32, #tpu.memory_space<hbm>>
    %dma_wait3A_2288 = tpu.memref_squeeze %dma_wait3A_2287 : memref<1x1x1x64x256xf32, #tpu.memory_space<hbm>> -> memref<64x256xf32, #tpu.memory_space<hbm>>
    %dma_wait3A_2289 = arith.constant 192 : i32
    %dma_wait3A_2290 = arith.constant 0 : i32
    %dma_wait3A_2291 = tpu.memref_slice %arg2[%select_n3A_1625, %select_n3A_1667, %dma_wait3A_2284, %dma_wait3A_2289, %dma_wait3A_2290] : memref<8x32x3x256x256xf32, #tpu.memory_space<hbm>> -> memref<1x1x1x64x256xf32, #tpu.memory_space<hbm>>
    %dma_wait3A_2292 = tpu.memref_squeeze %dma_wait3A_2291 : memref<1x1x1x64x256xf32, #tpu.memory_space<hbm>> -> memref<64x256xf32, #tpu.memory_space<hbm>>
    tpu.wait_dma2 semaphore(%arg15 : memref<!tpu.dma_semaphore, #tpu.memory_space<semaphore_mem>>) src(%dma_wait3A_2292 : memref<64x256xf32, #tpu.memory_space<hbm>>) dst(%arg8 : memref<64x256xf32, #tpu.memory_space<vmem>>)
    %dma_start3A_2293 = arith.constant 2 : i32
    %dma_start3A_2294 = arith.constant 192 : i32
    %dma_start3A_2295 = arith.constant 0 : i32
    %dma_start3A_2296 = tpu.memref_slice %arg3[%select_n3A_2241, %select_n3A_2257, %dma_start3A_2293, %dma_start3A_2294, %dma_start3A_2295] : memref<8x8x3x256x256xf32, #tpu.memory_space<hbm>> -> memref<1x1x1x64x256xf32, #tpu.memory_space<hbm>>
    %dma_start3A_2297 = tpu.memref_squeeze %dma_start3A_2296 : memref<1x1x1x64x256xf32, #tpu.memory_space<hbm>> -> memref<64x256xf32, #tpu.memory_space<hbm>>
    %dma_start3A_2298 = arith.constant 192 : i32
    %dma_start3A_2299 = arith.constant 0 : i32
    %dma_start3A_2300 = tpu.memref_slice %arg3[%select_n3A_2241, %select_n3A_2257, %dma_start3A_2293, %dma_start3A_2298, %dma_start3A_2299] : memref<8x8x3x256x256xf32, #tpu.memory_space<hbm>> -> memref<1x1x1x64x256xf32, #tpu.memory_space<hbm>>
    %dma_start3A_2301 = tpu.memref_squeeze %dma_start3A_2300 : memref<1x1x1x64x256xf32, #tpu.memory_space<hbm>> -> memref<64x256xf32, #tpu.memory_space<hbm>>
    tpu.enqueue_dma source(%arg8 : memref<64x256xf32, #tpu.memory_space<vmem>>) target(%dma_start3A_2301 : memref<64x256xf32, #tpu.memory_space<hbm>>) target_semaphore(%arg22 : memref<!tpu.dma_semaphore, #tpu.memory_space<semaphore_mem>>)
    %mul3A_2302 = arith.constant 2 : i32
    %mul3A_2303 = arith.muli %add3A, %mul3A_2302 : i32
    %add3A_2304 = arith.constant 1 : i32
    %add3A_2305 = arith.addi %mul3A_2303, %add3A_2304 : i32
    %jit3A_2306 = arith.constant 8 : i32
    %div3A_2307 = arith.divsi %add3A_2305, %jit3A_2306 : i32
    %sign3A_2308 = arith.constant 0 : i32
    %sign3A_2309 = arith.cmpi sgt, %add3A_2305, %sign3A_2308 : i32
    %sign3A_2310 = arith.extui %sign3A_2309 : i1 to i32
    %sign3A_2311 = arith.constant 0 : i32
    %sign3A_2312 = arith.cmpi slt, %add3A_2305, %sign3A_2311 : i32
    %sign3A_2313 = arith.extui %sign3A_2312 : i1 to i32
    %sign3A_2314 = arith.subi %sign3A_2310, %sign3A_2313 : i32
    %sign3A_2315 = arith.constant 0 : i32
    %sign3A_2316 = arith.cmpi sgt, %jit3A_2306, %sign3A_2315 : i32
    %sign3A_2317 = arith.extui %sign3A_2316 : i1 to i32
    %sign3A_2318 = arith.constant 0 : i32
    %sign3A_2319 = arith.cmpi slt, %jit3A_2306, %sign3A_2318 : i32
    %sign3A_2320 = arith.extui %sign3A_2319 : i1 to i32
    %sign3A_2321 = arith.subi %sign3A_2317, %sign3A_2320 : i32
    %ne3A_2322 = arith.cmpi ne, %sign3A_2314, %sign3A_2321 : i32
    %rem3A_2323 = arith.remsi %add3A_2305, %jit3A_2306 : i32
    %ne3A_2324 = arith.constant 0 : i32
    %ne3A_2325 = arith.cmpi ne, %rem3A_2323, %ne3A_2324 : i32
    %and3A_2326 = arith.andi %ne3A_2322, %ne3A_2325 : i1
    %sub3A_2327 = arith.constant 1 : i32
    %sub3A_2328 = arith.subi %div3A_2307, %sub3A_2327 : i32
    %select_n3A_2329 = arith.select %and3A_2326, %sub3A_2328, %div3A_2307 : i32
    %jit3A_2330 = arith.constant 8 : i32
    %eq3A_2331 = arith.constant 0 : i32
    %eq3A_2332 = arith.cmpi eq, %jit3A_2330, %eq3A_2331 : i32
    %jit3A_2333 = arith.constant 1 : i32
    %select_n3A_2334 = arith.select %eq3A_2332, %jit3A_2333, %jit3A_2330 : i32
    %rem3A_2335 = arith.remsi %add3A_2305, %select_n3A_2334 : i32
    %ne3A_2336 = arith.constant 0 : i32
    %ne3A_2337 = arith.cmpi ne, %rem3A_2335, %ne3A_2336 : i32
    %lt3A_2338 = arith.constant 0 : i32
    %lt3A_2339 = arith.cmpi slt, %rem3A_2335, %lt3A_2338 : i32
    %lt3A_2340 = arith.constant 0 : i32
    %lt3A_2341 = arith.cmpi slt, %select_n3A_2334, %lt3A_2340 : i32
    %ne3A_2342 = arith.xori %lt3A_2339, %lt3A_2341 : i1
    %and3A_2343 = arith.andi %ne3A_2342, %ne3A_2337 : i1
    %add3A_2344 = arith.addi %rem3A_2335, %select_n3A_2334 : i32
    %select_n3A_2345 = arith.select %and3A_2343, %add3A_2344, %rem3A_2335 : i32
    %mul3A_2346 = arith.constant 31 : i32
    %mul3A_2347 = arith.muli %select_n3A_2345, %mul3A_2346 : i32
    %jit3A_2348 = arith.constant 7 : i32
    %div3A_2349 = arith.divsi %mul3A_2347, %jit3A_2348 : i32
    %sign3A_2350 = arith.constant 0 : i32
    %sign3A_2351 = arith.cmpi sgt, %mul3A_2347, %sign3A_2350 : i32
    %sign3A_2352 = arith.extui %sign3A_2351 : i1 to i32
    %sign3A_2353 = arith.constant 0 : i32
    %sign3A_2354 = arith.cmpi slt, %mul3A_2347, %sign3A_2353 : i32
    %sign3A_2355 = arith.extui %sign3A_2354 : i1 to i32
    %sign3A_2356 = arith.subi %sign3A_2352, %sign3A_2355 : i32
    %sign3A_2357 = arith.constant 0 : i32
    %sign3A_2358 = arith.cmpi sgt, %jit3A_2348, %sign3A_2357 : i32
    %sign3A_2359 = arith.extui %sign3A_2358 : i1 to i32
    %sign3A_2360 = arith.constant 0 : i32
    %sign3A_2361 = arith.cmpi slt, %jit3A_2348, %sign3A_2360 : i32
    %sign3A_2362 = arith.extui %sign3A_2361 : i1 to i32
    %sign3A_2363 = arith.subi %sign3A_2359, %sign3A_2362 : i32
    %ne3A_2364 = arith.cmpi ne, %sign3A_2356, %sign3A_2363 : i32
    %rem3A_2365 = arith.remsi %mul3A_2347, %jit3A_2348 : i32
    %ne3A_2366 = arith.constant 0 : i32
    %ne3A_2367 = arith.cmpi ne, %rem3A_2365, %ne3A_2366 : i32
    %and3A_2368 = arith.andi %ne3A_2364, %ne3A_2367 : i1
    %sub3A_2369 = arith.constant 1 : i32
    %sub3A_2370 = arith.subi %div3A_2349, %sub3A_2369 : i32
    %select_n3A_2371 = arith.select %and3A_2368, %sub3A_2370, %div3A_2349 : i32
    %dma_wait3A_2372 = arith.constant 2 : i32
    %dma_wait3A_2373 = arith.constant 0 : i32
    %dma_wait3A_2374 = arith.constant 0 : i32
    %dma_wait3A_2375 = tpu.memref_slice %arg3[%select_n3A_1713, %select_n3A_1729, %dma_wait3A_2372, %dma_wait3A_2373, %dma_wait3A_2374] : memref<8x8x3x256x256xf32, #tpu.memory_space<hbm>> -> memref<1x1x1x64x256xf32, #tpu.memory_space<hbm>>
    %dma_wait3A_2376 = tpu.memref_squeeze %dma_wait3A_2375 : memref<1x1x1x64x256xf32, #tpu.memory_space<hbm>> -> memref<64x256xf32, #tpu.memory_space<hbm>>
    %dma_wait3A_2377 = arith.constant 0 : i32
    %dma_wait3A_2378 = arith.constant 0 : i32
    %dma_wait3A_2379 = tpu.memref_slice %arg3[%select_n3A_1713, %select_n3A_1729, %dma_wait3A_2372, %dma_wait3A_2377, %dma_wait3A_2378] : memref<8x8x3x256x256xf32, #tpu.memory_space<hbm>> -> memref<1x1x1x64x256xf32, #tpu.memory_space<hbm>>
    %dma_wait3A_2380 = tpu.memref_squeeze %dma_wait3A_2379 : memref<1x1x1x64x256xf32, #tpu.memory_space<hbm>> -> memref<64x256xf32, #tpu.memory_space<hbm>>
    tpu.wait_dma2 semaphore(%arg19 : memref<!tpu.dma_semaphore, #tpu.memory_space<semaphore_mem>>) src(%arg5 : memref<64x256xf32, #tpu.memory_space<vmem>>) dst(%dma_wait3A_2380 : memref<64x256xf32, #tpu.memory_space<hbm>>)
    %dma_start3A_2381 = arith.constant 0 : i32
    %dma_start3A_2382 = arith.constant 192 : i32
    %dma_start3A_2383 = arith.constant 0 : i32
    %dma_start3A_2384 = tpu.memref_slice %arg2[%select_n3A_2329, %select_n3A_2371, %dma_start3A_2381, %dma_start3A_2382, %dma_start3A_2383] : memref<8x32x3x256x256xf32, #tpu.memory_space<hbm>> -> memref<1x1x1x64x256xf32, #tpu.memory_space<hbm>>
    %dma_start3A_2385 = tpu.memref_squeeze %dma_start3A_2384 : memref<1x1x1x64x256xf32, #tpu.memory_space<hbm>> -> memref<64x256xf32, #tpu.memory_space<hbm>>
    %dma_start3A_2386 = arith.constant 192 : i32
    %dma_start3A_2387 = arith.constant 0 : i32
    %dma_start3A_2388 = tpu.memref_slice %arg2[%select_n3A_2329, %select_n3A_2371, %dma_start3A_2381, %dma_start3A_2386, %dma_start3A_2387] : memref<8x32x3x256x256xf32, #tpu.memory_space<hbm>> -> memref<1x1x1x64x256xf32, #tpu.memory_space<hbm>>
    %dma_start3A_2389 = tpu.memref_squeeze %dma_start3A_2388 : memref<1x1x1x64x256xf32, #tpu.memory_space<hbm>> -> memref<64x256xf32, #tpu.memory_space<hbm>>
    tpu.enqueue_dma source(%dma_start3A_2389 : memref<64x256xf32, #tpu.memory_space<hbm>>) target(%arg5 : memref<64x256xf32, #tpu.memory_space<vmem>>) target_semaphore(%arg12 : memref<!tpu.dma_semaphore, #tpu.memory_space<semaphore_mem>>)
    %mul3A_2390 = arith.constant 2 : i32
    %mul3A_2391 = arith.muli %add3A, %mul3A_2390 : i32
    %add3A_2392 = arith.constant 1 : i32
    %add3A_2393 = arith.addi %mul3A_2391, %add3A_2392 : i32
    %jit3A_2394 = arith.constant 8 : i32
    %div3A_2395 = arith.divsi %add3A_2393, %jit3A_2394 : i32
    %sign3A_2396 = arith.constant 0 : i32
    %sign3A_2397 = arith.cmpi sgt, %add3A_2393, %sign3A_2396 : i32
    %sign3A_2398 = arith.extui %sign3A_2397 : i1 to i32
    %sign3A_2399 = arith.constant 0 : i32
    %sign3A_2400 = arith.cmpi slt, %add3A_2393, %sign3A_2399 : i32
    %sign3A_2401 = arith.extui %sign3A_2400 : i1 to i32
    %sign3A_2402 = arith.subi %sign3A_2398, %sign3A_2401 : i32
    %sign3A_2403 = arith.constant 0 : i32
    %sign3A_2404 = arith.cmpi sgt, %jit3A_2394, %sign3A_2403 : i32
    %sign3A_2405 = arith.extui %sign3A_2404 : i1 to i32
    %sign3A_2406 = arith.constant 0 : i32
    %sign3A_2407 = arith.cmpi slt, %jit3A_2394, %sign3A_2406 : i32
    %sign3A_2408 = arith.extui %sign3A_2407 : i1 to i32
    %sign3A_2409 = arith.subi %sign3A_2405, %sign3A_2408 : i32
    %ne3A_2410 = arith.cmpi ne, %sign3A_2402, %sign3A_2409 : i32
    %rem3A_2411 = arith.remsi %add3A_2393, %jit3A_2394 : i32
    %ne3A_2412 = arith.constant 0 : i32
    %ne3A_2413 = arith.cmpi ne, %rem3A_2411, %ne3A_2412 : i32
    %and3A_2414 = arith.andi %ne3A_2410, %ne3A_2413 : i1
    %sub3A_2415 = arith.constant 1 : i32
    %sub3A_2416 = arith.subi %div3A_2395, %sub3A_2415 : i32
    %select_n3A_2417 = arith.select %and3A_2414, %sub3A_2416, %div3A_2395 : i32
    %jit3A_2418 = arith.constant 8 : i32
    %eq3A_2419 = arith.constant 0 : i32
    %eq3A_2420 = arith.cmpi eq, %jit3A_2418, %eq3A_2419 : i32
    %jit3A_2421 = arith.constant 1 : i32
    %select_n3A_2422 = arith.select %eq3A_2420, %jit3A_2421, %jit3A_2418 : i32
    %rem3A_2423 = arith.remsi %add3A_2393, %select_n3A_2422 : i32
    %ne3A_2424 = arith.constant 0 : i32
    %ne3A_2425 = arith.cmpi ne, %rem3A_2423, %ne3A_2424 : i32
    %lt3A_2426 = arith.constant 0 : i32
    %lt3A_2427 = arith.cmpi slt, %rem3A_2423, %lt3A_2426 : i32
    %lt3A_2428 = arith.constant 0 : i32
    %lt3A_2429 = arith.cmpi slt, %select_n3A_2422, %lt3A_2428 : i32
    %ne3A_2430 = arith.xori %lt3A_2427, %lt3A_2429 : i1
    %and3A_2431 = arith.andi %ne3A_2430, %ne3A_2425 : i1
    %add3A_2432 = arith.addi %rem3A_2423, %select_n3A_2422 : i32
    %select_n3A_2433 = arith.select %and3A_2431, %add3A_2432, %rem3A_2423 : i32
    %mul3A_2434 = arith.constant 31 : i32
    %mul3A_2435 = arith.muli %select_n3A_2433, %mul3A_2434 : i32
    %jit3A_2436 = arith.constant 7 : i32
    %div3A_2437 = arith.divsi %mul3A_2435, %jit3A_2436 : i32
    %sign3A_2438 = arith.constant 0 : i32
    %sign3A_2439 = arith.cmpi sgt, %mul3A_2435, %sign3A_2438 : i32
    %sign3A_2440 = arith.extui %sign3A_2439 : i1 to i32
    %sign3A_2441 = arith.constant 0 : i32
    %sign3A_2442 = arith.cmpi slt, %mul3A_2435, %sign3A_2441 : i32
    %sign3A_2443 = arith.extui %sign3A_2442 : i1 to i32
    %sign3A_2444 = arith.subi %sign3A_2440, %sign3A_2443 : i32
    %sign3A_2445 = arith.constant 0 : i32
    %sign3A_2446 = arith.cmpi sgt, %jit3A_2436, %sign3A_2445 : i32
    %sign3A_2447 = arith.extui %sign3A_2446 : i1 to i32
    %sign3A_2448 = arith.constant 0 : i32
    %sign3A_2449 = arith.cmpi slt, %jit3A_2436, %sign3A_2448 : i32
    %sign3A_2450 = arith.extui %sign3A_2449 : i1 to i32
    %sign3A_2451 = arith.subi %sign3A_2447, %sign3A_2450 : i32
    %ne3A_2452 = arith.cmpi ne, %sign3A_2444, %sign3A_2451 : i32
    %rem3A_2453 = arith.remsi %mul3A_2435, %jit3A_2436 : i32
    %ne3A_2454 = arith.constant 0 : i32
    %ne3A_2455 = arith.cmpi ne, %rem3A_2453, %ne3A_2454 : i32
    %and3A_2456 = arith.andi %ne3A_2452, %ne3A_2455 : i1
    %sub3A_2457 = arith.constant 1 : i32
    %sub3A_2458 = arith.subi %div3A_2437, %sub3A_2457 : i32
    %select_n3A_2459 = arith.select %and3A_2456, %sub3A_2458, %div3A_2437 : i32
    %dma_wait3A_2460 = arith.constant 0 : i32
    %dma_wait3A_2461 = arith.constant 0 : i32
    %dma_wait3A_2462 = arith.constant 0 : i32
    %dma_wait3A_2463 = tpu.memref_slice %arg2[%select_n3A_1801, %select_n3A_1843, %dma_wait3A_2460, %dma_wait3A_2461, %dma_wait3A_2462] : memref<8x32x3x256x256xf32, #tpu.memory_space<hbm>> -> memref<1x1x1x64x256xf32, #tpu.memory_space<hbm>>
    %dma_wait3A_2464 = tpu.memref_squeeze %dma_wait3A_2463 : memref<1x1x1x64x256xf32, #tpu.memory_space<hbm>> -> memref<64x256xf32, #tpu.memory_space<hbm>>
    %dma_wait3A_2465 = arith.constant 0 : i32
    %dma_wait3A_2466 = arith.constant 0 : i32
    %dma_wait3A_2467 = tpu.memref_slice %arg2[%select_n3A_1801, %select_n3A_1843, %dma_wait3A_2460, %dma_wait3A_2465, %dma_wait3A_2466] : memref<8x32x3x256x256xf32, #tpu.memory_space<hbm>> -> memref<1x1x1x64x256xf32, #tpu.memory_space<hbm>>
    %dma_wait3A_2468 = tpu.memref_squeeze %dma_wait3A_2467 : memref<1x1x1x64x256xf32, #tpu.memory_space<hbm>> -> memref<64x256xf32, #tpu.memory_space<hbm>>
    tpu.wait_dma2 semaphore(%arg16 : memref<!tpu.dma_semaphore, #tpu.memory_space<semaphore_mem>>) src(%dma_wait3A_2468 : memref<64x256xf32, #tpu.memory_space<hbm>>) dst(%arg9 : memref<64x256xf32, #tpu.memory_space<vmem>>)
    %dma_start3A_2469 = arith.constant 0 : i32
    %dma_start3A_2470 = arith.constant 0 : i32
    %dma_start3A_2471 = arith.constant 0 : i32
    %dma_start3A_2472 = tpu.memref_slice %arg3[%select_n3A_2417, %select_n3A_2433, %dma_start3A_2469, %dma_start3A_2470, %dma_start3A_2471] : memref<8x8x3x256x256xf32, #tpu.memory_space<hbm>> -> memref<1x1x1x64x256xf32, #tpu.memory_space<hbm>>
    %dma_start3A_2473 = tpu.memref_squeeze %dma_start3A_2472 : memref<1x1x1x64x256xf32, #tpu.memory_space<hbm>> -> memref<64x256xf32, #tpu.memory_space<hbm>>
    %dma_start3A_2474 = arith.constant 0 : i32
    %dma_start3A_2475 = arith.constant 0 : i32
    %dma_start3A_2476 = tpu.memref_slice %arg3[%select_n3A_2417, %select_n3A_2433, %dma_start3A_2469, %dma_start3A_2474, %dma_start3A_2475] : memref<8x8x3x256x256xf32, #tpu.memory_space<hbm>> -> memref<1x1x1x64x256xf32, #tpu.memory_space<hbm>>
    %dma_start3A_2477 = tpu.memref_squeeze %dma_start3A_2476 : memref<1x1x1x64x256xf32, #tpu.memory_space<hbm>> -> memref<64x256xf32, #tpu.memory_space<hbm>>
    tpu.enqueue_dma source(%arg9 : memref<64x256xf32, #tpu.memory_space<vmem>>) target(%dma_start3A_2477 : memref<64x256xf32, #tpu.memory_space<hbm>>) target_semaphore(%arg23 : memref<!tpu.dma_semaphore, #tpu.memory_space<semaphore_mem>>)
    %mul3A_2478 = arith.constant 2 : i32
    %mul3A_2479 = arith.muli %add3A, %mul3A_2478 : i32
    %add3A_2480 = arith.constant 1 : i32
    %add3A_2481 = arith.addi %mul3A_2479, %add3A_2480 : i32
    %jit3A_2482 = arith.constant 8 : i32
    %div3A_2483 = arith.divsi %add3A_2481, %jit3A_2482 : i32
    %sign3A_2484 = arith.constant 0 : i32
    %sign3A_2485 = arith.cmpi sgt, %add3A_2481, %sign3A_2484 : i32
    %sign3A_2486 = arith.extui %sign3A_2485 : i1 to i32
    %sign3A_2487 = arith.constant 0 : i32
    %sign3A_2488 = arith.cmpi slt, %add3A_2481, %sign3A_2487 : i32
    %sign3A_2489 = arith.extui %sign3A_2488 : i1 to i32
    %sign3A_2490 = arith.subi %sign3A_2486, %sign3A_2489 : i32
    %sign3A_2491 = arith.constant 0 : i32
    %sign3A_2492 = arith.cmpi sgt, %jit3A_2482, %sign3A_2491 : i32
    %sign3A_2493 = arith.extui %sign3A_2492 : i1 to i32
    %sign3A_2494 = arith.constant 0 : i32
    %sign3A_2495 = arith.cmpi slt, %jit3A_2482, %sign3A_2494 : i32
    %sign3A_2496 = arith.extui %sign3A_2495 : i1 to i32
    %sign3A_2497 = arith.subi %sign3A_2493, %sign3A_2496 : i32
    %ne3A_2498 = arith.cmpi ne, %sign3A_2490, %sign3A_2497 : i32
    %rem3A_2499 = arith.remsi %add3A_2481, %jit3A_2482 : i32
    %ne3A_2500 = arith.constant 0 : i32
    %ne3A_2501 = arith.cmpi ne, %rem3A_2499, %ne3A_2500 : i32
    %and3A_2502 = arith.andi %ne3A_2498, %ne3A_2501 : i1
    %sub3A_2503 = arith.constant 1 : i32
    %sub3A_2504 = arith.subi %div3A_2483, %sub3A_2503 : i32
    %select_n3A_2505 = arith.select %and3A_2502, %sub3A_2504, %div3A_2483 : i32
    %jit3A_2506 = arith.constant 8 : i32
    %eq3A_2507 = arith.constant 0 : i32
    %eq3A_2508 = arith.cmpi eq, %jit3A_2506, %eq3A_2507 : i32
    %jit3A_2509 = arith.constant 1 : i32
    %select_n3A_2510 = arith.select %eq3A_2508, %jit3A_2509, %jit3A_2506 : i32
    %rem3A_2511 = arith.remsi %add3A_2481, %select_n3A_2510 : i32
    %ne3A_2512 = arith.constant 0 : i32
    %ne3A_2513 = arith.cmpi ne, %rem3A_2511, %ne3A_2512 : i32
    %lt3A_2514 = arith.constant 0 : i32
    %lt3A_2515 = arith.cmpi slt, %rem3A_2511, %lt3A_2514 : i32
    %lt3A_2516 = arith.constant 0 : i32
    %lt3A_2517 = arith.cmpi slt, %select_n3A_2510, %lt3A_2516 : i32
    %ne3A_2518 = arith.xori %lt3A_2515, %lt3A_2517 : i1
    %and3A_2519 = arith.andi %ne3A_2518, %ne3A_2513 : i1
    %add3A_2520 = arith.addi %rem3A_2511, %select_n3A_2510 : i32
    %select_n3A_2521 = arith.select %and3A_2519, %add3A_2520, %rem3A_2511 : i32
    %mul3A_2522 = arith.constant 31 : i32
    %mul3A_2523 = arith.muli %select_n3A_2521, %mul3A_2522 : i32
    %jit3A_2524 = arith.constant 7 : i32
    %div3A_2525 = arith.divsi %mul3A_2523, %jit3A_2524 : i32
    %sign3A_2526 = arith.constant 0 : i32
    %sign3A_2527 = arith.cmpi sgt, %mul3A_2523, %sign3A_2526 : i32
    %sign3A_2528 = arith.extui %sign3A_2527 : i1 to i32
    %sign3A_2529 = arith.constant 0 : i32
    %sign3A_2530 = arith.cmpi slt, %mul3A_2523, %sign3A_2529 : i32
    %sign3A_2531 = arith.extui %sign3A_2530 : i1 to i32
    %sign3A_2532 = arith.subi %sign3A_2528, %sign3A_2531 : i32
    %sign3A_2533 = arith.constant 0 : i32
    %sign3A_2534 = arith.cmpi sgt, %jit3A_2524, %sign3A_2533 : i32
    %sign3A_2535 = arith.extui %sign3A_2534 : i1 to i32
    %sign3A_2536 = arith.constant 0 : i32
    %sign3A_2537 = arith.cmpi slt, %jit3A_2524, %sign3A_2536 : i32
    %sign3A_2538 = arith.extui %sign3A_2537 : i1 to i32
    %sign3A_2539 = arith.subi %sign3A_2535, %sign3A_2538 : i32
    %ne3A_2540 = arith.cmpi ne, %sign3A_2532, %sign3A_2539 : i32
    %rem3A_2541 = arith.remsi %mul3A_2523, %jit3A_2524 : i32
    %ne3A_2542 = arith.constant 0 : i32
    %ne3A_2543 = arith.cmpi ne, %rem3A_2541, %ne3A_2542 : i32
    %and3A_2544 = arith.andi %ne3A_2540, %ne3A_2543 : i1
    %sub3A_2545 = arith.constant 1 : i32
    %sub3A_2546 = arith.subi %div3A_2525, %sub3A_2545 : i32
    %select_n3A_2547 = arith.select %and3A_2544, %sub3A_2546, %div3A_2525 : i32
    %dma_wait3A_2548 = arith.constant 2 : i32
    %dma_wait3A_2549 = arith.constant 64 : i32
    %dma_wait3A_2550 = arith.constant 0 : i32
    %dma_wait3A_2551 = tpu.memref_slice %arg3[%select_n3A_1889, %select_n3A_1905, %dma_wait3A_2548, %dma_wait3A_2549, %dma_wait3A_2550] : memref<8x8x3x256x256xf32, #tpu.memory_space<hbm>> -> memref<1x1x1x64x256xf32, #tpu.memory_space<hbm>>
    %dma_wait3A_2552 = tpu.memref_squeeze %dma_wait3A_2551 : memref<1x1x1x64x256xf32, #tpu.memory_space<hbm>> -> memref<64x256xf32, #tpu.memory_space<hbm>>
    %dma_wait3A_2553 = arith.constant 64 : i32
    %dma_wait3A_2554 = arith.constant 0 : i32
    %dma_wait3A_2555 = tpu.memref_slice %arg3[%select_n3A_1889, %select_n3A_1905, %dma_wait3A_2548, %dma_wait3A_2553, %dma_wait3A_2554] : memref<8x8x3x256x256xf32, #tpu.memory_space<hbm>> -> memref<1x1x1x64x256xf32, #tpu.memory_space<hbm>>
    %dma_wait3A_2556 = tpu.memref_squeeze %dma_wait3A_2555 : memref<1x1x1x64x256xf32, #tpu.memory_space<hbm>> -> memref<64x256xf32, #tpu.memory_space<hbm>>
    tpu.wait_dma2 semaphore(%arg20 : memref<!tpu.dma_semaphore, #tpu.memory_space<semaphore_mem>>) src(%arg6 : memref<64x256xf32, #tpu.memory_space<vmem>>) dst(%dma_wait3A_2556 : memref<64x256xf32, #tpu.memory_space<hbm>>)
    %dma_start3A_2557 = arith.constant 1 : i32
    %dma_start3A_2558 = arith.constant 0 : i32
    %dma_start3A_2559 = arith.constant 0 : i32
    %dma_start3A_2560 = tpu.memref_slice %arg2[%select_n3A_2505, %select_n3A_2547, %dma_start3A_2557, %dma_start3A_2558, %dma_start3A_2559] : memref<8x32x3x256x256xf32, #tpu.memory_space<hbm>> -> memref<1x1x1x64x256xf32, #tpu.memory_space<hbm>>
    %dma_start3A_2561 = tpu.memref_squeeze %dma_start3A_2560 : memref<1x1x1x64x256xf32, #tpu.memory_space<hbm>> -> memref<64x256xf32, #tpu.memory_space<hbm>>
    %dma_start3A_2562 = arith.constant 0 : i32
    %dma_start3A_2563 = arith.constant 0 : i32
    %dma_start3A_2564 = tpu.memref_slice %arg2[%select_n3A_2505, %select_n3A_2547, %dma_start3A_2557, %dma_start3A_2562, %dma_start3A_2563] : memref<8x32x3x256x256xf32, #tpu.memory_space<hbm>> -> memref<1x1x1x64x256xf32, #tpu.memory_space<hbm>>
    %dma_start3A_2565 = tpu.memref_squeeze %dma_start3A_2564 : memref<1x1x1x64x256xf32, #tpu.memory_space<hbm>> -> memref<64x256xf32, #tpu.memory_space<hbm>>
    tpu.enqueue_dma source(%dma_start3A_2565 : memref<64x256xf32, #tpu.memory_space<hbm>>) target(%arg6 : memref<64x256xf32, #tpu.memory_space<vmem>>) target_semaphore(%arg13 : memref<!tpu.dma_semaphore, #tpu.memory_space<semaphore_mem>>)
    %mul3A_2566 = arith.constant 2 : i32
    %mul3A_2567 = arith.muli %add3A, %mul3A_2566 : i32
    %add3A_2568 = arith.constant 1 : i32
    %add3A_2569 = arith.addi %mul3A_2567, %add3A_2568 : i32
    %jit3A_2570 = arith.constant 8 : i32
    %div3A_2571 = arith.divsi %add3A_2569, %jit3A_2570 : i32
    %sign3A_2572 = arith.constant 0 : i32
    %sign3A_2573 = arith.cmpi sgt, %add3A_2569, %sign3A_2572 : i32
    %sign3A_2574 = arith.extui %sign3A_2573 : i1 to i32
    %sign3A_2575 = arith.constant 0 : i32
    %sign3A_2576 = arith.cmpi slt, %add3A_2569, %sign3A_2575 : i32
    %sign3A_2577 = arith.extui %sign3A_2576 : i1 to i32
    %sign3A_2578 = arith.subi %sign3A_2574, %sign3A_2577 : i32
    %sign3A_2579 = arith.constant 0 : i32
    %sign3A_2580 = arith.cmpi sgt, %jit3A_2570, %sign3A_2579 : i32
    %sign3A_2581 = arith.extui %sign3A_2580 : i1 to i32
    %sign3A_2582 = arith.constant 0 : i32
    %sign3A_2583 = arith.cmpi slt, %jit3A_2570, %sign3A_2582 : i32
    %sign3A_2584 = arith.extui %sign3A_2583 : i1 to i32
    %sign3A_2585 = arith.subi %sign3A_2581, %sign3A_2584 : i32
    %ne3A_2586 = arith.cmpi ne, %sign3A_2578, %sign3A_2585 : i32
    %rem3A_2587 = arith.remsi %add3A_2569, %jit3A_2570 : i32
    %ne3A_2588 = arith.constant 0 : i32
    %ne3A_2589 = arith.cmpi ne, %rem3A_2587, %ne3A_2588 : i32
    %and3A_2590 = arith.andi %ne3A_2586, %ne3A_2589 : i1
    %sub3A_2591 = arith.constant 1 : i32
    %sub3A_2592 = arith.subi %div3A_2571, %sub3A_2591 : i32
    %select_n3A_2593 = arith.select %and3A_2590, %sub3A_2592, %div3A_2571 : i32
    %jit3A_2594 = arith.constant 8 : i32
    %eq3A_2595 = arith.constant 0 : i32
    %eq3A_2596 = arith.cmpi eq, %jit3A_2594, %eq3A_2595 : i32
    %jit3A_2597 = arith.constant 1 : i32
    %select_n3A_2598 = arith.select %eq3A_2596, %jit3A_2597, %jit3A_2594 : i32
    %rem3A_2599 = arith.remsi %add3A_2569, %select_n3A_2598 : i32
    %ne3A_2600 = arith.constant 0 : i32
    %ne3A_2601 = arith.cmpi ne, %rem3A_2599, %ne3A_2600 : i32
    %lt3A_2602 = arith.constant 0 : i32
    %lt3A_2603 = arith.cmpi slt, %rem3A_2599, %lt3A_2602 : i32
    %lt3A_2604 = arith.constant 0 : i32
    %lt3A_2605 = arith.cmpi slt, %select_n3A_2598, %lt3A_2604 : i32
    %ne3A_2606 = arith.xori %lt3A_2603, %lt3A_2605 : i1
    %and3A_2607 = arith.andi %ne3A_2606, %ne3A_2601 : i1
    %add3A_2608 = arith.addi %rem3A_2599, %select_n3A_2598 : i32
    %select_n3A_2609 = arith.select %and3A_2607, %add3A_2608, %rem3A_2599 : i32
    %mul3A_2610 = arith.constant 31 : i32
    %mul3A_2611 = arith.muli %select_n3A_2609, %mul3A_2610 : i32
    %jit3A_2612 = arith.constant 7 : i32
    %div3A_2613 = arith.divsi %mul3A_2611, %jit3A_2612 : i32
    %sign3A_2614 = arith.constant 0 : i32
    %sign3A_2615 = arith.cmpi sgt, %mul3A_2611, %sign3A_2614 : i32
    %sign3A_2616 = arith.extui %sign3A_2615 : i1 to i32
    %sign3A_2617 = arith.constant 0 : i32
    %sign3A_2618 = arith.cmpi slt, %mul3A_2611, %sign3A_2617 : i32
    %sign3A_2619 = arith.extui %sign3A_2618 : i1 to i32
    %sign3A_2620 = arith.subi %sign3A_2616, %sign3A_2619 : i32
    %sign3A_2621 = arith.constant 0 : i32
    %sign3A_2622 = arith.cmpi sgt, %jit3A_2612, %sign3A_2621 : i32
    %sign3A_2623 = arith.extui %sign3A_2622 : i1 to i32
    %sign3A_2624 = arith.constant 0 : i32
    %sign3A_2625 = arith.cmpi slt, %jit3A_2612, %sign3A_2624 : i32
    %sign3A_2626 = arith.extui %sign3A_2625 : i1 to i32
    %sign3A_2627 = arith.subi %sign3A_2623, %sign3A_2626 : i32
    %ne3A_2628 = arith.cmpi ne, %sign3A_2620, %sign3A_2627 : i32
    %rem3A_2629 = arith.remsi %mul3A_2611, %jit3A_2612 : i32
    %ne3A_2630 = arith.constant 0 : i32
    %ne3A_2631 = arith.cmpi ne, %rem3A_2629, %ne3A_2630 : i32
    %and3A_2632 = arith.andi %ne3A_2628, %ne3A_2631 : i1
    %sub3A_2633 = arith.constant 1 : i32
    %sub3A_2634 = arith.subi %div3A_2613, %sub3A_2633 : i32
    %select_n3A_2635 = arith.select %and3A_2632, %sub3A_2634, %div3A_2613 : i32
    %dma_wait3A_2636 = arith.constant 0 : i32
    %dma_wait3A_2637 = arith.constant 64 : i32
    %dma_wait3A_2638 = arith.constant 0 : i32
    %dma_wait3A_2639 = tpu.memref_slice %arg2[%select_n3A_1977, %select_n3A_2019, %dma_wait3A_2636, %dma_wait3A_2637, %dma_wait3A_2638] : memref<8x32x3x256x256xf32, #tpu.memory_space<hbm>> -> memref<1x1x1x64x256xf32, #tpu.memory_space<hbm>>
    %dma_wait3A_2640 = tpu.memref_squeeze %dma_wait3A_2639 : memref<1x1x1x64x256xf32, #tpu.memory_space<hbm>> -> memref<64x256xf32, #tpu.memory_space<hbm>>
    %dma_wait3A_2641 = arith.constant 64 : i32
    %dma_wait3A_2642 = arith.constant 0 : i32
    %dma_wait3A_2643 = tpu.memref_slice %arg2[%select_n3A_1977, %select_n3A_2019, %dma_wait3A_2636, %dma_wait3A_2641, %dma_wait3A_2642] : memref<8x32x3x256x256xf32, #tpu.memory_space<hbm>> -> memref<1x1x1x64x256xf32, #tpu.memory_space<hbm>>
    %dma_wait3A_2644 = tpu.memref_squeeze %dma_wait3A_2643 : memref<1x1x1x64x256xf32, #tpu.memory_space<hbm>> -> memref<64x256xf32, #tpu.memory_space<hbm>>
    tpu.wait_dma2 semaphore(%arg17 : memref<!tpu.dma_semaphore, #tpu.memory_space<semaphore_mem>>) src(%dma_wait3A_2644 : memref<64x256xf32, #tpu.memory_space<hbm>>) dst(%arg10 : memref<64x256xf32, #tpu.memory_space<vmem>>)
    %dma_start3A_2645 = arith.constant 0 : i32
    %dma_start3A_2646 = arith.constant 64 : i32
    %dma_start3A_2647 = arith.constant 0 : i32
    %dma_start3A_2648 = tpu.memref_slice %arg3[%select_n3A_2593, %select_n3A_2609, %dma_start3A_2645, %dma_start3A_2646, %dma_start3A_2647] : memref<8x8x3x256x256xf32, #tpu.memory_space<hbm>> -> memref<1x1x1x64x256xf32, #tpu.memory_space<hbm>>
    %dma_start3A_2649 = tpu.memref_squeeze %dma_start3A_2648 : memref<1x1x1x64x256xf32, #tpu.memory_space<hbm>> -> memref<64x256xf32, #tpu.memory_space<hbm>>
    %dma_start3A_2650 = arith.constant 64 : i32
    %dma_start3A_2651 = arith.constant 0 : i32
    %dma_start3A_2652 = tpu.memref_slice %arg3[%select_n3A_2593, %select_n3A_2609, %dma_start3A_2645, %dma_start3A_2650, %dma_start3A_2651] : memref<8x8x3x256x256xf32, #tpu.memory_space<hbm>> -> memref<1x1x1x64x256xf32, #tpu.memory_space<hbm>>
    %dma_start3A_2653 = tpu.memref_squeeze %dma_start3A_2652 : memref<1x1x1x64x256xf32, #tpu.memory_space<hbm>> -> memref<64x256xf32, #tpu.memory_space<hbm>>
    tpu.enqueue_dma source(%arg10 : memref<64x256xf32, #tpu.memory_space<vmem>>) target(%dma_start3A_2653 : memref<64x256xf32, #tpu.memory_space<hbm>>) target_semaphore(%arg24 : memref<!tpu.dma_semaphore, #tpu.memory_space<semaphore_mem>>)
    %mul3A_2654 = arith.constant 2 : i32
    %mul3A_2655 = arith.muli %add3A, %mul3A_2654 : i32
    %add3A_2656 = arith.constant 1 : i32
    %add3A_2657 = arith.addi %mul3A_2655, %add3A_2656 : i32
    %jit3A_2658 = arith.constant 8 : i32
    %div3A_2659 = arith.divsi %add3A_2657, %jit3A_2658 : i32
    %sign3A_2660 = arith.constant 0 : i32
    %sign3A_2661 = arith.cmpi sgt, %add3A_2657, %sign3A_2660 : i32
    %sign3A_2662 = arith.extui %sign3A_2661 : i1 to i32
    %sign3A_2663 = arith.constant 0 : i32
    %sign3A_2664 = arith.cmpi slt, %add3A_2657, %sign3A_2663 : i32
    %sign3A_2665 = arith.extui %sign3A_2664 : i1 to i32
    %sign3A_2666 = arith.subi %sign3A_2662, %sign3A_2665 : i32
    %sign3A_2667 = arith.constant 0 : i32
    %sign3A_2668 = arith.cmpi sgt, %jit3A_2658, %sign3A_2667 : i32
    %sign3A_2669 = arith.extui %sign3A_2668 : i1 to i32
    %sign3A_2670 = arith.constant 0 : i32
    %sign3A_2671 = arith.cmpi slt, %jit3A_2658, %sign3A_2670 : i32
    %sign3A_2672 = arith.extui %sign3A_2671 : i1 to i32
    %sign3A_2673 = arith.subi %sign3A_2669, %sign3A_2672 : i32
    %ne3A_2674 = arith.cmpi ne, %sign3A_2666, %sign3A_2673 : i32
    %rem3A_2675 = arith.remsi %add3A_2657, %jit3A_2658 : i32
    %ne3A_2676 = arith.constant 0 : i32
    %ne3A_2677 = arith.cmpi ne, %rem3A_2675, %ne3A_2676 : i32
    %and3A_2678 = arith.andi %ne3A_2674, %ne3A_2677 : i1
    %sub3A_2679 = arith.constant 1 : i32
    %sub3A_2680 = arith.subi %div3A_2659, %sub3A_2679 : i32
    %select_n3A_2681 = arith.select %and3A_2678, %sub3A_2680, %div3A_2659 : i32
    %jit3A_2682 = arith.constant 8 : i32
    %eq3A_2683 = arith.constant 0 : i32
    %eq3A_2684 = arith.cmpi eq, %jit3A_2682, %eq3A_2683 : i32
    %jit3A_2685 = arith.constant 1 : i32
    %select_n3A_2686 = arith.select %eq3A_2684, %jit3A_2685, %jit3A_2682 : i32
    %rem3A_2687 = arith.remsi %add3A_2657, %select_n3A_2686 : i32
    %ne3A_2688 = arith.constant 0 : i32
    %ne3A_2689 = arith.cmpi ne, %rem3A_2687, %ne3A_2688 : i32
    %lt3A_2690 = arith.constant 0 : i32
    %lt3A_2691 = arith.cmpi slt, %rem3A_2687, %lt3A_2690 : i32
    %lt3A_2692 = arith.constant 0 : i32
    %lt3A_2693 = arith.cmpi slt, %select_n3A_2686, %lt3A_2692 : i32
    %ne3A_2694 = arith.xori %lt3A_2691, %lt3A_2693 : i1
    %and3A_2695 = arith.andi %ne3A_2694, %ne3A_2689 : i1
    %add3A_2696 = arith.addi %rem3A_2687, %select_n3A_2686 : i32
    %select_n3A_2697 = arith.select %and3A_2695, %add3A_2696, %rem3A_2687 : i32
    %mul3A_2698 = arith.constant 31 : i32
    %mul3A_2699 = arith.muli %select_n3A_2697, %mul3A_2698 : i32
    %jit3A_2700 = arith.constant 7 : i32
    %div3A_2701 = arith.divsi %mul3A_2699, %jit3A_2700 : i32
    %sign3A_2702 = arith.constant 0 : i32
    %sign3A_2703 = arith.cmpi sgt, %mul3A_2699, %sign3A_2702 : i32
    %sign3A_2704 = arith.extui %sign3A_2703 : i1 to i32
    %sign3A_2705 = arith.constant 0 : i32
    %sign3A_2706 = arith.cmpi slt, %mul3A_2699, %sign3A_2705 : i32
    %sign3A_2707 = arith.extui %sign3A_2706 : i1 to i32
    %sign3A_2708 = arith.subi %sign3A_2704, %sign3A_2707 : i32
    %sign3A_2709 = arith.constant 0 : i32
    %sign3A_2710 = arith.cmpi sgt, %jit3A_2700, %sign3A_2709 : i32
    %sign3A_2711 = arith.extui %sign3A_2710 : i1 to i32
    %sign3A_2712 = arith.constant 0 : i32
    %sign3A_2713 = arith.cmpi slt, %jit3A_2700, %sign3A_2712 : i32
    %sign3A_2714 = arith.extui %sign3A_2713 : i1 to i32
    %sign3A_2715 = arith.subi %sign3A_2711, %sign3A_2714 : i32
    %ne3A_2716 = arith.cmpi ne, %sign3A_2708, %sign3A_2715 : i32
    %rem3A_2717 = arith.remsi %mul3A_2699, %jit3A_2700 : i32
    %ne3A_2718 = arith.constant 0 : i32
    %ne3A_2719 = arith.cmpi ne, %rem3A_2717, %ne3A_2718 : i32
    %and3A_2720 = arith.andi %ne3A_2716, %ne3A_2719 : i1
    %sub3A_2721 = arith.constant 1 : i32
    %sub3A_2722 = arith.subi %div3A_2701, %sub3A_2721 : i32
    %select_n3A_2723 = arith.select %and3A_2720, %sub3A_2722, %div3A_2701 : i32
    %dma_wait3A_2724 = arith.constant 2 : i32
    %dma_wait3A_2725 = arith.constant 128 : i32
    %dma_wait3A_2726 = arith.constant 0 : i32
    %dma_wait3A_2727 = tpu.memref_slice %arg3[%select_n3A_2065, %select_n3A_2081, %dma_wait3A_2724, %dma_wait3A_2725, %dma_wait3A_2726] : memref<8x8x3x256x256xf32, #tpu.memory_space<hbm>> -> memref<1x1x1x64x256xf32, #tpu.memory_space<hbm>>
    %dma_wait3A_2728 = tpu.memref_squeeze %dma_wait3A_2727 : memref<1x1x1x64x256xf32, #tpu.memory_space<hbm>> -> memref<64x256xf32, #tpu.memory_space<hbm>>
    %dma_wait3A_2729 = arith.constant 128 : i32
    %dma_wait3A_2730 = arith.constant 0 : i32
    %dma_wait3A_2731 = tpu.memref_slice %arg3[%select_n3A_2065, %select_n3A_2081, %dma_wait3A_2724, %dma_wait3A_2729, %dma_wait3A_2730] : memref<8x8x3x256x256xf32, #tpu.memory_space<hbm>> -> memref<1x1x1x64x256xf32, #tpu.memory_space<hbm>>
    %dma_wait3A_2732 = tpu.memref_squeeze %dma_wait3A_2731 : memref<1x1x1x64x256xf32, #tpu.memory_space<hbm>> -> memref<64x256xf32, #tpu.memory_space<hbm>>
    tpu.wait_dma2 semaphore(%arg21 : memref<!tpu.dma_semaphore, #tpu.memory_space<semaphore_mem>>) src(%arg7 : memref<64x256xf32, #tpu.memory_space<vmem>>) dst(%dma_wait3A_2732 : memref<64x256xf32, #tpu.memory_space<hbm>>)
    %dma_start3A_2733 = arith.constant 1 : i32
    %dma_start3A_2734 = arith.constant 64 : i32
    %dma_start3A_2735 = arith.constant 0 : i32
    %dma_start3A_2736 = tpu.memref_slice %arg2[%select_n3A_2681, %select_n3A_2723, %dma_start3A_2733, %dma_start3A_2734, %dma_start3A_2735] : memref<8x32x3x256x256xf32, #tpu.memory_space<hbm>> -> memref<1x1x1x64x256xf32, #tpu.memory_space<hbm>>
    %dma_start3A_2737 = tpu.memref_squeeze %dma_start3A_2736 : memref<1x1x1x64x256xf32, #tpu.memory_space<hbm>> -> memref<64x256xf32, #tpu.memory_space<hbm>>
    %dma_start3A_2738 = arith.constant 64 : i32
    %dma_start3A_2739 = arith.constant 0 : i32
    %dma_start3A_2740 = tpu.memref_slice %arg2[%select_n3A_2681, %select_n3A_2723, %dma_start3A_2733, %dma_start3A_2738, %dma_start3A_2739] : memref<8x32x3x256x256xf32, #tpu.memory_space<hbm>> -> memref<1x1x1x64x256xf32, #tpu.memory_space<hbm>>
    %dma_start3A_2741 = tpu.memref_squeeze %dma_start3A_2740 : memref<1x1x1x64x256xf32, #tpu.memory_space<hbm>> -> memref<64x256xf32, #tpu.memory_space<hbm>>
    tpu.enqueue_dma source(%dma_start3A_2741 : memref<64x256xf32, #tpu.memory_space<hbm>>) target(%arg7 : memref<64x256xf32, #tpu.memory_space<vmem>>) target_semaphore(%arg14 : memref<!tpu.dma_semaphore, #tpu.memory_space<semaphore_mem>>)
    %mul3A_2742 = arith.constant 2 : i32
    %mul3A_2743 = arith.muli %add3A, %mul3A_2742 : i32
    %add3A_2744 = arith.constant 1 : i32
    %add3A_2745 = arith.addi %mul3A_2743, %add3A_2744 : i32
    %jit3A_2746 = arith.constant 8 : i32
    %div3A_2747 = arith.divsi %add3A_2745, %jit3A_2746 : i32
    %sign3A_2748 = arith.constant 0 : i32
    %sign3A_2749 = arith.cmpi sgt, %add3A_2745, %sign3A_2748 : i32
    %sign3A_2750 = arith.extui %sign3A_2749 : i1 to i32
    %sign3A_2751 = arith.constant 0 : i32
    %sign3A_2752 = arith.cmpi slt, %add3A_2745, %sign3A_2751 : i32
    %sign3A_2753 = arith.extui %sign3A_2752 : i1 to i32
    %sign3A_2754 = arith.subi %sign3A_2750, %sign3A_2753 : i32
    %sign3A_2755 = arith.constant 0 : i32
    %sign3A_2756 = arith.cmpi sgt, %jit3A_2746, %sign3A_2755 : i32
    %sign3A_2757 = arith.extui %sign3A_2756 : i1 to i32
    %sign3A_2758 = arith.constant 0 : i32
    %sign3A_2759 = arith.cmpi slt, %jit3A_2746, %sign3A_2758 : i32
    %sign3A_2760 = arith.extui %sign3A_2759 : i1 to i32
    %sign3A_2761 = arith.subi %sign3A_2757, %sign3A_2760 : i32
    %ne3A_2762 = arith.cmpi ne, %sign3A_2754, %sign3A_2761 : i32
    %rem3A_2763 = arith.remsi %add3A_2745, %jit3A_2746 : i32
    %ne3A_2764 = arith.constant 0 : i32
    %ne3A_2765 = arith.cmpi ne, %rem3A_2763, %ne3A_2764 : i32
    %and3A_2766 = arith.andi %ne3A_2762, %ne3A_2765 : i1
    %sub3A_2767 = arith.constant 1 : i32
    %sub3A_2768 = arith.subi %div3A_2747, %sub3A_2767 : i32
    %select_n3A_2769 = arith.select %and3A_2766, %sub3A_2768, %div3A_2747 : i32
    %jit3A_2770 = arith.constant 8 : i32
    %eq3A_2771 = arith.constant 0 : i32
    %eq3A_2772 = arith.cmpi eq, %jit3A_2770, %eq3A_2771 : i32
    %jit3A_2773 = arith.constant 1 : i32
    %select_n3A_2774 = arith.select %eq3A_2772, %jit3A_2773, %jit3A_2770 : i32
    %rem3A_2775 = arith.remsi %add3A_2745, %select_n3A_2774 : i32
    %ne3A_2776 = arith.constant 0 : i32
    %ne3A_2777 = arith.cmpi ne, %rem3A_2775, %ne3A_2776 : i32
    %lt3A_2778 = arith.constant 0 : i32
    %lt3A_2779 = arith.cmpi slt, %rem3A_2775, %lt3A_2778 : i32
    %lt3A_2780 = arith.constant 0 : i32
    %lt3A_2781 = arith.cmpi slt, %select_n3A_2774, %lt3A_2780 : i32
    %ne3A_2782 = arith.xori %lt3A_2779, %lt3A_2781 : i1
    %and3A_2783 = arith.andi %ne3A_2782, %ne3A_2777 : i1
    %add3A_2784 = arith.addi %rem3A_2775, %select_n3A_2774 : i32
    %select_n3A_2785 = arith.select %and3A_2783, %add3A_2784, %rem3A_2775 : i32
    %mul3A_2786 = arith.constant 31 : i32
    %mul3A_2787 = arith.muli %select_n3A_2785, %mul3A_2786 : i32
    %jit3A_2788 = arith.constant 7 : i32
    %div3A_2789 = arith.divsi %mul3A_2787, %jit3A_2788 : i32
    %sign3A_2790 = arith.constant 0 : i32
    %sign3A_2791 = arith.cmpi sgt, %mul3A_2787, %sign3A_2790 : i32
    %sign3A_2792 = arith.extui %sign3A_2791 : i1 to i32
    %sign3A_2793 = arith.constant 0 : i32
    %sign3A_2794 = arith.cmpi slt, %mul3A_2787, %sign3A_2793 : i32
    %sign3A_2795 = arith.extui %sign3A_2794 : i1 to i32
    %sign3A_2796 = arith.subi %sign3A_2792, %sign3A_2795 : i32
    %sign3A_2797 = arith.constant 0 : i32
    %sign3A_2798 = arith.cmpi sgt, %jit3A_2788, %sign3A_2797 : i32
    %sign3A_2799 = arith.extui %sign3A_2798 : i1 to i32
    %sign3A_2800 = arith.constant 0 : i32
    %sign3A_2801 = arith.cmpi slt, %jit3A_2788, %sign3A_2800 : i32
    %sign3A_2802 = arith.extui %sign3A_2801 : i1 to i32
    %sign3A_2803 = arith.subi %sign3A_2799, %sign3A_2802 : i32
    %ne3A_2804 = arith.cmpi ne, %sign3A_2796, %sign3A_2803 : i32
    %rem3A_2805 = arith.remsi %mul3A_2787, %jit3A_2788 : i32
    %ne3A_2806 = arith.constant 0 : i32
    %ne3A_2807 = arith.cmpi ne, %rem3A_2805, %ne3A_2806 : i32
    %and3A_2808 = arith.andi %ne3A_2804, %ne3A_2807 : i1
    %sub3A_2809 = arith.constant 1 : i32
    %sub3A_2810 = arith.subi %div3A_2789, %sub3A_2809 : i32
    %select_n3A_2811 = arith.select %and3A_2808, %sub3A_2810, %div3A_2789 : i32
    %dma_wait3A_2812 = arith.constant 0 : i32
    %dma_wait3A_2813 = arith.constant 128 : i32
    %dma_wait3A_2814 = arith.constant 0 : i32
    %dma_wait3A_2815 = tpu.memref_slice %arg2[%select_n3A_2153, %select_n3A_2195, %dma_wait3A_2812, %dma_wait3A_2813, %dma_wait3A_2814] : memref<8x32x3x256x256xf32, #tpu.memory_space<hbm>> -> memref<1x1x1x64x256xf32, #tpu.memory_space<hbm>>
    %dma_wait3A_2816 = tpu.memref_squeeze %dma_wait3A_2815 : memref<1x1x1x64x256xf32, #tpu.memory_space<hbm>> -> memref<64x256xf32, #tpu.memory_space<hbm>>
    %dma_wait3A_2817 = arith.constant 128 : i32
    %dma_wait3A_2818 = arith.constant 0 : i32
    %dma_wait3A_2819 = tpu.memref_slice %arg2[%select_n3A_2153, %select_n3A_2195, %dma_wait3A_2812, %dma_wait3A_2817, %dma_wait3A_2818] : memref<8x32x3x256x256xf32, #tpu.memory_space<hbm>> -> memref<1x1x1x64x256xf32, #tpu.memory_space<hbm>>
    %dma_wait3A_2820 = tpu.memref_squeeze %dma_wait3A_2819 : memref<1x1x1x64x256xf32, #tpu.memory_space<hbm>> -> memref<64x256xf32, #tpu.memory_space<hbm>>
    tpu.wait_dma2 semaphore(%arg11 : memref<!tpu.dma_semaphore, #tpu.memory_space<semaphore_mem>>) src(%dma_wait3A_2820 : memref<64x256xf32, #tpu.memory_space<hbm>>) dst(%arg4 : memref<64x256xf32, #tpu.memory_space<vmem>>)
    %dma_start3A_2821 = arith.constant 0 : i32
    %dma_start3A_2822 = arith.constant 128 : i32
    %dma_start3A_2823 = arith.constant 0 : i32
    %dma_start3A_2824 = tpu.memref_slice %arg3[%select_n3A_2769, %select_n3A_2785, %dma_start3A_2821, %dma_start3A_2822, %dma_start3A_2823] : memref<8x8x3x256x256xf32, #tpu.memory_space<hbm>> -> memref<1x1x1x64x256xf32, #tpu.memory_space<hbm>>
    %dma_start3A_2825 = tpu.memref_squeeze %dma_start3A_2824 : memref<1x1x1x64x256xf32, #tpu.memory_space<hbm>> -> memref<64x256xf32, #tpu.memory_space<hbm>>
    %dma_start3A_2826 = arith.constant 128 : i32
    %dma_start3A_2827 = arith.constant 0 : i32
    %dma_start3A_2828 = tpu.memref_slice %arg3[%select_n3A_2769, %select_n3A_2785, %dma_start3A_2821, %dma_start3A_2826, %dma_start3A_2827] : memref<8x8x3x256x256xf32, #tpu.memory_space<hbm>> -> memref<1x1x1x64x256xf32, #tpu.memory_space<hbm>>
    %dma_start3A_2829 = tpu.memref_squeeze %dma_start3A_2828 : memref<1x1x1x64x256xf32, #tpu.memory_space<hbm>> -> memref<64x256xf32, #tpu.memory_space<hbm>>
    tpu.enqueue_dma source(%arg4 : memref<64x256xf32, #tpu.memory_space<vmem>>) target(%dma_start3A_2829 : memref<64x256xf32, #tpu.memory_space<hbm>>) target_semaphore(%arg18 : memref<!tpu.dma_semaphore, #tpu.memory_space<semaphore_mem>>)
    %mul3A_2830 = arith.constant 2 : i32
    %mul3A_2831 = arith.muli %add3A, %mul3A_2830 : i32
    %add3A_2832 = arith.constant 1 : i32
    %add3A_2833 = arith.addi %mul3A_2831, %add3A_2832 : i32
    %jit3A_2834 = arith.constant 8 : i32
    %div3A_2835 = arith.divsi %add3A_2833, %jit3A_2834 : i32
    %sign3A_2836 = arith.constant 0 : i32
    %sign3A_2837 = arith.cmpi sgt, %add3A_2833, %sign3A_2836 : i32
    %sign3A_2838 = arith.extui %sign3A_2837 : i1 to i32
    %sign3A_2839 = arith.constant 0 : i32
    %sign3A_2840 = arith.cmpi slt, %add3A_2833, %sign3A_2839 : i32
    %sign3A_2841 = arith.extui %sign3A_2840 : i1 to i32
    %sign3A_2842 = arith.subi %sign3A_2838, %sign3A_2841 : i32
    %sign3A_2843 = arith.constant 0 : i32
    %sign3A_2844 = arith.cmpi sgt, %jit3A_2834, %sign3A_2843 : i32
    %sign3A_2845 = arith.extui %sign3A_2844 : i1 to i32
    %sign3A_2846 = arith.constant 0 : i32
    %sign3A_2847 = arith.cmpi slt, %jit3A_2834, %sign3A_2846 : i32
    %sign3A_2848 = arith.extui %sign3A_2847 : i1 to i32
    %sign3A_2849 = arith.subi %sign3A_2845, %sign3A_2848 : i32
    %ne3A_2850 = arith.cmpi ne, %sign3A_2842, %sign3A_2849 : i32
    %rem3A_2851 = arith.remsi %add3A_2833, %jit3A_2834 : i32
    %ne3A_2852 = arith.constant 0 : i32
    %ne3A_2853 = arith.cmpi ne, %rem3A_2851, %ne3A_2852 : i32
    %and3A_2854 = arith.andi %ne3A_2850, %ne3A_2853 : i1
    %sub3A_2855 = arith.constant 1 : i32
    %sub3A_2856 = arith.subi %div3A_2835, %sub3A_2855 : i32
    %select_n3A_2857 = arith.select %and3A_2854, %sub3A_2856, %div3A_2835 : i32
    %jit3A_2858 = arith.constant 8 : i32
    %eq3A_2859 = arith.constant 0 : i32
    %eq3A_2860 = arith.cmpi eq, %jit3A_2858, %eq3A_2859 : i32
    %jit3A_2861 = arith.constant 1 : i32
    %select_n3A_2862 = arith.select %eq3A_2860, %jit3A_2861, %jit3A_2858 : i32
    %rem3A_2863 = arith.remsi %add3A_2833, %select_n3A_2862 : i32
    %ne3A_2864 = arith.constant 0 : i32
    %ne3A_2865 = arith.cmpi ne, %rem3A_2863, %ne3A_2864 : i32
    %lt3A_2866 = arith.constant 0 : i32
    %lt3A_2867 = arith.cmpi slt, %rem3A_2863, %lt3A_2866 : i32
    %lt3A_2868 = arith.constant 0 : i32
    %lt3A_2869 = arith.cmpi slt, %select_n3A_2862, %lt3A_2868 : i32
    %ne3A_2870 = arith.xori %lt3A_2867, %lt3A_2869 : i1
    %and3A_2871 = arith.andi %ne3A_2870, %ne3A_2865 : i1
    %add3A_2872 = arith.addi %rem3A_2863, %select_n3A_2862 : i32
    %select_n3A_2873 = arith.select %and3A_2871, %add3A_2872, %rem3A_2863 : i32
    %mul3A_2874 = arith.constant 31 : i32
    %mul3A_2875 = arith.muli %select_n3A_2873, %mul3A_2874 : i32
    %jit3A_2876 = arith.constant 7 : i32
    %div3A_2877 = arith.divsi %mul3A_2875, %jit3A_2876 : i32
    %sign3A_2878 = arith.constant 0 : i32
    %sign3A_2879 = arith.cmpi sgt, %mul3A_2875, %sign3A_2878 : i32
    %sign3A_2880 = arith.extui %sign3A_2879 : i1 to i32
    %sign3A_2881 = arith.constant 0 : i32
    %sign3A_2882 = arith.cmpi slt, %mul3A_2875, %sign3A_2881 : i32
    %sign3A_2883 = arith.extui %sign3A_2882 : i1 to i32
    %sign3A_2884 = arith.subi %sign3A_2880, %sign3A_2883 : i32
    %sign3A_2885 = arith.constant 0 : i32
    %sign3A_2886 = arith.cmpi sgt, %jit3A_2876, %sign3A_2885 : i32
    %sign3A_2887 = arith.extui %sign3A_2886 : i1 to i32
    %sign3A_2888 = arith.constant 0 : i32
    %sign3A_2889 = arith.cmpi slt, %jit3A_2876, %sign3A_2888 : i32
    %sign3A_2890 = arith.extui %sign3A_2889 : i1 to i32
    %sign3A_2891 = arith.subi %sign3A_2887, %sign3A_2890 : i32
    %ne3A_2892 = arith.cmpi ne, %sign3A_2884, %sign3A_2891 : i32
    %rem3A_2893 = arith.remsi %mul3A_2875, %jit3A_2876 : i32
    %ne3A_2894 = arith.constant 0 : i32
    %ne3A_2895 = arith.cmpi ne, %rem3A_2893, %ne3A_2894 : i32
    %and3A_2896 = arith.andi %ne3A_2892, %ne3A_2895 : i1
    %sub3A_2897 = arith.constant 1 : i32
    %sub3A_2898 = arith.subi %div3A_2877, %sub3A_2897 : i32
    %select_n3A_2899 = arith.select %and3A_2896, %sub3A_2898, %div3A_2877 : i32
    %dma_wait3A_2900 = arith.constant 2 : i32
    %dma_wait3A_2901 = arith.constant 192 : i32
    %dma_wait3A_2902 = arith.constant 0 : i32
    %dma_wait3A_2903 = tpu.memref_slice %arg3[%select_n3A_2241, %select_n3A_2257, %dma_wait3A_2900, %dma_wait3A_2901, %dma_wait3A_2902] : memref<8x8x3x256x256xf32, #tpu.memory_space<hbm>> -> memref<1x1x1x64x256xf32, #tpu.memory_space<hbm>>
    %dma_wait3A_2904 = tpu.memref_squeeze %dma_wait3A_2903 : memref<1x1x1x64x256xf32, #tpu.memory_space<hbm>> -> memref<64x256xf32, #tpu.memory_space<hbm>>
    %dma_wait3A_2905 = arith.constant 192 : i32
    %dma_wait3A_2906 = arith.constant 0 : i32
    %dma_wait3A_2907 = tpu.memref_slice %arg3[%select_n3A_2241, %select_n3A_2257, %dma_wait3A_2900, %dma_wait3A_2905, %dma_wait3A_2906] : memref<8x8x3x256x256xf32, #tpu.memory_space<hbm>> -> memref<1x1x1x64x256xf32, #tpu.memory_space<hbm>>
    %dma_wait3A_2908 = tpu.memref_squeeze %dma_wait3A_2907 : memref<1x1x1x64x256xf32, #tpu.memory_space<hbm>> -> memref<64x256xf32, #tpu.memory_space<hbm>>
    tpu.wait_dma2 semaphore(%arg22 : memref<!tpu.dma_semaphore, #tpu.memory_space<semaphore_mem>>) src(%arg8 : memref<64x256xf32, #tpu.memory_space<vmem>>) dst(%dma_wait3A_2908 : memref<64x256xf32, #tpu.memory_space<hbm>>)
    %dma_start3A_2909 = arith.constant 1 : i32
    %dma_start3A_2910 = arith.constant 128 : i32
    %dma_start3A_2911 = arith.constant 0 : i32
    %dma_start3A_2912 = tpu.memref_slice %arg2[%select_n3A_2857, %select_n3A_2899, %dma_start3A_2909, %dma_start3A_2910, %dma_start3A_2911] : memref<8x32x3x256x256xf32, #tpu.memory_space<hbm>> -> memref<1x1x1x64x256xf32, #tpu.memory_space<hbm>>
    %dma_start3A_2913 = tpu.memref_squeeze %dma_start3A_2912 : memref<1x1x1x64x256xf32, #tpu.memory_space<hbm>> -> memref<64x256xf32, #tpu.memory_space<hbm>>
    %dma_start3A_2914 = arith.constant 128 : i32
    %dma_start3A_2915 = arith.constant 0 : i32
    %dma_start3A_2916 = tpu.memref_slice %arg2[%select_n3A_2857, %select_n3A_2899, %dma_start3A_2909, %dma_start3A_2914, %dma_start3A_2915] : memref<8x32x3x256x256xf32, #tpu.memory_space<hbm>> -> memref<1x1x1x64x256xf32, #tpu.memory_space<hbm>>
    %dma_start3A_2917 = tpu.memref_squeeze %dma_start3A_2916 : memref<1x1x1x64x256xf32, #tpu.memory_space<hbm>> -> memref<64x256xf32, #tpu.memory_space<hbm>>
    tpu.enqueue_dma source(%dma_start3A_2917 : memref<64x256xf32, #tpu.memory_space<hbm>>) target(%arg8 : memref<64x256xf32, #tpu.memory_space<vmem>>) target_semaphore(%arg15 : memref<!tpu.dma_semaphore, #tpu.memory_space<semaphore_mem>>)
    %mul3A_2918 = arith.constant 2 : i32
    %mul3A_2919 = arith.muli %add3A, %mul3A_2918 : i32
    %add3A_2920 = arith.constant 1 : i32
    %add3A_2921 = arith.addi %mul3A_2919, %add3A_2920 : i32
    %jit3A_2922 = arith.constant 8 : i32
    %div3A_2923 = arith.divsi %add3A_2921, %jit3A_2922 : i32
    %sign3A_2924 = arith.constant 0 : i32
    %sign3A_2925 = arith.cmpi sgt, %add3A_2921, %sign3A_2924 : i32
    %sign3A_2926 = arith.extui %sign3A_2925 : i1 to i32
    %sign3A_2927 = arith.constant 0 : i32
    %sign3A_2928 = arith.cmpi slt, %add3A_2921, %sign3A_2927 : i32
    %sign3A_2929 = arith.extui %sign3A_2928 : i1 to i32
    %sign3A_2930 = arith.subi %sign3A_2926, %sign3A_2929 : i32
    %sign3A_2931 = arith.constant 0 : i32
    %sign3A_2932 = arith.cmpi sgt, %jit3A_2922, %sign3A_2931 : i32
    %sign3A_2933 = arith.extui %sign3A_2932 : i1 to i32
    %sign3A_2934 = arith.constant 0 : i32
    %sign3A_2935 = arith.cmpi slt, %jit3A_2922, %sign3A_2934 : i32
    %sign3A_2936 = arith.extui %sign3A_2935 : i1 to i32
    %sign3A_2937 = arith.subi %sign3A_2933, %sign3A_2936 : i32
    %ne3A_2938 = arith.cmpi ne, %sign3A_2930, %sign3A_2937 : i32
    %rem3A_2939 = arith.remsi %add3A_2921, %jit3A_2922 : i32
    %ne3A_2940 = arith.constant 0 : i32
    %ne3A_2941 = arith.cmpi ne, %rem3A_2939, %ne3A_2940 : i32
    %and3A_2942 = arith.andi %ne3A_2938, %ne3A_2941 : i1
    %sub3A_2943 = arith.constant 1 : i32
    %sub3A_2944 = arith.subi %div3A_2923, %sub3A_2943 : i32
    %select_n3A_2945 = arith.select %and3A_2942, %sub3A_2944, %div3A_2923 : i32
    %jit3A_2946 = arith.constant 8 : i32
    %eq3A_2947 = arith.constant 0 : i32
    %eq3A_2948 = arith.cmpi eq, %jit3A_2946, %eq3A_2947 : i32
    %jit3A_2949 = arith.constant 1 : i32
    %select_n3A_2950 = arith.select %eq3A_2948, %jit3A_2949, %jit3A_2946 : i32
    %rem3A_2951 = arith.remsi %add3A_2921, %select_n3A_2950 : i32
    %ne3A_2952 = arith.constant 0 : i32
    %ne3A_2953 = arith.cmpi ne, %rem3A_2951, %ne3A_2952 : i32
    %lt3A_2954 = arith.constant 0 : i32
    %lt3A_2955 = arith.cmpi slt, %rem3A_2951, %lt3A_2954 : i32
    %lt3A_2956 = arith.constant 0 : i32
    %lt3A_2957 = arith.cmpi slt, %select_n3A_2950, %lt3A_2956 : i32
    %ne3A_2958 = arith.xori %lt3A_2955, %lt3A_2957 : i1
    %and3A_2959 = arith.andi %ne3A_2958, %ne3A_2953 : i1
    %add3A_2960 = arith.addi %rem3A_2951, %select_n3A_2950 : i32
    %select_n3A_2961 = arith.select %and3A_2959, %add3A_2960, %rem3A_2951 : i32
    %mul3A_2962 = arith.constant 31 : i32
    %mul3A_2963 = arith.muli %select_n3A_2961, %mul3A_2962 : i32
    %jit3A_2964 = arith.constant 7 : i32
    %div3A_2965 = arith.divsi %mul3A_2963, %jit3A_2964 : i32
    %sign3A_2966 = arith.constant 0 : i32
    %sign3A_2967 = arith.cmpi sgt, %mul3A_2963, %sign3A_2966 : i32
    %sign3A_2968 = arith.extui %sign3A_2967 : i1 to i32
    %sign3A_2969 = arith.constant 0 : i32
    %sign3A_2970 = arith.cmpi slt, %mul3A_2963, %sign3A_2969 : i32
    %sign3A_2971 = arith.extui %sign3A_2970 : i1 to i32
    %sign3A_2972 = arith.subi %sign3A_2968, %sign3A_2971 : i32
    %sign3A_2973 = arith.constant 0 : i32
    %sign3A_2974 = arith.cmpi sgt, %jit3A_2964, %sign3A_2973 : i32
    %sign3A_2975 = arith.extui %sign3A_2974 : i1 to i32
    %sign3A_2976 = arith.constant 0 : i32
    %sign3A_2977 = arith.cmpi slt, %jit3A_2964, %sign3A_2976 : i32
    %sign3A_2978 = arith.extui %sign3A_2977 : i1 to i32
    %sign3A_2979 = arith.subi %sign3A_2975, %sign3A_2978 : i32
    %ne3A_2980 = arith.cmpi ne, %sign3A_2972, %sign3A_2979 : i32
    %rem3A_2981 = arith.remsi %mul3A_2963, %jit3A_2964 : i32
    %ne3A_2982 = arith.constant 0 : i32
    %ne3A_2983 = arith.cmpi ne, %rem3A_2981, %ne3A_2982 : i32
    %and3A_2984 = arith.andi %ne3A_2980, %ne3A_2983 : i1
    %sub3A_2985 = arith.constant 1 : i32
    %sub3A_2986 = arith.subi %div3A_2965, %sub3A_2985 : i32
    %select_n3A_2987 = arith.select %and3A_2984, %sub3A_2986, %div3A_2965 : i32
    %dma_wait3A_2988 = arith.constant 0 : i32
    %dma_wait3A_2989 = arith.constant 192 : i32
    %dma_wait3A_2990 = arith.constant 0 : i32
    %dma_wait3A_2991 = tpu.memref_slice %arg2[%select_n3A_2329, %select_n3A_2371, %dma_wait3A_2988, %dma_wait3A_2989, %dma_wait3A_2990] : memref<8x32x3x256x256xf32, #tpu.memory_space<hbm>> -> memref<1x1x1x64x256xf32, #tpu.memory_space<hbm>>
    %dma_wait3A_2992 = tpu.memref_squeeze %dma_wait3A_2991 : memref<1x1x1x64x256xf32, #tpu.memory_space<hbm>> -> memref<64x256xf32, #tpu.memory_space<hbm>>
    %dma_wait3A_2993 = arith.constant 192 : i32
    %dma_wait3A_2994 = arith.constant 0 : i32
    %dma_wait3A_2995 = tpu.memref_slice %arg2[%select_n3A_2329, %select_n3A_2371, %dma_wait3A_2988, %dma_wait3A_2993, %dma_wait3A_2994] : memref<8x32x3x256x256xf32, #tpu.memory_space<hbm>> -> memref<1x1x1x64x256xf32, #tpu.memory_space<hbm>>
    %dma_wait3A_2996 = tpu.memref_squeeze %dma_wait3A_2995 : memref<1x1x1x64x256xf32, #tpu.memory_space<hbm>> -> memref<64x256xf32, #tpu.memory_space<hbm>>
    tpu.wait_dma2 semaphore(%arg12 : memref<!tpu.dma_semaphore, #tpu.memory_space<semaphore_mem>>) src(%dma_wait3A_2996 : memref<64x256xf32, #tpu.memory_space<hbm>>) dst(%arg5 : memref<64x256xf32, #tpu.memory_space<vmem>>)
    %dma_start3A_2997 = arith.constant 0 : i32
    %dma_start3A_2998 = arith.constant 192 : i32
    %dma_start3A_2999 = arith.constant 0 : i32
    %dma_start3A_3000 = tpu.memref_slice %arg3[%select_n3A_2945, %select_n3A_2961, %dma_start3A_2997, %dma_start3A_2998, %dma_start3A_2999] : memref<8x8x3x256x256xf32, #tpu.memory_space<hbm>> -> memref<1x1x1x64x256xf32, #tpu.memory_space<hbm>>
    %dma_start3A_3001 = tpu.memref_squeeze %dma_start3A_3000 : memref<1x1x1x64x256xf32, #tpu.memory_space<hbm>> -> memref<64x256xf32, #tpu.memory_space<hbm>>
    %dma_start3A_3002 = arith.constant 192 : i32
    %dma_start3A_3003 = arith.constant 0 : i32
    %dma_start3A_3004 = tpu.memref_slice %arg3[%select_n3A_2945, %select_n3A_2961, %dma_start3A_2997, %dma_start3A_3002, %dma_start3A_3003] : memref<8x8x3x256x256xf32, #tpu.memory_space<hbm>> -> memref<1x1x1x64x256xf32, #tpu.memory_space<hbm>>
    %dma_start3A_3005 = tpu.memref_squeeze %dma_start3A_3004 : memref<1x1x1x64x256xf32, #tpu.memory_space<hbm>> -> memref<64x256xf32, #tpu.memory_space<hbm>>
    tpu.enqueue_dma source(%arg5 : memref<64x256xf32, #tpu.memory_space<vmem>>) target(%dma_start3A_3005 : memref<64x256xf32, #tpu.memory_space<hbm>>) target_semaphore(%arg19 : memref<!tpu.dma_semaphore, #tpu.memory_space<semaphore_mem>>)
    %mul3A_3006 = arith.constant 2 : i32
    %mul3A_3007 = arith.muli %add3A, %mul3A_3006 : i32
    %add3A_3008 = arith.constant 1 : i32
    %add3A_3009 = arith.addi %mul3A_3007, %add3A_3008 : i32
    %jit3A_3010 = arith.constant 8 : i32
    %div3A_3011 = arith.divsi %add3A_3009, %jit3A_3010 : i32
    %sign3A_3012 = arith.constant 0 : i32
    %sign3A_3013 = arith.cmpi sgt, %add3A_3009, %sign3A_3012 : i32
    %sign3A_3014 = arith.extui %sign3A_3013 : i1 to i32
    %sign3A_3015 = arith.constant 0 : i32
    %sign3A_3016 = arith.cmpi slt, %add3A_3009, %sign3A_3015 : i32
    %sign3A_3017 = arith.extui %sign3A_3016 : i1 to i32
    %sign3A_3018 = arith.subi %sign3A_3014, %sign3A_3017 : i32
    %sign3A_3019 = arith.constant 0 : i32
    %sign3A_3020 = arith.cmpi sgt, %jit3A_3010, %sign3A_3019 : i32
    %sign3A_3021 = arith.extui %sign3A_3020 : i1 to i32
    %sign3A_3022 = arith.constant 0 : i32
    %sign3A_3023 = arith.cmpi slt, %jit3A_3010, %sign3A_3022 : i32
    %sign3A_3024 = arith.extui %sign3A_3023 : i1 to i32
    %sign3A_3025 = arith.subi %sign3A_3021, %sign3A_3024 : i32
    %ne3A_3026 = arith.cmpi ne, %sign3A_3018, %sign3A_3025 : i32
    %rem3A_3027 = arith.remsi %add3A_3009, %jit3A_3010 : i32
    %ne3A_3028 = arith.constant 0 : i32
    %ne3A_3029 = arith.cmpi ne, %rem3A_3027, %ne3A_3028 : i32
    %and3A_3030 = arith.andi %ne3A_3026, %ne3A_3029 : i1
    %sub3A_3031 = arith.constant 1 : i32
    %sub3A_3032 = arith.subi %div3A_3011, %sub3A_3031 : i32
    %select_n3A_3033 = arith.select %and3A_3030, %sub3A_3032, %div3A_3011 : i32
    %jit3A_3034 = arith.constant 8 : i32
    %eq3A_3035 = arith.constant 0 : i32
    %eq3A_3036 = arith.cmpi eq, %jit3A_3034, %eq3A_3035 : i32
    %jit3A_3037 = arith.constant 1 : i32
    %select_n3A_3038 = arith.select %eq3A_3036, %jit3A_3037, %jit3A_3034 : i32
    %rem3A_3039 = arith.remsi %add3A_3009, %select_n3A_3038 : i32
    %ne3A_3040 = arith.constant 0 : i32
    %ne3A_3041 = arith.cmpi ne, %rem3A_3039, %ne3A_3040 : i32
    %lt3A_3042 = arith.constant 0 : i32
    %lt3A_3043 = arith.cmpi slt, %rem3A_3039, %lt3A_3042 : i32
    %lt3A_3044 = arith.constant 0 : i32
    %lt3A_3045 = arith.cmpi slt, %select_n3A_3038, %lt3A_3044 : i32
    %ne3A_3046 = arith.xori %lt3A_3043, %lt3A_3045 : i1
    %and3A_3047 = arith.andi %ne3A_3046, %ne3A_3041 : i1
    %add3A_3048 = arith.addi %rem3A_3039, %select_n3A_3038 : i32
    %select_n3A_3049 = arith.select %and3A_3047, %add3A_3048, %rem3A_3039 : i32
    %mul3A_3050 = arith.constant 31 : i32
    %mul3A_3051 = arith.muli %select_n3A_3049, %mul3A_3050 : i32
    %jit3A_3052 = arith.constant 7 : i32
    %div3A_3053 = arith.divsi %mul3A_3051, %jit3A_3052 : i32
    %sign3A_3054 = arith.constant 0 : i32
    %sign3A_3055 = arith.cmpi sgt, %mul3A_3051, %sign3A_3054 : i32
    %sign3A_3056 = arith.extui %sign3A_3055 : i1 to i32
    %sign3A_3057 = arith.constant 0 : i32
    %sign3A_3058 = arith.cmpi slt, %mul3A_3051, %sign3A_3057 : i32
    %sign3A_3059 = arith.extui %sign3A_3058 : i1 to i32
    %sign3A_3060 = arith.subi %sign3A_3056, %sign3A_3059 : i32
    %sign3A_3061 = arith.constant 0 : i32
    %sign3A_3062 = arith.cmpi sgt, %jit3A_3052, %sign3A_3061 : i32
    %sign3A_3063 = arith.extui %sign3A_3062 : i1 to i32
    %sign3A_3064 = arith.constant 0 : i32
    %sign3A_3065 = arith.cmpi slt, %jit3A_3052, %sign3A_3064 : i32
    %sign3A_3066 = arith.extui %sign3A_3065 : i1 to i32
    %sign3A_3067 = arith.subi %sign3A_3063, %sign3A_3066 : i32
    %ne3A_3068 = arith.cmpi ne, %sign3A_3060, %sign3A_3067 : i32
    %rem3A_3069 = arith.remsi %mul3A_3051, %jit3A_3052 : i32
    %ne3A_3070 = arith.constant 0 : i32
    %ne3A_3071 = arith.cmpi ne, %rem3A_3069, %ne3A_3070 : i32
    %and3A_3072 = arith.andi %ne3A_3068, %ne3A_3071 : i1
    %sub3A_3073 = arith.constant 1 : i32
    %sub3A_3074 = arith.subi %div3A_3053, %sub3A_3073 : i32
    %select_n3A_3075 = arith.select %and3A_3072, %sub3A_3074, %div3A_3053 : i32
    %dma_wait3A_3076 = arith.constant 0 : i32
    %dma_wait3A_3077 = arith.constant 0 : i32
    %dma_wait3A_3078 = arith.constant 0 : i32
    %dma_wait3A_3079 = tpu.memref_slice %arg3[%select_n3A_2417, %select_n3A_2433, %dma_wait3A_3076, %dma_wait3A_3077, %dma_wait3A_3078] : memref<8x8x3x256x256xf32, #tpu.memory_space<hbm>> -> memref<1x1x1x64x256xf32, #tpu.memory_space<hbm>>
    %dma_wait3A_3080 = tpu.memref_squeeze %dma_wait3A_3079 : memref<1x1x1x64x256xf32, #tpu.memory_space<hbm>> -> memref<64x256xf32, #tpu.memory_space<hbm>>
    %dma_wait3A_3081 = arith.constant 0 : i32
    %dma_wait3A_3082 = arith.constant 0 : i32
    %dma_wait3A_3083 = tpu.memref_slice %arg3[%select_n3A_2417, %select_n3A_2433, %dma_wait3A_3076, %dma_wait3A_3081, %dma_wait3A_3082] : memref<8x8x3x256x256xf32, #tpu.memory_space<hbm>> -> memref<1x1x1x64x256xf32, #tpu.memory_space<hbm>>
    %dma_wait3A_3084 = tpu.memref_squeeze %dma_wait3A_3083 : memref<1x1x1x64x256xf32, #tpu.memory_space<hbm>> -> memref<64x256xf32, #tpu.memory_space<hbm>>
    tpu.wait_dma2 semaphore(%arg23 : memref<!tpu.dma_semaphore, #tpu.memory_space<semaphore_mem>>) src(%arg9 : memref<64x256xf32, #tpu.memory_space<vmem>>) dst(%dma_wait3A_3084 : memref<64x256xf32, #tpu.memory_space<hbm>>)
    %dma_start3A_3085 = arith.constant 1 : i32
    %dma_start3A_3086 = arith.constant 192 : i32
    %dma_start3A_3087 = arith.constant 0 : i32
    %dma_start3A_3088 = tpu.memref_slice %arg2[%select_n3A_3033, %select_n3A_3075, %dma_start3A_3085, %dma_start3A_3086, %dma_start3A_3087] : memref<8x32x3x256x256xf32, #tpu.memory_space<hbm>> -> memref<1x1x1x64x256xf32, #tpu.memory_space<hbm>>
    %dma_start3A_3089 = tpu.memref_squeeze %dma_start3A_3088 : memref<1x1x1x64x256xf32, #tpu.memory_space<hbm>> -> memref<64x256xf32, #tpu.memory_space<hbm>>
    %dma_start3A_3090 = arith.constant 192 : i32
    %dma_start3A_3091 = arith.constant 0 : i32
    %dma_start3A_3092 = tpu.memref_slice %arg2[%select_n3A_3033, %select_n3A_3075, %dma_start3A_3085, %dma_start3A_3090, %dma_start3A_3091] : memref<8x32x3x256x256xf32, #tpu.memory_space<hbm>> -> memref<1x1x1x64x256xf32, #tpu.memory_space<hbm>>
    %dma_start3A_3093 = tpu.memref_squeeze %dma_start3A_3092 : memref<1x1x1x64x256xf32, #tpu.memory_space<hbm>> -> memref<64x256xf32, #tpu.memory_space<hbm>>
    tpu.enqueue_dma source(%dma_start3A_3093 : memref<64x256xf32, #tpu.memory_space<hbm>>) target(%arg9 : memref<64x256xf32, #tpu.memory_space<vmem>>) target_semaphore(%arg16 : memref<!tpu.dma_semaphore, #tpu.memory_space<semaphore_mem>>)
    %mul3A_3094 = arith.constant 2 : i32
    %mul3A_3095 = arith.muli %add3A, %mul3A_3094 : i32
    %add3A_3096 = arith.constant 1 : i32
    %add3A_3097 = arith.addi %mul3A_3095, %add3A_3096 : i32
    %jit3A_3098 = arith.constant 8 : i32
    %div3A_3099 = arith.divsi %add3A_3097, %jit3A_3098 : i32
    %sign3A_3100 = arith.constant 0 : i32
    %sign3A_3101 = arith.cmpi sgt, %add3A_3097, %sign3A_3100 : i32
    %sign3A_3102 = arith.extui %sign3A_3101 : i1 to i32
    %sign3A_3103 = arith.constant 0 : i32
    %sign3A_3104 = arith.cmpi slt, %add3A_3097, %sign3A_3103 : i32
    %sign3A_3105 = arith.extui %sign3A_3104 : i1 to i32
    %sign3A_3106 = arith.subi %sign3A_3102, %sign3A_3105 : i32
    %sign3A_3107 = arith.constant 0 : i32
    %sign3A_3108 = arith.cmpi sgt, %jit3A_3098, %sign3A_3107 : i32
    %sign3A_3109 = arith.extui %sign3A_3108 : i1 to i32
    %sign3A_3110 = arith.constant 0 : i32
    %sign3A_3111 = arith.cmpi slt, %jit3A_3098, %sign3A_3110 : i32
    %sign3A_3112 = arith.extui %sign3A_3111 : i1 to i32
    %sign3A_3113 = arith.subi %sign3A_3109, %sign3A_3112 : i32
    %ne3A_3114 = arith.cmpi ne, %sign3A_3106, %sign3A_3113 : i32
    %rem3A_3115 = arith.remsi %add3A_3097, %jit3A_3098 : i32
    %ne3A_3116 = arith.constant 0 : i32
    %ne3A_3117 = arith.cmpi ne, %rem3A_3115, %ne3A_3116 : i32
    %and3A_3118 = arith.andi %ne3A_3114, %ne3A_3117 : i1
    %sub3A_3119 = arith.constant 1 : i32
    %sub3A_3120 = arith.subi %div3A_3099, %sub3A_3119 : i32
    %select_n3A_3121 = arith.select %and3A_3118, %sub3A_3120, %div3A_3099 : i32
    %jit3A_3122 = arith.constant 8 : i32
    %eq3A_3123 = arith.constant 0 : i32
    %eq3A_3124 = arith.cmpi eq, %jit3A_3122, %eq3A_3123 : i32
    %jit3A_3125 = arith.constant 1 : i32
    %select_n3A_3126 = arith.select %eq3A_3124, %jit3A_3125, %jit3A_3122 : i32
    %rem3A_3127 = arith.remsi %add3A_3097, %select_n3A_3126 : i32
    %ne3A_3128 = arith.constant 0 : i32
    %ne3A_3129 = arith.cmpi ne, %rem3A_3127, %ne3A_3128 : i32
    %lt3A_3130 = arith.constant 0 : i32
    %lt3A_3131 = arith.cmpi slt, %rem3A_3127, %lt3A_3130 : i32
    %lt3A_3132 = arith.constant 0 : i32
    %lt3A_3133 = arith.cmpi slt, %select_n3A_3126, %lt3A_3132 : i32
    %ne3A_3134 = arith.xori %lt3A_3131, %lt3A_3133 : i1
    %and3A_3135 = arith.andi %ne3A_3134, %ne3A_3129 : i1
    %add3A_3136 = arith.addi %rem3A_3127, %select_n3A_3126 : i32
    %select_n3A_3137 = arith.select %and3A_3135, %add3A_3136, %rem3A_3127 : i32
    %mul3A_3138 = arith.constant 31 : i32
    %mul3A_3139 = arith.muli %select_n3A_3137, %mul3A_3138 : i32
    %jit3A_3140 = arith.constant 7 : i32
    %div3A_3141 = arith.divsi %mul3A_3139, %jit3A_3140 : i32
    %sign3A_3142 = arith.constant 0 : i32
    %sign3A_3143 = arith.cmpi sgt, %mul3A_3139, %sign3A_3142 : i32
    %sign3A_3144 = arith.extui %sign3A_3143 : i1 to i32
    %sign3A_3145 = arith.constant 0 : i32
    %sign3A_3146 = arith.cmpi slt, %mul3A_3139, %sign3A_3145 : i32
    %sign3A_3147 = arith.extui %sign3A_3146 : i1 to i32
    %sign3A_3148 = arith.subi %sign3A_3144, %sign3A_3147 : i32
    %sign3A_3149 = arith.constant 0 : i32
    %sign3A_3150 = arith.cmpi sgt, %jit3A_3140, %sign3A_3149 : i32
    %sign3A_3151 = arith.extui %sign3A_3150 : i1 to i32
    %sign3A_3152 = arith.constant 0 : i32
    %sign3A_3153 = arith.cmpi slt, %jit3A_3140, %sign3A_3152 : i32
    %sign3A_3154 = arith.extui %sign3A_3153 : i1 to i32
    %sign3A_3155 = arith.subi %sign3A_3151, %sign3A_3154 : i32
    %ne3A_3156 = arith.cmpi ne, %sign3A_3148, %sign3A_3155 : i32
    %rem3A_3157 = arith.remsi %mul3A_3139, %jit3A_3140 : i32
    %ne3A_3158 = arith.constant 0 : i32
    %ne3A_3159 = arith.cmpi ne, %rem3A_3157, %ne3A_3158 : i32
    %and3A_3160 = arith.andi %ne3A_3156, %ne3A_3159 : i1
    %sub3A_3161 = arith.constant 1 : i32
    %sub3A_3162 = arith.subi %div3A_3141, %sub3A_3161 : i32
    %select_n3A_3163 = arith.select %and3A_3160, %sub3A_3162, %div3A_3141 : i32
    %dma_wait3A_3164 = arith.constant 1 : i32
    %dma_wait3A_3165 = arith.constant 0 : i32
    %dma_wait3A_3166 = arith.constant 0 : i32
    %dma_wait3A_3167 = tpu.memref_slice %arg2[%select_n3A_2505, %select_n3A_2547, %dma_wait3A_3164, %dma_wait3A_3165, %dma_wait3A_3166] : memref<8x32x3x256x256xf32, #tpu.memory_space<hbm>> -> memref<1x1x1x64x256xf32, #tpu.memory_space<hbm>>
    %dma_wait3A_3168 = tpu.memref_squeeze %dma_wait3A_3167 : memref<1x1x1x64x256xf32, #tpu.memory_space<hbm>> -> memref<64x256xf32, #tpu.memory_space<hbm>>
    %dma_wait3A_3169 = arith.constant 0 : i32
    %dma_wait3A_3170 = arith.constant 0 : i32
    %dma_wait3A_3171 = tpu.memref_slice %arg2[%select_n3A_2505, %select_n3A_2547, %dma_wait3A_3164, %dma_wait3A_3169, %dma_wait3A_3170] : memref<8x32x3x256x256xf32, #tpu.memory_space<hbm>> -> memref<1x1x1x64x256xf32, #tpu.memory_space<hbm>>
    %dma_wait3A_3172 = tpu.memref_squeeze %dma_wait3A_3171 : memref<1x1x1x64x256xf32, #tpu.memory_space<hbm>> -> memref<64x256xf32, #tpu.memory_space<hbm>>
    tpu.wait_dma2 semaphore(%arg13 : memref<!tpu.dma_semaphore, #tpu.memory_space<semaphore_mem>>) src(%dma_wait3A_3172 : memref<64x256xf32, #tpu.memory_space<hbm>>) dst(%arg6 : memref<64x256xf32, #tpu.memory_space<vmem>>)
    %dma_start3A_3173 = arith.constant 1 : i32
    %dma_start3A_3174 = arith.constant 0 : i32
    %dma_start3A_3175 = arith.constant 0 : i32
    %dma_start3A_3176 = tpu.memref_slice %arg3[%select_n3A_3121, %select_n3A_3137, %dma_start3A_3173, %dma_start3A_3174, %dma_start3A_3175] : memref<8x8x3x256x256xf32, #tpu.memory_space<hbm>> -> memref<1x1x1x64x256xf32, #tpu.memory_space<hbm>>
    %dma_start3A_3177 = tpu.memref_squeeze %dma_start3A_3176 : memref<1x1x1x64x256xf32, #tpu.memory_space<hbm>> -> memref<64x256xf32, #tpu.memory_space<hbm>>
    %dma_start3A_3178 = arith.constant 0 : i32
    %dma_start3A_3179 = arith.constant 0 : i32
    %dma_start3A_3180 = tpu.memref_slice %arg3[%select_n3A_3121, %select_n3A_3137, %dma_start3A_3173, %dma_start3A_3178, %dma_start3A_3179] : memref<8x8x3x256x256xf32, #tpu.memory_space<hbm>> -> memref<1x1x1x64x256xf32, #tpu.memory_space<hbm>>
    %dma_start3A_3181 = tpu.memref_squeeze %dma_start3A_3180 : memref<1x1x1x64x256xf32, #tpu.memory_space<hbm>> -> memref<64x256xf32, #tpu.memory_space<hbm>>
    tpu.enqueue_dma source(%arg6 : memref<64x256xf32, #tpu.memory_space<vmem>>) target(%dma_start3A_3181 : memref<64x256xf32, #tpu.memory_space<hbm>>) target_semaphore(%arg20 : memref<!tpu.dma_semaphore, #tpu.memory_space<semaphore_mem>>)
    %mul3A_3182 = arith.constant 2 : i32
    %mul3A_3183 = arith.muli %add3A, %mul3A_3182 : i32
    %add3A_3184 = arith.constant 1 : i32
    %add3A_3185 = arith.addi %mul3A_3183, %add3A_3184 : i32
    %jit3A_3186 = arith.constant 8 : i32
    %div3A_3187 = arith.divsi %add3A_3185, %jit3A_3186 : i32
    %sign3A_3188 = arith.constant 0 : i32
    %sign3A_3189 = arith.cmpi sgt, %add3A_3185, %sign3A_3188 : i32
    %sign3A_3190 = arith.extui %sign3A_3189 : i1 to i32
    %sign3A_3191 = arith.constant 0 : i32
    %sign3A_3192 = arith.cmpi slt, %add3A_3185, %sign3A_3191 : i32
    %sign3A_3193 = arith.extui %sign3A_3192 : i1 to i32
    %sign3A_3194 = arith.subi %sign3A_3190, %sign3A_3193 : i32
    %sign3A_3195 = arith.constant 0 : i32
    %sign3A_3196 = arith.cmpi sgt, %jit3A_3186, %sign3A_3195 : i32
    %sign3A_3197 = arith.extui %sign3A_3196 : i1 to i32
    %sign3A_3198 = arith.constant 0 : i32
    %sign3A_3199 = arith.cmpi slt, %jit3A_3186, %sign3A_3198 : i32
    %sign3A_3200 = arith.extui %sign3A_3199 : i1 to i32
    %sign3A_3201 = arith.subi %sign3A_3197, %sign3A_3200 : i32
    %ne3A_3202 = arith.cmpi ne, %sign3A_3194, %sign3A_3201 : i32
    %rem3A_3203 = arith.remsi %add3A_3185, %jit3A_3186 : i32
    %ne3A_3204 = arith.constant 0 : i32
    %ne3A_3205 = arith.cmpi ne, %rem3A_3203, %ne3A_3204 : i32
    %and3A_3206 = arith.andi %ne3A_3202, %ne3A_3205 : i1
    %sub3A_3207 = arith.constant 1 : i32
    %sub3A_3208 = arith.subi %div3A_3187, %sub3A_3207 : i32
    %select_n3A_3209 = arith.select %and3A_3206, %sub3A_3208, %div3A_3187 : i32
    %jit3A_3210 = arith.constant 8 : i32
    %eq3A_3211 = arith.constant 0 : i32
    %eq3A_3212 = arith.cmpi eq, %jit3A_3210, %eq3A_3211 : i32
    %jit3A_3213 = arith.constant 1 : i32
    %select_n3A_3214 = arith.select %eq3A_3212, %jit3A_3213, %jit3A_3210 : i32
    %rem3A_3215 = arith.remsi %add3A_3185, %select_n3A_3214 : i32
    %ne3A_3216 = arith.constant 0 : i32
    %ne3A_3217 = arith.cmpi ne, %rem3A_3215, %ne3A_3216 : i32
    %lt3A_3218 = arith.constant 0 : i32
    %lt3A_3219 = arith.cmpi slt, %rem3A_3215, %lt3A_3218 : i32
    %lt3A_3220 = arith.constant 0 : i32
    %lt3A_3221 = arith.cmpi slt, %select_n3A_3214, %lt3A_3220 : i32
    %ne3A_3222 = arith.xori %lt3A_3219, %lt3A_3221 : i1
    %and3A_3223 = arith.andi %ne3A_3222, %ne3A_3217 : i1
    %add3A_3224 = arith.addi %rem3A_3215, %select_n3A_3214 : i32
    %select_n3A_3225 = arith.select %and3A_3223, %add3A_3224, %rem3A_3215 : i32
    %mul3A_3226 = arith.constant 31 : i32
    %mul3A_3227 = arith.muli %select_n3A_3225, %mul3A_3226 : i32
    %jit3A_3228 = arith.constant 7 : i32
    %div3A_3229 = arith.divsi %mul3A_3227, %jit3A_3228 : i32
    %sign3A_3230 = arith.constant 0 : i32
    %sign3A_3231 = arith.cmpi sgt, %mul3A_3227, %sign3A_3230 : i32
    %sign3A_3232 = arith.extui %sign3A_3231 : i1 to i32
    %sign3A_3233 = arith.constant 0 : i32
    %sign3A_3234 = arith.cmpi slt, %mul3A_3227, %sign3A_3233 : i32
    %sign3A_3235 = arith.extui %sign3A_3234 : i1 to i32
    %sign3A_3236 = arith.subi %sign3A_3232, %sign3A_3235 : i32
    %sign3A_3237 = arith.constant 0 : i32
    %sign3A_3238 = arith.cmpi sgt, %jit3A_3228, %sign3A_3237 : i32
    %sign3A_3239 = arith.extui %sign3A_3238 : i1 to i32
    %sign3A_3240 = arith.constant 0 : i32
    %sign3A_3241 = arith.cmpi slt, %jit3A_3228, %sign3A_3240 : i32
    %sign3A_3242 = arith.extui %sign3A_3241 : i1 to i32
    %sign3A_3243 = arith.subi %sign3A_3239, %sign3A_3242 : i32
    %ne3A_3244 = arith.cmpi ne, %sign3A_3236, %sign3A_3243 : i32
    %rem3A_3245 = arith.remsi %mul3A_3227, %jit3A_3228 : i32
    %ne3A_3246 = arith.constant 0 : i32
    %ne3A_3247 = arith.cmpi ne, %rem3A_3245, %ne3A_3246 : i32
    %and3A_3248 = arith.andi %ne3A_3244, %ne3A_3247 : i1
    %sub3A_3249 = arith.constant 1 : i32
    %sub3A_3250 = arith.subi %div3A_3229, %sub3A_3249 : i32
    %select_n3A_3251 = arith.select %and3A_3248, %sub3A_3250, %div3A_3229 : i32
    %dma_wait3A_3252 = arith.constant 0 : i32
    %dma_wait3A_3253 = arith.constant 64 : i32
    %dma_wait3A_3254 = arith.constant 0 : i32
    %dma_wait3A_3255 = tpu.memref_slice %arg3[%select_n3A_2593, %select_n3A_2609, %dma_wait3A_3252, %dma_wait3A_3253, %dma_wait3A_3254] : memref<8x8x3x256x256xf32, #tpu.memory_space<hbm>> -> memref<1x1x1x64x256xf32, #tpu.memory_space<hbm>>
    %dma_wait3A_3256 = tpu.memref_squeeze %dma_wait3A_3255 : memref<1x1x1x64x256xf32, #tpu.memory_space<hbm>> -> memref<64x256xf32, #tpu.memory_space<hbm>>
    %dma_wait3A_3257 = arith.constant 64 : i32
    %dma_wait3A_3258 = arith.constant 0 : i32
    %dma_wait3A_3259 = tpu.memref_slice %arg3[%select_n3A_2593, %select_n3A_2609, %dma_wait3A_3252, %dma_wait3A_3257, %dma_wait3A_3258] : memref<8x8x3x256x256xf32, #tpu.memory_space<hbm>> -> memref<1x1x1x64x256xf32, #tpu.memory_space<hbm>>
    %dma_wait3A_3260 = tpu.memref_squeeze %dma_wait3A_3259 : memref<1x1x1x64x256xf32, #tpu.memory_space<hbm>> -> memref<64x256xf32, #tpu.memory_space<hbm>>
    tpu.wait_dma2 semaphore(%arg24 : memref<!tpu.dma_semaphore, #tpu.memory_space<semaphore_mem>>) src(%arg10 : memref<64x256xf32, #tpu.memory_space<vmem>>) dst(%dma_wait3A_3260 : memref<64x256xf32, #tpu.memory_space<hbm>>)
    %dma_start3A_3261 = arith.constant 2 : i32
    %dma_start3A_3262 = arith.constant 0 : i32
    %dma_start3A_3263 = arith.constant 0 : i32
    %dma_start3A_3264 = tpu.memref_slice %arg2[%select_n3A_3209, %select_n3A_3251, %dma_start3A_3261, %dma_start3A_3262, %dma_start3A_3263] : memref<8x32x3x256x256xf32, #tpu.memory_space<hbm>> -> memref<1x1x1x64x256xf32, #tpu.memory_space<hbm>>
    %dma_start3A_3265 = tpu.memref_squeeze %dma_start3A_3264 : memref<1x1x1x64x256xf32, #tpu.memory_space<hbm>> -> memref<64x256xf32, #tpu.memory_space<hbm>>
    %dma_start3A_3266 = arith.constant 0 : i32
    %dma_start3A_3267 = arith.constant 0 : i32
    %dma_start3A_3268 = tpu.memref_slice %arg2[%select_n3A_3209, %select_n3A_3251, %dma_start3A_3261, %dma_start3A_3266, %dma_start3A_3267] : memref<8x32x3x256x256xf32, #tpu.memory_space<hbm>> -> memref<1x1x1x64x256xf32, #tpu.memory_space<hbm>>
    %dma_start3A_3269 = tpu.memref_squeeze %dma_start3A_3268 : memref<1x1x1x64x256xf32, #tpu.memory_space<hbm>> -> memref<64x256xf32, #tpu.memory_space<hbm>>
    tpu.enqueue_dma source(%dma_start3A_3269 : memref<64x256xf32, #tpu.memory_space<hbm>>) target(%arg10 : memref<64x256xf32, #tpu.memory_space<vmem>>) target_semaphore(%arg17 : memref<!tpu.dma_semaphore, #tpu.memory_space<semaphore_mem>>)
    %mul3A_3270 = arith.constant 2 : i32
    %mul3A_3271 = arith.muli %add3A, %mul3A_3270 : i32
    %add3A_3272 = arith.constant 1 : i32
    %add3A_3273 = arith.addi %mul3A_3271, %add3A_3272 : i32
    %jit3A_3274 = arith.constant 8 : i32
    %div3A_3275 = arith.divsi %add3A_3273, %jit3A_3274 : i32
    %sign3A_3276 = arith.constant 0 : i32
    %sign3A_3277 = arith.cmpi sgt, %add3A_3273, %sign3A_3276 : i32
    %sign3A_3278 = arith.extui %sign3A_3277 : i1 to i32
    %sign3A_3279 = arith.constant 0 : i32
    %sign3A_3280 = arith.cmpi slt, %add3A_3273, %sign3A_3279 : i32
    %sign3A_3281 = arith.extui %sign3A_3280 : i1 to i32
    %sign3A_3282 = arith.subi %sign3A_3278, %sign3A_3281 : i32
    %sign3A_3283 = arith.constant 0 : i32
    %sign3A_3284 = arith.cmpi sgt, %jit3A_3274, %sign3A_3283 : i32
    %sign3A_3285 = arith.extui %sign3A_3284 : i1 to i32
    %sign3A_3286 = arith.constant 0 : i32
    %sign3A_3287 = arith.cmpi slt, %jit3A_3274, %sign3A_3286 : i32
    %sign3A_3288 = arith.extui %sign3A_3287 : i1 to i32
    %sign3A_3289 = arith.subi %sign3A_3285, %sign3A_3288 : i32
    %ne3A_3290 = arith.cmpi ne, %sign3A_3282, %sign3A_3289 : i32
    %rem3A_3291 = arith.remsi %add3A_3273, %jit3A_3274 : i32
    %ne3A_3292 = arith.constant 0 : i32
    %ne3A_3293 = arith.cmpi ne, %rem3A_3291, %ne3A_3292 : i32
    %and3A_3294 = arith.andi %ne3A_3290, %ne3A_3293 : i1
    %sub3A_3295 = arith.constant 1 : i32
    %sub3A_3296 = arith.subi %div3A_3275, %sub3A_3295 : i32
    %select_n3A_3297 = arith.select %and3A_3294, %sub3A_3296, %div3A_3275 : i32
    %jit3A_3298 = arith.constant 8 : i32
    %eq3A_3299 = arith.constant 0 : i32
    %eq3A_3300 = arith.cmpi eq, %jit3A_3298, %eq3A_3299 : i32
    %jit3A_3301 = arith.constant 1 : i32
    %select_n3A_3302 = arith.select %eq3A_3300, %jit3A_3301, %jit3A_3298 : i32
    %rem3A_3303 = arith.remsi %add3A_3273, %select_n3A_3302 : i32
    %ne3A_3304 = arith.constant 0 : i32
    %ne3A_3305 = arith.cmpi ne, %rem3A_3303, %ne3A_3304 : i32
    %lt3A_3306 = arith.constant 0 : i32
    %lt3A_3307 = arith.cmpi slt, %rem3A_3303, %lt3A_3306 : i32
    %lt3A_3308 = arith.constant 0 : i32
    %lt3A_3309 = arith.cmpi slt, %select_n3A_3302, %lt3A_3308 : i32
    %ne3A_3310 = arith.xori %lt3A_3307, %lt3A_3309 : i1
    %and3A_3311 = arith.andi %ne3A_3310, %ne3A_3305 : i1
    %add3A_3312 = arith.addi %rem3A_3303, %select_n3A_3302 : i32
    %select_n3A_3313 = arith.select %and3A_3311, %add3A_3312, %rem3A_3303 : i32
    %mul3A_3314 = arith.constant 31 : i32
    %mul3A_3315 = arith.muli %select_n3A_3313, %mul3A_3314 : i32
    %jit3A_3316 = arith.constant 7 : i32
    %div3A_3317 = arith.divsi %mul3A_3315, %jit3A_3316 : i32
    %sign3A_3318 = arith.constant 0 : i32
    %sign3A_3319 = arith.cmpi sgt, %mul3A_3315, %sign3A_3318 : i32
    %sign3A_3320 = arith.extui %sign3A_3319 : i1 to i32
    %sign3A_3321 = arith.constant 0 : i32
    %sign3A_3322 = arith.cmpi slt, %mul3A_3315, %sign3A_3321 : i32
    %sign3A_3323 = arith.extui %sign3A_3322 : i1 to i32
    %sign3A_3324 = arith.subi %sign3A_3320, %sign3A_3323 : i32
    %sign3A_3325 = arith.constant 0 : i32
    %sign3A_3326 = arith.cmpi sgt, %jit3A_3316, %sign3A_3325 : i32
    %sign3A_3327 = arith.extui %sign3A_3326 : i1 to i32
    %sign3A_3328 = arith.constant 0 : i32
    %sign3A_3329 = arith.cmpi slt, %jit3A_3316, %sign3A_3328 : i32
    %sign3A_3330 = arith.extui %sign3A_3329 : i1 to i32
    %sign3A_3331 = arith.subi %sign3A_3327, %sign3A_3330 : i32
    %ne3A_3332 = arith.cmpi ne, %sign3A_3324, %sign3A_3331 : i32
    %rem3A_3333 = arith.remsi %mul3A_3315, %jit3A_3316 : i32
    %ne3A_3334 = arith.constant 0 : i32
    %ne3A_3335 = arith.cmpi ne, %rem3A_3333, %ne3A_3334 : i32
    %and3A_3336 = arith.andi %ne3A_3332, %ne3A_3335 : i1
    %sub3A_3337 = arith.constant 1 : i32
    %sub3A_3338 = arith.subi %div3A_3317, %sub3A_3337 : i32
    %select_n3A_3339 = arith.select %and3A_3336, %sub3A_3338, %div3A_3317 : i32
    %dma_wait3A_3340 = arith.constant 1 : i32
    %dma_wait3A_3341 = arith.constant 64 : i32
    %dma_wait3A_3342 = arith.constant 0 : i32
    %dma_wait3A_3343 = tpu.memref_slice %arg2[%select_n3A_2681, %select_n3A_2723, %dma_wait3A_3340, %dma_wait3A_3341, %dma_wait3A_3342] : memref<8x32x3x256x256xf32, #tpu.memory_space<hbm>> -> memref<1x1x1x64x256xf32, #tpu.memory_space<hbm>>
    %dma_wait3A_3344 = tpu.memref_squeeze %dma_wait3A_3343 : memref<1x1x1x64x256xf32, #tpu.memory_space<hbm>> -> memref<64x256xf32, #tpu.memory_space<hbm>>
    %dma_wait3A_3345 = arith.constant 64 : i32
    %dma_wait3A_3346 = arith.constant 0 : i32
    %dma_wait3A_3347 = tpu.memref_slice %arg2[%select_n3A_2681, %select_n3A_2723, %dma_wait3A_3340, %dma_wait3A_3345, %dma_wait3A_3346] : memref<8x32x3x256x256xf32, #tpu.memory_space<hbm>> -> memref<1x1x1x64x256xf32, #tpu.memory_space<hbm>>
    %dma_wait3A_3348 = tpu.memref_squeeze %dma_wait3A_3347 : memref<1x1x1x64x256xf32, #tpu.memory_space<hbm>> -> memref<64x256xf32, #tpu.memory_space<hbm>>
    tpu.wait_dma2 semaphore(%arg14 : memref<!tpu.dma_semaphore, #tpu.memory_space<semaphore_mem>>) src(%dma_wait3A_3348 : memref<64x256xf32, #tpu.memory_space<hbm>>) dst(%arg7 : memref<64x256xf32, #tpu.memory_space<vmem>>)
    %dma_start3A_3349 = arith.constant 1 : i32
    %dma_start3A_3350 = arith.constant 64 : i32
    %dma_start3A_3351 = arith.constant 0 : i32
    %dma_start3A_3352 = tpu.memref_slice %arg3[%select_n3A_3297, %select_n3A_3313, %dma_start3A_3349, %dma_start3A_3350, %dma_start3A_3351] : memref<8x8x3x256x256xf32, #tpu.memory_space<hbm>> -> memref<1x1x1x64x256xf32, #tpu.memory_space<hbm>>
    %dma_start3A_3353 = tpu.memref_squeeze %dma_start3A_3352 : memref<1x1x1x64x256xf32, #tpu.memory_space<hbm>> -> memref<64x256xf32, #tpu.memory_space<hbm>>
    %dma_start3A_3354 = arith.constant 64 : i32
    %dma_start3A_3355 = arith.constant 0 : i32
    %dma_start3A_3356 = tpu.memref_slice %arg3[%select_n3A_3297, %select_n3A_3313, %dma_start3A_3349, %dma_start3A_3354, %dma_start3A_3355] : memref<8x8x3x256x256xf32, #tpu.memory_space<hbm>> -> memref<1x1x1x64x256xf32, #tpu.memory_space<hbm>>
    %dma_start3A_3357 = tpu.memref_squeeze %dma_start3A_3356 : memref<1x1x1x64x256xf32, #tpu.memory_space<hbm>> -> memref<64x256xf32, #tpu.memory_space<hbm>>
    tpu.enqueue_dma source(%arg7 : memref<64x256xf32, #tpu.memory_space<vmem>>) target(%dma_start3A_3357 : memref<64x256xf32, #tpu.memory_space<hbm>>) target_semaphore(%arg21 : memref<!tpu.dma_semaphore, #tpu.memory_space<semaphore_mem>>)
    %mul3A_3358 = arith.constant 2 : i32
    %mul3A_3359 = arith.muli %add3A, %mul3A_3358 : i32
    %add3A_3360 = arith.constant 1 : i32
    %add3A_3361 = arith.addi %mul3A_3359, %add3A_3360 : i32
    %jit3A_3362 = arith.constant 8 : i32
    %div3A_3363 = arith.divsi %add3A_3361, %jit3A_3362 : i32
    %sign3A_3364 = arith.constant 0 : i32
    %sign3A_3365 = arith.cmpi sgt, %add3A_3361, %sign3A_3364 : i32
    %sign3A_3366 = arith.extui %sign3A_3365 : i1 to i32
    %sign3A_3367 = arith.constant 0 : i32
    %sign3A_3368 = arith.cmpi slt, %add3A_3361, %sign3A_3367 : i32
    %sign3A_3369 = arith.extui %sign3A_3368 : i1 to i32
    %sign3A_3370 = arith.subi %sign3A_3366, %sign3A_3369 : i32
    %sign3A_3371 = arith.constant 0 : i32
    %sign3A_3372 = arith.cmpi sgt, %jit3A_3362, %sign3A_3371 : i32
    %sign3A_3373 = arith.extui %sign3A_3372 : i1 to i32
    %sign3A_3374 = arith.constant 0 : i32
    %sign3A_3375 = arith.cmpi slt, %jit3A_3362, %sign3A_3374 : i32
    %sign3A_3376 = arith.extui %sign3A_3375 : i1 to i32
    %sign3A_3377 = arith.subi %sign3A_3373, %sign3A_3376 : i32
    %ne3A_3378 = arith.cmpi ne, %sign3A_3370, %sign3A_3377 : i32
    %rem3A_3379 = arith.remsi %add3A_3361, %jit3A_3362 : i32
    %ne3A_3380 = arith.constant 0 : i32
    %ne3A_3381 = arith.cmpi ne, %rem3A_3379, %ne3A_3380 : i32
    %and3A_3382 = arith.andi %ne3A_3378, %ne3A_3381 : i1
    %sub3A_3383 = arith.constant 1 : i32
    %sub3A_3384 = arith.subi %div3A_3363, %sub3A_3383 : i32
    %select_n3A_3385 = arith.select %and3A_3382, %sub3A_3384, %div3A_3363 : i32
    %jit3A_3386 = arith.constant 8 : i32
    %eq3A_3387 = arith.constant 0 : i32
    %eq3A_3388 = arith.cmpi eq, %jit3A_3386, %eq3A_3387 : i32
    %jit3A_3389 = arith.constant 1 : i32
    %select_n3A_3390 = arith.select %eq3A_3388, %jit3A_3389, %jit3A_3386 : i32
    %rem3A_3391 = arith.remsi %add3A_3361, %select_n3A_3390 : i32
    %ne3A_3392 = arith.constant 0 : i32
    %ne3A_3393 = arith.cmpi ne, %rem3A_3391, %ne3A_3392 : i32
    %lt3A_3394 = arith.constant 0 : i32
    %lt3A_3395 = arith.cmpi slt, %rem3A_3391, %lt3A_3394 : i32
    %lt3A_3396 = arith.constant 0 : i32
    %lt3A_3397 = arith.cmpi slt, %select_n3A_3390, %lt3A_3396 : i32
    %ne3A_3398 = arith.xori %lt3A_3395, %lt3A_3397 : i1
    %and3A_3399 = arith.andi %ne3A_3398, %ne3A_3393 : i1
    %add3A_3400 = arith.addi %rem3A_3391, %select_n3A_3390 : i32
    %select_n3A_3401 = arith.select %and3A_3399, %add3A_3400, %rem3A_3391 : i32
    %mul3A_3402 = arith.constant 31 : i32
    %mul3A_3403 = arith.muli %select_n3A_3401, %mul3A_3402 : i32
    %jit3A_3404 = arith.constant 7 : i32
    %div3A_3405 = arith.divsi %mul3A_3403, %jit3A_3404 : i32
    %sign3A_3406 = arith.constant 0 : i32
    %sign3A_3407 = arith.cmpi sgt, %mul3A_3403, %sign3A_3406 : i32
    %sign3A_3408 = arith.extui %sign3A_3407 : i1 to i32
    %sign3A_3409 = arith.constant 0 : i32
    %sign3A_3410 = arith.cmpi slt, %mul3A_3403, %sign3A_3409 : i32
    %sign3A_3411 = arith.extui %sign3A_3410 : i1 to i32
    %sign3A_3412 = arith.subi %sign3A_3408, %sign3A_3411 : i32
    %sign3A_3413 = arith.constant 0 : i32
    %sign3A_3414 = arith.cmpi sgt, %jit3A_3404, %sign3A_3413 : i32
    %sign3A_3415 = arith.extui %sign3A_3414 : i1 to i32
    %sign3A_3416 = arith.constant 0 : i32
    %sign3A_3417 = arith.cmpi slt, %jit3A_3404, %sign3A_3416 : i32
    %sign3A_3418 = arith.extui %sign3A_3417 : i1 to i32
    %sign3A_3419 = arith.subi %sign3A_3415, %sign3A_3418 : i32
    %ne3A_3420 = arith.cmpi ne, %sign3A_3412, %sign3A_3419 : i32
    %rem3A_3421 = arith.remsi %mul3A_3403, %jit3A_3404 : i32
    %ne3A_3422 = arith.constant 0 : i32
    %ne3A_3423 = arith.cmpi ne, %rem3A_3421, %ne3A_3422 : i32
    %and3A_3424 = arith.andi %ne3A_3420, %ne3A_3423 : i1
    %sub3A_3425 = arith.constant 1 : i32
    %sub3A_3426 = arith.subi %div3A_3405, %sub3A_3425 : i32
    %select_n3A_3427 = arith.select %and3A_3424, %sub3A_3426, %div3A_3405 : i32
    %dma_wait3A_3428 = arith.constant 0 : i32
    %dma_wait3A_3429 = arith.constant 128 : i32
    %dma_wait3A_3430 = arith.constant 0 : i32
    %dma_wait3A_3431 = tpu.memref_slice %arg3[%select_n3A_2769, %select_n3A_2785, %dma_wait3A_3428, %dma_wait3A_3429, %dma_wait3A_3430] : memref<8x8x3x256x256xf32, #tpu.memory_space<hbm>> -> memref<1x1x1x64x256xf32, #tpu.memory_space<hbm>>
    %dma_wait3A_3432 = tpu.memref_squeeze %dma_wait3A_3431 : memref<1x1x1x64x256xf32, #tpu.memory_space<hbm>> -> memref<64x256xf32, #tpu.memory_space<hbm>>
    %dma_wait3A_3433 = arith.constant 128 : i32
    %dma_wait3A_3434 = arith.constant 0 : i32
    %dma_wait3A_3435 = tpu.memref_slice %arg3[%select_n3A_2769, %select_n3A_2785, %dma_wait3A_3428, %dma_wait3A_3433, %dma_wait3A_3434] : memref<8x8x3x256x256xf32, #tpu.memory_space<hbm>> -> memref<1x1x1x64x256xf32, #tpu.memory_space<hbm>>
    %dma_wait3A_3436 = tpu.memref_squeeze %dma_wait3A_3435 : memref<1x1x1x64x256xf32, #tpu.memory_space<hbm>> -> memref<64x256xf32, #tpu.memory_space<hbm>>
    tpu.wait_dma2 semaphore(%arg18 : memref<!tpu.dma_semaphore, #tpu.memory_space<semaphore_mem>>) src(%arg4 : memref<64x256xf32, #tpu.memory_space<vmem>>) dst(%dma_wait3A_3436 : memref<64x256xf32, #tpu.memory_space<hbm>>)
    %dma_start3A_3437 = arith.constant 2 : i32
    %dma_start3A_3438 = arith.constant 64 : i32
    %dma_start3A_3439 = arith.constant 0 : i32
    %dma_start3A_3440 = tpu.memref_slice %arg2[%select_n3A_3385, %select_n3A_3427, %dma_start3A_3437, %dma_start3A_3438, %dma_start3A_3439] : memref<8x32x3x256x256xf32, #tpu.memory_space<hbm>> -> memref<1x1x1x64x256xf32, #tpu.memory_space<hbm>>
    %dma_start3A_3441 = tpu.memref_squeeze %dma_start3A_3440 : memref<1x1x1x64x256xf32, #tpu.memory_space<hbm>> -> memref<64x256xf32, #tpu.memory_space<hbm>>
    %dma_start3A_3442 = arith.constant 64 : i32
    %dma_start3A_3443 = arith.constant 0 : i32
    %dma_start3A_3444 = tpu.memref_slice %arg2[%select_n3A_3385, %select_n3A_3427, %dma_start3A_3437, %dma_start3A_3442, %dma_start3A_3443] : memref<8x32x3x256x256xf32, #tpu.memory_space<hbm>> -> memref<1x1x1x64x256xf32, #tpu.memory_space<hbm>>
    %dma_start3A_3445 = tpu.memref_squeeze %dma_start3A_3444 : memref<1x1x1x64x256xf32, #tpu.memory_space<hbm>> -> memref<64x256xf32, #tpu.memory_space<hbm>>
    tpu.enqueue_dma source(%dma_start3A_3445 : memref<64x256xf32, #tpu.memory_space<hbm>>) target(%arg4 : memref<64x256xf32, #tpu.memory_space<vmem>>) target_semaphore(%arg11 : memref<!tpu.dma_semaphore, #tpu.memory_space<semaphore_mem>>)
    %mul3A_3446 = arith.constant 2 : i32
    %mul3A_3447 = arith.muli %add3A, %mul3A_3446 : i32
    %add3A_3448 = arith.constant 1 : i32
    %add3A_3449 = arith.addi %mul3A_3447, %add3A_3448 : i32
    %jit3A_3450 = arith.constant 8 : i32
    %div3A_3451 = arith.divsi %add3A_3449, %jit3A_3450 : i32
    %sign3A_3452 = arith.constant 0 : i32
    %sign3A_3453 = arith.cmpi sgt, %add3A_3449, %sign3A_3452 : i32
    %sign3A_3454 = arith.extui %sign3A_3453 : i1 to i32
    %sign3A_3455 = arith.constant 0 : i32
    %sign3A_3456 = arith.cmpi slt, %add3A_3449, %sign3A_3455 : i32
    %sign3A_3457 = arith.extui %sign3A_3456 : i1 to i32
    %sign3A_3458 = arith.subi %sign3A_3454, %sign3A_3457 : i32
    %sign3A_3459 = arith.constant 0 : i32
    %sign3A_3460 = arith.cmpi sgt, %jit3A_3450, %sign3A_3459 : i32
    %sign3A_3461 = arith.extui %sign3A_3460 : i1 to i32
    %sign3A_3462 = arith.constant 0 : i32
    %sign3A_3463 = arith.cmpi slt, %jit3A_3450, %sign3A_3462 : i32
    %sign3A_3464 = arith.extui %sign3A_3463 : i1 to i32
    %sign3A_3465 = arith.subi %sign3A_3461, %sign3A_3464 : i32
    %ne3A_3466 = arith.cmpi ne, %sign3A_3458, %sign3A_3465 : i32
    %rem3A_3467 = arith.remsi %add3A_3449, %jit3A_3450 : i32
    %ne3A_3468 = arith.constant 0 : i32
    %ne3A_3469 = arith.cmpi ne, %rem3A_3467, %ne3A_3468 : i32
    %and3A_3470 = arith.andi %ne3A_3466, %ne3A_3469 : i1
    %sub3A_3471 = arith.constant 1 : i32
    %sub3A_3472 = arith.subi %div3A_3451, %sub3A_3471 : i32
    %select_n3A_3473 = arith.select %and3A_3470, %sub3A_3472, %div3A_3451 : i32
    %jit3A_3474 = arith.constant 8 : i32
    %eq3A_3475 = arith.constant 0 : i32
    %eq3A_3476 = arith.cmpi eq, %jit3A_3474, %eq3A_3475 : i32
    %jit3A_3477 = arith.constant 1 : i32
    %select_n3A_3478 = arith.select %eq3A_3476, %jit3A_3477, %jit3A_3474 : i32
    %rem3A_3479 = arith.remsi %add3A_3449, %select_n3A_3478 : i32
    %ne3A_3480 = arith.constant 0 : i32
    %ne3A_3481 = arith.cmpi ne, %rem3A_3479, %ne3A_3480 : i32
    %lt3A_3482 = arith.constant 0 : i32
    %lt3A_3483 = arith.cmpi slt, %rem3A_3479, %lt3A_3482 : i32
    %lt3A_3484 = arith.constant 0 : i32
    %lt3A_3485 = arith.cmpi slt, %select_n3A_3478, %lt3A_3484 : i32
    %ne3A_3486 = arith.xori %lt3A_3483, %lt3A_3485 : i1
    %and3A_3487 = arith.andi %ne3A_3486, %ne3A_3481 : i1
    %add3A_3488 = arith.addi %rem3A_3479, %select_n3A_3478 : i32
    %select_n3A_3489 = arith.select %and3A_3487, %add3A_3488, %rem3A_3479 : i32
    %mul3A_3490 = arith.constant 31 : i32
    %mul3A_3491 = arith.muli %select_n3A_3489, %mul3A_3490 : i32
    %jit3A_3492 = arith.constant 7 : i32
    %div3A_3493 = arith.divsi %mul3A_3491, %jit3A_3492 : i32
    %sign3A_3494 = arith.constant 0 : i32
    %sign3A_3495 = arith.cmpi sgt, %mul3A_3491, %sign3A_3494 : i32
    %sign3A_3496 = arith.extui %sign3A_3495 : i1 to i32
    %sign3A_3497 = arith.constant 0 : i32
    %sign3A_3498 = arith.cmpi slt, %mul3A_3491, %sign3A_3497 : i32
    %sign3A_3499 = arith.extui %sign3A_3498 : i1 to i32
    %sign3A_3500 = arith.subi %sign3A_3496, %sign3A_3499 : i32
    %sign3A_3501 = arith.constant 0 : i32
    %sign3A_3502 = arith.cmpi sgt, %jit3A_3492, %sign3A_3501 : i32
    %sign3A_3503 = arith.extui %sign3A_3502 : i1 to i32
    %sign3A_3504 = arith.constant 0 : i32
    %sign3A_3505 = arith.cmpi slt, %jit3A_3492, %sign3A_3504 : i32
    %sign3A_3506 = arith.extui %sign3A_3505 : i1 to i32
    %sign3A_3507 = arith.subi %sign3A_3503, %sign3A_3506 : i32
    %ne3A_3508 = arith.cmpi ne, %sign3A_3500, %sign3A_3507 : i32
    %rem3A_3509 = arith.remsi %mul3A_3491, %jit3A_3492 : i32
    %ne3A_3510 = arith.constant 0 : i32
    %ne3A_3511 = arith.cmpi ne, %rem3A_3509, %ne3A_3510 : i32
    %and3A_3512 = arith.andi %ne3A_3508, %ne3A_3511 : i1
    %sub3A_3513 = arith.constant 1 : i32
    %sub3A_3514 = arith.subi %div3A_3493, %sub3A_3513 : i32
    %select_n3A_3515 = arith.select %and3A_3512, %sub3A_3514, %div3A_3493 : i32
    %dma_wait3A_3516 = arith.constant 1 : i32
    %dma_wait3A_3517 = arith.constant 128 : i32
    %dma_wait3A_3518 = arith.constant 0 : i32
    %dma_wait3A_3519 = tpu.memref_slice %arg2[%select_n3A_2857, %select_n3A_2899, %dma_wait3A_3516, %dma_wait3A_3517, %dma_wait3A_3518] : memref<8x32x3x256x256xf32, #tpu.memory_space<hbm>> -> memref<1x1x1x64x256xf32, #tpu.memory_space<hbm>>
    %dma_wait3A_3520 = tpu.memref_squeeze %dma_wait3A_3519 : memref<1x1x1x64x256xf32, #tpu.memory_space<hbm>> -> memref<64x256xf32, #tpu.memory_space<hbm>>
    %dma_wait3A_3521 = arith.constant 128 : i32
    %dma_wait3A_3522 = arith.constant 0 : i32
    %dma_wait3A_3523 = tpu.memref_slice %arg2[%select_n3A_2857, %select_n3A_2899, %dma_wait3A_3516, %dma_wait3A_3521, %dma_wait3A_3522] : memref<8x32x3x256x256xf32, #tpu.memory_space<hbm>> -> memref<1x1x1x64x256xf32, #tpu.memory_space<hbm>>
    %dma_wait3A_3524 = tpu.memref_squeeze %dma_wait3A_3523 : memref<1x1x1x64x256xf32, #tpu.memory_space<hbm>> -> memref<64x256xf32, #tpu.memory_space<hbm>>
    tpu.wait_dma2 semaphore(%arg15 : memref<!tpu.dma_semaphore, #tpu.memory_space<semaphore_mem>>) src(%dma_wait3A_3524 : memref<64x256xf32, #tpu.memory_space<hbm>>) dst(%arg8 : memref<64x256xf32, #tpu.memory_space<vmem>>)
    %dma_start3A_3525 = arith.constant 1 : i32
    %dma_start3A_3526 = arith.constant 128 : i32
    %dma_start3A_3527 = arith.constant 0 : i32
    %dma_start3A_3528 = tpu.memref_slice %arg3[%select_n3A_3473, %select_n3A_3489, %dma_start3A_3525, %dma_start3A_3526, %dma_start3A_3527] : memref<8x8x3x256x256xf32, #tpu.memory_space<hbm>> -> memref<1x1x1x64x256xf32, #tpu.memory_space<hbm>>
    %dma_start3A_3529 = tpu.memref_squeeze %dma_start3A_3528 : memref<1x1x1x64x256xf32, #tpu.memory_space<hbm>> -> memref<64x256xf32, #tpu.memory_space<hbm>>
    %dma_start3A_3530 = arith.constant 128 : i32
    %dma_start3A_3531 = arith.constant 0 : i32
    %dma_start3A_3532 = tpu.memref_slice %arg3[%select_n3A_3473, %select_n3A_3489, %dma_start3A_3525, %dma_start3A_3530, %dma_start3A_3531] : memref<8x8x3x256x256xf32, #tpu.memory_space<hbm>> -> memref<1x1x1x64x256xf32, #tpu.memory_space<hbm>>
    %dma_start3A_3533 = tpu.memref_squeeze %dma_start3A_3532 : memref<1x1x1x64x256xf32, #tpu.memory_space<hbm>> -> memref<64x256xf32, #tpu.memory_space<hbm>>
    tpu.enqueue_dma source(%arg8 : memref<64x256xf32, #tpu.memory_space<vmem>>) target(%dma_start3A_3533 : memref<64x256xf32, #tpu.memory_space<hbm>>) target_semaphore(%arg22 : memref<!tpu.dma_semaphore, #tpu.memory_space<semaphore_mem>>)
    %mul3A_3534 = arith.constant 2 : i32
    %mul3A_3535 = arith.muli %add3A, %mul3A_3534 : i32
    %add3A_3536 = arith.constant 1 : i32
    %add3A_3537 = arith.addi %mul3A_3535, %add3A_3536 : i32
    %jit3A_3538 = arith.constant 8 : i32
    %div3A_3539 = arith.divsi %add3A_3537, %jit3A_3538 : i32
    %sign3A_3540 = arith.constant 0 : i32
    %sign3A_3541 = arith.cmpi sgt, %add3A_3537, %sign3A_3540 : i32
    %sign3A_3542 = arith.extui %sign3A_3541 : i1 to i32
    %sign3A_3543 = arith.constant 0 : i32
    %sign3A_3544 = arith.cmpi slt, %add3A_3537, %sign3A_3543 : i32
    %sign3A_3545 = arith.extui %sign3A_3544 : i1 to i32
    %sign3A_3546 = arith.subi %sign3A_3542, %sign3A_3545 : i32
    %sign3A_3547 = arith.constant 0 : i32
    %sign3A_3548 = arith.cmpi sgt, %jit3A_3538, %sign3A_3547 : i32
    %sign3A_3549 = arith.extui %sign3A_3548 : i1 to i32
    %sign3A_3550 = arith.constant 0 : i32
    %sign3A_3551 = arith.cmpi slt, %jit3A_3538, %sign3A_3550 : i32
    %sign3A_3552 = arith.extui %sign3A_3551 : i1 to i32
    %sign3A_3553 = arith.subi %sign3A_3549, %sign3A_3552 : i32
    %ne3A_3554 = arith.cmpi ne, %sign3A_3546, %sign3A_3553 : i32
    %rem3A_3555 = arith.remsi %add3A_3537, %jit3A_3538 : i32
    %ne3A_3556 = arith.constant 0 : i32
    %ne3A_3557 = arith.cmpi ne, %rem3A_3555, %ne3A_3556 : i32
    %and3A_3558 = arith.andi %ne3A_3554, %ne3A_3557 : i1
    %sub3A_3559 = arith.constant 1 : i32
    %sub3A_3560 = arith.subi %div3A_3539, %sub3A_3559 : i32
    %select_n3A_3561 = arith.select %and3A_3558, %sub3A_3560, %div3A_3539 : i32
    %jit3A_3562 = arith.constant 8 : i32
    %eq3A_3563 = arith.constant 0 : i32
    %eq3A_3564 = arith.cmpi eq, %jit3A_3562, %eq3A_3563 : i32
    %jit3A_3565 = arith.constant 1 : i32
    %select_n3A_3566 = arith.select %eq3A_3564, %jit3A_3565, %jit3A_3562 : i32
    %rem3A_3567 = arith.remsi %add3A_3537, %select_n3A_3566 : i32
    %ne3A_3568 = arith.constant 0 : i32
    %ne3A_3569 = arith.cmpi ne, %rem3A_3567, %ne3A_3568 : i32
    %lt3A_3570 = arith.constant 0 : i32
    %lt3A_3571 = arith.cmpi slt, %rem3A_3567, %lt3A_3570 : i32
    %lt3A_3572 = arith.constant 0 : i32
    %lt3A_3573 = arith.cmpi slt, %select_n3A_3566, %lt3A_3572 : i32
    %ne3A_3574 = arith.xori %lt3A_3571, %lt3A_3573 : i1
    %and3A_3575 = arith.andi %ne3A_3574, %ne3A_3569 : i1
    %add3A_3576 = arith.addi %rem3A_3567, %select_n3A_3566 : i32
    %select_n3A_3577 = arith.select %and3A_3575, %add3A_3576, %rem3A_3567 : i32
    %mul3A_3578 = arith.constant 31 : i32
    %mul3A_3579 = arith.muli %select_n3A_3577, %mul3A_3578 : i32
    %jit3A_3580 = arith.constant 7 : i32
    %div3A_3581 = arith.divsi %mul3A_3579, %jit3A_3580 : i32
    %sign3A_3582 = arith.constant 0 : i32
    %sign3A_3583 = arith.cmpi sgt, %mul3A_3579, %sign3A_3582 : i32
    %sign3A_3584 = arith.extui %sign3A_3583 : i1 to i32
    %sign3A_3585 = arith.constant 0 : i32
    %sign3A_3586 = arith.cmpi slt, %mul3A_3579, %sign3A_3585 : i32
    %sign3A_3587 = arith.extui %sign3A_3586 : i1 to i32
    %sign3A_3588 = arith.subi %sign3A_3584, %sign3A_3587 : i32
    %sign3A_3589 = arith.constant 0 : i32
    %sign3A_3590 = arith.cmpi sgt, %jit3A_3580, %sign3A_3589 : i32
    %sign3A_3591 = arith.extui %sign3A_3590 : i1 to i32
    %sign3A_3592 = arith.constant 0 : i32
    %sign3A_3593 = arith.cmpi slt, %jit3A_3580, %sign3A_3592 : i32
    %sign3A_3594 = arith.extui %sign3A_3593 : i1 to i32
    %sign3A_3595 = arith.subi %sign3A_3591, %sign3A_3594 : i32
    %ne3A_3596 = arith.cmpi ne, %sign3A_3588, %sign3A_3595 : i32
    %rem3A_3597 = arith.remsi %mul3A_3579, %jit3A_3580 : i32
    %ne3A_3598 = arith.constant 0 : i32
    %ne3A_3599 = arith.cmpi ne, %rem3A_3597, %ne3A_3598 : i32
    %and3A_3600 = arith.andi %ne3A_3596, %ne3A_3599 : i1
    %sub3A_3601 = arith.constant 1 : i32
    %sub3A_3602 = arith.subi %div3A_3581, %sub3A_3601 : i32
    %select_n3A_3603 = arith.select %and3A_3600, %sub3A_3602, %div3A_3581 : i32
    %dma_wait3A_3604 = arith.constant 0 : i32
    %dma_wait3A_3605 = arith.constant 192 : i32
    %dma_wait3A_3606 = arith.constant 0 : i32
    %dma_wait3A_3607 = tpu.memref_slice %arg3[%select_n3A_2945, %select_n3A_2961, %dma_wait3A_3604, %dma_wait3A_3605, %dma_wait3A_3606] : memref<8x8x3x256x256xf32, #tpu.memory_space<hbm>> -> memref<1x1x1x64x256xf32, #tpu.memory_space<hbm>>
    %dma_wait3A_3608 = tpu.memref_squeeze %dma_wait3A_3607 : memref<1x1x1x64x256xf32, #tpu.memory_space<hbm>> -> memref<64x256xf32, #tpu.memory_space<hbm>>
    %dma_wait3A_3609 = arith.constant 192 : i32
    %dma_wait3A_3610 = arith.constant 0 : i32
    %dma_wait3A_3611 = tpu.memref_slice %arg3[%select_n3A_2945, %select_n3A_2961, %dma_wait3A_3604, %dma_wait3A_3609, %dma_wait3A_3610] : memref<8x8x3x256x256xf32, #tpu.memory_space<hbm>> -> memref<1x1x1x64x256xf32, #tpu.memory_space<hbm>>
    %dma_wait3A_3612 = tpu.memref_squeeze %dma_wait3A_3611 : memref<1x1x1x64x256xf32, #tpu.memory_space<hbm>> -> memref<64x256xf32, #tpu.memory_space<hbm>>
    tpu.wait_dma2 semaphore(%arg19 : memref<!tpu.dma_semaphore, #tpu.memory_space<semaphore_mem>>) src(%arg5 : memref<64x256xf32, #tpu.memory_space<vmem>>) dst(%dma_wait3A_3612 : memref<64x256xf32, #tpu.memory_space<hbm>>)
    %dma_start3A_3613 = arith.constant 2 : i32
    %dma_start3A_3614 = arith.constant 128 : i32
    %dma_start3A_3615 = arith.constant 0 : i32
    %dma_start3A_3616 = tpu.memref_slice %arg2[%select_n3A_3561, %select_n3A_3603, %dma_start3A_3613, %dma_start3A_3614, %dma_start3A_3615] : memref<8x32x3x256x256xf32, #tpu.memory_space<hbm>> -> memref<1x1x1x64x256xf32, #tpu.memory_space<hbm>>
    %dma_start3A_3617 = tpu.memref_squeeze %dma_start3A_3616 : memref<1x1x1x64x256xf32, #tpu.memory_space<hbm>> -> memref<64x256xf32, #tpu.memory_space<hbm>>
    %dma_start3A_3618 = arith.constant 128 : i32
    %dma_start3A_3619 = arith.constant 0 : i32
    %dma_start3A_3620 = tpu.memref_slice %arg2[%select_n3A_3561, %select_n3A_3603, %dma_start3A_3613, %dma_start3A_3618, %dma_start3A_3619] : memref<8x32x3x256x256xf32, #tpu.memory_space<hbm>> -> memref<1x1x1x64x256xf32, #tpu.memory_space<hbm>>
    %dma_start3A_3621 = tpu.memref_squeeze %dma_start3A_3620 : memref<1x1x1x64x256xf32, #tpu.memory_space<hbm>> -> memref<64x256xf32, #tpu.memory_space<hbm>>
    tpu.enqueue_dma source(%dma_start3A_3621 : memref<64x256xf32, #tpu.memory_space<hbm>>) target(%arg5 : memref<64x256xf32, #tpu.memory_space<vmem>>) target_semaphore(%arg12 : memref<!tpu.dma_semaphore, #tpu.memory_space<semaphore_mem>>)
    %mul3A_3622 = arith.constant 2 : i32
    %mul3A_3623 = arith.muli %add3A, %mul3A_3622 : i32
    %add3A_3624 = arith.constant 1 : i32
    %add3A_3625 = arith.addi %mul3A_3623, %add3A_3624 : i32
    %jit3A_3626 = arith.constant 8 : i32
    %div3A_3627 = arith.divsi %add3A_3625, %jit3A_3626 : i32
    %sign3A_3628 = arith.constant 0 : i32
    %sign3A_3629 = arith.cmpi sgt, %add3A_3625, %sign3A_3628 : i32
    %sign3A_3630 = arith.extui %sign3A_3629 : i1 to i32
    %sign3A_3631 = arith.constant 0 : i32
    %sign3A_3632 = arith.cmpi slt, %add3A_3625, %sign3A_3631 : i32
    %sign3A_3633 = arith.extui %sign3A_3632 : i1 to i32
    %sign3A_3634 = arith.subi %sign3A_3630, %sign3A_3633 : i32
    %sign3A_3635 = arith.constant 0 : i32
    %sign3A_3636 = arith.cmpi sgt, %jit3A_3626, %sign3A_3635 : i32
    %sign3A_3637 = arith.extui %sign3A_3636 : i1 to i32
    %sign3A_3638 = arith.constant 0 : i32
    %sign3A_3639 = arith.cmpi slt, %jit3A_3626, %sign3A_3638 : i32
    %sign3A_3640 = arith.extui %sign3A_3639 : i1 to i32
    %sign3A_3641 = arith.subi %sign3A_3637, %sign3A_3640 : i32
    %ne3A_3642 = arith.cmpi ne, %sign3A_3634, %sign3A_3641 : i32
    %rem3A_3643 = arith.remsi %add3A_3625, %jit3A_3626 : i32
    %ne3A_3644 = arith.constant 0 : i32
    %ne3A_3645 = arith.cmpi ne, %rem3A_3643, %ne3A_3644 : i32
    %and3A_3646 = arith.andi %ne3A_3642, %ne3A_3645 : i1
    %sub3A_3647 = arith.constant 1 : i32
    %sub3A_3648 = arith.subi %div3A_3627, %sub3A_3647 : i32
    %select_n3A_3649 = arith.select %and3A_3646, %sub3A_3648, %div3A_3627 : i32
    %jit3A_3650 = arith.constant 8 : i32
    %eq3A_3651 = arith.constant 0 : i32
    %eq3A_3652 = arith.cmpi eq, %jit3A_3650, %eq3A_3651 : i32
    %jit3A_3653 = arith.constant 1 : i32
    %select_n3A_3654 = arith.select %eq3A_3652, %jit3A_3653, %jit3A_3650 : i32
    %rem3A_3655 = arith.remsi %add3A_3625, %select_n3A_3654 : i32
    %ne3A_3656 = arith.constant 0 : i32
    %ne3A_3657 = arith.cmpi ne, %rem3A_3655, %ne3A_3656 : i32
    %lt3A_3658 = arith.constant 0 : i32
    %lt3A_3659 = arith.cmpi slt, %rem3A_3655, %lt3A_3658 : i32
    %lt3A_3660 = arith.constant 0 : i32
    %lt3A_3661 = arith.cmpi slt, %select_n3A_3654, %lt3A_3660 : i32
    %ne3A_3662 = arith.xori %lt3A_3659, %lt3A_3661 : i1
    %and3A_3663 = arith.andi %ne3A_3662, %ne3A_3657 : i1
    %add3A_3664 = arith.addi %rem3A_3655, %select_n3A_3654 : i32
    %select_n3A_3665 = arith.select %and3A_3663, %add3A_3664, %rem3A_3655 : i32
    %mul3A_3666 = arith.constant 31 : i32
    %mul3A_3667 = arith.muli %select_n3A_3665, %mul3A_3666 : i32
    %jit3A_3668 = arith.constant 7 : i32
    %div3A_3669 = arith.divsi %mul3A_3667, %jit3A_3668 : i32
    %sign3A_3670 = arith.constant 0 : i32
    %sign3A_3671 = arith.cmpi sgt, %mul3A_3667, %sign3A_3670 : i32
    %sign3A_3672 = arith.extui %sign3A_3671 : i1 to i32
    %sign3A_3673 = arith.constant 0 : i32
    %sign3A_3674 = arith.cmpi slt, %mul3A_3667, %sign3A_3673 : i32
    %sign3A_3675 = arith.extui %sign3A_3674 : i1 to i32
    %sign3A_3676 = arith.subi %sign3A_3672, %sign3A_3675 : i32
    %sign3A_3677 = arith.constant 0 : i32
    %sign3A_3678 = arith.cmpi sgt, %jit3A_3668, %sign3A_3677 : i32
    %sign3A_3679 = arith.extui %sign3A_3678 : i1 to i32
    %sign3A_3680 = arith.constant 0 : i32
    %sign3A_3681 = arith.cmpi slt, %jit3A_3668, %sign3A_3680 : i32
    %sign3A_3682 = arith.extui %sign3A_3681 : i1 to i32
    %sign3A_3683 = arith.subi %sign3A_3679, %sign3A_3682 : i32
    %ne3A_3684 = arith.cmpi ne, %sign3A_3676, %sign3A_3683 : i32
    %rem3A_3685 = arith.remsi %mul3A_3667, %jit3A_3668 : i32
    %ne3A_3686 = arith.constant 0 : i32
    %ne3A_3687 = arith.cmpi ne, %rem3A_3685, %ne3A_3686 : i32
    %and3A_3688 = arith.andi %ne3A_3684, %ne3A_3687 : i1
    %sub3A_3689 = arith.constant 1 : i32
    %sub3A_3690 = arith.subi %div3A_3669, %sub3A_3689 : i32
    %select_n3A_3691 = arith.select %and3A_3688, %sub3A_3690, %div3A_3669 : i32
    %dma_wait3A_3692 = arith.constant 1 : i32
    %dma_wait3A_3693 = arith.constant 192 : i32
    %dma_wait3A_3694 = arith.constant 0 : i32
    %dma_wait3A_3695 = tpu.memref_slice %arg2[%select_n3A_3033, %select_n3A_3075, %dma_wait3A_3692, %dma_wait3A_3693, %dma_wait3A_3694] : memref<8x32x3x256x256xf32, #tpu.memory_space<hbm>> -> memref<1x1x1x64x256xf32, #tpu.memory_space<hbm>>
    %dma_wait3A_3696 = tpu.memref_squeeze %dma_wait3A_3695 : memref<1x1x1x64x256xf32, #tpu.memory_space<hbm>> -> memref<64x256xf32, #tpu.memory_space<hbm>>
    %dma_wait3A_3697 = arith.constant 192 : i32
    %dma_wait3A_3698 = arith.constant 0 : i32
    %dma_wait3A_3699 = tpu.memref_slice %arg2[%select_n3A_3033, %select_n3A_3075, %dma_wait3A_3692, %dma_wait3A_3697, %dma_wait3A_3698] : memref<8x32x3x256x256xf32, #tpu.memory_space<hbm>> -> memref<1x1x1x64x256xf32, #tpu.memory_space<hbm>>
    %dma_wait3A_3700 = tpu.memref_squeeze %dma_wait3A_3699 : memref<1x1x1x64x256xf32, #tpu.memory_space<hbm>> -> memref<64x256xf32, #tpu.memory_space<hbm>>
    tpu.wait_dma2 semaphore(%arg16 : memref<!tpu.dma_semaphore, #tpu.memory_space<semaphore_mem>>) src(%dma_wait3A_3700 : memref<64x256xf32, #tpu.memory_space<hbm>>) dst(%arg9 : memref<64x256xf32, #tpu.memory_space<vmem>>)
    %dma_start3A_3701 = arith.constant 1 : i32
    %dma_start3A_3702 = arith.constant 192 : i32
    %dma_start3A_3703 = arith.constant 0 : i32
    %dma_start3A_3704 = tpu.memref_slice %arg3[%select_n3A_3649, %select_n3A_3665, %dma_start3A_3701, %dma_start3A_3702, %dma_start3A_3703] : memref<8x8x3x256x256xf32, #tpu.memory_space<hbm>> -> memref<1x1x1x64x256xf32, #tpu.memory_space<hbm>>
    %dma_start3A_3705 = tpu.memref_squeeze %dma_start3A_3704 : memref<1x1x1x64x256xf32, #tpu.memory_space<hbm>> -> memref<64x256xf32, #tpu.memory_space<hbm>>
    %dma_start3A_3706 = arith.constant 192 : i32
    %dma_start3A_3707 = arith.constant 0 : i32
    %dma_start3A_3708 = tpu.memref_slice %arg3[%select_n3A_3649, %select_n3A_3665, %dma_start3A_3701, %dma_start3A_3706, %dma_start3A_3707] : memref<8x8x3x256x256xf32, #tpu.memory_space<hbm>> -> memref<1x1x1x64x256xf32, #tpu.memory_space<hbm>>
    %dma_start3A_3709 = tpu.memref_squeeze %dma_start3A_3708 : memref<1x1x1x64x256xf32, #tpu.memory_space<hbm>> -> memref<64x256xf32, #tpu.memory_space<hbm>>
    tpu.enqueue_dma source(%arg9 : memref<64x256xf32, #tpu.memory_space<vmem>>) target(%dma_start3A_3709 : memref<64x256xf32, #tpu.memory_space<hbm>>) target_semaphore(%arg23 : memref<!tpu.dma_semaphore, #tpu.memory_space<semaphore_mem>>)
    %mul3A_3710 = arith.constant 2 : i32
    %mul3A_3711 = arith.muli %add3A, %mul3A_3710 : i32
    %add3A_3712 = arith.constant 1 : i32
    %add3A_3713 = arith.addi %mul3A_3711, %add3A_3712 : i32
    %jit3A_3714 = arith.constant 8 : i32
    %div3A_3715 = arith.divsi %add3A_3713, %jit3A_3714 : i32
    %sign3A_3716 = arith.constant 0 : i32
    %sign3A_3717 = arith.cmpi sgt, %add3A_3713, %sign3A_3716 : i32
    %sign3A_3718 = arith.extui %sign3A_3717 : i1 to i32
    %sign3A_3719 = arith.constant 0 : i32
    %sign3A_3720 = arith.cmpi slt, %add3A_3713, %sign3A_3719 : i32
    %sign3A_3721 = arith.extui %sign3A_3720 : i1 to i32
    %sign3A_3722 = arith.subi %sign3A_3718, %sign3A_3721 : i32
    %sign3A_3723 = arith.constant 0 : i32
    %sign3A_3724 = arith.cmpi sgt, %jit3A_3714, %sign3A_3723 : i32
    %sign3A_3725 = arith.extui %sign3A_3724 : i1 to i32
    %sign3A_3726 = arith.constant 0 : i32
    %sign3A_3727 = arith.cmpi slt, %jit3A_3714, %sign3A_3726 : i32
    %sign3A_3728 = arith.extui %sign3A_3727 : i1 to i32
    %sign3A_3729 = arith.subi %sign3A_3725, %sign3A_3728 : i32
    %ne3A_3730 = arith.cmpi ne, %sign3A_3722, %sign3A_3729 : i32
    %rem3A_3731 = arith.remsi %add3A_3713, %jit3A_3714 : i32
    %ne3A_3732 = arith.constant 0 : i32
    %ne3A_3733 = arith.cmpi ne, %rem3A_3731, %ne3A_3732 : i32
    %and3A_3734 = arith.andi %ne3A_3730, %ne3A_3733 : i1
    %sub3A_3735 = arith.constant 1 : i32
    %sub3A_3736 = arith.subi %div3A_3715, %sub3A_3735 : i32
    %select_n3A_3737 = arith.select %and3A_3734, %sub3A_3736, %div3A_3715 : i32
    %jit3A_3738 = arith.constant 8 : i32
    %eq3A_3739 = arith.constant 0 : i32
    %eq3A_3740 = arith.cmpi eq, %jit3A_3738, %eq3A_3739 : i32
    %jit3A_3741 = arith.constant 1 : i32
    %select_n3A_3742 = arith.select %eq3A_3740, %jit3A_3741, %jit3A_3738 : i32
    %rem3A_3743 = arith.remsi %add3A_3713, %select_n3A_3742 : i32
    %ne3A_3744 = arith.constant 0 : i32
    %ne3A_3745 = arith.cmpi ne, %rem3A_3743, %ne3A_3744 : i32
    %lt3A_3746 = arith.constant 0 : i32
    %lt3A_3747 = arith.cmpi slt, %rem3A_3743, %lt3A_3746 : i32
    %lt3A_3748 = arith.constant 0 : i32
    %lt3A_3749 = arith.cmpi slt, %select_n3A_3742, %lt3A_3748 : i32
    %ne3A_3750 = arith.xori %lt3A_3747, %lt3A_3749 : i1
    %and3A_3751 = arith.andi %ne3A_3750, %ne3A_3745 : i1
    %add3A_3752 = arith.addi %rem3A_3743, %select_n3A_3742 : i32
    %select_n3A_3753 = arith.select %and3A_3751, %add3A_3752, %rem3A_3743 : i32
    %mul3A_3754 = arith.constant 31 : i32
    %mul3A_3755 = arith.muli %select_n3A_3753, %mul3A_3754 : i32
    %jit3A_3756 = arith.constant 7 : i32
    %div3A_3757 = arith.divsi %mul3A_3755, %jit3A_3756 : i32
    %sign3A_3758 = arith.constant 0 : i32
    %sign3A_3759 = arith.cmpi sgt, %mul3A_3755, %sign3A_3758 : i32
    %sign3A_3760 = arith.extui %sign3A_3759 : i1 to i32
    %sign3A_3761 = arith.constant 0 : i32
    %sign3A_3762 = arith.cmpi slt, %mul3A_3755, %sign3A_3761 : i32
    %sign3A_3763 = arith.extui %sign3A_3762 : i1 to i32
    %sign3A_3764 = arith.subi %sign3A_3760, %sign3A_3763 : i32
    %sign3A_3765 = arith.constant 0 : i32
    %sign3A_3766 = arith.cmpi sgt, %jit3A_3756, %sign3A_3765 : i32
    %sign3A_3767 = arith.extui %sign3A_3766 : i1 to i32
    %sign3A_3768 = arith.constant 0 : i32
    %sign3A_3769 = arith.cmpi slt, %jit3A_3756, %sign3A_3768 : i32
    %sign3A_3770 = arith.extui %sign3A_3769 : i1 to i32
    %sign3A_3771 = arith.subi %sign3A_3767, %sign3A_3770 : i32
    %ne3A_3772 = arith.cmpi ne, %sign3A_3764, %sign3A_3771 : i32
    %rem3A_3773 = arith.remsi %mul3A_3755, %jit3A_3756 : i32
    %ne3A_3774 = arith.constant 0 : i32
    %ne3A_3775 = arith.cmpi ne, %rem3A_3773, %ne3A_3774 : i32
    %and3A_3776 = arith.andi %ne3A_3772, %ne3A_3775 : i1
    %sub3A_3777 = arith.constant 1 : i32
    %sub3A_3778 = arith.subi %div3A_3757, %sub3A_3777 : i32
    %select_n3A_3779 = arith.select %and3A_3776, %sub3A_3778, %div3A_3757 : i32
    %dma_wait3A_3780 = arith.constant 1 : i32
    %dma_wait3A_3781 = arith.constant 0 : i32
    %dma_wait3A_3782 = arith.constant 0 : i32
    %dma_wait3A_3783 = tpu.memref_slice %arg3[%select_n3A_3121, %select_n3A_3137, %dma_wait3A_3780, %dma_wait3A_3781, %dma_wait3A_3782] : memref<8x8x3x256x256xf32, #tpu.memory_space<hbm>> -> memref<1x1x1x64x256xf32, #tpu.memory_space<hbm>>
    %dma_wait3A_3784 = tpu.memref_squeeze %dma_wait3A_3783 : memref<1x1x1x64x256xf32, #tpu.memory_space<hbm>> -> memref<64x256xf32, #tpu.memory_space<hbm>>
    %dma_wait3A_3785 = arith.constant 0 : i32
    %dma_wait3A_3786 = arith.constant 0 : i32
    %dma_wait3A_3787 = tpu.memref_slice %arg3[%select_n3A_3121, %select_n3A_3137, %dma_wait3A_3780, %dma_wait3A_3785, %dma_wait3A_3786] : memref<8x8x3x256x256xf32, #tpu.memory_space<hbm>> -> memref<1x1x1x64x256xf32, #tpu.memory_space<hbm>>
    %dma_wait3A_3788 = tpu.memref_squeeze %dma_wait3A_3787 : memref<1x1x1x64x256xf32, #tpu.memory_space<hbm>> -> memref<64x256xf32, #tpu.memory_space<hbm>>
    tpu.wait_dma2 semaphore(%arg20 : memref<!tpu.dma_semaphore, #tpu.memory_space<semaphore_mem>>) src(%arg6 : memref<64x256xf32, #tpu.memory_space<vmem>>) dst(%dma_wait3A_3788 : memref<64x256xf32, #tpu.memory_space<hbm>>)
    %dma_start3A_3789 = arith.constant 2 : i32
    %dma_start3A_3790 = arith.constant 192 : i32
    %dma_start3A_3791 = arith.constant 0 : i32
    %dma_start3A_3792 = tpu.memref_slice %arg2[%select_n3A_3737, %select_n3A_3779, %dma_start3A_3789, %dma_start3A_3790, %dma_start3A_3791] : memref<8x32x3x256x256xf32, #tpu.memory_space<hbm>> -> memref<1x1x1x64x256xf32, #tpu.memory_space<hbm>>
    %dma_start3A_3793 = tpu.memref_squeeze %dma_start3A_3792 : memref<1x1x1x64x256xf32, #tpu.memory_space<hbm>> -> memref<64x256xf32, #tpu.memory_space<hbm>>
    %dma_start3A_3794 = arith.constant 192 : i32
    %dma_start3A_3795 = arith.constant 0 : i32
    %dma_start3A_3796 = tpu.memref_slice %arg2[%select_n3A_3737, %select_n3A_3779, %dma_start3A_3789, %dma_start3A_3794, %dma_start3A_3795] : memref<8x32x3x256x256xf32, #tpu.memory_space<hbm>> -> memref<1x1x1x64x256xf32, #tpu.memory_space<hbm>>
    %dma_start3A_3797 = tpu.memref_squeeze %dma_start3A_3796 : memref<1x1x1x64x256xf32, #tpu.memory_space<hbm>> -> memref<64x256xf32, #tpu.memory_space<hbm>>
    tpu.enqueue_dma source(%dma_start3A_3797 : memref<64x256xf32, #tpu.memory_space<hbm>>) target(%arg6 : memref<64x256xf32, #tpu.memory_space<vmem>>) target_semaphore(%arg13 : memref<!tpu.dma_semaphore, #tpu.memory_space<semaphore_mem>>)
    %mul3A_3798 = arith.constant 2 : i32
    %mul3A_3799 = arith.muli %add3A, %mul3A_3798 : i32
    %add3A_3800 = arith.constant 1 : i32
    %add3A_3801 = arith.addi %mul3A_3799, %add3A_3800 : i32
    %jit3A_3802 = arith.constant 8 : i32
    %div3A_3803 = arith.divsi %add3A_3801, %jit3A_3802 : i32
    %sign3A_3804 = arith.constant 0 : i32
    %sign3A_3805 = arith.cmpi sgt, %add3A_3801, %sign3A_3804 : i32
    %sign3A_3806 = arith.extui %sign3A_3805 : i1 to i32
    %sign3A_3807 = arith.constant 0 : i32
    %sign3A_3808 = arith.cmpi slt, %add3A_3801, %sign3A_3807 : i32
    %sign3A_3809 = arith.extui %sign3A_3808 : i1 to i32
    %sign3A_3810 = arith.subi %sign3A_3806, %sign3A_3809 : i32
    %sign3A_3811 = arith.constant 0 : i32
    %sign3A_3812 = arith.cmpi sgt, %jit3A_3802, %sign3A_3811 : i32
    %sign3A_3813 = arith.extui %sign3A_3812 : i1 to i32
    %sign3A_3814 = arith.constant 0 : i32
    %sign3A_3815 = arith.cmpi slt, %jit3A_3802, %sign3A_3814 : i32
    %sign3A_3816 = arith.extui %sign3A_3815 : i1 to i32
    %sign3A_3817 = arith.subi %sign3A_3813, %sign3A_3816 : i32
    %ne3A_3818 = arith.cmpi ne, %sign3A_3810, %sign3A_3817 : i32
    %rem3A_3819 = arith.remsi %add3A_3801, %jit3A_3802 : i32
    %ne3A_3820 = arith.constant 0 : i32
    %ne3A_3821 = arith.cmpi ne, %rem3A_3819, %ne3A_3820 : i32
    %and3A_3822 = arith.andi %ne3A_3818, %ne3A_3821 : i1
    %sub3A_3823 = arith.constant 1 : i32
    %sub3A_3824 = arith.subi %div3A_3803, %sub3A_3823 : i32
    %select_n3A_3825 = arith.select %and3A_3822, %sub3A_3824, %div3A_3803 : i32
    %jit3A_3826 = arith.constant 8 : i32
    %eq3A_3827 = arith.constant 0 : i32
    %eq3A_3828 = arith.cmpi eq, %jit3A_3826, %eq3A_3827 : i32
    %jit3A_3829 = arith.constant 1 : i32
    %select_n3A_3830 = arith.select %eq3A_3828, %jit3A_3829, %jit3A_3826 : i32
    %rem3A_3831 = arith.remsi %add3A_3801, %select_n3A_3830 : i32
    %ne3A_3832 = arith.constant 0 : i32
    %ne3A_3833 = arith.cmpi ne, %rem3A_3831, %ne3A_3832 : i32
    %lt3A_3834 = arith.constant 0 : i32
    %lt3A_3835 = arith.cmpi slt, %rem3A_3831, %lt3A_3834 : i32
    %lt3A_3836 = arith.constant 0 : i32
    %lt3A_3837 = arith.cmpi slt, %select_n3A_3830, %lt3A_3836 : i32
    %ne3A_3838 = arith.xori %lt3A_3835, %lt3A_3837 : i1
    %and3A_3839 = arith.andi %ne3A_3838, %ne3A_3833 : i1
    %add3A_3840 = arith.addi %rem3A_3831, %select_n3A_3830 : i32
    %select_n3A_3841 = arith.select %and3A_3839, %add3A_3840, %rem3A_3831 : i32
    %mul3A_3842 = arith.constant 31 : i32
    %mul3A_3843 = arith.muli %select_n3A_3841, %mul3A_3842 : i32
    %jit3A_3844 = arith.constant 7 : i32
    %div3A_3845 = arith.divsi %mul3A_3843, %jit3A_3844 : i32
    %sign3A_3846 = arith.constant 0 : i32
    %sign3A_3847 = arith.cmpi sgt, %mul3A_3843, %sign3A_3846 : i32
    %sign3A_3848 = arith.extui %sign3A_3847 : i1 to i32
    %sign3A_3849 = arith.constant 0 : i32
    %sign3A_3850 = arith.cmpi slt, %mul3A_3843, %sign3A_3849 : i32
    %sign3A_3851 = arith.extui %sign3A_3850 : i1 to i32
    %sign3A_3852 = arith.subi %sign3A_3848, %sign3A_3851 : i32
    %sign3A_3853 = arith.constant 0 : i32
    %sign3A_3854 = arith.cmpi sgt, %jit3A_3844, %sign3A_3853 : i32
    %sign3A_3855 = arith.extui %sign3A_3854 : i1 to i32
    %sign3A_3856 = arith.constant 0 : i32
    %sign3A_3857 = arith.cmpi slt, %jit3A_3844, %sign3A_3856 : i32
    %sign3A_3858 = arith.extui %sign3A_3857 : i1 to i32
    %sign3A_3859 = arith.subi %sign3A_3855, %sign3A_3858 : i32
    %ne3A_3860 = arith.cmpi ne, %sign3A_3852, %sign3A_3859 : i32
    %rem3A_3861 = arith.remsi %mul3A_3843, %jit3A_3844 : i32
    %ne3A_3862 = arith.constant 0 : i32
    %ne3A_3863 = arith.cmpi ne, %rem3A_3861, %ne3A_3862 : i32
    %and3A_3864 = arith.andi %ne3A_3860, %ne3A_3863 : i1
    %sub3A_3865 = arith.constant 1 : i32
    %sub3A_3866 = arith.subi %div3A_3845, %sub3A_3865 : i32
    %select_n3A_3867 = arith.select %and3A_3864, %sub3A_3866, %div3A_3845 : i32
    %dma_wait3A_3868 = arith.constant 2 : i32
    %dma_wait3A_3869 = arith.constant 0 : i32
    %dma_wait3A_3870 = arith.constant 0 : i32
    %dma_wait3A_3871 = tpu.memref_slice %arg2[%select_n3A_3209, %select_n3A_3251, %dma_wait3A_3868, %dma_wait3A_3869, %dma_wait3A_3870] : memref<8x32x3x256x256xf32, #tpu.memory_space<hbm>> -> memref<1x1x1x64x256xf32, #tpu.memory_space<hbm>>
    %dma_wait3A_3872 = tpu.memref_squeeze %dma_wait3A_3871 : memref<1x1x1x64x256xf32, #tpu.memory_space<hbm>> -> memref<64x256xf32, #tpu.memory_space<hbm>>
    %dma_wait3A_3873 = arith.constant 0 : i32
    %dma_wait3A_3874 = arith.constant 0 : i32
    %dma_wait3A_3875 = tpu.memref_slice %arg2[%select_n3A_3209, %select_n3A_3251, %dma_wait3A_3868, %dma_wait3A_3873, %dma_wait3A_3874] : memref<8x32x3x256x256xf32, #tpu.memory_space<hbm>> -> memref<1x1x1x64x256xf32, #tpu.memory_space<hbm>>
    %dma_wait3A_3876 = tpu.memref_squeeze %dma_wait3A_3875 : memref<1x1x1x64x256xf32, #tpu.memory_space<hbm>> -> memref<64x256xf32, #tpu.memory_space<hbm>>
    tpu.wait_dma2 semaphore(%arg17 : memref<!tpu.dma_semaphore, #tpu.memory_space<semaphore_mem>>) src(%dma_wait3A_3876 : memref<64x256xf32, #tpu.memory_space<hbm>>) dst(%arg10 : memref<64x256xf32, #tpu.memory_space<vmem>>)
    %dma_start3A_3877 = arith.constant 2 : i32
    %dma_start3A_3878 = arith.constant 0 : i32
    %dma_start3A_3879 = arith.constant 0 : i32
    %dma_start3A_3880 = tpu.memref_slice %arg3[%select_n3A_3825, %select_n3A_3841, %dma_start3A_3877, %dma_start3A_3878, %dma_start3A_3879] : memref<8x8x3x256x256xf32, #tpu.memory_space<hbm>> -> memref<1x1x1x64x256xf32, #tpu.memory_space<hbm>>
    %dma_start3A_3881 = tpu.memref_squeeze %dma_start3A_3880 : memref<1x1x1x64x256xf32, #tpu.memory_space<hbm>> -> memref<64x256xf32, #tpu.memory_space<hbm>>
    %dma_start3A_3882 = arith.constant 0 : i32
    %dma_start3A_3883 = arith.constant 0 : i32
    %dma_start3A_3884 = tpu.memref_slice %arg3[%select_n3A_3825, %select_n3A_3841, %dma_start3A_3877, %dma_start3A_3882, %dma_start3A_3883] : memref<8x8x3x256x256xf32, #tpu.memory_space<hbm>> -> memref<1x1x1x64x256xf32, #tpu.memory_space<hbm>>
    %dma_start3A_3885 = tpu.memref_squeeze %dma_start3A_3884 : memref<1x1x1x64x256xf32, #tpu.memory_space<hbm>> -> memref<64x256xf32, #tpu.memory_space<hbm>>
    tpu.enqueue_dma source(%arg10 : memref<64x256xf32, #tpu.memory_space<vmem>>) target(%dma_start3A_3885 : memref<64x256xf32, #tpu.memory_space<hbm>>) target_semaphore(%arg24 : memref<!tpu.dma_semaphore, #tpu.memory_space<semaphore_mem>>)
    %mul3A_3886 = arith.constant 2 : i32
    %mul3A_3887 = arith.muli %add3A, %mul3A_3886 : i32
    %add3A_3888 = arith.constant 1 : i32
    %add3A_3889 = arith.addi %mul3A_3887, %add3A_3888 : i32
    %jit3A_3890 = arith.constant 8 : i32
    %div3A_3891 = arith.divsi %add3A_3889, %jit3A_3890 : i32
    %sign3A_3892 = arith.constant 0 : i32
    %sign3A_3893 = arith.cmpi sgt, %add3A_3889, %sign3A_3892 : i32
    %sign3A_3894 = arith.extui %sign3A_3893 : i1 to i32
    %sign3A_3895 = arith.constant 0 : i32
    %sign3A_3896 = arith.cmpi slt, %add3A_3889, %sign3A_3895 : i32
    %sign3A_3897 = arith.extui %sign3A_3896 : i1 to i32
    %sign3A_3898 = arith.subi %sign3A_3894, %sign3A_3897 : i32
    %sign3A_3899 = arith.constant 0 : i32
    %sign3A_3900 = arith.cmpi sgt, %jit3A_3890, %sign3A_3899 : i32
    %sign3A_3901 = arith.extui %sign3A_3900 : i1 to i32
    %sign3A_3902 = arith.constant 0 : i32
    %sign3A_3903 = arith.cmpi slt, %jit3A_3890, %sign3A_3902 : i32
    %sign3A_3904 = arith.extui %sign3A_3903 : i1 to i32
    %sign3A_3905 = arith.subi %sign3A_3901, %sign3A_3904 : i32
    %ne3A_3906 = arith.cmpi ne, %sign3A_3898, %sign3A_3905 : i32
    %rem3A_3907 = arith.remsi %add3A_3889, %jit3A_3890 : i32
    %ne3A_3908 = arith.constant 0 : i32
    %ne3A_3909 = arith.cmpi ne, %rem3A_3907, %ne3A_3908 : i32
    %and3A_3910 = arith.andi %ne3A_3906, %ne3A_3909 : i1
    %sub3A_3911 = arith.constant 1 : i32
    %sub3A_3912 = arith.subi %div3A_3891, %sub3A_3911 : i32
    %select_n3A_3913 = arith.select %and3A_3910, %sub3A_3912, %div3A_3891 : i32
    %jit3A_3914 = arith.constant 8 : i32
    %eq3A_3915 = arith.constant 0 : i32
    %eq3A_3916 = arith.cmpi eq, %jit3A_3914, %eq3A_3915 : i32
    %jit3A_3917 = arith.constant 1 : i32
    %select_n3A_3918 = arith.select %eq3A_3916, %jit3A_3917, %jit3A_3914 : i32
    %rem3A_3919 = arith.remsi %add3A_3889, %select_n3A_3918 : i32
    %ne3A_3920 = arith.constant 0 : i32
    %ne3A_3921 = arith.cmpi ne, %rem3A_3919, %ne3A_3920 : i32
    %lt3A_3922 = arith.constant 0 : i32
    %lt3A_3923 = arith.cmpi slt, %rem3A_3919, %lt3A_3922 : i32
    %lt3A_3924 = arith.constant 0 : i32
    %lt3A_3925 = arith.cmpi slt, %select_n3A_3918, %lt3A_3924 : i32
    %ne3A_3926 = arith.xori %lt3A_3923, %lt3A_3925 : i1
    %and3A_3927 = arith.andi %ne3A_3926, %ne3A_3921 : i1
    %add3A_3928 = arith.addi %rem3A_3919, %select_n3A_3918 : i32
    %select_n3A_3929 = arith.select %and3A_3927, %add3A_3928, %rem3A_3919 : i32
    %mul3A_3930 = arith.constant 31 : i32
    %mul3A_3931 = arith.muli %select_n3A_3929, %mul3A_3930 : i32
    %jit3A_3932 = arith.constant 7 : i32
    %div3A_3933 = arith.divsi %mul3A_3931, %jit3A_3932 : i32
    %sign3A_3934 = arith.constant 0 : i32
    %sign3A_3935 = arith.cmpi sgt, %mul3A_3931, %sign3A_3934 : i32
    %sign3A_3936 = arith.extui %sign3A_3935 : i1 to i32
    %sign3A_3937 = arith.constant 0 : i32
    %sign3A_3938 = arith.cmpi slt, %mul3A_3931, %sign3A_3937 : i32
    %sign3A_3939 = arith.extui %sign3A_3938 : i1 to i32
    %sign3A_3940 = arith.subi %sign3A_3936, %sign3A_3939 : i32
    %sign3A_3941 = arith.constant 0 : i32
    %sign3A_3942 = arith.cmpi sgt, %jit3A_3932, %sign3A_3941 : i32
    %sign3A_3943 = arith.extui %sign3A_3942 : i1 to i32
    %sign3A_3944 = arith.constant 0 : i32
    %sign3A_3945 = arith.cmpi slt, %jit3A_3932, %sign3A_3944 : i32
    %sign3A_3946 = arith.extui %sign3A_3945 : i1 to i32
    %sign3A_3947 = arith.subi %sign3A_3943, %sign3A_3946 : i32
    %ne3A_3948 = arith.cmpi ne, %sign3A_3940, %sign3A_3947 : i32
    %rem3A_3949 = arith.remsi %mul3A_3931, %jit3A_3932 : i32
    %ne3A_3950 = arith.constant 0 : i32
    %ne3A_3951 = arith.cmpi ne, %rem3A_3949, %ne3A_3950 : i32
    %and3A_3952 = arith.andi %ne3A_3948, %ne3A_3951 : i1
    %sub3A_3953 = arith.constant 1 : i32
    %sub3A_3954 = arith.subi %div3A_3933, %sub3A_3953 : i32
    %select_n3A_3955 = arith.select %and3A_3952, %sub3A_3954, %div3A_3933 : i32
    %dma_wait3A_3956 = arith.constant 2 : i32
    %dma_wait3A_3957 = arith.constant 64 : i32
    %dma_wait3A_3958 = arith.constant 0 : i32
    %dma_wait3A_3959 = tpu.memref_slice %arg2[%select_n3A_3385, %select_n3A_3427, %dma_wait3A_3956, %dma_wait3A_3957, %dma_wait3A_3958] : memref<8x32x3x256x256xf32, #tpu.memory_space<hbm>> -> memref<1x1x1x64x256xf32, #tpu.memory_space<hbm>>
    %dma_wait3A_3960 = tpu.memref_squeeze %dma_wait3A_3959 : memref<1x1x1x64x256xf32, #tpu.memory_space<hbm>> -> memref<64x256xf32, #tpu.memory_space<hbm>>
    %dma_wait3A_3961 = arith.constant 64 : i32
    %dma_wait3A_3962 = arith.constant 0 : i32
    %dma_wait3A_3963 = tpu.memref_slice %arg2[%select_n3A_3385, %select_n3A_3427, %dma_wait3A_3956, %dma_wait3A_3961, %dma_wait3A_3962] : memref<8x32x3x256x256xf32, #tpu.memory_space<hbm>> -> memref<1x1x1x64x256xf32, #tpu.memory_space<hbm>>
    %dma_wait3A_3964 = tpu.memref_squeeze %dma_wait3A_3963 : memref<1x1x1x64x256xf32, #tpu.memory_space<hbm>> -> memref<64x256xf32, #tpu.memory_space<hbm>>
    tpu.wait_dma2 semaphore(%arg11 : memref<!tpu.dma_semaphore, #tpu.memory_space<semaphore_mem>>) src(%dma_wait3A_3964 : memref<64x256xf32, #tpu.memory_space<hbm>>) dst(%arg4 : memref<64x256xf32, #tpu.memory_space<vmem>>)
    %dma_start3A_3965 = arith.constant 2 : i32
    %dma_start3A_3966 = arith.constant 64 : i32
    %dma_start3A_3967 = arith.constant 0 : i32
    %dma_start3A_3968 = tpu.memref_slice %arg3[%select_n3A_3913, %select_n3A_3929, %dma_start3A_3965, %dma_start3A_3966, %dma_start3A_3967] : memref<8x8x3x256x256xf32, #tpu.memory_space<hbm>> -> memref<1x1x1x64x256xf32, #tpu.memory_space<hbm>>
    %dma_start3A_3969 = tpu.memref_squeeze %dma_start3A_3968 : memref<1x1x1x64x256xf32, #tpu.memory_space<hbm>> -> memref<64x256xf32, #tpu.memory_space<hbm>>
    %dma_start3A_3970 = arith.constant 64 : i32
    %dma_start3A_3971 = arith.constant 0 : i32
    %dma_start3A_3972 = tpu.memref_slice %arg3[%select_n3A_3913, %select_n3A_3929, %dma_start3A_3965, %dma_start3A_3970, %dma_start3A_3971] : memref<8x8x3x256x256xf32, #tpu.memory_space<hbm>> -> memref<1x1x1x64x256xf32, #tpu.memory_space<hbm>>
    %dma_start3A_3973 = tpu.memref_squeeze %dma_start3A_3972 : memref<1x1x1x64x256xf32, #tpu.memory_space<hbm>> -> memref<64x256xf32, #tpu.memory_space<hbm>>
    tpu.enqueue_dma source(%arg4 : memref<64x256xf32, #tpu.memory_space<vmem>>) target(%dma_start3A_3973 : memref<64x256xf32, #tpu.memory_space<hbm>>) target_semaphore(%arg18 : memref<!tpu.dma_semaphore, #tpu.memory_space<semaphore_mem>>)
    %mul3A_3974 = arith.constant 2 : i32
    %mul3A_3975 = arith.muli %add3A, %mul3A_3974 : i32
    %add3A_3976 = arith.constant 1 : i32
    %add3A_3977 = arith.addi %mul3A_3975, %add3A_3976 : i32
    %jit3A_3978 = arith.constant 8 : i32
    %div3A_3979 = arith.divsi %add3A_3977, %jit3A_3978 : i32
    %sign3A_3980 = arith.constant 0 : i32
    %sign3A_3981 = arith.cmpi sgt, %add3A_3977, %sign3A_3980 : i32
    %sign3A_3982 = arith.extui %sign3A_3981 : i1 to i32
    %sign3A_3983 = arith.constant 0 : i32
    %sign3A_3984 = arith.cmpi slt, %add3A_3977, %sign3A_3983 : i32
    %sign3A_3985 = arith.extui %sign3A_3984 : i1 to i32
    %sign3A_3986 = arith.subi %sign3A_3982, %sign3A_3985 : i32
    %sign3A_3987 = arith.constant 0 : i32
    %sign3A_3988 = arith.cmpi sgt, %jit3A_3978, %sign3A_3987 : i32
    %sign3A_3989 = arith.extui %sign3A_3988 : i1 to i32
    %sign3A_3990 = arith.constant 0 : i32
    %sign3A_3991 = arith.cmpi slt, %jit3A_3978, %sign3A_3990 : i32
    %sign3A_3992 = arith.extui %sign3A_3991 : i1 to i32
    %sign3A_3993 = arith.subi %sign3A_3989, %sign3A_3992 : i32
    %ne3A_3994 = arith.cmpi ne, %sign3A_3986, %sign3A_3993 : i32
    %rem3A_3995 = arith.remsi %add3A_3977, %jit3A_3978 : i32
    %ne3A_3996 = arith.constant 0 : i32
    %ne3A_3997 = arith.cmpi ne, %rem3A_3995, %ne3A_3996 : i32
    %and3A_3998 = arith.andi %ne3A_3994, %ne3A_3997 : i1
    %sub3A_3999 = arith.constant 1 : i32
    %sub3A_4000 = arith.subi %div3A_3979, %sub3A_3999 : i32
    %select_n3A_4001 = arith.select %and3A_3998, %sub3A_4000, %div3A_3979 : i32
    %jit3A_4002 = arith.constant 8 : i32
    %eq3A_4003 = arith.constant 0 : i32
    %eq3A_4004 = arith.cmpi eq, %jit3A_4002, %eq3A_4003 : i32
    %jit3A_4005 = arith.constant 1 : i32
    %select_n3A_4006 = arith.select %eq3A_4004, %jit3A_4005, %jit3A_4002 : i32
    %rem3A_4007 = arith.remsi %add3A_3977, %select_n3A_4006 : i32
    %ne3A_4008 = arith.constant 0 : i32
    %ne3A_4009 = arith.cmpi ne, %rem3A_4007, %ne3A_4008 : i32
    %lt3A_4010 = arith.constant 0 : i32
    %lt3A_4011 = arith.cmpi slt, %rem3A_4007, %lt3A_4010 : i32
    %lt3A_4012 = arith.constant 0 : i32
    %lt3A_4013 = arith.cmpi slt, %select_n3A_4006, %lt3A_4012 : i32
    %ne3A_4014 = arith.xori %lt3A_4011, %lt3A_4013 : i1
    %and3A_4015 = arith.andi %ne3A_4014, %ne3A_4009 : i1
    %add3A_4016 = arith.addi %rem3A_4007, %select_n3A_4006 : i32
    %select_n3A_4017 = arith.select %and3A_4015, %add3A_4016, %rem3A_4007 : i32
    %mul3A_4018 = arith.constant 31 : i32
    %mul3A_4019 = arith.muli %select_n3A_4017, %mul3A_4018 : i32
    %jit3A_4020 = arith.constant 7 : i32
    %div3A_4021 = arith.divsi %mul3A_4019, %jit3A_4020 : i32
    %sign3A_4022 = arith.constant 0 : i32
    %sign3A_4023 = arith.cmpi sgt, %mul3A_4019, %sign3A_4022 : i32
    %sign3A_4024 = arith.extui %sign3A_4023 : i1 to i32
    %sign3A_4025 = arith.constant 0 : i32
    %sign3A_4026 = arith.cmpi slt, %mul3A_4019, %sign3A_4025 : i32
    %sign3A_4027 = arith.extui %sign3A_4026 : i1 to i32
    %sign3A_4028 = arith.subi %sign3A_4024, %sign3A_4027 : i32
    %sign3A_4029 = arith.constant 0 : i32
    %sign3A_4030 = arith.cmpi sgt, %jit3A_4020, %sign3A_4029 : i32
    %sign3A_4031 = arith.extui %sign3A_4030 : i1 to i32
    %sign3A_4032 = arith.constant 0 : i32
    %sign3A_4033 = arith.cmpi slt, %jit3A_4020, %sign3A_4032 : i32
    %sign3A_4034 = arith.extui %sign3A_4033 : i1 to i32
    %sign3A_4035 = arith.subi %sign3A_4031, %sign3A_4034 : i32
    %ne3A_4036 = arith.cmpi ne, %sign3A_4028, %sign3A_4035 : i32
    %rem3A_4037 = arith.remsi %mul3A_4019, %jit3A_4020 : i32
    %ne3A_4038 = arith.constant 0 : i32
    %ne3A_4039 = arith.cmpi ne, %rem3A_4037, %ne3A_4038 : i32
    %and3A_4040 = arith.andi %ne3A_4036, %ne3A_4039 : i1
    %sub3A_4041 = arith.constant 1 : i32
    %sub3A_4042 = arith.subi %div3A_4021, %sub3A_4041 : i32
    %select_n3A_4043 = arith.select %and3A_4040, %sub3A_4042, %div3A_4021 : i32
    %dma_wait3A_4044 = arith.constant 2 : i32
    %dma_wait3A_4045 = arith.constant 128 : i32
    %dma_wait3A_4046 = arith.constant 0 : i32
    %dma_wait3A_4047 = tpu.memref_slice %arg2[%select_n3A_3561, %select_n3A_3603, %dma_wait3A_4044, %dma_wait3A_4045, %dma_wait3A_4046] : memref<8x32x3x256x256xf32, #tpu.memory_space<hbm>> -> memref<1x1x1x64x256xf32, #tpu.memory_space<hbm>>
    %dma_wait3A_4048 = tpu.memref_squeeze %dma_wait3A_4047 : memref<1x1x1x64x256xf32, #tpu.memory_space<hbm>> -> memref<64x256xf32, #tpu.memory_space<hbm>>
    %dma_wait3A_4049 = arith.constant 128 : i32
    %dma_wait3A_4050 = arith.constant 0 : i32
    %dma_wait3A_4051 = tpu.memref_slice %arg2[%select_n3A_3561, %select_n3A_3603, %dma_wait3A_4044, %dma_wait3A_4049, %dma_wait3A_4050] : memref<8x32x3x256x256xf32, #tpu.memory_space<hbm>> -> memref<1x1x1x64x256xf32, #tpu.memory_space<hbm>>
    %dma_wait3A_4052 = tpu.memref_squeeze %dma_wait3A_4051 : memref<1x1x1x64x256xf32, #tpu.memory_space<hbm>> -> memref<64x256xf32, #tpu.memory_space<hbm>>
    tpu.wait_dma2 semaphore(%arg12 : memref<!tpu.dma_semaphore, #tpu.memory_space<semaphore_mem>>) src(%dma_wait3A_4052 : memref<64x256xf32, #tpu.memory_space<hbm>>) dst(%arg5 : memref<64x256xf32, #tpu.memory_space<vmem>>)
    %dma_start3A_4053 = arith.constant 2 : i32
    %dma_start3A_4054 = arith.constant 128 : i32
    %dma_start3A_4055 = arith.constant 0 : i32
    %dma_start3A_4056 = tpu.memref_slice %arg3[%select_n3A_4001, %select_n3A_4017, %dma_start3A_4053, %dma_start3A_4054, %dma_start3A_4055] : memref<8x8x3x256x256xf32, #tpu.memory_space<hbm>> -> memref<1x1x1x64x256xf32, #tpu.memory_space<hbm>>
    %dma_start3A_4057 = tpu.memref_squeeze %dma_start3A_4056 : memref<1x1x1x64x256xf32, #tpu.memory_space<hbm>> -> memref<64x256xf32, #tpu.memory_space<hbm>>
    %dma_start3A_4058 = arith.constant 128 : i32
    %dma_start3A_4059 = arith.constant 0 : i32
    %dma_start3A_4060 = tpu.memref_slice %arg3[%select_n3A_4001, %select_n3A_4017, %dma_start3A_4053, %dma_start3A_4058, %dma_start3A_4059] : memref<8x8x3x256x256xf32, #tpu.memory_space<hbm>> -> memref<1x1x1x64x256xf32, #tpu.memory_space<hbm>>
    %dma_start3A_4061 = tpu.memref_squeeze %dma_start3A_4060 : memref<1x1x1x64x256xf32, #tpu.memory_space<hbm>> -> memref<64x256xf32, #tpu.memory_space<hbm>>
    tpu.enqueue_dma source(%arg5 : memref<64x256xf32, #tpu.memory_space<vmem>>) target(%dma_start3A_4061 : memref<64x256xf32, #tpu.memory_space<hbm>>) target_semaphore(%arg19 : memref<!tpu.dma_semaphore, #tpu.memory_space<semaphore_mem>>)
    %mul3A_4062 = arith.constant 2 : i32
    %mul3A_4063 = arith.muli %add3A, %mul3A_4062 : i32
    %add3A_4064 = arith.constant 1 : i32
    %add3A_4065 = arith.addi %mul3A_4063, %add3A_4064 : i32
    %jit3A_4066 = arith.constant 8 : i32
    %div3A_4067 = arith.divsi %add3A_4065, %jit3A_4066 : i32
    %sign3A_4068 = arith.constant 0 : i32
    %sign3A_4069 = arith.cmpi sgt, %add3A_4065, %sign3A_4068 : i32
    %sign3A_4070 = arith.extui %sign3A_4069 : i1 to i32
    %sign3A_4071 = arith.constant 0 : i32
    %sign3A_4072 = arith.cmpi slt, %add3A_4065, %sign3A_4071 : i32
    %sign3A_4073 = arith.extui %sign3A_4072 : i1 to i32
    %sign3A_4074 = arith.subi %sign3A_4070, %sign3A_4073 : i32
    %sign3A_4075 = arith.constant 0 : i32
    %sign3A_4076 = arith.cmpi sgt, %jit3A_4066, %sign3A_4075 : i32
    %sign3A_4077 = arith.extui %sign3A_4076 : i1 to i32
    %sign3A_4078 = arith.constant 0 : i32
    %sign3A_4079 = arith.cmpi slt, %jit3A_4066, %sign3A_4078 : i32
    %sign3A_4080 = arith.extui %sign3A_4079 : i1 to i32
    %sign3A_4081 = arith.subi %sign3A_4077, %sign3A_4080 : i32
    %ne3A_4082 = arith.cmpi ne, %sign3A_4074, %sign3A_4081 : i32
    %rem3A_4083 = arith.remsi %add3A_4065, %jit3A_4066 : i32
    %ne3A_4084 = arith.constant 0 : i32
    %ne3A_4085 = arith.cmpi ne, %rem3A_4083, %ne3A_4084 : i32
    %and3A_4086 = arith.andi %ne3A_4082, %ne3A_4085 : i1
    %sub3A_4087 = arith.constant 1 : i32
    %sub3A_4088 = arith.subi %div3A_4067, %sub3A_4087 : i32
    %select_n3A_4089 = arith.select %and3A_4086, %sub3A_4088, %div3A_4067 : i32
    %jit3A_4090 = arith.constant 8 : i32
    %eq3A_4091 = arith.constant 0 : i32
    %eq3A_4092 = arith.cmpi eq, %jit3A_4090, %eq3A_4091 : i32
    %jit3A_4093 = arith.constant 1 : i32
    %select_n3A_4094 = arith.select %eq3A_4092, %jit3A_4093, %jit3A_4090 : i32
    %rem3A_4095 = arith.remsi %add3A_4065, %select_n3A_4094 : i32
    %ne3A_4096 = arith.constant 0 : i32
    %ne3A_4097 = arith.cmpi ne, %rem3A_4095, %ne3A_4096 : i32
    %lt3A_4098 = arith.constant 0 : i32
    %lt3A_4099 = arith.cmpi slt, %rem3A_4095, %lt3A_4098 : i32
    %lt3A_4100 = arith.constant 0 : i32
    %lt3A_4101 = arith.cmpi slt, %select_n3A_4094, %lt3A_4100 : i32
    %ne3A_4102 = arith.xori %lt3A_4099, %lt3A_4101 : i1
    %and3A_4103 = arith.andi %ne3A_4102, %ne3A_4097 : i1
    %add3A_4104 = arith.addi %rem3A_4095, %select_n3A_4094 : i32
    %select_n3A_4105 = arith.select %and3A_4103, %add3A_4104, %rem3A_4095 : i32
    %mul3A_4106 = arith.constant 31 : i32
    %mul3A_4107 = arith.muli %select_n3A_4105, %mul3A_4106 : i32
    %jit3A_4108 = arith.constant 7 : i32
    %div3A_4109 = arith.divsi %mul3A_4107, %jit3A_4108 : i32
    %sign3A_4110 = arith.constant 0 : i32
    %sign3A_4111 = arith.cmpi sgt, %mul3A_4107, %sign3A_4110 : i32
    %sign3A_4112 = arith.extui %sign3A_4111 : i1 to i32
    %sign3A_4113 = arith.constant 0 : i32
    %sign3A_4114 = arith.cmpi slt, %mul3A_4107, %sign3A_4113 : i32
    %sign3A_4115 = arith.extui %sign3A_4114 : i1 to i32
    %sign3A_4116 = arith.subi %sign3A_4112, %sign3A_4115 : i32
    %sign3A_4117 = arith.constant 0 : i32
    %sign3A_4118 = arith.cmpi sgt, %jit3A_4108, %sign3A_4117 : i32
    %sign3A_4119 = arith.extui %sign3A_4118 : i1 to i32
    %sign3A_4120 = arith.constant 0 : i32
    %sign3A_4121 = arith.cmpi slt, %jit3A_4108, %sign3A_4120 : i32
    %sign3A_4122 = arith.extui %sign3A_4121 : i1 to i32
    %sign3A_4123 = arith.subi %sign3A_4119, %sign3A_4122 : i32
    %ne3A_4124 = arith.cmpi ne, %sign3A_4116, %sign3A_4123 : i32
    %rem3A_4125 = arith.remsi %mul3A_4107, %jit3A_4108 : i32
    %ne3A_4126 = arith.constant 0 : i32
    %ne3A_4127 = arith.cmpi ne, %rem3A_4125, %ne3A_4126 : i32
    %and3A_4128 = arith.andi %ne3A_4124, %ne3A_4127 : i1
    %sub3A_4129 = arith.constant 1 : i32
    %sub3A_4130 = arith.subi %div3A_4109, %sub3A_4129 : i32
    %select_n3A_4131 = arith.select %and3A_4128, %sub3A_4130, %div3A_4109 : i32
    %dma_wait3A_4132 = arith.constant 2 : i32
    %dma_wait3A_4133 = arith.constant 192 : i32
    %dma_wait3A_4134 = arith.constant 0 : i32
    %dma_wait3A_4135 = tpu.memref_slice %arg2[%select_n3A_3737, %select_n3A_3779, %dma_wait3A_4132, %dma_wait3A_4133, %dma_wait3A_4134] : memref<8x32x3x256x256xf32, #tpu.memory_space<hbm>> -> memref<1x1x1x64x256xf32, #tpu.memory_space<hbm>>
    %dma_wait3A_4136 = tpu.memref_squeeze %dma_wait3A_4135 : memref<1x1x1x64x256xf32, #tpu.memory_space<hbm>> -> memref<64x256xf32, #tpu.memory_space<hbm>>
    %dma_wait3A_4137 = arith.constant 192 : i32
    %dma_wait3A_4138 = arith.constant 0 : i32
    %dma_wait3A_4139 = tpu.memref_slice %arg2[%select_n3A_3737, %select_n3A_3779, %dma_wait3A_4132, %dma_wait3A_4137, %dma_wait3A_4138] : memref<8x32x3x256x256xf32, #tpu.memory_space<hbm>> -> memref<1x1x1x64x256xf32, #tpu.memory_space<hbm>>
    %dma_wait3A_4140 = tpu.memref_squeeze %dma_wait3A_4139 : memref<1x1x1x64x256xf32, #tpu.memory_space<hbm>> -> memref<64x256xf32, #tpu.memory_space<hbm>>
    tpu.wait_dma2 semaphore(%arg13 : memref<!tpu.dma_semaphore, #tpu.memory_space<semaphore_mem>>) src(%dma_wait3A_4140 : memref<64x256xf32, #tpu.memory_space<hbm>>) dst(%arg6 : memref<64x256xf32, #tpu.memory_space<vmem>>)
    %dma_start3A_4141 = arith.constant 2 : i32
    %dma_start3A_4142 = arith.constant 192 : i32
    %dma_start3A_4143 = arith.constant 0 : i32
    %dma_start3A_4144 = tpu.memref_slice %arg3[%select_n3A_4089, %select_n3A_4105, %dma_start3A_4141, %dma_start3A_4142, %dma_start3A_4143] : memref<8x8x3x256x256xf32, #tpu.memory_space<hbm>> -> memref<1x1x1x64x256xf32, #tpu.memory_space<hbm>>
    %dma_start3A_4145 = tpu.memref_squeeze %dma_start3A_4144 : memref<1x1x1x64x256xf32, #tpu.memory_space<hbm>> -> memref<64x256xf32, #tpu.memory_space<hbm>>
    %dma_start3A_4146 = arith.constant 192 : i32
    %dma_start3A_4147 = arith.constant 0 : i32
    %dma_start3A_4148 = tpu.memref_slice %arg3[%select_n3A_4089, %select_n3A_4105, %dma_start3A_4141, %dma_start3A_4146, %dma_start3A_4147] : memref<8x8x3x256x256xf32, #tpu.memory_space<hbm>> -> memref<1x1x1x64x256xf32, #tpu.memory_space<hbm>>
    %dma_start3A_4149 = tpu.memref_squeeze %dma_start3A_4148 : memref<1x1x1x64x256xf32, #tpu.memory_space<hbm>> -> memref<64x256xf32, #tpu.memory_space<hbm>>
    tpu.enqueue_dma source(%arg6 : memref<64x256xf32, #tpu.memory_space<vmem>>) target(%dma_start3A_4149 : memref<64x256xf32, #tpu.memory_space<hbm>>) target_semaphore(%arg20 : memref<!tpu.dma_semaphore, #tpu.memory_space<semaphore_mem>>)
    %dma_wait3A_4150 = arith.constant 1 : i32
    %dma_wait3A_4151 = arith.constant 64 : i32
    %dma_wait3A_4152 = arith.constant 0 : i32
    %dma_wait3A_4153 = tpu.memref_slice %arg3[%select_n3A_3297, %select_n3A_3313, %dma_wait3A_4150, %dma_wait3A_4151, %dma_wait3A_4152] : memref<8x8x3x256x256xf32, #tpu.memory_space<hbm>> -> memref<1x1x1x64x256xf32, #tpu.memory_space<hbm>>
    %dma_wait3A_4154 = tpu.memref_squeeze %dma_wait3A_4153 : memref<1x1x1x64x256xf32, #tpu.memory_space<hbm>> -> memref<64x256xf32, #tpu.memory_space<hbm>>
    %dma_wait3A_4155 = arith.constant 64 : i32
    %dma_wait3A_4156 = arith.constant 0 : i32
    %dma_wait3A_4157 = tpu.memref_slice %arg3[%select_n3A_3297, %select_n3A_3313, %dma_wait3A_4150, %dma_wait3A_4155, %dma_wait3A_4156] : memref<8x8x3x256x256xf32, #tpu.memory_space<hbm>> -> memref<1x1x1x64x256xf32, #tpu.memory_space<hbm>>
    %dma_wait3A_4158 = tpu.memref_squeeze %dma_wait3A_4157 : memref<1x1x1x64x256xf32, #tpu.memory_space<hbm>> -> memref<64x256xf32, #tpu.memory_space<hbm>>
    tpu.wait_dma2 semaphore(%arg21 : memref<!tpu.dma_semaphore, #tpu.memory_space<semaphore_mem>>) src(%arg7 : memref<64x256xf32, #tpu.memory_space<vmem>>) dst(%dma_wait3A_4158 : memref<64x256xf32, #tpu.memory_space<hbm>>)
    %dma_wait3A_4159 = arith.constant 1 : i32
    %dma_wait3A_4160 = arith.constant 128 : i32
    %dma_wait3A_4161 = arith.constant 0 : i32
    %dma_wait3A_4162 = tpu.memref_slice %arg3[%select_n3A_3473, %select_n3A_3489, %dma_wait3A_4159, %dma_wait3A_4160, %dma_wait3A_4161] : memref<8x8x3x256x256xf32, #tpu.memory_space<hbm>> -> memref<1x1x1x64x256xf32, #tpu.memory_space<hbm>>
    %dma_wait3A_4163 = tpu.memref_squeeze %dma_wait3A_4162 : memref<1x1x1x64x256xf32, #tpu.memory_space<hbm>> -> memref<64x256xf32, #tpu.memory_space<hbm>>
    %dma_wait3A_4164 = arith.constant 128 : i32
    %dma_wait3A_4165 = arith.constant 0 : i32
    %dma_wait3A_4166 = tpu.memref_slice %arg3[%select_n3A_3473, %select_n3A_3489, %dma_wait3A_4159, %dma_wait3A_4164, %dma_wait3A_4165] : memref<8x8x3x256x256xf32, #tpu.memory_space<hbm>> -> memref<1x1x1x64x256xf32, #tpu.memory_space<hbm>>
    %dma_wait3A_4167 = tpu.memref_squeeze %dma_wait3A_4166 : memref<1x1x1x64x256xf32, #tpu.memory_space<hbm>> -> memref<64x256xf32, #tpu.memory_space<hbm>>
    tpu.wait_dma2 semaphore(%arg22 : memref<!tpu.dma_semaphore, #tpu.memory_space<semaphore_mem>>) src(%arg8 : memref<64x256xf32, #tpu.memory_space<vmem>>) dst(%dma_wait3A_4167 : memref<64x256xf32, #tpu.memory_space<hbm>>)
    %dma_wait3A_4168 = arith.constant 1 : i32
    %dma_wait3A_4169 = arith.constant 192 : i32
    %dma_wait3A_4170 = arith.constant 0 : i32
    %dma_wait3A_4171 = tpu.memref_slice %arg3[%select_n3A_3649, %select_n3A_3665, %dma_wait3A_4168, %dma_wait3A_4169, %dma_wait3A_4170] : memref<8x8x3x256x256xf32, #tpu.memory_space<hbm>> -> memref<1x1x1x64x256xf32, #tpu.memory_space<hbm>>
    %dma_wait3A_4172 = tpu.memref_squeeze %dma_wait3A_4171 : memref<1x1x1x64x256xf32, #tpu.memory_space<hbm>> -> memref<64x256xf32, #tpu.memory_space<hbm>>
    %dma_wait3A_4173 = arith.constant 192 : i32
    %dma_wait3A_4174 = arith.constant 0 : i32
    %dma_wait3A_4175 = tpu.memref_slice %arg3[%select_n3A_3649, %select_n3A_3665, %dma_wait3A_4168, %dma_wait3A_4173, %dma_wait3A_4174] : memref<8x8x3x256x256xf32, #tpu.memory_space<hbm>> -> memref<1x1x1x64x256xf32, #tpu.memory_space<hbm>>
    %dma_wait3A_4176 = tpu.memref_squeeze %dma_wait3A_4175 : memref<1x1x1x64x256xf32, #tpu.memory_space<hbm>> -> memref<64x256xf32, #tpu.memory_space<hbm>>
    tpu.wait_dma2 semaphore(%arg23 : memref<!tpu.dma_semaphore, #tpu.memory_space<semaphore_mem>>) src(%arg9 : memref<64x256xf32, #tpu.memory_space<vmem>>) dst(%dma_wait3A_4176 : memref<64x256xf32, #tpu.memory_space<hbm>>)
    %dma_wait3A_4177 = arith.constant 2 : i32
    %dma_wait3A_4178 = arith.constant 0 : i32
    %dma_wait3A_4179 = arith.constant 0 : i32
    %dma_wait3A_4180 = tpu.memref_slice %arg3[%select_n3A_3825, %select_n3A_3841, %dma_wait3A_4177, %dma_wait3A_4178, %dma_wait3A_4179] : memref<8x8x3x256x256xf32, #tpu.memory_space<hbm>> -> memref<1x1x1x64x256xf32, #tpu.memory_space<hbm>>
    %dma_wait3A_4181 = tpu.memref_squeeze %dma_wait3A_4180 : memref<1x1x1x64x256xf32, #tpu.memory_space<hbm>> -> memref<64x256xf32, #tpu.memory_space<hbm>>
    %dma_wait3A_4182 = arith.constant 0 : i32
    %dma_wait3A_4183 = arith.constant 0 : i32
    %dma_wait3A_4184 = tpu.memref_slice %arg3[%select_n3A_3825, %select_n3A_3841, %dma_wait3A_4177, %dma_wait3A_4182, %dma_wait3A_4183] : memref<8x8x3x256x256xf32, #tpu.memory_space<hbm>> -> memref<1x1x1x64x256xf32, #tpu.memory_space<hbm>>
    %dma_wait3A_4185 = tpu.memref_squeeze %dma_wait3A_4184 : memref<1x1x1x64x256xf32, #tpu.memory_space<hbm>> -> memref<64x256xf32, #tpu.memory_space<hbm>>
    tpu.wait_dma2 semaphore(%arg24 : memref<!tpu.dma_semaphore, #tpu.memory_space<semaphore_mem>>) src(%arg10 : memref<64x256xf32, #tpu.memory_space<vmem>>) dst(%dma_wait3A_4185 : memref<64x256xf32, #tpu.memory_space<hbm>>)
    %dma_wait3A_4186 = arith.constant 2 : i32
    %dma_wait3A_4187 = arith.constant 64 : i32
    %dma_wait3A_4188 = arith.constant 0 : i32
    %dma_wait3A_4189 = tpu.memref_slice %arg3[%select_n3A_3913, %select_n3A_3929, %dma_wait3A_4186, %dma_wait3A_4187, %dma_wait3A_4188] : memref<8x8x3x256x256xf32, #tpu.memory_space<hbm>> -> memref<1x1x1x64x256xf32, #tpu.memory_space<hbm>>
    %dma_wait3A_4190 = tpu.memref_squeeze %dma_wait3A_4189 : memref<1x1x1x64x256xf32, #tpu.memory_space<hbm>> -> memref<64x256xf32, #tpu.memory_space<hbm>>
    %dma_wait3A_4191 = arith.constant 64 : i32
    %dma_wait3A_4192 = arith.constant 0 : i32
    %dma_wait3A_4193 = tpu.memref_slice %arg3[%select_n3A_3913, %select_n3A_3929, %dma_wait3A_4186, %dma_wait3A_4191, %dma_wait3A_4192] : memref<8x8x3x256x256xf32, #tpu.memory_space<hbm>> -> memref<1x1x1x64x256xf32, #tpu.memory_space<hbm>>
    %dma_wait3A_4194 = tpu.memref_squeeze %dma_wait3A_4193 : memref<1x1x1x64x256xf32, #tpu.memory_space<hbm>> -> memref<64x256xf32, #tpu.memory_space<hbm>>
    tpu.wait_dma2 semaphore(%arg18 : memref<!tpu.dma_semaphore, #tpu.memory_space<semaphore_mem>>) src(%arg4 : memref<64x256xf32, #tpu.memory_space<vmem>>) dst(%dma_wait3A_4194 : memref<64x256xf32, #tpu.memory_space<hbm>>)
    %dma_wait3A_4195 = arith.constant 2 : i32
    %dma_wait3A_4196 = arith.constant 128 : i32
    %dma_wait3A_4197 = arith.constant 0 : i32
    %dma_wait3A_4198 = tpu.memref_slice %arg3[%select_n3A_4001, %select_n3A_4017, %dma_wait3A_4195, %dma_wait3A_4196, %dma_wait3A_4197] : memref<8x8x3x256x256xf32, #tpu.memory_space<hbm>> -> memref<1x1x1x64x256xf32, #tpu.memory_space<hbm>>
    %dma_wait3A_4199 = tpu.memref_squeeze %dma_wait3A_4198 : memref<1x1x1x64x256xf32, #tpu.memory_space<hbm>> -> memref<64x256xf32, #tpu.memory_space<hbm>>
    %dma_wait3A_4200 = arith.constant 128 : i32
    %dma_wait3A_4201 = arith.constant 0 : i32
    %dma_wait3A_4202 = tpu.memref_slice %arg3[%select_n3A_4001, %select_n3A_4017, %dma_wait3A_4195, %dma_wait3A_4200, %dma_wait3A_4201] : memref<8x8x3x256x256xf32, #tpu.memory_space<hbm>> -> memref<1x1x1x64x256xf32, #tpu.memory_space<hbm>>
    %dma_wait3A_4203 = tpu.memref_squeeze %dma_wait3A_4202 : memref<1x1x1x64x256xf32, #tpu.memory_space<hbm>> -> memref<64x256xf32, #tpu.memory_space<hbm>>
    tpu.wait_dma2 semaphore(%arg19 : memref<!tpu.dma_semaphore, #tpu.memory_space<semaphore_mem>>) src(%arg5 : memref<64x256xf32, #tpu.memory_space<vmem>>) dst(%dma_wait3A_4203 : memref<64x256xf32, #tpu.memory_space<hbm>>)
    %dma_wait3A_4204 = arith.constant 2 : i32
    %dma_wait3A_4205 = arith.constant 192 : i32
    %dma_wait3A_4206 = arith.constant 0 : i32
    %dma_wait3A_4207 = tpu.memref_slice %arg3[%select_n3A_4089, %select_n3A_4105, %dma_wait3A_4204, %dma_wait3A_4205, %dma_wait3A_4206] : memref<8x8x3x256x256xf32, #tpu.memory_space<hbm>> -> memref<1x1x1x64x256xf32, #tpu.memory_space<hbm>>
    %dma_wait3A_4208 = tpu.memref_squeeze %dma_wait3A_4207 : memref<1x1x1x64x256xf32, #tpu.memory_space<hbm>> -> memref<64x256xf32, #tpu.memory_space<hbm>>
    %dma_wait3A_4209 = arith.constant 192 : i32
    %dma_wait3A_4210 = arith.constant 0 : i32
    %dma_wait3A_4211 = tpu.memref_slice %arg3[%select_n3A_4089, %select_n3A_4105, %dma_wait3A_4204, %dma_wait3A_4209, %dma_wait3A_4210] : memref<8x8x3x256x256xf32, #tpu.memory_space<hbm>> -> memref<1x1x1x64x256xf32, #tpu.memory_space<hbm>>
    %dma_wait3A_4212 = tpu.memref_squeeze %dma_wait3A_4211 : memref<1x1x1x64x256xf32, #tpu.memory_space<hbm>> -> memref<64x256xf32, #tpu.memory_space<hbm>>
    tpu.wait_dma2 semaphore(%arg20 : memref<!tpu.dma_semaphore, #tpu.memory_space<semaphore_mem>>) src(%arg6 : memref<64x256xf32, #tpu.memory_space<vmem>>) dst(%dma_wait3A_4212 : memref<64x256xf32, #tpu.memory_space<hbm>>)
    return
  }
}

</mosaic_0001>

<sc_bundles>
// kernel: kernel.3.cloned.1.call-start
scs
__scs_entry_jumppad:
0x0: {  	(pc) =	sbr.rel $0x88, $3  }
0x1: {  	(tag) =	ssettag $0x0;
	lr =	simm.s32 $0x1  }
0x2: {  	[smem:$0x3FA0] =	sst lr;
	_ =	strace $0xD0000000  }
0x3: {  	_ = 	snop  }
0x4: {  	_ = 	snop  }
0x5: {  	_ = 	snop  }
0x6: {  	_ = 	snop  }
0x7: {  	_ = 	snop  }
__scs_overlays_trampoline_lowered:
0x8: {  	[smem:$0x3FAF] =	sst s0  }
0x9: {  	[smem:$0x3FB0] =	sst s1  }
0xa: {  	[smem:$0x3FB1] =	sst s2  }
0xb: {  	[smem:$0x3FB2] =	sst s3  }
0xc: {  	[smem:$0x3FB3] =	sst s4  }
0xd: {  	[smem:$0x3FB4] =	sst s5  }
0xe: {  	[smem:$0x3FB5] =	sst s6  }
0xf: {  	[smem:$0x3FB6] =	sst s7  }
0x10: {  	[smem:$0x3FB7] =	sst s8  }
0x11: {  	[smem:$0x3FB8] =	sst s9;
	s0 =	simm.s32 @!p0 $0x0  }
0x12: {  	s1 =	sld [smem:$0x3F9E];
	s0 =	simm.s32 @p0 $0x1  }
0x13: {  	[smem:$0x3FB9] =	sst s0;
	s0 =	simm.s32 @!p1 $0x0  }
0x14: {  	s2 =	sld [smem:$0x3F9D];
	s0 =	simm.s32 @p1 $0x1  }
0x15: {  	[smem:$0x3FBA] =	sst s0;
	s0 =	simm.s32 @!p2 $0x0  }
0x16: {  	s3 =	sld [smem:$0x3FDB];
	s0 =	simm.s32 @p2 $0x1  }
0x17: {  	s4 =	simm.s32 $0x1BF5;
	[smem:$0x3FBC] =	sst s0  }
0x18: {  	s0 =	sld [smem:$0x3F9F];
	_ =	swait.ge [sflag:s4], $0x0  }
0x19: {  	s7 =	sld [smem:$0x3FA0]  }
0x1a: {  	s8 =	sadd.s32 $0xFFFFE003, lr  }
0x1b: {  	s9 =	sadd.s32 $0xFFFFFEF7, lr;
	s5 =	simm.s32 $0xFFFFFFFF;
	p2 =	slt.u32 s8, $0xFFFFF086  }
0x1c: {  	p1 =	slt.u32 s9, $0xF7A;
	s5 =	simm.s32 @!p2 $0x0  }
0x1d: {  	s5 =	simm.s32 @p1 $0x1;
	p0 =	seq.s32 s7, s2  }
0x1e: {  	s7 =	smul.u32 @!p0 $0xF7A, s2;
	p2 =	seq.s32 @!p0 s5, $0x0  }
0x1f: {  	s9 =	smul.u32 $0xF7A, s1;
	s8 =	simm.s32 @!p0 $0x1BF5;
	p2 =	por !p2, p0  }
0x20: {  	[sflag:s8] =	ssyncset.s32 @!p0 $0xFFFFF086;
	s6 =	sadd.s32 @!p0 s3, s7;
	s7 =	simm.s32 @!p0 $0x108  }
0x21: {  	s3 =	sadd.s32 s3, s9;
	s6 =	sadd.s32 @!p0 $0x88, s6;
	s7 =	simm.s32 @p2 $0x1082  }
0x22: {  	[simem:s7], [sflag:s8] =	dma.local @!p0 [hbm:s6], $0xF7A  }
0x23: {  	s9 =	sor.u32 $0xD0000000, s2;
	s6 =	simm.s32 $0x108;
	_ =	swait.ge @!p0 [sflag:s8], $0x0  }
0x24: {  	s3 =	sadd.s32 $0x88, s3;
	s6 =	simm.s32 @!p1 $0x1082;
	[sflag:s4] =	ssyncset.s32 $0xFFFFF086  }
0x25: {  	[simem:s6], [sflag:s4] =	dma.local [hbm:s3], $0xF7A  }
0x26: {  	[smem:$0x3FA0] =	sst s1;
	(tag) =	ssettag s2;
	_ =	strace s9  }
0x27: {  	s1 =	sld [smem:$0x3FB0]  }
0x28: {  	s2 =	sld [smem:$0x3FB1]  }
0x29: {  	s4 =	sld [smem:$0x3FB3]  }
0x2a: {  	p0 =	seq.s32 s5, $0x0;
	s5 =	sld [smem:$0x3FB4]  }
0x2b: {  	s6 =	sld [smem:$0x3FB5]  }
0x2c: {  	s7 =	sld [smem:$0x3FB6]  }
0x2d: {  	s3 =	simm.s32 $0x108;
	s8 =	sld [smem:$0x3FB7]  }
0x2e: {  	s3 =	simm.s32 @!p0 $0x1082;
	s9 =	sld [smem:$0x3FB8]  }
0x2f: {  	lr =	sadd.s32 s0, s3;
	s0 =	sld [smem:$0x3FAF]  }
0x30: {  	s3 =	sld [smem:$0x3FB2]  }
0x31: {  	[smem:$0x3FBB] =	sst s10  }
0x32: {  	s10 =	sld [smem:$0x3FB9];
	_ =	sdelay $0x3  }
0x33: {  	p0 =	seq.s32 s10, $0x1;
	s10 =	sld [smem:$0x3FBB];
	_ =	sdelay $0x3  }
0x34: {  	[smem:$0x3FBB] =	sst s10  }
0x35: {  	s10 =	sld [smem:$0x3FBA];
	_ =	sdelay $0x3  }
0x36: {  	p1 =	seq.s32 s10, $0x1;
	s10 =	sld [smem:$0x3FBB];
	_ =	sdelay $0x3  }
0x37: {  	[smem:$0x3FBB] =	sst s10  }
0x38: {  	s10 =	sld [smem:$0x3FBC]  }
0x39: {  	_ = 	snop;
	(pc) =	sbr.ind lr, $3  }
0x3a: {  	_ = 	snop  }
0x3b: {  	_ = 	snop  }
0x3c: {  	p2 =	seq.s32 s10, $0x1;
	s10 =	sld [smem:$0x3FBB]  }
0x3d: {  	_ =	shalt  }
0x3e: {  	_ =	shalt  }
0x3f: {  	_ =	shalt  }
0x40: {  	_ =	shalt  }
0x41: {  	_ =	shalt  }
0x42: {  	_ =	shalt  }
0x43: {  	_ =	shalt  }
0x44: {  	_ =	shalt  }
0x45: {  	_ =	shalt  }
0x46: {  	_ =	shalt  }
0x47: {  	_ =	shalt  }
0x48: {  	_ =	shalt  }
0x49: {  	_ =	shalt  }
0x4a: {  	_ =	shalt  }
0x4b: {  	_ =	shalt  }
0x4c: {  	_ =	shalt  }
0x4d: {  	_ =	shalt  }
0x4e: {  	_ =	shalt  }
0x4f: {  	_ =	shalt  }
0x50: {  	_ =	shalt  }
0x51: {  	_ =	shalt  }
0x52: {  	_ =	shalt  }
0x53: {  	_ =	shalt  }
0x54: {  	_ =	shalt  }
0x55: {  	_ =	shalt  }
0x56: {  	_ =	shalt  }
0x57: {  	_ =	shalt  }
0x58: {  	_ =	shalt  }
0x59: {  	_ =	shalt  }
0x5a: {  	_ =	shalt  }
0x5b: {  	_ =	shalt  }
0x5c: {  	_ =	shalt  }
0x5d: {  	_ =	shalt  }
0x5e: {  	_ =	shalt  }
0x5f: {  	_ =	shalt  }
0x60: {  	_ =	shalt  }
0x61: {  	_ =	shalt  }
0x62: {  	_ =	shalt  }
0x63: {  	_ =	shalt  }
0x64: {  	_ =	shalt  }
0x65: {  	_ =	shalt  }
0x66: {  	_ =	shalt  }
0x67: {  	_ =	shalt  }
0x68: {  	_ =	shalt  }
0x69: {  	_ =	shalt  }
0x6a: {  	_ =	shalt  }
0x6b: {  	_ =	shalt  }
0x6c: {  	_ =	shalt  }
0x6d: {  	_ =	shalt  }
0x6e: {  	_ =	shalt  }
0x6f: {  	_ =	shalt  }
0x70: {  	_ =	shalt  }
0x71: {  	_ =	shalt  }
0x72: {  	_ =	shalt  }
0x73: {  	_ =	shalt  }
0x74: {  	_ =	shalt  }
0x75: {  	_ =	shalt  }
0x76: {  	_ =	shalt  }
0x77: {  	_ =	shalt  }
0x78: {  	_ =	shalt  }
0x79: {  	_ =	shalt  }
0x7a: {  	_ =	shalt  }
0x7b: {  	_ =	shalt  }
0x7c: {  	_ =	shalt  }
0x7d: {  	_ =	shalt  }
0x7e: {  	_ =	shalt  }
0x7f: {  	_ =	shalt  }
0x80: {  	_ =	shalt  }
0x81: {  	_ =	shalt  }
0x82: {  	_ =	shalt  }
0x83: {  	_ =	shalt  }
0x84: {  	_ =	shalt  }
0x85: {  	_ =	shalt  }
0x86: {  	_ =	shalt  }
0x87: {  	_ =	shalt  }
.Lfunc_end0:
.L_simem_size_0:
called_computation_lowered:
.L_overlay_start_0:
0x88: {  	s2 =	sld [smem:$0x3FD9]  }
0x89: {  	s3 =	sld [smem:$0x3FFE];
	_ =	sdelay $0x1  }
0x8a: {  	s1 =	srdreg.scid  }
0x8b: {  	s0 =	sand.u32 $0x1, s1  }
0x8c: {  	s15 =	sshll.u32 s0, $0xA;
	s2 =	sadd.s32 s3, s2  }
0x8d: {  	s2 =	sadd.s32 s2, s15  }
0x8e: {  	[smem:$0x3FC7] =	sst s2  }
0x8f: {  	_ = 	snop  }
0x90: {  	s2 =	sld [smem:$0x3FD0];
	_ =	sdelay $0x2  }
0x91: {  	s4 =	simm.s32 $0xA;
	s5 =	simm.s32 $0x10;
	s16 =	sld [smem:$0x3FC9]  }
0x92: {  	[smem:s5], [sflag:s4] =	dma.local [hbm:s2], $0x1  }
0x93: {  	_ =	swait.eq [sflag:s4], $0x1  }
0x94: {  	[sflag:s4] =	ssyncset.done $0x0  }
0x95: {  	[sflag:s4] =	ssyncadd.s32 $0xFFFFFFFF  }
0x96: {  	s17 =	sld [smem:$0x10];
	(tm) =	ssettm $0x1  }
0x97: {  	s18 =	sld [smem:$0x3FFB];
	_ =	sdelay $0x3  }
0x98: {  	_ =	strace s18  }
0x99: {  	s4 =	sld [smem:$0x3FFC];
	_ =	sdelay $0x3  }
0x9a: {  	_ =	strace s4  }
0x9b: {  	s4 =	sld [smem:$0x3FFD];
	_ =	sdelay $0x3  }
0x9c: {  	_ =	strace s4  }
0x9d: {  	_ =	strace $0x8FFFFFFF  }
0x9e: {  	s19 =	sld [smem:$0x3FDB];
	_ =	sdelay $0x1  }
0x9f: {  	s20 =	simm.s32 $_scs_section_size  }
0xa0: {  	s6 =	simm.s32 $_size__tile_overlayer_lowered;
	s7 =	simm.s32 $_tile_overlayer_lowered  }
0xa1: {  	s23 =	simm.s32 $0x1BFF;
	s22 =	sshll.u32 s7, $0x1;
	s4 =	sadd.s32 s20, s19  }
0xa2: {  	s8 =	simm.s32 $0x0;
	s21 =	sshll.u32 s6, $0x1;
	s6 =	sadd.s32 s22, s4  }
0xa3: {  	[timem:s8], [sflag:s23] =	dma.local [hbm:s6], s21  }
0xa4: {  	_ =	swait.ge [sflag:s23], s21  }
0xa5: {  	s5 =	ssub.s32 $0x0, s21;
	[sflag:s23] =	ssyncset.done $0x0  }
0xa6: {  	[sflag:s23] =	ssyncadd.s32 s5;
	_ =	sdelay $0x1  }
0xa7: {  	s24 =	simm.s32 $0x1B8B  }
0xa8: {  	_ =	swait.ge [sflag:s24], $0x1  }
0xa9: {  	[sflag:s24] =	ssyncset.done $0x0  }
0xaa: {  	s25 =	simm.s32 $0x1B8E;
	[sflag:s24] =	ssyncadd.s32 $0xFFFFFFFF  }
0xab: {  	s26 =	simm.s32 $execute0_lowered;
	[smem:$0x3FD2] =	sst s25  }
0xac: {  	s5 =	sshll.u32 s26, $0x1;
	_ =	strace $0x80000046;
	[dreg:$0x1] =	wrdreg $0xFFFFFFFF  }
0xad: {  	s28 =	simm.s32 $_size_execute0_lowered;
	s4 =	sadd.s32 s4, s5;
	[dreg:$0x0] =	wrdreg $0x0  }
0xae: {  	s5 =	sshll.u32 s28, $0x1;
	[dreg:$0x2] =	wrdreg s4  }
0xaf: {  	[dreg:$0x3] =	wrdreg s5  }
0xb0: {  	[dreg:$0x4] =	wrdreg $0xC0  }
0xb1: {  	_ =	task [dreg:s8], $0x5FFFF  }
0xb2: {  	[dreg:$0x1] =	wrdreg $0xFFFFFFFF  }
0xb3: {  	[dreg:$0x0] =	wrdreg $0x60  }
0xb4: {  	[dreg:$0x2] =	wrdreg s16  }
0xb5: {  	[dreg:$0x3] =	wrdreg s17  }
0xb6: {  	[dreg:$0x4] =	wrdreg $0x9  }
0xb7: {  	_ =	task.clear_ibuf [dreg:s8], $0x5FFFF;
	_ =	strace $0x90000046  }
0xb8: {  	s29 =	simm.s32 $0x9;
	_ =	strace $0x80000048  }
0xb9: {  	_ =	swait.ge [sflag:s29], $0x1  }
0xba: {  	[sflag:s29] =	ssyncadd.s32 $0xFFFFFFFF  }
0xbb: {  	_ =	strace $0x90000048  }
0xbc: {  	_ =	sfence  }
0xbd: {  	s30 =	sld [smem:$0x0];
	_ =	sdelay $0x2  }
0xbe: {  	s31 =	sshll.u32 s1, $0xD;
	s1 =	sshrl.u32 s1, $0x2  }
0xbf: {  	s3 =	sand.u32 $0x4000, s31;
	s1 =	sadd.s32 s1, s30  }
0xc0: {  	s0 =	sor.u32 s3, s0;
	s1 =	sshll.u32 s1, $0x11  }
0xc1: {  	s0 =	sor.u32 s1, s0  }
0xc2: {  	s0 =	sadd.s32 $0x8F2B, s0  }
0xc3: {  	[sflag:s0] =	ssyncadd.remote.s32 $0x1  }
0xc4: {  	_ =	sfence.sel $0xFFFF  }
0xc5: {  	[dreg:$0x0] =	wrdreg $0xFFFFFFFF;
	(pc) =	sbr.abs _section_cstart, $3  }
0xc6: {  	[dreg:$0x1] =	wrdreg $0xFFFFFFFF  }
0xc7: {  	_ =	task.clear_ibuf [dreg:s8], $0x2FFFF;
	_ =	strace $0x9FFFFFFF  }
0xc8: {  	(tm) =	ssettm $0x7FFFFFFF  }
0xc9: {  	_ =	shalt  }
tec
execute0_lowered:
.L_overlay_start_1:
0x0: {  	(tag) =	ssettag $0x1  }
0x1: {  	s1 =	srdreg.scid;
	s0 =	stileid.u32  }
0x2: {  	s1 =	sand.u32 $0x1, s1;
	s2 =	sshll.u32 s0, $0x2  }
0x3: {  	s3 =	sshll.u32 s1, $0x1;
	s2 =	sand.u32 $0x4, s2  }
0x4: {  	s12 =	sor.u32 s3, s2  }
0x5: {  	s2 =	smul.u32 $0x47B, s12  }
0x6: {  	s5 =	sshrl.u32 s0, $0x1;
	s3 =	smul.u32 $0x1F, s12  }
0x7: {  	s6 =	smul.u32 $0x600000, s5;
	s2 =	sshrl.u32 s2, $0x8  }
0x8: {  	s5 =	smul.u32 $0x180000, s5;
	s3 =	ssub.s32 s3, s2  }
0x9: {  	s13 =	smul.u32 $0x30000, s12;
	s3 =	sand.u32 $0xFE, s3  }
0xa: {  	s4 =	rddreg [dreg:$0x0];
	p0 =	por $0x0, $0x0;
	s3 =	sshrl.u32 s3, $0x1  }
0xb: {  	s8 =	sadd.s32 $0x800, s4;
	s18 =	sadd.s32 s5, s13;
	s2 =	sadd.s32 s2, s3  }
0xc: {  	s13 =	sshrl.u32 s18, $0x3;
	s3 =	rddreg [dreg:$0x1];
	s2 =	sshrl.u32 s2, $0x2  }
0xd: {  	s31 =	sadd.s32 s3, s13;
	s7 =	smul.u32 $0x30000, s2;
	s2 =	simm.s32 $0x0  }
0xe: {  	s9 =	sadd.s32 $0x1000, s4;
	s25 =	sadd.s32 $0x2000, s31;
	[smem:$0x7FF] =	sst s2  }
0xf: {  	s0 =	sadd.s32 $0x2800, s31;
	_ =	strace $0x80000047;
	[dreg:$0xd] =	wrdreg s25  }
0x10: {  	s18 =	sadd.s32 $0x3000, s31;
	s7 =	sadd.s32 s6, s7;
	[dreg:$0xf] =	wrdreg s0  }
0x11: {  	[dreg:$0x11] =	wrdreg s18;
	s0 =	sadd.s32 $0x5800, s31;
	s10 =	sshrl.u32 s7, $0x3  }
0x12: {  	s12 =	sor.u32 $0x1, s12;
	[dreg:$0x1a] =	wrdreg s0;
	s7 =	sadd.s32 s10, s8  }
0x13: {  	s11 =	sadd.s32 s10, s9;
	s30 =	sadd.s32 s4, s10;
	[dreg:$0x3] =	wrdreg s7  }
0x14: {  	s23 =	smul.u32 $0x47B, s12;
	[dreg:$0x4] =	wrdreg s11;
	s19 =	sadd.s32 $0x2000, s30  }
0x15: {  	s16 =	smul.u32 $0x1F, s12;
	s14 =	sadd.s32 $0x2800, s30;
	[dreg:$0x6] =	wrdreg s19  }
0x16: {  	s15 =	sadd.s32 $0x1800, s3;
	s22 =	sadd.s32 $0x3000, s30;
	[dreg:$0x8] =	wrdreg s14  }
0x17: {  	s7 =	sadd.s32 $0x1800, s4;
	s24 =	sadd.s32 $0x3800, s30;
	[dreg:$0xa] =	wrdreg s22  }
0x18: {  	s11 =	sadd.s32 $0x1000, s3;
	s26 =	sadd.s32 $0x4000, s30;
	[dreg:$0xc] =	wrdreg s24  }
0x19: {  	s17 =	sadd.s32 s10, s7;
	s10 =	sadd.s32 $0x800, s3;
	[dreg:$0xe] =	wrdreg s26  }
0x1a: {  	s21 =	sadd.s32 s13, s11;
	s14 =	sshrl.u32 s23, $0x8;
	[dreg:$0x5] =	wrdreg s17  }
0x1b: {  	s19 =	sadd.s32 $0x5000, s30;
	[dreg:$0x9] =	wrdreg s21;
	s16 =	ssub.s32 s16, s14  }
0x1c: {  	s22 =	sadd.s32 $0x4000, s31;
	[dreg:$0x12] =	wrdreg s19;
	s16 =	sand.u32 $0xFE, s16  }
0x1d: {  	s23 =	sadd.s32 $0x4800, s31;
	[dreg:$0x15] =	wrdreg s22;
	s16 =	sshrl.u32 s16, $0x1  }
0x1e: {  	s24 =	sadd.s32 $0x5000, s31;
	[dreg:$0x16] =	wrdreg s23;
	s14 =	sadd.s32 s14, s16  }
0x1f: {  	s20 =	sadd.s32 s13, s10;
	[dreg:$0x18] =	wrdreg s24;
	s14 =	sshrl.u32 s14, $0x2  }
0x20: {  	s13 =	sadd.s32 s13, s15;
	[dreg:$0x7] =	wrdreg s20;
	s14 =	smul.u32 $0x30000, s14  }
0x21: {  	s26 =	smul.u32 $0x30000, s12;
	s17 =	sadd.s32 $0x4800, s30;
	[dreg:$0xb] =	wrdreg s13  }
0x22: {  	s21 =	sadd.s32 $0x5800, s30;
	[dreg:$0x10] =	wrdreg s17;
	s6 =	sadd.s32 s6, s14  }
0x23: {  	s20 =	sadd.s32 $0x3800, s31;
	[dreg:$0x14] =	wrdreg s21;
	s6 =	sshrl.u32 s6, $0x3  }
0x24: {  	s1 =	ssub.s32 $0x2, s1;
	[dreg:$0x13] =	wrdreg s20;
	s8 =	sadd.s32 s6, s8  }
0x25: {  	s5 =	sadd.s32 s5, s26;
	s25 =	sadd.s32 s6, s9;
	[dreg:$0x17] =	wrdreg s8  }
0x26: {  	s29 =	sadd.s32 s4, s6;
	s7 =	sadd.s32 s6, s7;
	[dreg:$0x19] =	wrdreg s25  }
0x27: {  	s4 =	simm.s32 $0x8;
	[dreg:$0x1b] =	wrdreg s7;
	s9 =	sadd.s32 $0x2000, s29  }
0x28: {  	s8 =	sshrl.u32 s5, $0x3;
	s12 =	sadd.s32 $0x2800, s29;
	[dreg:$0x1c] =	wrdreg s9  }
0x29: {  	s14 =	sadd.s32 $0x3000, s29;
	s17 =	sadd.s32 $0x3800, s29;
	[dreg:$0x1e] =	wrdreg s12  }
0x2a: {  	s19 =	sadd.s32 $0x4000, s29;
	s21 =	sadd.s32 $0x4800, s29;
	[smem:$0x7F3] =	sst s14  }
0x2b: {  	s23 =	sadd.s32 $0x5000, s29;
	s25 =	sshrl.u32 s1, $0x1;
	[smem:$0x7F5] =	sst s17  }
0x2c: {  	s26 =	sadd.s32 $0x5800, s29;
	s5 =	simm.s32 $0xA;
	[smem:$0x7F7] =	sst s19  }
0x2d: {  	s10 =	sadd.s32 s8, s10;
	s13 =	sadd.s32 s8, s11;
	[smem:$0x7F9] =	sst s21  }
0x2e: {  	s16 =	sadd.s32 s8, s15;
	s28 =	sadd.s32 s3, s8;
	[smem:$0x7FB] =	sst s23  }
0x2f: {  	s1 =	ssub.s32 s1, s25;
	[smem:$0x7FD] =	sst s26;
	s8 =	simm.s32 $0x8000  }
0x30: {  	s15 =	simm.s32 $0x1;
	s12 =	simm.s32 $0x3;
	s19 =	simm.s32 $0x18000  }
0x31: {  	s26 =	simm.s32 $0x4;
	s25 =	simm.s32 $0x5;
	s3 =	simm.s32 $0x9  }
0x32: {  	s23 =	simm.s32 $0x6;
	s21 =	simm.s32 $0x7;
	[dreg:$0x1d] =	wrdreg s10  }
0x33: {  	s17 =	simm.s32 $0xC;
	s14 =	simm.s32 $0xE;
	[dreg:$0x1f] =	wrdreg s13  }
0x34: {  	[smem:$0x7F4] =	sst s16;
	s18 =	sadd.s32 $0x2000, s28;
	s20 =	sadd.s32 $0x2800, s28  }
0x35: {  	s22 =	sadd.s32 $0x3000, s28;
	s24 =	sadd.s32 $0x3800, s28;
	s1 =	smax.u32 s1, $0x1  }
0x36: {  	s11 =	sadd.s32 $0x4000, s28;
	s9 =	sadd.s32 $0x4800, s28;
	p1 =	sne.s32 s1, $0x1  }
.Ltmp0:
0x37: {  	s7 =	sadd.s32 $0x5000, s28;
	[smem:$0x7F6] =	sst s18;
	(pc) =	sbr.rel @!p1 .LBB2_5-.Ltmp0, $4  }
0x38: {  	s6 =	sadd.s32 $0x5800, s28;
	s10 =	simm.s32 $0x4000;
	[smem:$0x7F8] =	sst s20  }
0x39: {  	s13 =	simm.s32 $0x2;
	s16 =	simm.s32 $0xD;
	[smem:$0x7FA] =	sst s22  }
0x3a: {  	[smem:$0x7FC] =	sst s24;
	s24 =	simm.s32 $0xC000;
	s22 =	simm.s32 $0x10000  }
0x3b: {  	s20 =	simm.s32 $0x14000;
	s0 =	sadd.s32 $0xFFFFFFFF, s1;
	s18 =	simm.s32 $0xB  }
0x3c: {  	[smem:$0x7F1] =	sst s0  }
0x3d: {  	[tilespmem:s2], [sflag:$0x1] =	stream.linear.gather [hbm4b:s30+s2], $0x4000, $0x38;
	[tilespmem:$0x1C000] =	vst v63  }
0x3e: {  	s0 =	rddreg [dreg:$0x3]  }
0x3f: {  	[tilespmem:s10], [sflag:$0x2] =	stream.linear.gather [hbm4b:s0+s2], $0x4000, $0x38;
	[tilespmem:$0x1C000] =	vst v63  }
0x40: {  	s1 =	rddreg [dreg:$0x4]  }
0x41: {  	[tilespmem:s8], [sflag:$0x3] =	stream.linear.gather [hbm4b:s1+s2], $0x4000, $0x38;
	[tilespmem:$0x1C000] =	vst v63  }
0x42: {  	s0 =	rddreg [dreg:$0x5]  }
0x43: {  	[tilespmem:s24], [sflag:$0x4] =	stream.linear.gather [hbm4b:s0+s2], $0x4000, $0x38;
	[tilespmem:$0x1C000] =	vst v63  }
0x44: {  	_ =	swait.ge [sflag:s15], $0x4000  }
0x45: {  	[sflag:s15] =	ssyncset.done $0x0  }
0x46: {  	[sflag:s15] =	ssyncadd.s32 $0xFFFFC000  }
0x47: {  	[hbm4b:s31+s2] =	stream.linear.scatter [tilespmem:s2], [sflag:$0x8], $0x4000, $0x38;
	[tilespmem:$0x1C000] =	vst v63  }
0x48: {  	s1 =	rddreg [dreg:$0x6]  }
0x49: {  	[tilespmem:s22], [sflag:$0x5] =	stream.linear.gather [hbm4b:s1+s2], $0x4000, $0x38;
	[tilespmem:$0x1C000] =	vst v63  }
0x4a: {  	_ =	swait.ge [sflag:s13], $0x4000  }
0x4b: {  	[sflag:s13] =	ssyncset.done $0x0  }
0x4c: {  	s0 =	rddreg [dreg:$0x7];
	[sflag:s13] =	ssyncadd.s32 $0xFFFFC000  }
0x4d: {  	[hbm4b:s0+s2] =	stream.linear.scatter [tilespmem:s10], [sflag:$0x9], $0x4000, $0x38;
	[tilespmem:$0x1C000] =	vst v63  }
0x4e: {  	s1 =	rddreg [dreg:$0x8]  }
0x4f: {  	[tilespmem:s20], [sflag:$0x6] =	stream.linear.gather [hbm4b:s1+s2], $0x4000, $0x38;
	[tilespmem:$0x1C000] =	vst v63  }
0x50: {  	_ =	swait.ge [sflag:s12], $0x4000  }
0x51: {  	[sflag:s12] =	ssyncset.done $0x0  }
0x52: {  	s0 =	rddreg [dreg:$0x9];
	[sflag:s12] =	ssyncadd.s32 $0xFFFFC000  }
0x53: {  	[hbm4b:s0+s2] =	stream.linear.scatter [tilespmem:s8], [sflag:$0xA], $0x4000, $0x38;
	[tilespmem:$0x1C000] =	vst v63  }
0x54: {  	s1 =	rddreg [dreg:$0xa]  }
0x55: {  	[tilespmem:s19], [sflag:$0x7] =	stream.linear.gather [hbm4b:s1+s2], $0x4000, $0x38;
	[tilespmem:$0x1C000] =	vst v63  }
0x56: {  	_ =	swait.ge [sflag:s26], $0x4000  }
0x57: {  	[sflag:s26] =	ssyncset.done $0x0  }
0x58: {  	s1 =	rddreg [dreg:$0xb];
	[sflag:s26] =	ssyncadd.s32 $0xFFFFC000  }
0x59: {  	[hbm4b:s1+s2] =	stream.linear.scatter [tilespmem:s24], [sflag:$0xB], $0x4000, $0x38;
	[tilespmem:$0x1C000] =	vst v63  }
0x5a: {  	_ =	swait.ge [sflag:s4], $0x4000  }
0x5b: {  	[sflag:s4] =	ssyncset.done $0x0  }
0x5c: {  	s1 =	rddreg [dreg:$0xc];
	[sflag:s4] =	ssyncadd.s32 $0xFFFFC000  }
0x5d: {  	[tilespmem:s2], [sflag:$0x1] =	stream.linear.gather [hbm4b:s1+s2], $0x4000, $0x38;
	[tilespmem:$0x1C000] =	vst v63  }
0x5e: {  	_ =	swait.ge [sflag:s25], $0x4000  }
0x5f: {  	[sflag:s25] =	ssyncset.done $0x0  }
0x60: {  	s1 =	rddreg [dreg:$0xd];
	[sflag:s25] =	ssyncadd.s32 $0xFFFFC000  }
0x61: {  	[hbm4b:s1+s2] =	stream.linear.scatter [tilespmem:s22], [sflag:$0xC], $0x4000, $0x38;
	[tilespmem:$0x1C000] =	vst v63  }
0x62: {  	_ =	swait.ge [sflag:s3], $0x4000  }
0x63: {  	[sflag:s3] =	ssyncset.done $0x0  }
0x64: {  	s1 =	rddreg [dreg:$0xe];
	[sflag:s3] =	ssyncadd.s32 $0xFFFFC000  }
0x65: {  	[tilespmem:s10], [sflag:$0x2] =	stream.linear.gather [hbm4b:s1+s2], $0x4000, $0x38;
	[tilespmem:$0x1C000] =	vst v63  }
0x66: {  	_ =	swait.ge [sflag:s23], $0x4000  }
0x67: {  	[sflag:s23] =	ssyncset.done $0x0  }
0x68: {  	s1 =	rddreg [dreg:$0xf];
	[sflag:s23] =	ssyncadd.s32 $0xFFFFC000  }
0x69: {  	[hbm4b:s1+s2] =	stream.linear.scatter [tilespmem:s20], [sflag:$0xD], $0x4000, $0x38;
	[tilespmem:$0x1C000] =	vst v63  }
0x6a: {  	_ =	swait.ge [sflag:s5], $0x4000  }
0x6b: {  	[sflag:s5] =	ssyncset.done $0x0  }
0x6c: {  	s1 =	rddreg [dreg:$0x10];
	[sflag:s5] =	ssyncadd.s32 $0xFFFFC000  }
0x6d: {  	[tilespmem:s8], [sflag:$0x3] =	stream.linear.gather [hbm4b:s1+s2], $0x4000, $0x38;
	[tilespmem:$0x1C000] =	vst v63  }
0x6e: {  	_ =	swait.ge [sflag:s21], $0x4000  }
0x6f: {  	[sflag:s21] =	ssyncset.done $0x0  }
0x70: {  	s1 =	rddreg [dreg:$0x11];
	[sflag:s21] =	ssyncadd.s32 $0xFFFFC000  }
0x71: {  	[hbm4b:s1+s2] =	stream.linear.scatter [tilespmem:s19], [sflag:$0xE], $0x4000, $0x38;
	[tilespmem:$0x1C000] =	vst v63  }
0x72: {  	_ =	swait.ge [sflag:s18], $0x4000  }
0x73: {  	[sflag:s18] =	ssyncset.done $0x0  }
0x74: {  	s1 =	rddreg [dreg:$0x12];
	[sflag:s18] =	ssyncadd.s32 $0xFFFFC000  }
0x75: {  	[tilespmem:s24], [sflag:$0x4] =	stream.linear.gather [hbm4b:s1+s2], $0x4000, $0x38;
	[tilespmem:$0x1C000] =	vst v63  }
0x76: {  	_ =	swait.ge [sflag:s15], $0x4000  }
0x77: {  	[sflag:s15] =	ssyncset.done $0x0  }
0x78: {  	s1 =	rddreg [dreg:$0x13];
	[sflag:s15] =	ssyncadd.s32 $0xFFFFC000  }
0x79: {  	[hbm4b:s1+s2] =	stream.linear.scatter [tilespmem:s2], [sflag:$0x8], $0x4000, $0x38;
	[tilespmem:$0x1C000] =	vst v63  }
0x7a: {  	_ =	swait.ge [sflag:s17], $0x4000  }
0x7b: {  	[sflag:s17] =	ssyncset.done $0x0  }
0x7c: {  	s1 =	rddreg [dreg:$0x14];
	[sflag:s17] =	ssyncadd.s32 $0xFFFFC000  }
0x7d: {  	[tilespmem:s22], [sflag:$0x5] =	stream.linear.gather [hbm4b:s1+s2], $0x4000, $0x38;
	[tilespmem:$0x1C000] =	vst v63  }
0x7e: {  	_ =	swait.ge [sflag:s13], $0x4000  }
0x7f: {  	[sflag:s13] =	ssyncset.done $0x0  }
0x80: {  	s1 =	rddreg [dreg:$0x15];
	[sflag:s13] =	ssyncadd.s32 $0xFFFFC000  }
0x81: {  	[hbm4b:s1+s2] =	stream.linear.scatter [tilespmem:s10], [sflag:$0x9], $0x4000, $0x38;
	[tilespmem:$0x1C000] =	vst v63  }
0x82: {  	_ =	swait.ge [sflag:s16], $0x4000  }
0x83: {  	[sflag:s16] =	ssyncset.done $0x0  }
0x84: {  	[sflag:s16] =	ssyncadd.s32 $0xFFFFC000  }
0x85: {  	[tilespmem:s20], [sflag:$0x6] =	stream.linear.gather [hbm4b:s29+s2], $0x4000, $0x38;
	[tilespmem:$0x1C000] =	vst v63  }
0x86: {  	_ =	swait.ge [sflag:s12], $0x4000  }
0x87: {  	[sflag:s12] =	ssyncset.done $0x0  }
0x88: {  	s1 =	rddreg [dreg:$0x16];
	[sflag:s12] =	ssyncadd.s32 $0xFFFFC000  }
0x89: {  	[hbm4b:s1+s2] =	stream.linear.scatter [tilespmem:s8], [sflag:$0xA], $0x4000, $0x38;
	[tilespmem:$0x1C000] =	vst v63  }
0x8a: {  	_ =	swait.ge [sflag:s14], $0x4000  }
0x8b: {  	[sflag:s14] =	ssyncset.done $0x0  }
0x8c: {  	s1 =	rddreg [dreg:$0x17];
	[sflag:s14] =	ssyncadd.s32 $0xFFFFC000  }
0x8d: {  	[tilespmem:s19], [sflag:$0x7] =	stream.linear.gather [hbm4b:s1+s2], $0x4000, $0x38;
	[tilespmem:$0x1C000] =	vst v63  }
0x8e: {  	_ =	swait.ge [sflag:s26], $0x4000  }
0x8f: {  	[sflag:s26] =	ssyncset.done $0x0  }
0x90: {  	s1 =	rddreg [dreg:$0x18];
	[sflag:s26] =	ssyncadd.s32 $0xFFFFC000  }
0x91: {  	[hbm4b:s1+s2] =	stream.linear.scatter [tilespmem:s24], [sflag:$0xB], $0x4000, $0x38;
	[tilespmem:$0x1C000] =	vst v63  }
0x92: {  	_ =	swait.ge [sflag:s4], $0x4000  }
0x93: {  	[sflag:s4] =	ssyncset.done $0x0  }
0x94: {  	s1 =	rddreg [dreg:$0x19];
	[sflag:s4] =	ssyncadd.s32 $0xFFFFC000  }
0x95: {  	[tilespmem:s2], [sflag:$0x1] =	stream.linear.gather [hbm4b:s1+s2], $0x4000, $0x38;
	[tilespmem:$0x1C000] =	vst v63  }
0x96: {  	_ =	swait.ge [sflag:s25], $0x4000  }
0x97: {  	[sflag:s25] =	ssyncset.done $0x0  }
0x98: {  	s1 =	rddreg [dreg:$0x1a];
	[sflag:s25] =	ssyncadd.s32 $0xFFFFC000  }
0x99: {  	[hbm4b:s1+s2] =	stream.linear.scatter [tilespmem:s22], [sflag:$0xC], $0x4000, $0x38;
	[tilespmem:$0x1C000] =	vst v63  }
0x9a: {  	_ =	swait.ge [sflag:s3], $0x4000  }
0x9b: {  	[sflag:s3] =	ssyncset.done $0x0  }
0x9c: {  	s1 =	rddreg [dreg:$0x1b];
	[sflag:s3] =	ssyncadd.s32 $0xFFFFC000  }
0x9d: {  	[tilespmem:s10], [sflag:$0x2] =	stream.linear.gather [hbm4b:s1+s2], $0x4000, $0x38;
	[tilespmem:$0x1C000] =	vst v63  }
0x9e: {  	_ =	swait.ge [sflag:s23], $0x4000  }
0x9f: {  	[sflag:s23] =	ssyncset.done $0x0  }
0xa0: {  	[sflag:s23] =	ssyncadd.s32 $0xFFFFC000  }
0xa1: {  	[hbm4b:s28+s2] =	stream.linear.scatter [tilespmem:s20], [sflag:$0xD], $0x4000, $0x38;
	[tilespmem:$0x1C000] =	vst v63  }
0xa2: {  	_ =	swait.ge [sflag:s5], $0x4000  }
0xa3: {  	[sflag:s5] =	ssyncset.done $0x0  }
0xa4: {  	s1 =	rddreg [dreg:$0x1c];
	[sflag:s5] =	ssyncadd.s32 $0xFFFFC000  }
0xa5: {  	[tilespmem:s8], [sflag:$0x3] =	stream.linear.gather [hbm4b:s1+s2], $0x4000, $0x38;
	[tilespmem:$0x1C000] =	vst v63  }
0xa6: {  	_ =	swait.ge [sflag:s21], $0x4000  }
0xa7: {  	[sflag:s21] =	ssyncset.done $0x0  }
0xa8: {  	s1 =	rddreg [dreg:$0x1d];
	[sflag:s21] =	ssyncadd.s32 $0xFFFFC000  }
0xa9: {  	[hbm4b:s1+s2] =	stream.linear.scatter [tilespmem:s19], [sflag:$0xE], $0x4000, $0x38;
	[tilespmem:$0x1C000] =	vst v63  }
0xaa: {  	_ =	swait.ge [sflag:s18], $0x4000  }
0xab: {  	[sflag:s18] =	ssyncset.done $0x0  }
0xac: {  	s1 =	rddreg [dreg:$0x1e];
	[sflag:s18] =	ssyncadd.s32 $0xFFFFC000  }
0xad: {  	[tilespmem:s24], [sflag:$0x4] =	stream.linear.gather [hbm4b:s1+s2], $0x4000, $0x38;
	[tilespmem:$0x1C000] =	vst v63  }
0xae: {  	_ =	swait.ge [sflag:s15], $0x4000  }
0xaf: {  	[sflag:s15] =	ssyncset.done $0x0  }
0xb0: {  	s1 =	rddreg [dreg:$0x1f];
	[sflag:s15] =	ssyncadd.s32 $0xFFFFC000  }
0xb1: {  	[hbm4b:s1+s2] =	stream.linear.scatter [tilespmem:s2], [sflag:$0x8], $0x4000, $0x38;
	[tilespmem:$0x1C000] =	vst v63  }
0xb2: {  	_ =	swait.ge [sflag:s17], $0x4000  }
0xb3: {  	s1 =	sld [smem:$0x7F3]  }
0xb4: {  	[sflag:s17] =	ssyncset.done $0x0  }
0xb5: {  	[sflag:s17] =	ssyncadd.s32 $0xFFFFC000  }
0xb6: {  	[tilespmem:s22], [sflag:$0x5] =	stream.linear.gather [hbm4b:s1+s2], $0x4000, $0x38;
	[tilespmem:$0x1C000] =	vst v63  }
0xb7: {  	_ =	swait.ge [sflag:s13], $0x4000  }
0xb8: {  	s1 =	sld [smem:$0x7F4]  }
0xb9: {  	[sflag:s13] =	ssyncset.done $0x0  }
0xba: {  	[sflag:s13] =	ssyncadd.s32 $0xFFFFC000  }
0xbb: {  	[hbm4b:s1+s2] =	stream.linear.scatter [tilespmem:s10], [sflag:$0x9], $0x4000, $0x38;
	[tilespmem:$0x1C000] =	vst v63  }
0xbc: {  	_ =	swait.ge [sflag:s16], $0x4000  }
0xbd: {  	s1 =	sld [smem:$0x7F5]  }
0xbe: {  	[sflag:s16] =	ssyncset.done $0x0  }
0xbf: {  	[sflag:s16] =	ssyncadd.s32 $0xFFFFC000  }
0xc0: {  	[tilespmem:s20], [sflag:$0x6] =	stream.linear.gather [hbm4b:s1+s2], $0x4000, $0x38;
	[tilespmem:$0x1C000] =	vst v63  }
0xc1: {  	_ =	swait.ge [sflag:s12], $0x4000  }
0xc2: {  	s1 =	sld [smem:$0x7F6]  }
0xc3: {  	[sflag:s12] =	ssyncset.done $0x0  }
0xc4: {  	[sflag:s12] =	ssyncadd.s32 $0xFFFFC000  }
0xc5: {  	[hbm4b:s1+s2] =	stream.linear.scatter [tilespmem:s8], [sflag:$0xA], $0x4000, $0x38;
	[tilespmem:$0x1C000] =	vst v63  }
0xc6: {  	_ =	swait.ge [sflag:s14], $0x4000  }
0xc7: {  	s1 =	sld [smem:$0x7F7]  }
0xc8: {  	[sflag:s14] =	ssyncset.done $0x0  }
0xc9: {  	[sflag:s14] =	ssyncadd.s32 $0xFFFFC000  }
0xca: {  	[tilespmem:s19], [sflag:$0x7] =	stream.linear.gather [hbm4b:s1+s2], $0x4000, $0x38;
	[tilespmem:$0x1C000] =	vst v63  }
0xcb: {  	_ =	swait.ge [sflag:s26], $0x4000  }
0xcc: {  	s1 =	sld [smem:$0x7F8]  }
0xcd: {  	[sflag:s26] =	ssyncset.done $0x0  }
0xce: {  	[sflag:s26] =	ssyncadd.s32 $0xFFFFC000  }
0xcf: {  	[hbm4b:s1+s2] =	stream.linear.scatter [tilespmem:s24], [sflag:$0xB], $0x4000, $0x38;
	[tilespmem:$0x1C000] =	vst v63  }
0xd0: {  	_ =	swait.ge [sflag:s4], $0x4000  }
0xd1: {  	s1 =	sld [smem:$0x7F9]  }
0xd2: {  	[sflag:s4] =	ssyncset.done $0x0  }
0xd3: {  	[sflag:s4] =	ssyncadd.s32 $0xFFFFC000  }
0xd4: {  	[tilespmem:s2], [sflag:$0x1] =	stream.linear.gather [hbm4b:s1+s2], $0x4000, $0x38;
	[tilespmem:$0x1C000] =	vst v63  }
0xd5: {  	_ =	swait.ge [sflag:s25], $0x4000  }
0xd6: {  	s1 =	sld [smem:$0x7FA]  }
0xd7: {  	[sflag:s25] =	ssyncset.done $0x0  }
0xd8: {  	[sflag:s25] =	ssyncadd.s32 $0xFFFFC000  }
0xd9: {  	[hbm4b:s1+s2] =	stream.linear.scatter [tilespmem:s22], [sflag:$0xC], $0x4000, $0x38;
	[tilespmem:$0x1C000] =	vst v63  }
0xda: {  	_ =	swait.ge [sflag:s3], $0x4000  }
0xdb: {  	s1 =	sld [smem:$0x7FB]  }
0xdc: {  	[sflag:s3] =	ssyncset.done $0x0  }
0xdd: {  	[sflag:s3] =	ssyncadd.s32 $0xFFFFC000  }
0xde: {  	[tilespmem:s10], [sflag:$0x2] =	stream.linear.gather [hbm4b:s1+s2], $0x4000, $0x38;
	[tilespmem:$0x1C000] =	vst v63  }
0xdf: {  	_ =	swait.ge [sflag:s23], $0x4000  }
0xe0: {  	s1 =	sld [smem:$0x7FC]  }
0xe1: {  	[sflag:s23] =	ssyncset.done $0x0  }
0xe2: {  	[sflag:s23] =	ssyncadd.s32 $0xFFFFC000  }
0xe3: {  	[hbm4b:s1+s2] =	stream.linear.scatter [tilespmem:s20], [sflag:$0xD], $0x4000, $0x38;
	[tilespmem:$0x1C000] =	vst v63  }
0xe4: {  	_ =	swait.ge [sflag:s5], $0x4000  }
0xe5: {  	s1 =	sld [smem:$0x7FD]  }
0xe6: {  	[sflag:s5] =	ssyncset.done $0x0  }
0xe7: {  	[sflag:s5] =	ssyncadd.s32 $0xFFFFC000  }
0xe8: {  	[tilespmem:s8], [sflag:$0x3] =	stream.linear.gather [hbm4b:s1+s2], $0x4000, $0x38;
	[tilespmem:$0x1C000] =	vst v63  }
0xe9: {  	_ =	swait.ge [sflag:s21], $0x4000  }
0xea: {  	[sflag:s21] =	ssyncset.done $0x0  }
0xeb: {  	[sflag:s21] =	ssyncadd.s32 $0xFFFFC000  }
0xec: {  	[hbm4b:s11+s2] =	stream.linear.scatter [tilespmem:s19], [sflag:$0xE], $0x4000, $0x38;
	[tilespmem:$0x1C000] =	vst v63  }
0xed: {  	_ =	swait.ge [sflag:s15], $0x4000  }
0xee: {  	[sflag:s15] =	ssyncset.done $0x0  }
0xef: {  	[sflag:s15] =	ssyncadd.s32 $0xFFFFC000  }
0xf0: {  	[hbm4b:s9+s2] =	stream.linear.scatter [tilespmem:s2], [sflag:$0x8], $0x4000, $0x38;
	[tilespmem:$0x1C000] =	vst v63  }
0xf1: {  	_ =	swait.ge [sflag:s13], $0x4000  }
0xf2: {  	[sflag:s13] =	ssyncset.done $0x0  }
0xf3: {  	[sflag:s13] =	ssyncadd.s32 $0xFFFFC000  }
0xf4: {  	[hbm4b:s7+s2] =	stream.linear.scatter [tilespmem:s10], [sflag:$0x9], $0x4000, $0x38;
	[tilespmem:$0x1C000] =	vst v63  }
0xf5: {  	_ =	swait.ge [sflag:s12], $0x4000  }
0xf6: {  	[sflag:s12] =	ssyncset.done $0x0  }
0xf7: {  	[sflag:s12] =	ssyncadd.s32 $0xFFFFC000  }
0xf8: {  	[hbm4b:s6+s2] =	stream.linear.scatter [tilespmem:s8], [sflag:$0xA], $0x4000, $0x38;
	[tilespmem:$0x1C000] =	vst v63  }
0xf9: {  	_ =	swait.ge [sflag:s18], $0x4000  }
0xfa: {  	[sflag:s18] =	ssyncset.done $0x0  }
0xfb: {  	[sflag:s18] =	ssyncadd.s32 $0xFFFFC000  }
0xfc: {  	_ =	swait.ge [sflag:s17], $0x4000  }
0xfd: {  	[sflag:s17] =	ssyncset.done $0x0  }
0xfe: {  	[sflag:s17] =	ssyncadd.s32 $0xFFFFC000  }
0xff: {  	_ =	swait.ge [sflag:s16], $0x4000  }
0x100: {  	[sflag:s16] =	ssyncset.done $0x0  }
0x101: {  	[sflag:s16] =	ssyncadd.s32 $0xFFFFC000  }
0x102: {  	_ =	swait.ge [sflag:s14], $0x4000  }
0x103: {  	[sflag:s14] =	ssyncset.done $0x0  }
0x104: {  	[sflag:s14] =	ssyncadd.s32 $0xFFFFC000  }
0x105: {  	_ =	swait.ge [sflag:s4], $0x4000  }
0x106: {  	[sflag:s4] =	ssyncset.done $0x0  }
0x107: {  	[sflag:s4] =	ssyncadd.s32 $0xFFFFC000  }
0x108: {  	_ =	swait.ge [sflag:s3], $0x4000  }
0x109: {  	s1 =	sld [smem:$0x7F1];
	_ =	sdelay $0x2  }
0x10a: {  	p1 =	sne.s32 s1, $0x1  }
.Ltmp1:
0x10b: {  	_ = 	snop;
	(pc) =	sbr.rel @!p1 .LBB2_2-.Ltmp1, $4  }
0x10c: {  	[sflag:s3] =	ssyncset.done $0x0  }
0x10d: {  	[sflag:s3] =	ssyncadd.s32 $0xFFFFC000  }
0x10e: {  	p0 =	por $0x1, $0x1;
	_ =	swait.ge [sflag:s5], $0x4000  }
0x10f: {  	s1 =	sadd.s32 $0xFFFFFFFF, s1;
	[sflag:s5] =	ssyncset.done $0x0;
	[smem:$0x7F2] =	sst s31  }
.LBB2_3:
0x110: {  	[sflag:s5] =	ssyncadd.s32 $0xFFFFC000  }
0x111: {  	[tilespmem:s2], [sflag:$0x1] =	stream.linear.gather [hbm4b:s30+s2], $0x4000, $0x38;
	[tilespmem:$0x1C000] =	vst v63  }
0x112: {  	s0 =	rddreg [dreg:$0x3];
	s31 =	smov.u32 s30;
	s30 =	smov.u32 s29  }
0x113: {  	s29 =	smov.u32 s28;
	s28 =	smov.u32 s11;
	s11 =	smov.u32 s9  }
0x114: {  	[tilespmem:s10], [sflag:$0x2] =	stream.linear.gather [hbm4b:s0+s2], $0x4000, $0x38;
	[tilespmem:$0x1C000] =	vst v63  }
0x115: {  	s9 =	smov.u32 s7;
	s7 =	smov.u32 s6;
	s6 =	rddreg [dreg:$0x4]  }
0x116: {  	[tilespmem:s8], [sflag:$0x3] =	stream.linear.gather [hbm4b:s6+s2], $0x4000, $0x38;
	[tilespmem:$0x1C000] =	vst v63  }
0x117: {  	s0 =	rddreg [dreg:$0x5]  }
0x118: {  	[tilespmem:s24], [sflag:$0x4] =	stream.linear.gather [hbm4b:s0+s2], $0x4000, $0x38;
	[tilespmem:$0x1C000] =	vst v63  }
0x119: {  	_ =	swait.ge [sflag:s15], $0x4000  }
0x11a: {  	s6 =	sld [smem:$0x7F2]  }
0x11b: {  	[sflag:s15] =	ssyncset.done $0x0  }
0x11c: {  	[sflag:s15] =	ssyncadd.s32 $0xFFFFC000  }
0x11d: {  	[hbm4b:s6+s2] =	stream.linear.scatter [tilespmem:s2], [sflag:$0x8], $0x4000, $0x38;
	[tilespmem:$0x1C000] =	vst v63  }
0x11e: {  	s0 =	rddreg [dreg:$0x6]  }
0x11f: {  	[tilespmem:s22], [sflag:$0x5] =	stream.linear.gather [hbm4b:s0+s2], $0x4000, $0x38;
	[tilespmem:$0x1C000] =	vst v63  }
0x120: {  	_ =	swait.ge [sflag:s13], $0x4000  }
0x121: {  	[sflag:s13] =	ssyncset.done $0x0  }
0x122: {  	s0 =	rddreg [dreg:$0x7];
	[sflag:s13] =	ssyncadd.s32 $0xFFFFC000  }
0x123: {  	[hbm4b:s0+s2] =	stream.linear.scatter [tilespmem:s10], [sflag:$0x9], $0x4000, $0x38;
	[tilespmem:$0x1C000] =	vst v63  }
0x124: {  	s6 =	rddreg [dreg:$0x8]  }
0x125: {  	[tilespmem:s20], [sflag:$0x6] =	stream.linear.gather [hbm4b:s6+s2], $0x4000, $0x38;
	[tilespmem:$0x1C000] =	vst v63  }
0x126: {  	_ =	swait.ge [sflag:s12], $0x4000  }
0x127: {  	[sflag:s12] =	ssyncset.done $0x0  }
0x128: {  	s0 =	rddreg [dreg:$0x9];
	[sflag:s12] =	ssyncadd.s32 $0xFFFFC000  }
0x129: {  	[hbm4b:s0+s2] =	stream.linear.scatter [tilespmem:s8], [sflag:$0xA], $0x4000, $0x38;
	[tilespmem:$0x1C000] =	vst v63  }
0x12a: {  	s6 =	rddreg [dreg:$0xa]  }
0x12b: {  	[tilespmem:s19], [sflag:$0x7] =	stream.linear.gather [hbm4b:s6+s2], $0x4000, $0x38;
	[tilespmem:$0x1C000] =	vst v63  }
0x12c: {  	s6 =	smov.u32 s7;
	s7 =	smov.u32 s9  }
0x12d: {  	s9 =	smov.u32 s11;
	s11 =	smov.u32 s28;
	_ =	swait.ge [sflag:s26], $0x4000  }
0x12e: {  	s28 =	smov.u32 s29;
	s29 =	smov.u32 s30;
	[sflag:s26] =	ssyncset.done $0x0  }
0x12f: {  	s30 =	smov.u32 s31;
	s31 =	rddreg [dreg:$0xb];
	[sflag:s26] =	ssyncadd.s32 $0xFFFFC000  }
0x130: {  	[hbm4b:s31+s2] =	stream.linear.scatter [tilespmem:s24], [sflag:$0xB], $0x4000, $0x38;
	[tilespmem:$0x1C000] =	vst v63  }
0x131: {  	_ =	swait.ge [sflag:s4], $0x4000  }
0x132: {  	[sflag:s4] =	ssyncset.done $0x0  }
0x133: {  	s31 =	rddreg [dreg:$0xc];
	[sflag:s4] =	ssyncadd.s32 $0xFFFFC000  }
0x134: {  	[tilespmem:s2], [sflag:$0x1] =	stream.linear.gather [hbm4b:s31+s2], $0x4000, $0x38;
	[tilespmem:$0x1C000] =	vst v63  }
0x135: {  	_ =	swait.ge [sflag:s25], $0x4000  }
0x136: {  	[sflag:s25] =	ssyncset.done $0x0  }
0x137: {  	s31 =	rddreg [dreg:$0xd];
	[sflag:s25] =	ssyncadd.s32 $0xFFFFC000  }
0x138: {  	[hbm4b:s31+s2] =	stream.linear.scatter [tilespmem:s22], [sflag:$0xC], $0x4000, $0x38;
	[tilespmem:$0x1C000] =	vst v63  }
0x139: {  	_ =	swait.ge [sflag:s3], $0x4000  }
0x13a: {  	[sflag:s3] =	ssyncset.done $0x0  }
0x13b: {  	s31 =	rddreg [dreg:$0xe];
	[sflag:s3] =	ssyncadd.s32 $0xFFFFC000  }
0x13c: {  	[tilespmem:s10], [sflag:$0x2] =	stream.linear.gather [hbm4b:s31+s2], $0x4000, $0x38;
	[tilespmem:$0x1C000] =	vst v63  }
0x13d: {  	_ =	swait.ge [sflag:s23], $0x4000  }
0x13e: {  	[sflag:s23] =	ssyncset.done $0x0  }
0x13f: {  	s31 =	rddreg [dreg:$0xf];
	[sflag:s23] =	ssyncadd.s32 $0xFFFFC000  }
0x140: {  	[hbm4b:s31+s2] =	stream.linear.scatter [tilespmem:s20], [sflag:$0xD], $0x4000, $0x38;
	[tilespmem:$0x1C000] =	vst v63  }
0x141: {  	_ =	swait.ge [sflag:s5], $0x4000  }
0x142: {  	[sflag:s5] =	ssyncset.done $0x0  }
0x143: {  	s31 =	rddreg [dreg:$0x10];
	[sflag:s5] =	ssyncadd.s32 $0xFFFFC000  }
0x144: {  	[tilespmem:s8], [sflag:$0x3] =	stream.linear.gather [hbm4b:s31+s2], $0x4000, $0x38;
	[tilespmem:$0x1C000] =	vst v63  }
0x145: {  	_ =	swait.ge [sflag:s21], $0x4000  }
0x146: {  	[sflag:s21] =	ssyncset.done $0x0  }
0x147: {  	s31 =	rddreg [dreg:$0x11];
	[sflag:s21] =	ssyncadd.s32 $0xFFFFC000  }
0x148: {  	[hbm4b:s31+s2] =	stream.linear.scatter [tilespmem:s19], [sflag:$0xE], $0x4000, $0x38;
	[tilespmem:$0x1C000] =	vst v63  }
0x149: {  	_ =	swait.ge [sflag:s18], $0x4000  }
0x14a: {  	[sflag:s18] =	ssyncset.done $0x0  }
0x14b: {  	s31 =	rddreg [dreg:$0x12];
	[sflag:s18] =	ssyncadd.s32 $0xFFFFC000  }
0x14c: {  	[tilespmem:s24], [sflag:$0x4] =	stream.linear.gather [hbm4b:s31+s2], $0x4000, $0x38;
	[tilespmem:$0x1C000] =	vst v63  }
0x14d: {  	_ =	swait.ge [sflag:s15], $0x4000  }
0x14e: {  	[sflag:s15] =	ssyncset.done $0x0  }
0x14f: {  	s31 =	rddreg [dreg:$0x13];
	[sflag:s15] =	ssyncadd.s32 $0xFFFFC000  }
0x150: {  	[hbm4b:s31+s2] =	stream.linear.scatter [tilespmem:s2], [sflag:$0x8], $0x4000, $0x38;
	[tilespmem:$0x1C000] =	vst v63  }
0x151: {  	_ =	swait.ge [sflag:s17], $0x4000  }
0x152: {  	[sflag:s17] =	ssyncset.done $0x0  }
0x153: {  	s31 =	rddreg [dreg:$0x14];
	[sflag:s17] =	ssyncadd.s32 $0xFFFFC000  }
0x154: {  	[tilespmem:s22], [sflag:$0x5] =	stream.linear.gather [hbm4b:s31+s2], $0x4000, $0x38;
	[tilespmem:$0x1C000] =	vst v63  }
0x155: {  	_ =	swait.ge [sflag:s13], $0x4000  }
0x156: {  	[sflag:s13] =	ssyncset.done $0x0  }
0x157: {  	s31 =	rddreg [dreg:$0x15];
	[sflag:s13] =	ssyncadd.s32 $0xFFFFC000  }
0x158: {  	[hbm4b:s31+s2] =	stream.linear.scatter [tilespmem:s10], [sflag:$0x9], $0x4000, $0x38;
	[tilespmem:$0x1C000] =	vst v63  }
0x159: {  	_ =	swait.ge [sflag:s16], $0x4000  }
0x15a: {  	[sflag:s16] =	ssyncset.done $0x0  }
0x15b: {  	[sflag:s16] =	ssyncadd.s32 $0xFFFFC000  }
0x15c: {  	[tilespmem:s20], [sflag:$0x6] =	stream.linear.gather [hbm4b:s29+s2], $0x4000, $0x38;
	[tilespmem:$0x1C000] =	vst v63  }
0x15d: {  	_ =	swait.ge [sflag:s12], $0x4000  }
0x15e: {  	[sflag:s12] =	ssyncset.done $0x0  }
0x15f: {  	s31 =	rddreg [dreg:$0x16];
	[sflag:s12] =	ssyncadd.s32 $0xFFFFC000  }
0x160: {  	[hbm4b:s31+s2] =	stream.linear.scatter [tilespmem:s8], [sflag:$0xA], $0x4000, $0x38;
	[tilespmem:$0x1C000] =	vst v63  }
0x161: {  	_ =	swait.ge [sflag:s14], $0x4000  }
0x162: {  	[sflag:s14] =	ssyncset.done $0x0  }
0x163: {  	s31 =	rddreg [dreg:$0x17];
	[sflag:s14] =	ssyncadd.s32 $0xFFFFC000  }
0x164: {  	[tilespmem:s19], [sflag:$0x7] =	stream.linear.gather [hbm4b:s31+s2], $0x4000, $0x38;
	[tilespmem:$0x1C000] =	vst v63  }
0x165: {  	_ =	swait.ge [sflag:s26], $0x4000  }
0x166: {  	[sflag:s26] =	ssyncset.done $0x0  }
0x167: {  	s31 =	rddreg [dreg:$0x18];
	[sflag:s26] =	ssyncadd.s32 $0xFFFFC000  }
0x168: {  	[hbm4b:s31+s2] =	stream.linear.scatter [tilespmem:s24], [sflag:$0xB], $0x4000, $0x38;
	[tilespmem:$0x1C000] =	vst v63  }
0x169: {  	_ =	swait.ge [sflag:s4], $0x4000  }
0x16a: {  	[sflag:s4] =	ssyncset.done $0x0  }
0x16b: {  	s31 =	rddreg [dreg:$0x19];
	[sflag:s4] =	ssyncadd.s32 $0xFFFFC000  }
0x16c: {  	[tilespmem:s2], [sflag:$0x1] =	stream.linear.gather [hbm4b:s31+s2], $0x4000, $0x38;
	[tilespmem:$0x1C000] =	vst v63  }
0x16d: {  	_ =	swait.ge [sflag:s25], $0x4000  }
0x16e: {  	[sflag:s25] =	ssyncset.done $0x0  }
0x16f: {  	s31 =	rddreg [dreg:$0x1a];
	[sflag:s25] =	ssyncadd.s32 $0xFFFFC000  }
0x170: {  	[hbm4b:s31+s2] =	stream.linear.scatter [tilespmem:s22], [sflag:$0xC], $0x4000, $0x38;
	[tilespmem:$0x1C000] =	vst v63  }
0x171: {  	_ =	swait.ge [sflag:s3], $0x4000  }
0x172: {  	[sflag:s3] =	ssyncset.done $0x0  }
0x173: {  	s31 =	rddreg [dreg:$0x1b];
	[sflag:s3] =	ssyncadd.s32 $0xFFFFC000  }
0x174: {  	[tilespmem:s10], [sflag:$0x2] =	stream.linear.gather [hbm4b:s31+s2], $0x4000, $0x38;
	[tilespmem:$0x1C000] =	vst v63  }
0x175: {  	_ =	swait.ge [sflag:s23], $0x4000  }
0x176: {  	[sflag:s23] =	ssyncset.done $0x0  }
0x177: {  	[sflag:s23] =	ssyncadd.s32 $0xFFFFC000  }
0x178: {  	[hbm4b:s28+s2] =	stream.linear.scatter [tilespmem:s20], [sflag:$0xD], $0x4000, $0x38;
	[tilespmem:$0x1C000] =	vst v63  }
0x179: {  	_ =	swait.ge [sflag:s5], $0x4000  }
0x17a: {  	[sflag:s5] =	ssyncset.done $0x0  }
0x17b: {  	s31 =	rddreg [dreg:$0x1c];
	[sflag:s5] =	ssyncadd.s32 $0xFFFFC000  }
0x17c: {  	[tilespmem:s8], [sflag:$0x3] =	stream.linear.gather [hbm4b:s31+s2], $0x4000, $0x38;
	[tilespmem:$0x1C000] =	vst v63  }
0x17d: {  	_ =	swait.ge [sflag:s21], $0x4000  }
0x17e: {  	[sflag:s21] =	ssyncset.done $0x0  }
0x17f: {  	s31 =	rddreg [dreg:$0x1d];
	[sflag:s21] =	ssyncadd.s32 $0xFFFFC000  }
0x180: {  	[hbm4b:s31+s2] =	stream.linear.scatter [tilespmem:s19], [sflag:$0xE], $0x4000, $0x38;
	[tilespmem:$0x1C000] =	vst v63  }
0x181: {  	_ =	swait.ge [sflag:s18], $0x4000  }
0x182: {  	[sflag:s18] =	ssyncset.done $0x0  }
0x183: {  	s31 =	rddreg [dreg:$0x1e];
	[sflag:s18] =	ssyncadd.s32 $0xFFFFC000  }
0x184: {  	[tilespmem:s24], [sflag:$0x4] =	stream.linear.gather [hbm4b:s31+s2], $0x4000, $0x38;
	[tilespmem:$0x1C000] =	vst v63  }
0x185: {  	_ =	swait.ge [sflag:s15], $0x4000  }
0x186: {  	[sflag:s15] =	ssyncset.done $0x0  }
0x187: {  	s31 =	rddreg [dreg:$0x1f];
	[sflag:s15] =	ssyncadd.s32 $0xFFFFC000  }
0x188: {  	[hbm4b:s31+s2] =	stream.linear.scatter [tilespmem:s2], [sflag:$0x8], $0x4000, $0x38;
	[tilespmem:$0x1C000] =	vst v63  }
0x189: {  	_ =	swait.ge [sflag:s17], $0x4000  }
0x18a: {  	s31 =	sld [smem:$0x7F3]  }
0x18b: {  	[sflag:s17] =	ssyncset.done $0x0  }
0x18c: {  	[sflag:s17] =	ssyncadd.s32 $0xFFFFC000  }
0x18d: {  	[tilespmem:s22], [sflag:$0x5] =	stream.linear.gather [hbm4b:s31+s2], $0x4000, $0x38;
	[tilespmem:$0x1C000] =	vst v63  }
0x18e: {  	_ =	swait.ge [sflag:s13], $0x4000  }
0x18f: {  	s31 =	sld [smem:$0x7F4]  }
0x190: {  	[sflag:s13] =	ssyncset.done $0x0  }
0x191: {  	[sflag:s13] =	ssyncadd.s32 $0xFFFFC000  }
0x192: {  	[hbm4b:s31+s2] =	stream.linear.scatter [tilespmem:s10], [sflag:$0x9], $0x4000, $0x38;
	[tilespmem:$0x1C000] =	vst v63  }
0x193: {  	_ =	swait.ge [sflag:s16], $0x4000  }
0x194: {  	s31 =	sld [smem:$0x7F5]  }
0x195: {  	[sflag:s16] =	ssyncset.done $0x0  }
0x196: {  	[sflag:s16] =	ssyncadd.s32 $0xFFFFC000  }
0x197: {  	[tilespmem:s20], [sflag:$0x6] =	stream.linear.gather [hbm4b:s31+s2], $0x4000, $0x38;
	[tilespmem:$0x1C000] =	vst v63  }
0x198: {  	_ =	swait.ge [sflag:s12], $0x4000  }
0x199: {  	s31 =	sld [smem:$0x7F6]  }
0x19a: {  	[sflag:s12] =	ssyncset.done $0x0  }
0x19b: {  	[sflag:s12] =	ssyncadd.s32 $0xFFFFC000  }
0x19c: {  	[hbm4b:s31+s2] =	stream.linear.scatter [tilespmem:s8], [sflag:$0xA], $0x4000, $0x38;
	[tilespmem:$0x1C000] =	vst v63  }
0x19d: {  	_ =	swait.ge [sflag:s14], $0x4000  }
0x19e: {  	s31 =	sld [smem:$0x7F7]  }
0x19f: {  	[sflag:s14] =	ssyncset.done $0x0  }
0x1a0: {  	[sflag:s14] =	ssyncadd.s32 $0xFFFFC000  }
0x1a1: {  	[tilespmem:s19], [sflag:$0x7] =	stream.linear.gather [hbm4b:s31+s2], $0x4000, $0x38;
	[tilespmem:$0x1C000] =	vst v63  }
0x1a2: {  	_ =	swait.ge [sflag:s26], $0x4000  }
0x1a3: {  	s31 =	sld [smem:$0x7F8]  }
0x1a4: {  	[sflag:s26] =	ssyncset.done $0x0  }
0x1a5: {  	[sflag:s26] =	ssyncadd.s32 $0xFFFFC000  }
0x1a6: {  	[hbm4b:s31+s2] =	stream.linear.scatter [tilespmem:s24], [sflag:$0xB], $0x4000, $0x38;
	[tilespmem:$0x1C000] =	vst v63  }
0x1a7: {  	_ =	swait.ge [sflag:s4], $0x4000  }
0x1a8: {  	s31 =	sld [smem:$0x7F9]  }
0x1a9: {  	[sflag:s4] =	ssyncset.done $0x0  }
0x1aa: {  	[sflag:s4] =	ssyncadd.s32 $0xFFFFC000  }
0x1ab: {  	[tilespmem:s2], [sflag:$0x1] =	stream.linear.gather [hbm4b:s31+s2], $0x4000, $0x38;
	[tilespmem:$0x1C000] =	vst v63  }
0x1ac: {  	_ =	swait.ge [sflag:s25], $0x4000  }
0x1ad: {  	s31 =	sld [smem:$0x7FA]  }
0x1ae: {  	[sflag:s25] =	ssyncset.done $0x0  }
0x1af: {  	[sflag:s25] =	ssyncadd.s32 $0xFFFFC000  }
0x1b0: {  	[hbm4b:s31+s2] =	stream.linear.scatter [tilespmem:s22], [sflag:$0xC], $0x4000, $0x38;
	[tilespmem:$0x1C000] =	vst v63  }
0x1b1: {  	_ =	swait.ge [sflag:s3], $0x4000  }
0x1b2: {  	s31 =	sld [smem:$0x7FB]  }
0x1b3: {  	[sflag:s3] =	ssyncset.done $0x0  }
0x1b4: {  	[sflag:s3] =	ssyncadd.s32 $0xFFFFC000  }
0x1b5: {  	[tilespmem:s10], [sflag:$0x2] =	stream.linear.gather [hbm4b:s31+s2], $0x4000, $0x38;
	[tilespmem:$0x1C000] =	vst v63  }
0x1b6: {  	_ =	swait.ge [sflag:s23], $0x4000  }
0x1b7: {  	s31 =	sld [smem:$0x7FC]  }
0x1b8: {  	[sflag:s23] =	ssyncset.done $0x0  }
0x1b9: {  	[sflag:s23] =	ssyncadd.s32 $0xFFFFC000  }
0x1ba: {  	[hbm4b:s31+s2] =	stream.linear.scatter [tilespmem:s20], [sflag:$0xD], $0x4000, $0x38;
	[tilespmem:$0x1C000] =	vst v63  }
0x1bb: {  	_ =	swait.ge [sflag:s5], $0x4000  }
0x1bc: {  	s31 =	sld [smem:$0x7FD]  }
0x1bd: {  	[sflag:s5] =	ssyncset.done $0x0  }
0x1be: {  	[sflag:s5] =	ssyncadd.s32 $0xFFFFC000  }
0x1bf: {  	[tilespmem:s8], [sflag:$0x3] =	stream.linear.gather [hbm4b:s31+s2], $0x4000, $0x38;
	[tilespmem:$0x1C000] =	vst v63  }
0x1c0: {  	_ =	swait.ge [sflag:s21], $0x4000  }
0x1c1: {  	[sflag:s21] =	ssyncset.done $0x0  }
0x1c2: {  	[sflag:s21] =	ssyncadd.s32 $0xFFFFC000  }
0x1c3: {  	[hbm4b:s11+s2] =	stream.linear.scatter [tilespmem:s19], [sflag:$0xE], $0x4000, $0x38;
	[tilespmem:$0x1C000] =	vst v63  }
0x1c4: {  	_ =	swait.ge [sflag:s15], $0x4000  }
0x1c5: {  	[sflag:s15] =	ssyncset.done $0x0  }
0x1c6: {  	[sflag:s15] =	ssyncadd.s32 $0xFFFFC000  }
0x1c7: {  	[hbm4b:s9+s2] =	stream.linear.scatter [tilespmem:s2], [sflag:$0x8], $0x4000, $0x38;
	[tilespmem:$0x1C000] =	vst v63  }
0x1c8: {  	_ =	swait.ge [sflag:s13], $0x4000  }
0x1c9: {  	[sflag:s13] =	ssyncset.done $0x0  }
0x1ca: {  	[sflag:s13] =	ssyncadd.s32 $0xFFFFC000  }
0x1cb: {  	[hbm4b:s7+s2] =	stream.linear.scatter [tilespmem:s10], [sflag:$0x9], $0x4000, $0x38;
	[tilespmem:$0x1C000] =	vst v63  }
0x1cc: {  	_ =	swait.ge [sflag:s12], $0x4000  }
0x1cd: {  	[sflag:s12] =	ssyncset.done $0x0  }
0x1ce: {  	[sflag:s12] =	ssyncadd.s32 $0xFFFFC000  }
0x1cf: {  	[hbm4b:s6+s2] =	stream.linear.scatter [tilespmem:s8], [sflag:$0xA], $0x4000, $0x38;
	[tilespmem:$0x1C000] =	vst v63  }
0x1d0: {  	_ =	swait.ge [sflag:s18], $0x4000  }
0x1d1: {  	[sflag:s18] =	ssyncset.done $0x0  }
0x1d2: {  	[sflag:s18] =	ssyncadd.s32 $0xFFFFC000  }
0x1d3: {  	_ =	swait.ge [sflag:s17], $0x4000  }
0x1d4: {  	[sflag:s17] =	ssyncset.done $0x0  }
0x1d5: {  	[sflag:s17] =	ssyncadd.s32 $0xFFFFC000  }
0x1d6: {  	_ =	swait.ge [sflag:s16], $0x4000  }
0x1d7: {  	[sflag:s16] =	ssyncset.done $0x0  }
0x1d8: {  	[sflag:s16] =	ssyncadd.s32 $0xFFFFC000  }
0x1d9: {  	_ =	swait.ge [sflag:s14], $0x4000  }
0x1da: {  	[sflag:s14] =	ssyncset.done $0x0  }
0x1db: {  	[sflag:s14] =	ssyncadd.s32 $0xFFFFC000  }
0x1dc: {  	_ =	swait.ge [sflag:s4], $0x4000  }
0x1dd: {  	[sflag:s4] =	ssyncset.done $0x0  }
0x1de: {  	p1 =	sne.s32 s1, $0x1;
	[sflag:s4] =	ssyncadd.s32 $0xFFFFC000  }
.Ltmp2:
0x1df: {  	_ =	swait.ge [sflag:s3], $0x4000;
	(pc) =	sbr.rel @p1 .LBB2_3-.Ltmp2, $4  }
0x1e0: {  	[sflag:s3] =	ssyncset.done $0x0  }
0x1e1: {  	[sflag:s3] =	ssyncadd.s32 $0xFFFFC000  }
0x1e2: {  	_ =	swait.ge [sflag:s5], $0x4000  }
0x1e3: {  	s1 =	sadd.s32 $0xFFFFFFFF, s1;
	[sflag:s5] =	ssyncset.done $0x0  }
0x1e4: {  	s31 =	sld [smem:$0x7F2]  }
.LBB2_5:
0x1e5: {  	[sflag:s5] =	ssyncadd.s32 @p0 $0xFFFFC000  }
0x1e6: {  	[tilespmem:s2], [sflag:$0x1] =	stream.linear.gather [hbm4b:s30+s2], $0x4000, $0x38;
	[tilespmem:$0x1C000] =	vst v63  }
0x1e7: {  	s0 =	rddreg [dreg:$0x3]  }
0x1e8: {  	[tilespmem:s10], [sflag:$0x2] =	stream.linear.gather [hbm4b:s0+s2], $0x4000, $0x38;
	[tilespmem:$0x1C000] =	vst v63  }
0x1e9: {  	s1 =	rddreg [dreg:$0x4]  }
0x1ea: {  	[tilespmem:s8], [sflag:$0x3] =	stream.linear.gather [hbm4b:s1+s2], $0x4000, $0x38;
	[tilespmem:$0x1C000] =	vst v63  }
0x1eb: {  	s30 =	rddreg [dreg:$0x5]  }
0x1ec: {  	[tilespmem:s24], [sflag:$0x4] =	stream.linear.gather [hbm4b:s30+s2], $0x4000, $0x38;
	[tilespmem:$0x1C000] =	vst v63  }
0x1ed: {  	_ =	swait.ge [sflag:s15], $0x4000  }
0x1ee: {  	[sflag:s15] =	ssyncset.done $0x0  }
0x1ef: {  	[sflag:s15] =	ssyncadd.s32 $0xFFFFC000  }
0x1f0: {  	[hbm4b:s31+s2] =	stream.linear.scatter [tilespmem:s2], [sflag:$0x8], $0x4000, $0x38;
	[tilespmem:$0x1C000] =	vst v63  }
0x1f1: {  	s1 =	rddreg [dreg:$0x6]  }
0x1f2: {  	[tilespmem:s22], [sflag:$0x5] =	stream.linear.gather [hbm4b:s1+s2], $0x4000, $0x38;
	[tilespmem:$0x1C000] =	vst v63  }
0x1f3: {  	_ =	swait.ge [sflag:s13], $0x4000  }
0x1f4: {  	[sflag:s13] =	ssyncset.done $0x0  }
0x1f5: {  	s30 =	rddreg [dreg:$0x7];
	[sflag:s13] =	ssyncadd.s32 $0xFFFFC000  }
0x1f6: {  	[hbm4b:s30+s2] =	stream.linear.scatter [tilespmem:s10], [sflag:$0x9], $0x4000, $0x38;
	[tilespmem:$0x1C000] =	vst v63  }
0x1f7: {  	s31 =	rddreg [dreg:$0x8]  }
0x1f8: {  	[tilespmem:s20], [sflag:$0x6] =	stream.linear.gather [hbm4b:s31+s2], $0x4000, $0x38;
	[tilespmem:$0x1C000] =	vst v63  }
0x1f9: {  	_ =	swait.ge [sflag:s12], $0x4000  }
0x1fa: {  	[sflag:s12] =	ssyncset.done $0x0  }
0x1fb: {  	s30 =	rddreg [dreg:$0x9];
	[sflag:s12] =	ssyncadd.s32 $0xFFFFC000  }
0x1fc: {  	[hbm4b:s30+s2] =	stream.linear.scatter [tilespmem:s8], [sflag:$0xA], $0x4000, $0x38;
	[tilespmem:$0x1C000] =	vst v63  }
0x1fd: {  	s31 =	rddreg [dreg:$0xa]  }
0x1fe: {  	[tilespmem:s19], [sflag:$0x7] =	stream.linear.gather [hbm4b:s31+s2], $0x4000, $0x38;
	[tilespmem:$0x1C000] =	vst v63  }
0x1ff: {  	_ =	swait.ge [sflag:s26], $0x4000  }
0x200: {  	[sflag:s26] =	ssyncset.done $0x0  }
0x201: {  	s1 =	rddreg [dreg:$0xb];
	[sflag:s26] =	ssyncadd.s32 $0xFFFFC000  }
0x202: {  	[hbm4b:s1+s2] =	stream.linear.scatter [tilespmem:s24], [sflag:$0xB], $0x4000, $0x38;
	[tilespmem:$0x1C000] =	vst v63  }
0x203: {  	_ =	swait.ge [sflag:s4], $0x4000  }
0x204: {  	[sflag:s4] =	ssyncset.done $0x0  }
0x205: {  	s30 =	rddreg [dreg:$0xc];
	[sflag:s4] =	ssyncadd.s32 $0xFFFFC000  }
0x206: {  	[tilespmem:s2], [sflag:$0x1] =	stream.linear.gather [hbm4b:s30+s2], $0x4000, $0x38;
	[tilespmem:$0x1C000] =	vst v63  }
0x207: {  	_ =	swait.ge [sflag:s25], $0x4000  }
0x208: {  	[sflag:s25] =	ssyncset.done $0x0  }
0x209: {  	s31 =	rddreg [dreg:$0xd];
	[sflag:s25] =	ssyncadd.s32 $0xFFFFC000  }
0x20a: {  	[hbm4b:s31+s2] =	stream.linear.scatter [tilespmem:s22], [sflag:$0xC], $0x4000, $0x38;
	[tilespmem:$0x1C000] =	vst v63  }
0x20b: {  	_ =	swait.ge [sflag:s3], $0x4000  }
0x20c: {  	[sflag:s3] =	ssyncset.done $0x0  }
0x20d: {  	s1 =	rddreg [dreg:$0xe];
	[sflag:s3] =	ssyncadd.s32 $0xFFFFC000  }
0x20e: {  	[tilespmem:s10], [sflag:$0x2] =	stream.linear.gather [hbm4b:s1+s2], $0x4000, $0x38;
	[tilespmem:$0x1C000] =	vst v63  }
0x20f: {  	_ =	swait.ge [sflag:s23], $0x4000  }
0x210: {  	[sflag:s23] =	ssyncset.done $0x0  }
0x211: {  	s30 =	rddreg [dreg:$0xf];
	[sflag:s23] =	ssyncadd.s32 $0xFFFFC000  }
0x212: {  	[hbm4b:s30+s2] =	stream.linear.scatter [tilespmem:s20], [sflag:$0xD], $0x4000, $0x38;
	[tilespmem:$0x1C000] =	vst v63  }
0x213: {  	_ =	swait.ge [sflag:s5], $0x4000  }
0x214: {  	[sflag:s5] =	ssyncset.done $0x0  }
0x215: {  	s31 =	rddreg [dreg:$0x10];
	[sflag:s5] =	ssyncadd.s32 $0xFFFFC000  }
0x216: {  	[tilespmem:s8], [sflag:$0x3] =	stream.linear.gather [hbm4b:s31+s2], $0x4000, $0x38;
	[tilespmem:$0x1C000] =	vst v63  }
0x217: {  	_ =	swait.ge [sflag:s21], $0x4000  }
0x218: {  	[sflag:s21] =	ssyncset.done $0x0  }
0x219: {  	s1 =	rddreg [dreg:$0x11];
	[sflag:s21] =	ssyncadd.s32 $0xFFFFC000  }
0x21a: {  	[hbm4b:s1+s2] =	stream.linear.scatter [tilespmem:s19], [sflag:$0xE], $0x4000, $0x38;
	[tilespmem:$0x1C000] =	vst v63  }
0x21b: {  	_ =	swait.ge [sflag:s18], $0x4000  }
0x21c: {  	[sflag:s18] =	ssyncset.done $0x0  }
0x21d: {  	s30 =	rddreg [dreg:$0x12];
	[sflag:s18] =	ssyncadd.s32 $0xFFFFC000  }
0x21e: {  	[tilespmem:s24], [sflag:$0x4] =	stream.linear.gather [hbm4b:s30+s2], $0x4000, $0x38;
	[tilespmem:$0x1C000] =	vst v63  }
0x21f: {  	_ =	swait.ge [sflag:s15], $0x4000  }
0x220: {  	[sflag:s15] =	ssyncset.done $0x0  }
0x221: {  	s31 =	rddreg [dreg:$0x13];
	[sflag:s15] =	ssyncadd.s32 $0xFFFFC000  }
0x222: {  	[hbm4b:s31+s2] =	stream.linear.scatter [tilespmem:s2], [sflag:$0x8], $0x4000, $0x38;
	[tilespmem:$0x1C000] =	vst v63  }
0x223: {  	_ =	swait.ge [sflag:s17], $0x4000  }
0x224: {  	[sflag:s17] =	ssyncset.done $0x0  }
0x225: {  	s1 =	rddreg [dreg:$0x14];
	[sflag:s17] =	ssyncadd.s32 $0xFFFFC000  }
0x226: {  	[tilespmem:s22], [sflag:$0x5] =	stream.linear.gather [hbm4b:s1+s2], $0x4000, $0x38;
	[tilespmem:$0x1C000] =	vst v63  }
0x227: {  	_ =	swait.ge [sflag:s13], $0x4000  }
0x228: {  	[sflag:s13] =	ssyncset.done $0x0  }
0x229: {  	s30 =	rddreg [dreg:$0x15];
	[sflag:s13] =	ssyncadd.s32 $0xFFFFC000  }
0x22a: {  	[hbm4b:s30+s2] =	stream.linear.scatter [tilespmem:s10], [sflag:$0x9], $0x4000, $0x38;
	[tilespmem:$0x1C000] =	vst v63  }
0x22b: {  	_ =	swait.ge [sflag:s16], $0x4000  }
0x22c: {  	[sflag:s16] =	ssyncset.done $0x0  }
0x22d: {  	[sflag:s16] =	ssyncadd.s32 $0xFFFFC000  }
0x22e: {  	[tilespmem:s20], [sflag:$0x6] =	stream.linear.gather [hbm4b:s29+s2], $0x4000, $0x38;
	[tilespmem:$0x1C000] =	vst v63  }
0x22f: {  	_ =	swait.ge [sflag:s12], $0x4000  }
0x230: {  	[sflag:s12] =	ssyncset.done $0x0  }
0x231: {  	s31 =	rddreg [dreg:$0x16];
	[sflag:s12] =	ssyncadd.s32 $0xFFFFC000  }
0x232: {  	[hbm4b:s31+s2] =	stream.linear.scatter [tilespmem:s8], [sflag:$0xA], $0x4000, $0x38;
	[tilespmem:$0x1C000] =	vst v63  }
0x233: {  	_ =	swait.ge [sflag:s14], $0x4000  }
0x234: {  	[sflag:s14] =	ssyncset.done $0x0  }
0x235: {  	s1 =	rddreg [dreg:$0x17];
	[sflag:s14] =	ssyncadd.s32 $0xFFFFC000  }
0x236: {  	[tilespmem:s19], [sflag:$0x7] =	stream.linear.gather [hbm4b:s1+s2], $0x4000, $0x38;
	[tilespmem:$0x1C000] =	vst v63  }
0x237: {  	_ =	swait.ge [sflag:s26], $0x4000  }
0x238: {  	[sflag:s26] =	ssyncset.done $0x0  }
0x239: {  	s29 =	rddreg [dreg:$0x18];
	[sflag:s26] =	ssyncadd.s32 $0xFFFFC000  }
0x23a: {  	[hbm4b:s29+s2] =	stream.linear.scatter [tilespmem:s24], [sflag:$0xB], $0x4000, $0x38;
	[tilespmem:$0x1C000] =	vst v63  }
0x23b: {  	_ =	swait.ge [sflag:s4], $0x4000  }
0x23c: {  	[sflag:s4] =	ssyncset.done $0x0  }
0x23d: {  	s30 =	rddreg [dreg:$0x19];
	[sflag:s4] =	ssyncadd.s32 $0xFFFFC000  }
0x23e: {  	[tilespmem:s2], [sflag:$0x1] =	stream.linear.gather [hbm4b:s30+s2], $0x4000, $0x38;
	[tilespmem:$0x1C000] =	vst v63  }
0x23f: {  	_ =	swait.ge [sflag:s25], $0x4000  }
0x240: {  	[sflag:s25] =	ssyncset.done $0x0  }
0x241: {  	s31 =	rddreg [dreg:$0x1a];
	[sflag:s25] =	ssyncadd.s32 $0xFFFFC000  }
0x242: {  	[hbm4b:s31+s2] =	stream.linear.scatter [tilespmem:s22], [sflag:$0xC], $0x4000, $0x38;
	[tilespmem:$0x1C000] =	vst v63  }
0x243: {  	_ =	swait.ge [sflag:s3], $0x4000  }
0x244: {  	[sflag:s3] =	ssyncset.done $0x0  }
0x245: {  	s1 =	rddreg [dreg:$0x1b];
	[sflag:s3] =	ssyncadd.s32 $0xFFFFC000  }
0x246: {  	[tilespmem:s10], [sflag:$0x2] =	stream.linear.gather [hbm4b:s1+s2], $0x4000, $0x38;
	[tilespmem:$0x1C000] =	vst v63  }
0x247: {  	_ =	swait.ge [sflag:s23], $0x4000  }
0x248: {  	[sflag:s23] =	ssyncset.done $0x0  }
0x249: {  	[sflag:s23] =	ssyncadd.s32 $0xFFFFC000  }
0x24a: {  	[hbm4b:s28+s2] =	stream.linear.scatter [tilespmem:s20], [sflag:$0xD], $0x4000, $0x38;
	[tilespmem:$0x1C000] =	vst v63  }
0x24b: {  	_ =	swait.ge [sflag:s5], $0x4000  }
0x24c: {  	[sflag:s5] =	ssyncset.done $0x0  }
0x24d: {  	s28 =	rddreg [dreg:$0x1c];
	[sflag:s5] =	ssyncadd.s32 $0xFFFFC000  }
0x24e: {  	[tilespmem:s8], [sflag:$0x3] =	stream.linear.gather [hbm4b:s28+s2], $0x4000, $0x38;
	[tilespmem:$0x1C000] =	vst v63  }
0x24f: {  	_ =	swait.ge [sflag:s21], $0x4000  }
0x250: {  	[sflag:s21] =	ssyncset.done $0x0  }
0x251: {  	s29 =	rddreg [dreg:$0x1d];
	[sflag:s21] =	ssyncadd.s32 $0xFFFFC000  }
0x252: {  	[hbm4b:s29+s2] =	stream.linear.scatter [tilespmem:s19], [sflag:$0xE], $0x4000, $0x38;
	[tilespmem:$0x1C000] =	vst v63  }
0x253: {  	_ =	swait.ge [sflag:s18], $0x4000  }
0x254: {  	[sflag:s18] =	ssyncset.done $0x0  }
0x255: {  	s30 =	rddreg [dreg:$0x1e];
	[sflag:s18] =	ssyncadd.s32 $0xFFFFC000  }
0x256: {  	[tilespmem:s24], [sflag:$0x4] =	stream.linear.gather [hbm4b:s30+s2], $0x4000, $0x38;
	[tilespmem:$0x1C000] =	vst v63  }
0x257: {  	_ =	swait.ge [sflag:s15], $0x4000  }
0x258: {  	[sflag:s15] =	ssyncset.done $0x0  }
0x259: {  	s31 =	rddreg [dreg:$0x1f];
	[sflag:s15] =	ssyncadd.s32 $0xFFFFC000  }
0x25a: {  	[hbm4b:s31+s2] =	stream.linear.scatter [tilespmem:s2], [sflag:$0x8], $0x4000, $0x38;
	[tilespmem:$0x1C000] =	vst v63  }
0x25b: {  	_ =	swait.ge [sflag:s17], $0x4000  }
0x25c: {  	s1 =	sld [smem:$0x7F3]  }
0x25d: {  	[sflag:s17] =	ssyncset.done $0x0  }
0x25e: {  	[sflag:s17] =	ssyncadd.s32 $0xFFFFC000  }
0x25f: {  	[tilespmem:s22], [sflag:$0x5] =	stream.linear.gather [hbm4b:s1+s2], $0x4000, $0x38;
	[tilespmem:$0x1C000] =	vst v63  }
0x260: {  	_ =	swait.ge [sflag:s13], $0x4000  }
0x261: {  	s28 =	sld [smem:$0x7F4]  }
0x262: {  	[sflag:s13] =	ssyncset.done $0x0  }
0x263: {  	[sflag:s13] =	ssyncadd.s32 $0xFFFFC000  }
0x264: {  	[hbm4b:s28+s2] =	stream.linear.scatter [tilespmem:s10], [sflag:$0x9], $0x4000, $0x38;
	[tilespmem:$0x1C000] =	vst v63  }
0x265: {  	_ =	swait.ge [sflag:s16], $0x4000  }
0x266: {  	s29 =	sld [smem:$0x7F5]  }
0x267: {  	[sflag:s16] =	ssyncset.done $0x0  }
0x268: {  	[sflag:s16] =	ssyncadd.s32 $0xFFFFC000  }
0x269: {  	[tilespmem:s20], [sflag:$0x6] =	stream.linear.gather [hbm4b:s29+s2], $0x4000, $0x38;
	[tilespmem:$0x1C000] =	vst v63  }
0x26a: {  	_ =	swait.ge [sflag:s12], $0x4000  }
0x26b: {  	s30 =	sld [smem:$0x7F6]  }
0x26c: {  	[sflag:s12] =	ssyncset.done $0x0  }
0x26d: {  	[sflag:s12] =	ssyncadd.s32 $0xFFFFC000  }
0x26e: {  	[hbm4b:s30+s2] =	stream.linear.scatter [tilespmem:s8], [sflag:$0xA], $0x4000, $0x38;
	[tilespmem:$0x1C000] =	vst v63  }
0x26f: {  	_ =	swait.ge [sflag:s14], $0x4000  }
0x270: {  	s31 =	sld [smem:$0x7F7]  }
0x271: {  	[sflag:s14] =	ssyncset.done $0x0  }
0x272: {  	[sflag:s14] =	ssyncadd.s32 $0xFFFFC000  }
0x273: {  	[tilespmem:s19], [sflag:$0x7] =	stream.linear.gather [hbm4b:s31+s2], $0x4000, $0x38;
	[tilespmem:$0x1C000] =	vst v63  }
0x274: {  	_ =	swait.ge [sflag:s26], $0x4000  }
0x275: {  	s1 =	sld [smem:$0x7F8]  }
0x276: {  	[sflag:s26] =	ssyncset.done $0x0  }
0x277: {  	[sflag:s26] =	ssyncadd.s32 $0xFFFFC000  }
0x278: {  	[hbm4b:s1+s2] =	stream.linear.scatter [tilespmem:s24], [sflag:$0xB], $0x4000, $0x38;
	[tilespmem:$0x1C000] =	vst v63  }
0x279: {  	_ =	swait.ge [sflag:s4], $0x4000  }
0x27a: {  	s24 =	sld [smem:$0x7F9]  }
0x27b: {  	[sflag:s4] =	ssyncset.done $0x0  }
0x27c: {  	[sflag:s4] =	ssyncadd.s32 $0xFFFFC000  }
0x27d: {  	[tilespmem:s2], [sflag:$0x1] =	stream.linear.gather [hbm4b:s24+s2], $0x4000, $0x38;
	[tilespmem:$0x1C000] =	vst v63  }
0x27e: {  	_ =	swait.ge [sflag:s25], $0x4000  }
0x27f: {  	s26 =	sld [smem:$0x7FA]  }
0x280: {  	[sflag:s25] =	ssyncset.done $0x0  }
0x281: {  	[sflag:s25] =	ssyncadd.s32 $0xFFFFC000  }
0x282: {  	[hbm4b:s26+s2] =	stream.linear.scatter [tilespmem:s22], [sflag:$0xC], $0x4000, $0x38;
	[tilespmem:$0x1C000] =	vst v63  }
0x283: {  	_ =	swait.ge [sflag:s3], $0x4000  }
0x284: {  	s28 =	sld [smem:$0x7FB]  }
0x285: {  	[sflag:s3] =	ssyncset.done $0x0  }
0x286: {  	[sflag:s3] =	ssyncadd.s32 $0xFFFFC000  }
0x287: {  	[tilespmem:s10], [sflag:$0x2] =	stream.linear.gather [hbm4b:s28+s2], $0x4000, $0x38;
	[tilespmem:$0x1C000] =	vst v63  }
0x288: {  	_ =	swait.ge [sflag:s23], $0x4000  }
0x289: {  	s29 =	sld [smem:$0x7FC]  }
0x28a: {  	[sflag:s23] =	ssyncset.done $0x0  }
0x28b: {  	[sflag:s23] =	ssyncadd.s32 $0xFFFFC000  }
0x28c: {  	[hbm4b:s29+s2] =	stream.linear.scatter [tilespmem:s20], [sflag:$0xD], $0x4000, $0x38;
	[tilespmem:$0x1C000] =	vst v63  }
0x28d: {  	_ =	swait.ge [sflag:s5], $0x4000  }
0x28e: {  	s30 =	sld [smem:$0x7FD]  }
0x28f: {  	[sflag:s5] =	ssyncset.done $0x0  }
0x290: {  	[sflag:s5] =	ssyncadd.s32 $0xFFFFC000  }
0x291: {  	[tilespmem:s8], [sflag:$0x3] =	stream.linear.gather [hbm4b:s30+s2], $0x4000, $0x38;
	[tilespmem:$0x1C000] =	vst v63  }
0x292: {  	_ =	swait.ge [sflag:s21], $0x4000  }
0x293: {  	[sflag:s21] =	ssyncset.done $0x0  }
0x294: {  	[sflag:s21] =	ssyncadd.s32 $0xFFFFC000  }
0x295: {  	[hbm4b:s11+s2] =	stream.linear.scatter [tilespmem:s19], [sflag:$0xE], $0x4000, $0x38;
	[tilespmem:$0x1C000] =	vst v63  }
0x296: {  	_ =	swait.ge [sflag:s15], $0x4000  }
0x297: {  	[sflag:s15] =	ssyncset.done $0x0  }
0x298: {  	[sflag:s15] =	ssyncadd.s32 $0xFFFFC000  }
0x299: {  	[hbm4b:s9+s2] =	stream.linear.scatter [tilespmem:s2], [sflag:$0x8], $0x4000, $0x38;
	[tilespmem:$0x1C000] =	vst v63  }
0x29a: {  	_ =	swait.ge [sflag:s13], $0x4000  }
0x29b: {  	[sflag:s13] =	ssyncset.done $0x0  }
0x29c: {  	[sflag:s13] =	ssyncadd.s32 $0xFFFFC000  }
0x29d: {  	[hbm4b:s7+s2] =	stream.linear.scatter [tilespmem:s10], [sflag:$0x9], $0x4000, $0x38;
	[tilespmem:$0x1C000] =	vst v63  }
0x29e: {  	_ =	swait.ge [sflag:s12], $0x4000  }
0x29f: {  	[sflag:s12] =	ssyncset.done $0x0  }
0x2a0: {  	[sflag:s12] =	ssyncadd.s32 $0xFFFFC000  }
0x2a1: {  	[hbm4b:s6+s2] =	stream.linear.scatter [tilespmem:s8], [sflag:$0xA], $0x4000, $0x38;
	[tilespmem:$0x1C000] =	vst v63  }
0x2a2: {  	_ =	swait.ge [sflag:s18], $0x4000  }
0x2a3: {  	[sflag:s18] =	ssyncset.done $0x0  }
0x2a4: {  	[sflag:s18] =	ssyncadd.s32 $0xFFFFC000  }
0x2a5: {  	_ =	swait.ge [sflag:s17], $0x4000  }
0x2a6: {  	[sflag:s17] =	ssyncset.done $0x0  }
0x2a7: {  	[sflag:s17] =	ssyncadd.s32 $0xFFFFC000  }
0x2a8: {  	_ =	swait.ge [sflag:s16], $0x4000  }
0x2a9: {  	[sflag:s16] =	ssyncset.done $0x0  }
0x2aa: {  	[sflag:s16] =	ssyncadd.s32 $0xFFFFC000  }
0x2ab: {  	_ =	swait.ge [sflag:s14], $0x4000  }
0x2ac: {  	[sflag:s14] =	ssyncset.done $0x0  }
0x2ad: {  	[sflag:s14] =	ssyncadd.s32 $0xFFFFC000  }
0x2ae: {  	_ =	swait.ge [sflag:s4], $0x4000  }
0x2af: {  	[sflag:s4] =	ssyncset.done $0x0  }
0x2b0: {  	[sflag:s4] =	ssyncadd.s32 $0xFFFFC000  }
0x2b1: {  	_ =	swait.ge [sflag:s3], $0x4000  }
0x2b2: {  	[sflag:s3] =	ssyncset.done $0x0  }
0x2b3: {  	[sflag:s3] =	ssyncadd.s32 $0xFFFFC000  }
0x2b4: {  	_ =	swait.ge [sflag:s5], $0x4000  }
0x2b5: {  	[sflag:s5] =	ssyncset.done $0x0  }
0x2b6: {  	[sflag:s5] =	ssyncadd.s32 $0xFFFFC000  }
0x2b7: {  	_ =	sfence.sel $0x180000  }
0x2b8: {  	[bflag:$0x0] =	sbarrier.arrive $0xFFFF  }
0x2b9: {  	_ =	strace $0x90000047  }
0x2ba: {  	s31 =	stileid.u32;
	[bflag:$0x2] =	sbarrier.arrive $0xFFFF  }
0x2bb: {  	p0 =	sne.s32 s31, $0x0;
	s0 =	rddreg [dreg:$0x2]  }
0x2bc: {  	s0 =	sadd.s32 @!p0 $0x100000, s0  }
0x2bd: {  	[sflag:s0] =	ssyncadd.tile.s32 @!p0 $0x1;
	_ =	shalt  }
.LBB2_2:
.Ltmp3:
0x2be: {  	(pc) =	sbr.rel .LBB2_5-.Ltmp3, $2  }
0x2bf: {  	_ =	sdelay $0x2  }
0x2c0: {  	s31 =	sld [smem:$0x7F2]  }
.Lfunc_end2:
_tile_overlayer_lowered:
.L_overlay_start_2:
0x2c1: {  	(tag) =	ssettag $0x2  }
0x2c2: {  	s0 =	rddreg [dreg:$0x0];
	s2 =	stileid.u32  }
0x2c3: {  	s1 =	rddreg [dreg:$0x1];
	p0 =	sne.s32 s2, $0x0  }
0x2c4: {  	s3 =	rddreg [dreg:$0x2];
	[bflag:$0x3] =	sbarrier.arrive $0xFFFF;
	s2 =	simm.s32 @!p0 $0x1C0F  }
0x2c5: {  	[timem:s3], [sflag:s2] =	dma.local @!p0 [hbm:s0], s1  }
0x2c6: {  	s0 =	simm.s32 @!p0 $0xF  }
0x2c7: {  	_ =	swait.ge @!p0 [sflag:s0], s1  }
0x2c8: {  	s1 =	ssub.s32 @!p0 $0x0, s1;
	[sflag:s0] =	ssyncset.done @!p0 $0x0  }
0x2c9: {  	[sflag:s0] =	ssyncadd.s32 @!p0 s1  }
0x2ca: {  	[bflag:$0x3] =	sbarrier.arrive $0xFFFF  }
0x2cb: {  	_ =	shalt  }

</sc_bundles>
